<compile_context>
chip_gen: v7x
topology: tpu7x:2x2x1
jax: 0.10.2.dev20260603
libtpu: 0.0.44.dev20260713+nightly
codegen_flags: <defaults>
</compile_context>

<pallas_src>
import functools

import jax
import jax.numpy as jnp
from jax import lax
from jax.experimental import pallas as pl
from jax.experimental.pallas import tpu as pltpu
from jax.experimental.pallas import tpu_sc as plsc

_SC_MESH = dict(core_axis_name="c", subcore_axis_name="s")


def _sc_emb_gather(item_ids, user_ids, item_embT, user_embT):
    B = item_ids.shape[0]
    D, V = item_embT.shape
    info = plsc.get_sparse_core_info()
    NC, NS, L = info.num_cores, info.num_subcores, info.num_lanes
    NW = NC * NS
    bpw = B // NW
    RING = 8

    @functools.partial(
        pl.kernel,
        mesh=plsc.VectorSubcoreMesh(**_SC_MESH),
        out_type=(
            jax.ShapeDtypeStruct((B, D), jnp.float32),
            jax.ShapeDtypeStruct((B, D), jnp.float32),
        ),
        scratch_types=[
            pltpu.SMEM((bpw,), jnp.int32),
            pltpu.SMEM((bpw,), jnp.int32),
            pltpu.VMEM((bpw,), jnp.int32),
            pltpu.VMEM((bpw,), jnp.int32),
            pltpu.VMEM((RING, D, 128), jnp.float32),
            pltpu.VMEM((RING, D, 128), jnp.float32),
            pltpu.VMEM((bpw, D), jnp.float32),
            pltpu.VMEM((bpw, D), jnp.float32),
            [pltpu.SemaphoreType.DMA] * RING,
            [pltpu.SemaphoreType.DMA] * RING,
        ],
        compiler_params=pltpu.CompilerParams(
            use_tc_tiling_on_sc=True, needs_layout_passes=False),
    )
    def gather_kernel(iid_hbm, uid_hbm, iembT_hbm, uembT_hbm,
                      i_out, u_out,
                      iids_sm, uids_sm, iidx, uidx, islab, uslab,
                      irows, urows, isem, usem):
        wid = lax.axis_index("s") * NC + lax.axis_index("c")
        base = wid * bpw
        pltpu.sync_copy(iid_hbm.at[pl.ds(base, bpw)], iidx)
        pltpu.sync_copy(uid_hbm.at[pl.ds(base, bpw)], uidx)
        for j in range(bpw // L):
            iv = iidx[pl.ds(j * L, L)]
            uv = uidx[pl.ds(j * L, L)]
            for k in range(L):
                iids_sm[j * L + k] = iv[k]
                uids_sm[j * L + k] = uv[k]

        def issue(r, b):
            ic = pl.multiple_of(iids_sm[r] & ~127, 128)
            uc = pl.multiple_of(uids_sm[r] & ~127, 128)
            pltpu.async_copy(iembT_hbm.at[:, pl.ds(ic, 128)],
                             islab.at[b], isem[b])
            pltpu.async_copy(uembT_hbm.at[:, pl.ds(uc, 128)],
                             uslab.at[b], usem[b])

        for b in range(RING):
            issue(b, b)

        nG = bpw // RING
        rowv = lax.iota(jnp.int32, L)

        def body(g, _):
            for b in range(RING):
                r = g * RING + b
                pltpu.make_async_copy(
                    iembT_hbm.at[:, pl.ds(0, 128)], islab.at[b],
                    isem[b]).wait()
                pltpu.make_async_copy(
                    uembT_hbm.at[:, pl.ds(0, 128)], uslab.at[b],
                    usem[b]).wait()
                iid = iids_sm[r]
                uid = uids_sm[r]
                icol = jnp.broadcast_to(iid & 127, (L,))
                ucol = jnp.broadcast_to(uid & 127, (L,))
                for h in range(D // L):
                    irows[r, pl.ds(h * L, L)] = plsc.load_gather(
                        islab.at[b], [rowv + h * L, icol])
                    urows[r, pl.ds(h * L, L)] = plsc.load_gather(
                        uslab.at[b], [rowv + h * L, ucol])

                @pl.when(g < nG - 1)
                def _():
                    issue(r + RING, b)

            return 0

        lax.fori_loop(0, nG, body, 0)
        pltpu.sync_copy(irows, i_out.at[pl.ds(base, bpw)])
        pltpu.sync_copy(urows, u_out.at[pl.ds(base, bpw)])

    return gather_kernel(item_ids, user_ids, item_embT, user_embT)


def _sc_bias_gather(item_ids, user_ids, ib16, ub16):
    B = item_ids.shape[0]
    info = plsc.get_sparse_core_info()
    NC, NS, L = info.num_cores, info.num_subcores, info.num_lanes
    NW = NC * NS
    bpw = B // NW

    @functools.partial(
        pl.kernel,
        mesh=plsc.VectorSubcoreMesh(**_SC_MESH),
        out_type=(
            jax.ShapeDtypeStruct((B,), jnp.float32),
            jax.ShapeDtypeStruct((B,), jnp.float32),
        ),
        scratch_types=[
            pltpu.VMEM((bpw,), jnp.int32),
            pltpu.VMEM((bpw,), jnp.int32),
            pltpu.VMEM((bpw,), jnp.int32),
            pltpu.VMEM((bpw,), jnp.int32),
            pltpu.VMEM((bpw, L), jnp.float32),
            pltpu.VMEM((bpw, L), jnp.float32),
            pltpu.VMEM((bpw,), jnp.float32),
            pltpu.VMEM((bpw,), jnp.float32),
            pltpu.SemaphoreType.DMA,
        ],
        compiler_params=pltpu.CompilerParams(
            use_tc_tiling_on_sc=False, needs_layout_passes=False),
    )
    def gather_kernel(iid_hbm, uid_hbm, ib_hbm, ub_hbm,
                      bi_out, bu_out,
                      iidx, uidx, iq, uq, ibrow, ubrow, ibv, ubv, sem):
        wid = lax.axis_index("s") * NC + lax.axis_index("c")
        base = wid * bpw
        pltpu.sync_copy(iid_hbm.at[pl.ds(base, bpw)], iidx)
        pltpu.sync_copy(uid_hbm.at[pl.ds(base, bpw)], uidx)
        for j in range(bpw // L):
            s = pl.ds(j * L, L)
            iq[s] = lax.shift_right_logical(iidx[s], 4)
            uq[s] = lax.shift_right_logical(uidx[s], 4)
        c1 = pltpu.async_copy(ib_hbm.at[iq], ibrow, sem)
        c2 = pltpu.async_copy(ub_hbm.at[uq], ubrow, sem)
        c1.wait()
        c2.wait()
        for j in range(bpw // L):
            s = pl.ds(j * L, L)
            rowv = lax.iota(jnp.int32, L) + (j * L)
            ibv[s] = plsc.load_gather(ibrow, [rowv, iidx[s] & 15])
            ubv[s] = plsc.load_gather(ubrow, [rowv, uidx[s] & 15])
        pltpu.sync_copy(ibv, bi_out.at[pl.ds(base, bpw)])
        pltpu.sync_copy(ubv, bu_out.at[pl.ds(base, bpw)])

    return gather_kernel(item_ids, user_ids, ib16, ub16)


def _tc_transpose(U):
    B, D = U.shape

    def body(u_ref, out_ref):
        out_ref[...] = u_ref[...].T

    return pl.pallas_call(
        body,
        out_shape=jax.ShapeDtypeStruct((D, B), jnp.float32),
    )(U)


def _tc_matmul(I2, UT2):
    B, K = I2.shape
    BLK = 512

    def body(i_ref, ut_ref, out_ref):
        out_ref[...] = lax.dot_general(
            i_ref[...], ut_ref[...], (((1,), (0,)), ((), ())),
            preferred_element_type=jnp.float32)

    return pl.pallas_call(
        body,
        grid=(B // BLK,),
        in_specs=[
            pl.BlockSpec((BLK, K), lambda i: (i, 0)),
            pl.BlockSpec((K, B), lambda i: (0, 0)),
        ],
        out_specs=pl.BlockSpec((BLK, B), lambda i: (i, 0)),
        out_shape=jax.ShapeDtypeStruct((B, B), jnp.float32),
    )(I2, UT2)


def kernel(item_ids, user_ids, item_emb, user_emb, item_bias, user_bias,
           global_bias):
    B = item_ids.shape[0]
    V, D = item_emb.shape
    L = 16
    item_ids = item_ids.astype(jnp.int32)
    user_ids = user_ids.astype(jnp.int32)
    I, U = _sc_emb_gather(item_ids, user_ids, item_emb.T, user_emb.T)
    bi, bu = _sc_bias_gather(item_ids, user_ids,
                             item_bias.reshape(V // L, L),
                             user_bias.reshape(V // L, L))
    UT = _tc_transpose(U)
    gb = global_bias.astype(jnp.float32)
    ones = jnp.ones((B, 1), jnp.float32)
    zeros = jnp.zeros((B, 6), jnp.float32)
    I2 = jnp.concatenate([I, bi.reshape(B, 1), ones, zeros], axis=1)
    UT2 = jnp.concatenate(
        [UT, ones.reshape(1, B), (bu + gb).reshape(1, B),
         zeros.reshape(6, B)], axis=0)
    return _tc_matmul(I2, UT2)

# --- scband reference (transcript-rebuilt; emitter-appended) ---
"""Pipeline reference for scband-lfm-25331717112355 (READ-ONLY COPY).

The authoritative reference and input builder live on the scoring server;
editing this copy changes nothing except your own understanding.
"""

import jax, jax.numpy as jnp
import numpy as np

N_ITEM = 1000000
N_USER = 1000000
N_DIM = 32
BATCH = 4096
GLOBAL_BIAS = 0.1

def _xavier(key, shape):
    fan_in, fan_out = shape[1], shape[0]
    limit = np.sqrt(6.0 / (fan_in + fan_out))
    return jax.random.uniform(key, shape, dtype=jnp.float32, minval=-limit, maxval=limit)

def setup_inputs(seed: int = 0) -> dict:
    key = jax.random.key(seed)
    k1, k2, k3, k4, k5, k6 = jax.random.split(key, 6)
    item_ids = jax.random.randint(k1, (BATCH,), 0, N_ITEM, dtype=jnp.int64)
    user_ids = jax.random.randint(k2, (BATCH,), 0, N_USER, dtype=jnp.int64)
    item_emb = _xavier(k3, (N_ITEM, N_DIM))
    user_emb = _xavier(k4, (N_USER, N_DIM))
    item_bias = jax.random.normal(k5, (N_ITEM, 1), dtype=jnp.float32)
    user_bias = jax.random.normal(k6, (N_USER, 1), dtype=jnp.float32)
    global_bias = jnp.asarray(GLOBAL_BIAS, dtype=jnp.float32)
    return {"item_ids": item_ids, "user_ids": user_ids, "item_emb": item_emb, "user_emb": user_emb, "item_bias": item_bias, "user_bias": user_bias, "global_bias": global_bias}

def reference(item_ids, user_ids, item_emb, user_emb, item_bias, user_bias, global_bias):
    I = jnp.take(item_emb, item_ids, axis=0)          # [B, d]
    U = jnp.take(user_emb, user_ids, axis=0)          # [B, d]
    b_i = jnp.take(item_bias, item_ids, axis=0)       # [B, 1]
    b_u = jnp.take(user_bias, user_ids, axis=0).T     # [1, B]
    return jnp.matmul(I, U.T) + b_i + b_u + global_bias

if __name__ == "__main__":
    import jax
    _d = setup_inputs()
    print(jax.jit(kernel)(*tuple(_d.values())))

</pallas_src>

<mosaic_0001>
#map = affine_map<(d0, d1) -> (0)>
#map1 = affine_map<(d0, d1) -> (0, 0)>
module attributes {stable_mosaic.version = 14 : i64} {
  func.func @gather_kernel(%arg0: i32, %arg1: i32, %arg2: memref<4096xi32, #tpu.memory_space<hbm>>, %arg3: memref<4096xi32, #tpu.memory_space<hbm>>, %arg4: memref<62500x16xf32, #tpu.memory_space<hbm>>, %arg5: memref<62500x16xf32, #tpu.memory_space<hbm>>, %arg6: memref<4096xf32, #tpu.memory_space<hbm>>, %arg7: memref<4096xf32, #tpu.memory_space<hbm>>, %arg8: memref<128xi32, #tpu.memory_space<vmem>>, %arg9: memref<128xi32, #tpu.memory_space<vmem>>, %arg10: memref<128xi32, #tpu.memory_space<vmem>>, %arg11: memref<128xi32, #tpu.memory_space<vmem>>, %arg12: memref<128x16xf32, #tpu.memory_space<vmem>>, %arg13: memref<128x16xf32, #tpu.memory_space<vmem>>, %arg14: memref<128xf32, #tpu.memory_space<vmem>>, %arg15: memref<128xf32, #tpu.memory_space<vmem>>, %arg16: memref<!tpu.dma_semaphore, #tpu.memory_space<semaphore_mem>>) attributes {dimension_semantics = [#tpu.dimension_semantics<core_parallel>, #tpu.dimension_semantics<subcore_parallel>], iteration_bounds = array<i64: 2, 16>, scalar_prefetch = 0 : i64, scratch_operands = 9 : i64, tpu.core_type = #tpu.core_type<sc_vector_subcore>, window_params = [{transform_indices = #map}, {transform_indices = #map}, {transform_indices = #map1}, {transform_indices = #map1}, {transform_indices = #map}, {transform_indices = #map}]} {
    %mul3A = arith.constant 2 : i32
    %mul3A_0 = arith.muli %arg1, %mul3A : i32
    %add3A = arith.addi %mul3A_0, %arg0 : i32
    %mul3A_1 = arith.constant 128 : i32
    %mul3A_2 = arith.muli %add3A, %mul3A_1 : i32
    "tpu.region"() ({
      %run_scoped3A = tpu.sem_alloc : memref<!tpu.dma_semaphore, #tpu.memory_space<semaphore_mem>>
      %dma_start3A_279 = tpu.memref_slice %arg2[%mul3A_2] : memref<4096xi32, #tpu.memory_space<hbm>> -> memref<128xi32, #tpu.memory_space<hbm>>
      %dma_start3A_280 = tpu.memref_slice %arg2[%mul3A_2] : memref<4096xi32, #tpu.memory_space<hbm>> -> memref<128xi32, #tpu.memory_space<hbm>>
      tpu.enqueue_dma source(%dma_start3A_280 : memref<128xi32, #tpu.memory_space<hbm>>) target(%arg8 : memref<128xi32, #tpu.memory_space<vmem>>) target_semaphore(%run_scoped3A : memref<!tpu.dma_semaphore, #tpu.memory_space<semaphore_mem>>)
      %dma_wait3A_281 = tpu.memref_slice %arg2[%mul3A_2] : memref<4096xi32, #tpu.memory_space<hbm>> -> memref<128xi32, #tpu.memory_space<hbm>>
      %dma_wait3A_282 = tpu.memref_slice %arg2[%mul3A_2] : memref<4096xi32, #tpu.memory_space<hbm>> -> memref<128xi32, #tpu.memory_space<hbm>>
      tpu.wait_dma2 semaphore(%run_scoped3A : memref<!tpu.dma_semaphore, #tpu.memory_space<semaphore_mem>>) src(%dma_wait3A_282 : memref<128xi32, #tpu.memory_space<hbm>>) dst(%arg8 : memref<128xi32, #tpu.memory_space<vmem>>)
      tpu.yield
    }) : () -> ()
    "tpu.region"() ({
      %run_scoped3A = tpu.sem_alloc : memref<!tpu.dma_semaphore, #tpu.memory_space<semaphore_mem>>
      %dma_start3A_279 = tpu.memref_slice %arg3[%mul3A_2] : memref<4096xi32, #tpu.memory_space<hbm>> -> memref<128xi32, #tpu.memory_space<hbm>>
      %dma_start3A_280 = tpu.memref_slice %arg3[%mul3A_2] : memref<4096xi32, #tpu.memory_space<hbm>> -> memref<128xi32, #tpu.memory_space<hbm>>
      tpu.enqueue_dma source(%dma_start3A_280 : memref<128xi32, #tpu.memory_space<hbm>>) target(%arg9 : memref<128xi32, #tpu.memory_space<vmem>>) target_semaphore(%run_scoped3A : memref<!tpu.dma_semaphore, #tpu.memory_space<semaphore_mem>>)
      %dma_wait3A_281 = tpu.memref_slice %arg3[%mul3A_2] : memref<4096xi32, #tpu.memory_space<hbm>> -> memref<128xi32, #tpu.memory_space<hbm>>
      %dma_wait3A_282 = tpu.memref_slice %arg3[%mul3A_2] : memref<4096xi32, #tpu.memory_space<hbm>> -> memref<128xi32, #tpu.memory_space<hbm>>
      tpu.wait_dma2 semaphore(%run_scoped3A : memref<!tpu.dma_semaphore, #tpu.memory_space<semaphore_mem>>) src(%dma_wait3A_282 : memref<128xi32, #tpu.memory_space<hbm>>) dst(%arg9 : memref<128xi32, #tpu.memory_space<vmem>>)
      tpu.yield
    }) : () -> ()
    %get3A = arith.constant 0 : index
    %get3A_3 = tpu.vector_load %arg8[%get3A] {strides = array<i32>} : memref<128xi32, #tpu.memory_space<vmem>>, vector<16xi32>,
    %shift_right_logical3A = arith.constant 4 : i32
    %shift_right_logical3A_4 = vector.broadcast %shift_right_logical3A : i32 to vector<16xi32>
    %shift_right_logical3A_5 = arith.shrui %get3A_3, %shift_right_logical3A_4 : vector<16xi32>
    %swap3A = arith.constant 0 : index
    %swap3A_6 = tpu.vector_load %arg10[%swap3A] {strides = array<i32>} : memref<128xi32, #tpu.memory_space<vmem>>, vector<16xi32>,
    tpu.vector_store %arg10[%swap3A], %shift_right_logical3A_5 {strides = array<i32>} : memref<128xi32, #tpu.memory_space<vmem>>, vector<16xi32>,
    %get3A_7 = arith.constant 0 : index
    %get3A_8 = tpu.vector_load %arg9[%get3A_7] {strides = array<i32>} : memref<128xi32, #tpu.memory_space<vmem>>, vector<16xi32>,
    %shift_right_logical3A_9 = arith.constant 4 : i32
    %shift_right_logical3A_10 = vector.broadcast %shift_right_logical3A_9 : i32 to vector<16xi32>
    %shift_right_logical3A_11 = arith.shrui %get3A_8, %shift_right_logical3A_10 : vector<16xi32>
    %swap3A_12 = arith.constant 0 : index
    %swap3A_13 = tpu.vector_load %arg11[%swap3A_12] {strides = array<i32>} : memref<128xi32, #tpu.memory_space<vmem>>, vector<16xi32>,
    tpu.vector_store %arg11[%swap3A_12], %shift_right_logical3A_11 {strides = array<i32>} : memref<128xi32, #tpu.memory_space<vmem>>, vector<16xi32>,
    %get3A_14 = arith.constant 16 : index
    %get3A_15 = tpu.vector_load %arg8[%get3A_14] {strides = array<i32>} : memref<128xi32, #tpu.memory_space<vmem>>, vector<16xi32>,
    %shift_right_logical3A_16 = arith.constant 4 : i32
    %shift_right_logical3A_17 = vector.broadcast %shift_right_logical3A_16 : i32 to vector<16xi32>
    %shift_right_logical3A_18 = arith.shrui %get3A_15, %shift_right_logical3A_17 : vector<16xi32>
    %swap3A_19 = arith.constant 16 : index
    %swap3A_20 = tpu.vector_load %arg10[%swap3A_19] {strides = array<i32>} : memref<128xi32, #tpu.memory_space<vmem>>, vector<16xi32>,
    tpu.vector_store %arg10[%swap3A_19], %shift_right_logical3A_18 {strides = array<i32>} : memref<128xi32, #tpu.memory_space<vmem>>, vector<16xi32>,
    %get3A_21 = arith.constant 16 : index
    %get3A_22 = tpu.vector_load %arg9[%get3A_21] {strides = array<i32>} : memref<128xi32, #tpu.memory_space<vmem>>, vector<16xi32>,
    %shift_right_logical3A_23 = arith.constant 4 : i32
    %shift_right_logical3A_24 = vector.broadcast %shift_right_logical3A_23 : i32 to vector<16xi32>
    %shift_right_logical3A_25 = arith.shrui %get3A_22, %shift_right_logical3A_24 : vector<16xi32>
    %swap3A_26 = arith.constant 16 : index
    %swap3A_27 = tpu.vector_load %arg11[%swap3A_26] {strides = array<i32>} : memref<128xi32, #tpu.memory_space<vmem>>, vector<16xi32>,
    tpu.vector_store %arg11[%swap3A_26], %shift_right_logical3A_25 {strides = array<i32>} : memref<128xi32, #tpu.memory_space<vmem>>, vector<16xi32>,
    %get3A_28 = arith.constant 32 : index
    %get3A_29 = tpu.vector_load %arg8[%get3A_28] {strides = array<i32>} : memref<128xi32, #tpu.memory_space<vmem>>, vector<16xi32>,
    %shift_right_logical3A_30 = arith.constant 4 : i32
    %shift_right_logical3A_31 = vector.broadcast %shift_right_logical3A_30 : i32 to vector<16xi32>
    %shift_right_logical3A_32 = arith.shrui %get3A_29, %shift_right_logical3A_31 : vector<16xi32>
    %swap3A_33 = arith.constant 32 : index
    %swap3A_34 = tpu.vector_load %arg10[%swap3A_33] {strides = array<i32>} : memref<128xi32, #tpu.memory_space<vmem>>, vector<16xi32>,
    tpu.vector_store %arg10[%swap3A_33], %shift_right_logical3A_32 {strides = array<i32>} : memref<128xi32, #tpu.memory_space<vmem>>, vector<16xi32>,
    %get3A_35 = arith.constant 32 : index
    %get3A_36 = tpu.vector_load %arg9[%get3A_35] {strides = array<i32>} : memref<128xi32, #tpu.memory_space<vmem>>, vector<16xi32>,
    %shift_right_logical3A_37 = arith.constant 4 : i32
    %shift_right_logical3A_38 = vector.broadcast %shift_right_logical3A_37 : i32 to vector<16xi32>
    %shift_right_logical3A_39 = arith.shrui %get3A_36, %shift_right_logical3A_38 : vector<16xi32>
    %swap3A_40 = arith.constant 32 : index
    %swap3A_41 = tpu.vector_load %arg11[%swap3A_40] {strides = array<i32>} : memref<128xi32, #tpu.memory_space<vmem>>, vector<16xi32>,
    tpu.vector_store %arg11[%swap3A_40], %shift_right_logical3A_39 {strides = array<i32>} : memref<128xi32, #tpu.memory_space<vmem>>, vector<16xi32>,
    %get3A_42 = arith.constant 48 : index
    %get3A_43 = tpu.vector_load %arg8[%get3A_42] {strides = array<i32>} : memref<128xi32, #tpu.memory_space<vmem>>, vector<16xi32>,
    %shift_right_logical3A_44 = arith.constant 4 : i32
    %shift_right_logical3A_45 = vector.broadcast %shift_right_logical3A_44 : i32 to vector<16xi32>
    %shift_right_logical3A_46 = arith.shrui %get3A_43, %shift_right_logical3A_45 : vector<16xi32>
    %swap3A_47 = arith.constant 48 : index
    %swap3A_48 = tpu.vector_load %arg10[%swap3A_47] {strides = array<i32>} : memref<128xi32, #tpu.memory_space<vmem>>, vector<16xi32>,
    tpu.vector_store %arg10[%swap3A_47], %shift_right_logical3A_46 {strides = array<i32>} : memref<128xi32, #tpu.memory_space<vmem>>, vector<16xi32>,
    %get3A_49 = arith.constant 48 : index
    %get3A_50 = tpu.vector_load %arg9[%get3A_49] {strides = array<i32>} : memref<128xi32, #tpu.memory_space<vmem>>, vector<16xi32>,
    %shift_right_logical3A_51 = arith.constant 4 : i32
    %shift_right_logical3A_52 = vector.broadcast %shift_right_logical3A_51 : i32 to vector<16xi32>
    %shift_right_logical3A_53 = arith.shrui %get3A_50, %shift_right_logical3A_52 : vector<16xi32>
    %swap3A_54 = arith.constant 48 : index
    %swap3A_55 = tpu.vector_load %arg11[%swap3A_54] {strides = array<i32>} : memref<128xi32, #tpu.memory_space<vmem>>, vector<16xi32>,
    tpu.vector_store %arg11[%swap3A_54], %shift_right_logical3A_53 {strides = array<i32>} : memref<128xi32, #tpu.memory_space<vmem>>, vector<16xi32>,
    %get3A_56 = arith.constant 64 : index
    %get3A_57 = tpu.vector_load %arg8[%get3A_56] {strides = array<i32>} : memref<128xi32, #tpu.memory_space<vmem>>, vector<16xi32>,
    %shift_right_logical3A_58 = arith.constant 4 : i32
    %shift_right_logical3A_59 = vector.broadcast %shift_right_logical3A_58 : i32 to vector<16xi32>
    %shift_right_logical3A_60 = arith.shrui %get3A_57, %shift_right_logical3A_59 : vector<16xi32>
    %swap3A_61 = arith.constant 64 : index
    %swap3A_62 = tpu.vector_load %arg10[%swap3A_61] {strides = array<i32>} : memref<128xi32, #tpu.memory_space<vmem>>, vector<16xi32>,
    tpu.vector_store %arg10[%swap3A_61], %shift_right_logical3A_60 {strides = array<i32>} : memref<128xi32, #tpu.memory_space<vmem>>, vector<16xi32>,
    %get3A_63 = arith.constant 64 : index
    %get3A_64 = tpu.vector_load %arg9[%get3A_63] {strides = array<i32>} : memref<128xi32, #tpu.memory_space<vmem>>, vector<16xi32>,
    %shift_right_logical3A_65 = arith.constant 4 : i32
    %shift_right_logical3A_66 = vector.broadcast %shift_right_logical3A_65 : i32 to vector<16xi32>
    %shift_right_logical3A_67 = arith.shrui %get3A_64, %shift_right_logical3A_66 : vector<16xi32>
    %swap3A_68 = arith.constant 64 : index
    %swap3A_69 = tpu.vector_load %arg11[%swap3A_68] {strides = array<i32>} : memref<128xi32, #tpu.memory_space<vmem>>, vector<16xi32>,
    tpu.vector_store %arg11[%swap3A_68], %shift_right_logical3A_67 {strides = array<i32>} : memref<128xi32, #tpu.memory_space<vmem>>, vector<16xi32>,
    %get3A_70 = arith.constant 80 : index
    %get3A_71 = tpu.vector_load %arg8[%get3A_70] {strides = array<i32>} : memref<128xi32, #tpu.memory_space<vmem>>, vector<16xi32>,
    %shift_right_logical3A_72 = arith.constant 4 : i32
    %shift_right_logical3A_73 = vector.broadcast %shift_right_logical3A_72 : i32 to vector<16xi32>
    %shift_right_logical3A_74 = arith.shrui %get3A_71, %shift_right_logical3A_73 : vector<16xi32>
    %swap3A_75 = arith.constant 80 : index
    %swap3A_76 = tpu.vector_load %arg10[%swap3A_75] {strides = array<i32>} : memref<128xi32, #tpu.memory_space<vmem>>, vector<16xi32>,
    tpu.vector_store %arg10[%swap3A_75], %shift_right_logical3A_74 {strides = array<i32>} : memref<128xi32, #tpu.memory_space<vmem>>, vector<16xi32>,
    %get3A_77 = arith.constant 80 : index
    %get3A_78 = tpu.vector_load %arg9[%get3A_77] {strides = array<i32>} : memref<128xi32, #tpu.memory_space<vmem>>, vector<16xi32>,
    %shift_right_logical3A_79 = arith.constant 4 : i32
    %shift_right_logical3A_80 = vector.broadcast %shift_right_logical3A_79 : i32 to vector<16xi32>
    %shift_right_logical3A_81 = arith.shrui %get3A_78, %shift_right_logical3A_80 : vector<16xi32>
    %swap3A_82 = arith.constant 80 : index
    %swap3A_83 = tpu.vector_load %arg11[%swap3A_82] {strides = array<i32>} : memref<128xi32, #tpu.memory_space<vmem>>, vector<16xi32>,
    tpu.vector_store %arg11[%swap3A_82], %shift_right_logical3A_81 {strides = array<i32>} : memref<128xi32, #tpu.memory_space<vmem>>, vector<16xi32>,
    %get3A_84 = arith.constant 96 : index
    %get3A_85 = tpu.vector_load %arg8[%get3A_84] {strides = array<i32>} : memref<128xi32, #tpu.memory_space<vmem>>, vector<16xi32>,
    %shift_right_logical3A_86 = arith.constant 4 : i32
    %shift_right_logical3A_87 = vector.broadcast %shift_right_logical3A_86 : i32 to vector<16xi32>
    %shift_right_logical3A_88 = arith.shrui %get3A_85, %shift_right_logical3A_87 : vector<16xi32>
    %swap3A_89 = arith.constant 96 : index
    %swap3A_90 = tpu.vector_load %arg10[%swap3A_89] {strides = array<i32>} : memref<128xi32, #tpu.memory_space<vmem>>, vector<16xi32>,
    tpu.vector_store %arg10[%swap3A_89], %shift_right_logical3A_88 {strides = array<i32>} : memref<128xi32, #tpu.memory_space<vmem>>, vector<16xi32>,
    %get3A_91 = arith.constant 96 : index
    %get3A_92 = tpu.vector_load %arg9[%get3A_91] {strides = array<i32>} : memref<128xi32, #tpu.memory_space<vmem>>, vector<16xi32>,
    %shift_right_logical3A_93 = arith.constant 4 : i32
    %shift_right_logical3A_94 = vector.broadcast %shift_right_logical3A_93 : i32 to vector<16xi32>
    %shift_right_logical3A_95 = arith.shrui %get3A_92, %shift_right_logical3A_94 : vector<16xi32>
    %swap3A_96 = arith.constant 96 : index
    %swap3A_97 = tpu.vector_load %arg11[%swap3A_96] {strides = array<i32>} : memref<128xi32, #tpu.memory_space<vmem>>, vector<16xi32>,
    tpu.vector_store %arg11[%swap3A_96], %shift_right_logical3A_95 {strides = array<i32>} : memref<128xi32, #tpu.memory_space<vmem>>, vector<16xi32>,
    %get3A_98 = arith.constant 112 : index
    %get3A_99 = tpu.vector_load %arg8[%get3A_98] {strides = array<i32>} : memref<128xi32, #tpu.memory_space<vmem>>, vector<16xi32>,
    %shift_right_logical3A_100 = arith.constant 4 : i32
    %shift_right_logical3A_101 = vector.broadcast %shift_right_logical3A_100 : i32 to vector<16xi32>
    %shift_right_logical3A_102 = arith.shrui %get3A_99, %shift_right_logical3A_101 : vector<16xi32>
    %swap3A_103 = arith.constant 112 : index
    %swap3A_104 = tpu.vector_load %arg10[%swap3A_103] {strides = array<i32>} : memref<128xi32, #tpu.memory_space<vmem>>, vector<16xi32>,
    tpu.vector_store %arg10[%swap3A_103], %shift_right_logical3A_102 {strides = array<i32>} : memref<128xi32, #tpu.memory_space<vmem>>, vector<16xi32>,
    %get3A_105 = arith.constant 112 : index
    %get3A_106 = tpu.vector_load %arg9[%get3A_105] {strides = array<i32>} : memref<128xi32, #tpu.memory_space<vmem>>, vector<16xi32>,
    %shift_right_logical3A_107 = arith.constant 4 : i32
    %shift_right_logical3A_108 = vector.broadcast %shift_right_logical3A_107 : i32 to vector<16xi32>
    %shift_right_logical3A_109 = arith.shrui %get3A_106, %shift_right_logical3A_108 : vector<16xi32>
    %swap3A_110 = arith.constant 112 : index
    %swap3A_111 = tpu.vector_load %arg11[%swap3A_110] {strides = array<i32>} : memref<128xi32, #tpu.memory_space<vmem>>, vector<16xi32>,
    tpu.vector_store %arg11[%swap3A_110], %shift_right_logical3A_109 {strides = array<i32>} : memref<128xi32, #tpu.memory_space<vmem>>, vector<16xi32>,
    %dma_start3A = arith.constant 0 : i32
    %dma_start3A_112 = arith.constant 0 : i32
    %dma_start3A_113 = tpu.memref_slice %arg4[%dma_start3A, %dma_start3A_112] : memref<62500x16xf32, #tpu.memory_space<hbm>> -> memref<62500x16xf32, #tpu.memory_space<hbm>>
    tpu.enqueue_indirect_dma source(%dma_start3A_113 : memref<62500x16xf32, #tpu.memory_space<hbm>>) target(%arg12 : memref<128x16xf32, #tpu.memory_space<vmem>>) offsets(%arg10 : memref<128xi32, #tpu.memory_space<vmem>>) semaphore(%arg16 : memref<!tpu.dma_semaphore, #tpu.memory_space<semaphore_mem>>)
    %dma_start3A_114 = arith.constant 0 : i32
    %dma_start3A_115 = arith.constant 0 : i32
    %dma_start3A_116 = tpu.memref_slice %arg5[%dma_start3A_114, %dma_start3A_115] : memref<62500x16xf32, #tpu.memory_space<hbm>> -> memref<62500x16xf32, #tpu.memory_space<hbm>>
    tpu.enqueue_indirect_dma source(%dma_start3A_116 : memref<62500x16xf32, #tpu.memory_space<hbm>>) target(%arg13 : memref<128x16xf32, #tpu.memory_space<vmem>>) offsets(%arg11 : memref<128xi32, #tpu.memory_space<vmem>>) semaphore(%arg16 : memref<!tpu.dma_semaphore, #tpu.memory_space<semaphore_mem>>)
    %dma_wait3A = arith.constant 0 : i32
    %dma_wait3A_117 = arith.constant 0 : i32
    %dma_wait3A_118 = tpu.memref_slice %arg4[%dma_wait3A, %dma_wait3A_117] : memref<62500x16xf32, #tpu.memory_space<hbm>> -> memref<62500x16xf32, #tpu.memory_space<hbm>>
    tpu.wait_indirect_dma semaphore(%arg16 : memref<!tpu.dma_semaphore, #tpu.memory_space<semaphore_mem>>) src(%dma_wait3A_118 : memref<62500x16xf32, #tpu.memory_space<hbm>>) dst(%arg12 : memref<128x16xf32, #tpu.memory_space<vmem>>)
    %dma_wait3A_119 = arith.constant 0 : i32
    %dma_wait3A_120 = arith.constant 0 : i32
    %dma_wait3A_121 = tpu.memref_slice %arg5[%dma_wait3A_119, %dma_wait3A_120] : memref<62500x16xf32, #tpu.memory_space<hbm>> -> memref<62500x16xf32, #tpu.memory_space<hbm>>
    tpu.wait_indirect_dma semaphore(%arg16 : memref<!tpu.dma_semaphore, #tpu.memory_space<semaphore_mem>>) src(%dma_wait3A_121 : memref<62500x16xf32, #tpu.memory_space<hbm>>) dst(%arg13 : memref<128x16xf32, #tpu.memory_space<vmem>>)
    %iota3A = tpu.iota {dimensions = array<i32: 0>} : vector<16xi32>
    %add3A_122 = arith.constant 0 : i32
    %add3A_123 = vector.broadcast %add3A_122 : i32 to vector<16xi32>
    %add3A_124 = arith.addi %iota3A, %add3A_123 : vector<16xi32>
    %get3A_125 = arith.constant 0 : index
    %get3A_126 = tpu.vector_load %arg8[%get3A_125] {strides = array<i32>} : memref<128xi32, #tpu.memory_space<vmem>>, vector<16xi32>,
    %and3A = arith.constant 15 : i32
    %and3A_127 = vector.broadcast %and3A : i32 to vector<16xi32>
    %and3A_128 = arith.andi %get3A_126, %and3A_127 : vector<16xi32>
    %gather3A = tpu.vector_load_idx %arg12[%add3A_124, %and3A_128] : memref<128x16xf32, #tpu.memory_space<vmem>>[vector<16xi32>, vector<16xi32>], vector<16xf32>,
    %swap3A_129 = arith.constant 0 : index
    %swap3A_130 = tpu.vector_load %arg14[%swap3A_129] {strides = array<i32>} : memref<128xf32, #tpu.memory_space<vmem>>, vector<16xf32>,
    tpu.vector_store %arg14[%swap3A_129], %gather3A {strides = array<i32>} : memref<128xf32, #tpu.memory_space<vmem>>, vector<16xf32>,
    %get3A_131 = arith.constant 0 : index
    %get3A_132 = tpu.vector_load %arg9[%get3A_131] {strides = array<i32>} : memref<128xi32, #tpu.memory_space<vmem>>, vector<16xi32>,
    %and3A_133 = arith.constant 15 : i32
    %and3A_134 = vector.broadcast %and3A_133 : i32 to vector<16xi32>
    %and3A_135 = arith.andi %get3A_132, %and3A_134 : vector<16xi32>
    %gather3A_136 = tpu.vector_load_idx %arg13[%add3A_124, %and3A_135] : memref<128x16xf32, #tpu.memory_space<vmem>>[vector<16xi32>, vector<16xi32>], vector<16xf32>,
    %swap3A_137 = arith.constant 0 : index
    %swap3A_138 = tpu.vector_load %arg15[%swap3A_137] {strides = array<i32>} : memref<128xf32, #tpu.memory_space<vmem>>, vector<16xf32>,
    tpu.vector_store %arg15[%swap3A_137], %gather3A_136 {strides = array<i32>} : memref<128xf32, #tpu.memory_space<vmem>>, vector<16xf32>,
    %iota3A_139 = tpu.iota {dimensions = array<i32: 0>} : vector<16xi32>
    %add3A_140 = arith.constant 16 : i32
    %add3A_141 = vector.broadcast %add3A_140 : i32 to vector<16xi32>
    %add3A_142 = arith.addi %iota3A_139, %add3A_141 : vector<16xi32>
    %get3A_143 = arith.constant 16 : index
    %get3A_144 = tpu.vector_load %arg8[%get3A_143] {strides = array<i32>} : memref<128xi32, #tpu.memory_space<vmem>>, vector<16xi32>,
    %and3A_145 = arith.constant 15 : i32
    %and3A_146 = vector.broadcast %and3A_145 : i32 to vector<16xi32>
    %and3A_147 = arith.andi %get3A_144, %and3A_146 : vector<16xi32>
    %gather3A_148 = tpu.vector_load_idx %arg12[%add3A_142, %and3A_147] : memref<128x16xf32, #tpu.memory_space<vmem>>[vector<16xi32>, vector<16xi32>], vector<16xf32>,
    %swap3A_149 = arith.constant 16 : index
    %swap3A_150 = tpu.vector_load %arg14[%swap3A_149] {strides = array<i32>} : memref<128xf32, #tpu.memory_space<vmem>>, vector<16xf32>,
    tpu.vector_store %arg14[%swap3A_149], %gather3A_148 {strides = array<i32>} : memref<128xf32, #tpu.memory_space<vmem>>, vector<16xf32>,
    %get3A_151 = arith.constant 16 : index
    %get3A_152 = tpu.vector_load %arg9[%get3A_151] {strides = array<i32>} : memref<128xi32, #tpu.memory_space<vmem>>, vector<16xi32>,
    %and3A_153 = arith.constant 15 : i32
    %and3A_154 = vector.broadcast %and3A_153 : i32 to vector<16xi32>
    %and3A_155 = arith.andi %get3A_152, %and3A_154 : vector<16xi32>
    %gather3A_156 = tpu.vector_load_idx %arg13[%add3A_142, %and3A_155] : memref<128x16xf32, #tpu.memory_space<vmem>>[vector<16xi32>, vector<16xi32>], vector<16xf32>,
    %swap3A_157 = arith.constant 16 : index
    %swap3A_158 = tpu.vector_load %arg15[%swap3A_157] {strides = array<i32>} : memref<128xf32, #tpu.memory_space<vmem>>, vector<16xf32>,
    tpu.vector_store %arg15[%swap3A_157], %gather3A_156 {strides = array<i32>} : memref<128xf32, #tpu.memory_space<vmem>>, vector<16xf32>,
    %iota3A_159 = tpu.iota {dimensions = array<i32: 0>} : vector<16xi32>
    %add3A_160 = arith.constant 32 : i32
    %add3A_161 = vector.broadcast %add3A_160 : i32 to vector<16xi32>
    %add3A_162 = arith.addi %iota3A_159, %add3A_161 : vector<16xi32>
    %get3A_163 = arith.constant 32 : index
    %get3A_164 = tpu.vector_load %arg8[%get3A_163] {strides = array<i32>} : memref<128xi32, #tpu.memory_space<vmem>>, vector<16xi32>,
    %and3A_165 = arith.constant 15 : i32
    %and3A_166 = vector.broadcast %and3A_165 : i32 to vector<16xi32>
    %and3A_167 = arith.andi %get3A_164, %and3A_166 : vector<16xi32>
    %gather3A_168 = tpu.vector_load_idx %arg12[%add3A_162, %and3A_167] : memref<128x16xf32, #tpu.memory_space<vmem>>[vector<16xi32>, vector<16xi32>], vector<16xf32>,
    %swap3A_169 = arith.constant 32 : index
    %swap3A_170 = tpu.vector_load %arg14[%swap3A_169] {strides = array<i32>} : memref<128xf32, #tpu.memory_space<vmem>>, vector<16xf32>,
    tpu.vector_store %arg14[%swap3A_169], %gather3A_168 {strides = array<i32>} : memref<128xf32, #tpu.memory_space<vmem>>, vector<16xf32>,
    %get3A_171 = arith.constant 32 : index
    %get3A_172 = tpu.vector_load %arg9[%get3A_171] {strides = array<i32>} : memref<128xi32, #tpu.memory_space<vmem>>, vector<16xi32>,
    %and3A_173 = arith.constant 15 : i32
    %and3A_174 = vector.broadcast %and3A_173 : i32 to vector<16xi32>
    %and3A_175 = arith.andi %get3A_172, %and3A_174 : vector<16xi32>
    %gather3A_176 = tpu.vector_load_idx %arg13[%add3A_162, %and3A_175] : memref<128x16xf32, #tpu.memory_space<vmem>>[vector<16xi32>, vector<16xi32>], vector<16xf32>,
    %swap3A_177 = arith.constant 32 : index
    %swap3A_178 = tpu.vector_load %arg15[%swap3A_177] {strides = array<i32>} : memref<128xf32, #tpu.memory_space<vmem>>, vector<16xf32>,
    tpu.vector_store %arg15[%swap3A_177], %gather3A_176 {strides = array<i32>} : memref<128xf32, #tpu.memory_space<vmem>>, vector<16xf32>,
    %iota3A_179 = tpu.iota {dimensions = array<i32: 0>} : vector<16xi32>
    %add3A_180 = arith.constant 48 : i32
    %add3A_181 = vector.broadcast %add3A_180 : i32 to vector<16xi32>
    %add3A_182 = arith.addi %iota3A_179, %add3A_181 : vector<16xi32>
    %get3A_183 = arith.constant 48 : index
    %get3A_184 = tpu.vector_load %arg8[%get3A_183] {strides = array<i32>} : memref<128xi32, #tpu.memory_space<vmem>>, vector<16xi32>,
    %and3A_185 = arith.constant 15 : i32
    %and3A_186 = vector.broadcast %and3A_185 : i32 to vector<16xi32>
    %and3A_187 = arith.andi %get3A_184, %and3A_186 : vector<16xi32>
    %gather3A_188 = tpu.vector_load_idx %arg12[%add3A_182, %and3A_187] : memref<128x16xf32, #tpu.memory_space<vmem>>[vector<16xi32>, vector<16xi32>], vector<16xf32>,
    %swap3A_189 = arith.constant 48 : index
    %swap3A_190 = tpu.vector_load %arg14[%swap3A_189] {strides = array<i32>} : memref<128xf32, #tpu.memory_space<vmem>>, vector<16xf32>,
    tpu.vector_store %arg14[%swap3A_189], %gather3A_188 {strides = array<i32>} : memref<128xf32, #tpu.memory_space<vmem>>, vector<16xf32>,
    %get3A_191 = arith.constant 48 : index
    %get3A_192 = tpu.vector_load %arg9[%get3A_191] {strides = array<i32>} : memref<128xi32, #tpu.memory_space<vmem>>, vector<16xi32>,
    %and3A_193 = arith.constant 15 : i32
    %and3A_194 = vector.broadcast %and3A_193 : i32 to vector<16xi32>
    %and3A_195 = arith.andi %get3A_192, %and3A_194 : vector<16xi32>
    %gather3A_196 = tpu.vector_load_idx %arg13[%add3A_182, %and3A_195] : memref<128x16xf32, #tpu.memory_space<vmem>>[vector<16xi32>, vector<16xi32>], vector<16xf32>,
    %swap3A_197 = arith.constant 48 : index
    %swap3A_198 = tpu.vector_load %arg15[%swap3A_197] {strides = array<i32>} : memref<128xf32, #tpu.memory_space<vmem>>, vector<16xf32>,
    tpu.vector_store %arg15[%swap3A_197], %gather3A_196 {strides = array<i32>} : memref<128xf32, #tpu.memory_space<vmem>>, vector<16xf32>,
    %iota3A_199 = tpu.iota {dimensions = array<i32: 0>} : vector<16xi32>
    %add3A_200 = arith.constant 64 : i32
    %add3A_201 = vector.broadcast %add3A_200 : i32 to vector<16xi32>
    %add3A_202 = arith.addi %iota3A_199, %add3A_201 : vector<16xi32>
    %get3A_203 = arith.constant 64 : index
    %get3A_204 = tpu.vector_load %arg8[%get3A_203] {strides = array<i32>} : memref<128xi32, #tpu.memory_space<vmem>>, vector<16xi32>,
    %and3A_205 = arith.constant 15 : i32
    %and3A_206 = vector.broadcast %and3A_205 : i32 to vector<16xi32>
    %and3A_207 = arith.andi %get3A_204, %and3A_206 : vector<16xi32>
    %gather3A_208 = tpu.vector_load_idx %arg12[%add3A_202, %and3A_207] : memref<128x16xf32, #tpu.memory_space<vmem>>[vector<16xi32>, vector<16xi32>], vector<16xf32>,
    %swap3A_209 = arith.constant 64 : index
    %swap3A_210 = tpu.vector_load %arg14[%swap3A_209] {strides = array<i32>} : memref<128xf32, #tpu.memory_space<vmem>>, vector<16xf32>,
    tpu.vector_store %arg14[%swap3A_209], %gather3A_208 {strides = array<i32>} : memref<128xf32, #tpu.memory_space<vmem>>, vector<16xf32>,
    %get3A_211 = arith.constant 64 : index
    %get3A_212 = tpu.vector_load %arg9[%get3A_211] {strides = array<i32>} : memref<128xi32, #tpu.memory_space<vmem>>, vector<16xi32>,
    %and3A_213 = arith.constant 15 : i32
    %and3A_214 = vector.broadcast %and3A_213 : i32 to vector<16xi32>
    %and3A_215 = arith.andi %get3A_212, %and3A_214 : vector<16xi32>
    %gather3A_216 = tpu.vector_load_idx %arg13[%add3A_202, %and3A_215] : memref<128x16xf32, #tpu.memory_space<vmem>>[vector<16xi32>, vector<16xi32>], vector<16xf32>,
    %swap3A_217 = arith.constant 64 : index
    %swap3A_218 = tpu.vector_load %arg15[%swap3A_217] {strides = array<i32>} : memref<128xf32, #tpu.memory_space<vmem>>, vector<16xf32>,
    tpu.vector_store %arg15[%swap3A_217], %gather3A_216 {strides = array<i32>} : memref<128xf32, #tpu.memory_space<vmem>>, vector<16xf32>,
    %iota3A_219 = tpu.iota {dimensions = array<i32: 0>} : vector<16xi32>
    %add3A_220 = arith.constant 80 : i32
    %add3A_221 = vector.broadcast %add3A_220 : i32 to vector<16xi32>
    %add3A_222 = arith.addi %iota3A_219, %add3A_221 : vector<16xi32>
    %get3A_223 = arith.constant 80 : index
    %get3A_224 = tpu.vector_load %arg8[%get3A_223] {strides = array<i32>} : memref<128xi32, #tpu.memory_space<vmem>>, vector<16xi32>,
    %and3A_225 = arith.constant 15 : i32
    %and3A_226 = vector.broadcast %and3A_225 : i32 to vector<16xi32>
    %and3A_227 = arith.andi %get3A_224, %and3A_226 : vector<16xi32>
    %gather3A_228 = tpu.vector_load_idx %arg12[%add3A_222, %and3A_227] : memref<128x16xf32, #tpu.memory_space<vmem>>[vector<16xi32>, vector<16xi32>], vector<16xf32>,
    %swap3A_229 = arith.constant 80 : index
    %swap3A_230 = tpu.vector_load %arg14[%swap3A_229] {strides = array<i32>} : memref<128xf32, #tpu.memory_space<vmem>>, vector<16xf32>,
    tpu.vector_store %arg14[%swap3A_229], %gather3A_228 {strides = array<i32>} : memref<128xf32, #tpu.memory_space<vmem>>, vector<16xf32>,
    %get3A_231 = arith.constant 80 : index
    %get3A_232 = tpu.vector_load %arg9[%get3A_231] {strides = array<i32>} : memref<128xi32, #tpu.memory_space<vmem>>, vector<16xi32>,
    %and3A_233 = arith.constant 15 : i32
    %and3A_234 = vector.broadcast %and3A_233 : i32 to vector<16xi32>
    %and3A_235 = arith.andi %get3A_232, %and3A_234 : vector<16xi32>
    %gather3A_236 = tpu.vector_load_idx %arg13[%add3A_222, %and3A_235] : memref<128x16xf32, #tpu.memory_space<vmem>>[vector<16xi32>, vector<16xi32>], vector<16xf32>,
    %swap3A_237 = arith.constant 80 : index
    %swap3A_238 = tpu.vector_load %arg15[%swap3A_237] {strides = array<i32>} : memref<128xf32, #tpu.memory_space<vmem>>, vector<16xf32>,
    tpu.vector_store %arg15[%swap3A_237], %gather3A_236 {strides = array<i32>} : memref<128xf32, #tpu.memory_space<vmem>>, vector<16xf32>,
    %iota3A_239 = tpu.iota {dimensions = array<i32: 0>} : vector<16xi32>
    %add3A_240 = arith.constant 96 : i32
    %add3A_241 = vector.broadcast %add3A_240 : i32 to vector<16xi32>
    %add3A_242 = arith.addi %iota3A_239, %add3A_241 : vector<16xi32>
    %get3A_243 = arith.constant 96 : index
    %get3A_244 = tpu.vector_load %arg8[%get3A_243] {strides = array<i32>} : memref<128xi32, #tpu.memory_space<vmem>>, vector<16xi32>,
    %and3A_245 = arith.constant 15 : i32
    %and3A_246 = vector.broadcast %and3A_245 : i32 to vector<16xi32>
    %and3A_247 = arith.andi %get3A_244, %and3A_246 : vector<16xi32>
    %gather3A_248 = tpu.vector_load_idx %arg12[%add3A_242, %and3A_247] : memref<128x16xf32, #tpu.memory_space<vmem>>[vector<16xi32>, vector<16xi32>], vector<16xf32>,
    %swap3A_249 = arith.constant 96 : index
    %swap3A_250 = tpu.vector_load %arg14[%swap3A_249] {strides = array<i32>} : memref<128xf32, #tpu.memory_space<vmem>>, vector<16xf32>,
    tpu.vector_store %arg14[%swap3A_249], %gather3A_248 {strides = array<i32>} : memref<128xf32, #tpu.memory_space<vmem>>, vector<16xf32>,
    %get3A_251 = arith.constant 96 : index
    %get3A_252 = tpu.vector_load %arg9[%get3A_251] {strides = array<i32>} : memref<128xi32, #tpu.memory_space<vmem>>, vector<16xi32>,
    %and3A_253 = arith.constant 15 : i32
    %and3A_254 = vector.broadcast %and3A_253 : i32 to vector<16xi32>
    %and3A_255 = arith.andi %get3A_252, %and3A_254 : vector<16xi32>
    %gather3A_256 = tpu.vector_load_idx %arg13[%add3A_242, %and3A_255] : memref<128x16xf32, #tpu.memory_space<vmem>>[vector<16xi32>, vector<16xi32>], vector<16xf32>,
    %swap3A_257 = arith.constant 96 : index
    %swap3A_258 = tpu.vector_load %arg15[%swap3A_257] {strides = array<i32>} : memref<128xf32, #tpu.memory_space<vmem>>, vector<16xf32>,
    tpu.vector_store %arg15[%swap3A_257], %gather3A_256 {strides = array<i32>} : memref<128xf32, #tpu.memory_space<vmem>>, vector<16xf32>,
    %iota3A_259 = tpu.iota {dimensions = array<i32: 0>} : vector<16xi32>
    %add3A_260 = arith.constant 112 : i32
    %add3A_261 = vector.broadcast %add3A_260 : i32 to vector<16xi32>
    %add3A_262 = arith.addi %iota3A_259, %add3A_261 : vector<16xi32>
    %get3A_263 = arith.constant 112 : index
    %get3A_264 = tpu.vector_load %arg8[%get3A_263] {strides = array<i32>} : memref<128xi32, #tpu.memory_space<vmem>>, vector<16xi32>,
    %and3A_265 = arith.constant 15 : i32
    %and3A_266 = vector.broadcast %and3A_265 : i32 to vector<16xi32>
    %and3A_267 = arith.andi %get3A_264, %and3A_266 : vector<16xi32>
    %gather3A_268 = tpu.vector_load_idx %arg12[%add3A_262, %and3A_267] : memref<128x16xf32, #tpu.memory_space<vmem>>[vector<16xi32>, vector<16xi32>], vector<16xf32>,
    %swap3A_269 = arith.constant 112 : index
    %swap3A_270 = tpu.vector_load %arg14[%swap3A_269] {strides = array<i32>} : memref<128xf32, #tpu.memory_space<vmem>>, vector<16xf32>,
    tpu.vector_store %arg14[%swap3A_269], %gather3A_268 {strides = array<i32>} : memref<128xf32, #tpu.memory_space<vmem>>, vector<16xf32>,
    %get3A_271 = arith.constant 112 : index
    %get3A_272 = tpu.vector_load %arg9[%get3A_271] {strides = array<i32>} : memref<128xi32, #tpu.memory_space<vmem>>, vector<16xi32>,
    %and3A_273 = arith.constant 15 : i32
    %and3A_274 = vector.broadcast %and3A_273 : i32 to vector<16xi32>
    %and3A_275 = arith.andi %get3A_272, %and3A_274 : vector<16xi32>
    %gather3A_276 = tpu.vector_load_idx %arg13[%add3A_262, %and3A_275] : memref<128x16xf32, #tpu.memory_space<vmem>>[vector<16xi32>, vector<16xi32>], vector<16xf32>,
    %swap3A_277 = arith.constant 112 : index
    %swap3A_278 = tpu.vector_load %arg15[%swap3A_277] {strides = array<i32>} : memref<128xf32, #tpu.memory_space<vmem>>, vector<16xf32>,
    tpu.vector_store %arg15[%swap3A_277], %gather3A_276 {strides = array<i32>} : memref<128xf32, #tpu.memory_space<vmem>>, vector<16xf32>,
    "tpu.region"() ({
      %run_scoped3A = tpu.sem_alloc : memref<!tpu.dma_semaphore, #tpu.memory_space<semaphore_mem>>
      %dma_start3A_279 = tpu.memref_slice %arg6[%mul3A_2] : memref<4096xf32, #tpu.memory_space<hbm>> -> memref<128xf32, #tpu.memory_space<hbm>>
      %dma_start3A_280 = tpu.memref_slice %arg6[%mul3A_2] : memref<4096xf32, #tpu.memory_space<hbm>> -> memref<128xf32, #tpu.memory_space<hbm>>
      tpu.enqueue_dma source(%arg14 : memref<128xf32, #tpu.memory_space<vmem>>) target(%dma_start3A_280 : memref<128xf32, #tpu.memory_space<hbm>>) target_semaphore(%run_scoped3A : memref<!tpu.dma_semaphore, #tpu.memory_space<semaphore_mem>>)
      %dma_wait3A_281 = tpu.memref_slice %arg6[%mul3A_2] : memref<4096xf32, #tpu.memory_space<hbm>> -> memref<128xf32, #tpu.memory_space<hbm>>
      %dma_wait3A_282 = tpu.memref_slice %arg6[%mul3A_2] : memref<4096xf32, #tpu.memory_space<hbm>> -> memref<128xf32, #tpu.memory_space<hbm>>
      tpu.wait_dma2 semaphore(%run_scoped3A : memref<!tpu.dma_semaphore, #tpu.memory_space<semaphore_mem>>) src(%arg14 : memref<128xf32, #tpu.memory_space<vmem>>) dst(%dma_wait3A_282 : memref<128xf32, #tpu.memory_space<hbm>>)
      tpu.yield
    }) : () -> ()
    "tpu.region"() ({
      %run_scoped3A = tpu.sem_alloc : memref<!tpu.dma_semaphore, #tpu.memory_space<semaphore_mem>>
      %dma_start3A_279 = tpu.memref_slice %arg7[%mul3A_2] : memref<4096xf32, #tpu.memory_space<hbm>> -> memref<128xf32, #tpu.memory_space<hbm>>
      %dma_start3A_280 = tpu.memref_slice %arg7[%mul3A_2] : memref<4096xf32, #tpu.memory_space<hbm>> -> memref<128xf32, #tpu.memory_space<hbm>>
      tpu.enqueue_dma source(%arg15 : memref<128xf32, #tpu.memory_space<vmem>>) target(%dma_start3A_280 : memref<128xf32, #tpu.memory_space<hbm>>) target_semaphore(%run_scoped3A : memref<!tpu.dma_semaphore, #tpu.memory_space<semaphore_mem>>)
      %dma_wait3A_281 = tpu.memref_slice %arg7[%mul3A_2] : memref<4096xf32, #tpu.memory_space<hbm>> -> memref<128xf32, #tpu.memory_space<hbm>>
      %dma_wait3A_282 = tpu.memref_slice %arg7[%mul3A_2] : memref<4096xf32, #tpu.memory_space<hbm>> -> memref<128xf32, #tpu.memory_space<hbm>>
      tpu.wait_dma2 semaphore(%run_scoped3A : memref<!tpu.dma_semaphore, #tpu.memory_space<semaphore_mem>>) src(%arg15 : memref<128xf32, #tpu.memory_space<vmem>>) dst(%dma_wait3A_282 : memref<128xf32, #tpu.memory_space<hbm>>)
      tpu.yield
    }) : () -> ()
    return
  }
}

#map = affine_map<(d0, d1) -> (0)>
#map1 = affine_map<(d0, d1) -> (0, 0)>
module attributes {stable_mosaic.version = 14 : i64} {
  func.func @gather_kernel(%arg0: i32, %arg1: i32, %arg2: memref<4096xi32, #tpu.memory_space<hbm>>, %arg3: memref<4096xi32, #tpu.memory_space<hbm>>, %arg4: memref<32x1000000xf32, #tpu.memory_space<hbm>>, %arg5: memref<32x1000000xf32, #tpu.memory_space<hbm>>, %arg6: memref<4096x32xf32, #tpu.memory_space<hbm>>, %arg7: memref<4096x32xf32, #tpu.memory_space<hbm>>, %arg8: memref<128xi32, #tpu.memory_space<smem>>, %arg9: memref<128xi32, #tpu.memory_space<smem>>, %arg10: memref<128xi32, #tpu.memory_space<vmem>>, %arg11: memref<128xi32, #tpu.memory_space<vmem>>, %arg12: memref<8x32x128xf32, #tpu.memory_space<vmem>>, %arg13: memref<8x32x128xf32, #tpu.memory_space<vmem>>, %arg14: memref<128x32xf32, #tpu.memory_space<vmem>>, %arg15: memref<128x32xf32, #tpu.memory_space<vmem>>, %arg16: memref<!tpu.dma_semaphore, #tpu.memory_space<semaphore_mem>>, %arg17: memref<!tpu.dma_semaphore, #tpu.memory_space<semaphore_mem>>, %arg18: memref<!tpu.dma_semaphore, #tpu.memory_space<semaphore_mem>>, %arg19: memref<!tpu.dma_semaphore, #tpu.memory_space<semaphore_mem>>, %arg20: memref<!tpu.dma_semaphore, #tpu.memory_space<semaphore_mem>>, %arg21: memref<!tpu.dma_semaphore, #tpu.memory_space<semaphore_mem>>, %arg22: memref<!tpu.dma_semaphore, #tpu.memory_space<semaphore_mem>>, %arg23: memref<!tpu.dma_semaphore, #tpu.memory_space<semaphore_mem>>, %arg24: memref<!tpu.dma_semaphore, #tpu.memory_space<semaphore_mem>>, %arg25: memref<!tpu.dma_semaphore, #tpu.memory_space<semaphore_mem>>, %arg26: memref<!tpu.dma_semaphore, #tpu.memory_space<semaphore_mem>>, %arg27: memref<!tpu.dma_semaphore, #tpu.memory_space<semaphore_mem>>, %arg28: memref<!tpu.dma_semaphore, #tpu.memory_space<semaphore_mem>>, %arg29: memref<!tpu.dma_semaphore, #tpu.memory_space<semaphore_mem>>, %arg30: memref<!tpu.dma_semaphore, #tpu.memory_space<semaphore_mem>>, %arg31: memref<!tpu.dma_semaphore, #tpu.memory_space<semaphore_mem>>) attributes {dimension_semantics = [#tpu.dimension_semantics<core_parallel>, #tpu.dimension_semantics<subcore_parallel>], iteration_bounds = array<i64: 2, 16>, scalar_prefetch = 0 : i64, scratch_operands = 24 : i64, tpu.core_type = #tpu.core_type<sc_vector_subcore>, window_params = [{transform_indices = #map}, {transform_indices = #map}, {transform_indices = #map1}, {transform_indices = #map1}, {transform_indices = #map1}, {transform_indices = #map1}]} {
    %mul3A = arith.constant 2 : i32
    %mul3A_0 = arith.muli %arg1, %mul3A : i32
    %add3A = arith.addi %mul3A_0, %arg0 : i32
    %mul3A_1 = arith.constant 128 : i32
    %mul3A_2 = arith.muli %add3A, %mul3A_1 : i32
    "tpu.region"() ({
      %run_scoped3A = tpu.sem_alloc : memref<!tpu.dma_semaphore, #tpu.memory_space<semaphore_mem>>
      %dma_start3A_1618 = tpu.memref_slice %arg2[%mul3A_2] : memref<4096xi32, #tpu.memory_space<hbm>> -> memref<128xi32, #tpu.memory_space<hbm>>
      %dma_start3A_1619 = tpu.memref_slice %arg2[%mul3A_2] : memref<4096xi32, #tpu.memory_space<hbm>> -> memref<128xi32, #tpu.memory_space<hbm>>
      tpu.enqueue_dma source(%dma_start3A_1619 : memref<128xi32, #tpu.memory_space<hbm>>) target(%arg10 : memref<128xi32, #tpu.memory_space<vmem>>) target_semaphore(%run_scoped3A : memref<!tpu.dma_semaphore, #tpu.memory_space<semaphore_mem>>)
      %dma_wait3A = tpu.memref_slice %arg2[%mul3A_2] : memref<4096xi32, #tpu.memory_space<hbm>> -> memref<128xi32, #tpu.memory_space<hbm>>
      %dma_wait3A_1620 = tpu.memref_slice %arg2[%mul3A_2] : memref<4096xi32, #tpu.memory_space<hbm>> -> memref<128xi32, #tpu.memory_space<hbm>>
      tpu.wait_dma2 semaphore(%run_scoped3A : memref<!tpu.dma_semaphore, #tpu.memory_space<semaphore_mem>>) src(%dma_wait3A_1620 : memref<128xi32, #tpu.memory_space<hbm>>) dst(%arg10 : memref<128xi32, #tpu.memory_space<vmem>>)
      tpu.yield
    }) : () -> ()
    "tpu.region"() ({
      %run_scoped3A = tpu.sem_alloc : memref<!tpu.dma_semaphore, #tpu.memory_space<semaphore_mem>>
      %dma_start3A_1618 = tpu.memref_slice %arg3[%mul3A_2] : memref<4096xi32, #tpu.memory_space<hbm>> -> memref<128xi32, #tpu.memory_space<hbm>>
      %dma_start3A_1619 = tpu.memref_slice %arg3[%mul3A_2] : memref<4096xi32, #tpu.memory_space<hbm>> -> memref<128xi32, #tpu.memory_space<hbm>>
      tpu.enqueue_dma source(%dma_start3A_1619 : memref<128xi32, #tpu.memory_space<hbm>>) target(%arg11 : memref<128xi32, #tpu.memory_space<vmem>>) target_semaphore(%run_scoped3A : memref<!tpu.dma_semaphore, #tpu.memory_space<semaphore_mem>>)
      %dma_wait3A = tpu.memref_slice %arg3[%mul3A_2] : memref<4096xi32, #tpu.memory_space<hbm>> -> memref<128xi32, #tpu.memory_space<hbm>>
      %dma_wait3A_1620 = tpu.memref_slice %arg3[%mul3A_2] : memref<4096xi32, #tpu.memory_space<hbm>> -> memref<128xi32, #tpu.memory_space<hbm>>
      tpu.wait_dma2 semaphore(%run_scoped3A : memref<!tpu.dma_semaphore, #tpu.memory_space<semaphore_mem>>) src(%dma_wait3A_1620 : memref<128xi32, #tpu.memory_space<hbm>>) dst(%arg11 : memref<128xi32, #tpu.memory_space<vmem>>)
      tpu.yield
    }) : () -> ()
    %get3A = arith.constant 0 : index
    %get3A_3 = tpu.vector_load %arg10[%get3A] {strides = array<i32>} : memref<128xi32, #tpu.memory_space<vmem>>, vector<16xi32>,
    %get3A_4 = arith.constant 0 : index
    %get3A_5 = tpu.vector_load %arg11[%get3A_4] {strides = array<i32>} : memref<128xi32, #tpu.memory_space<vmem>>, vector<16xi32>,
    %slice3A = vector.extract_strided_slice %get3A_3 {offsets = [0], sizes = [1], strides = [1]} : vector<16xi32> to vector<1xi32>
    %squeeze3A = vector.extract %slice3A[0] : i32 from vector<1xi32>
    %swap3A = arith.constant 0 : i32
    %swap3A_6 = arith.index_cast %swap3A : i32 to index
    %swap3A_7 = memref.load %arg8[%swap3A_6] : memref<128xi32, #tpu.memory_space<smem>>
    memref.store %squeeze3A, %arg8[%swap3A_6] : memref<128xi32, #tpu.memory_space<smem>>
    %slice3A_8 = vector.extract_strided_slice %get3A_5 {offsets = [0], sizes = [1], strides = [1]} : vector<16xi32> to vector<1xi32>
    %squeeze3A_9 = vector.extract %slice3A_8[0] : i32 from vector<1xi32>
    %swap3A_10 = arith.constant 0 : i32
    %swap3A_11 = arith.index_cast %swap3A_10 : i32 to index
    %swap3A_12 = memref.load %arg9[%swap3A_11] : memref<128xi32, #tpu.memory_space<smem>>
    memref.store %squeeze3A_9, %arg9[%swap3A_11] : memref<128xi32, #tpu.memory_space<smem>>
    %slice3A_13 = vector.extract_strided_slice %get3A_3 {offsets = [1], sizes = [1], strides = [1]} : vector<16xi32> to vector<1xi32>
    %squeeze3A_14 = vector.extract %slice3A_13[0] : i32 from vector<1xi32>
    %swap3A_15 = arith.constant 1 : i32
    %swap3A_16 = arith.index_cast %swap3A_15 : i32 to index
    %swap3A_17 = memref.load %arg8[%swap3A_16] : memref<128xi32, #tpu.memory_space<smem>>
    memref.store %squeeze3A_14, %arg8[%swap3A_16] : memref<128xi32, #tpu.memory_space<smem>>
    %slice3A_18 = vector.extract_strided_slice %get3A_5 {offsets = [1], sizes = [1], strides = [1]} : vector<16xi32> to vector<1xi32>
    %squeeze3A_19 = vector.extract %slice3A_18[0] : i32 from vector<1xi32>
    %swap3A_20 = arith.constant 1 : i32
    %swap3A_21 = arith.index_cast %swap3A_20 : i32 to index
    %swap3A_22 = memref.load %arg9[%swap3A_21] : memref<128xi32, #tpu.memory_space<smem>>
    memref.store %squeeze3A_19, %arg9[%swap3A_21] : memref<128xi32, #tpu.memory_space<smem>>
    %slice3A_23 = vector.extract_strided_slice %get3A_3 {offsets = [2], sizes = [1], strides = [1]} : vector<16xi32> to vector<1xi32>
    %squeeze3A_24 = vector.extract %slice3A_23[0] : i32 from vector<1xi32>
    %swap3A_25 = arith.constant 2 : i32
    %swap3A_26 = arith.index_cast %swap3A_25 : i32 to index
    %swap3A_27 = memref.load %arg8[%swap3A_26] : memref<128xi32, #tpu.memory_space<smem>>
    memref.store %squeeze3A_24, %arg8[%swap3A_26] : memref<128xi32, #tpu.memory_space<smem>>
    %slice3A_28 = vector.extract_strided_slice %get3A_5 {offsets = [2], sizes = [1], strides = [1]} : vector<16xi32> to vector<1xi32>
    %squeeze3A_29 = vector.extract %slice3A_28[0] : i32 from vector<1xi32>
    %swap3A_30 = arith.constant 2 : i32
    %swap3A_31 = arith.index_cast %swap3A_30 : i32 to index
    %swap3A_32 = memref.load %arg9[%swap3A_31] : memref<128xi32, #tpu.memory_space<smem>>
    memref.store %squeeze3A_29, %arg9[%swap3A_31] : memref<128xi32, #tpu.memory_space<smem>>
    %slice3A_33 = vector.extract_strided_slice %get3A_3 {offsets = [3], sizes = [1], strides = [1]} : vector<16xi32> to vector<1xi32>
    %squeeze3A_34 = vector.extract %slice3A_33[0] : i32 from vector<1xi32>
    %swap3A_35 = arith.constant 3 : i32
    %swap3A_36 = arith.index_cast %swap3A_35 : i32 to index
    %swap3A_37 = memref.load %arg8[%swap3A_36] : memref<128xi32, #tpu.memory_space<smem>>
    memref.store %squeeze3A_34, %arg8[%swap3A_36] : memref<128xi32, #tpu.memory_space<smem>>
    %slice3A_38 = vector.extract_strided_slice %get3A_5 {offsets = [3], sizes = [1], strides = [1]} : vector<16xi32> to vector<1xi32>
    %squeeze3A_39 = vector.extract %slice3A_38[0] : i32 from vector<1xi32>
    %swap3A_40 = arith.constant 3 : i32
    %swap3A_41 = arith.index_cast %swap3A_40 : i32 to index
    %swap3A_42 = memref.load %arg9[%swap3A_41] : memref<128xi32, #tpu.memory_space<smem>>
    memref.store %squeeze3A_39, %arg9[%swap3A_41] : memref<128xi32, #tpu.memory_space<smem>>
    %slice3A_43 = vector.extract_strided_slice %get3A_3 {offsets = [4], sizes = [1], strides = [1]} : vector<16xi32> to vector<1xi32>
    %squeeze3A_44 = vector.extract %slice3A_43[0] : i32 from vector<1xi32>
    %swap3A_45 = arith.constant 4 : i32
    %swap3A_46 = arith.index_cast %swap3A_45 : i32 to index
    %swap3A_47 = memref.load %arg8[%swap3A_46] : memref<128xi32, #tpu.memory_space<smem>>
    memref.store %squeeze3A_44, %arg8[%swap3A_46] : memref<128xi32, #tpu.memory_space<smem>>
    %slice3A_48 = vector.extract_strided_slice %get3A_5 {offsets = [4], sizes = [1], strides = [1]} : vector<16xi32> to vector<1xi32>
    %squeeze3A_49 = vector.extract %slice3A_48[0] : i32 from vector<1xi32>
    %swap3A_50 = arith.constant 4 : i32
    %swap3A_51 = arith.index_cast %swap3A_50 : i32 to index
    %swap3A_52 = memref.load %arg9[%swap3A_51] : memref<128xi32, #tpu.memory_space<smem>>
    memref.store %squeeze3A_49, %arg9[%swap3A_51] : memref<128xi32, #tpu.memory_space<smem>>
    %slice3A_53 = vector.extract_strided_slice %get3A_3 {offsets = [5], sizes = [1], strides = [1]} : vector<16xi32> to vector<1xi32>
    %squeeze3A_54 = vector.extract %slice3A_53[0] : i32 from vector<1xi32>
    %swap3A_55 = arith.constant 5 : i32
    %swap3A_56 = arith.index_cast %swap3A_55 : i32 to index
    %swap3A_57 = memref.load %arg8[%swap3A_56] : memref<128xi32, #tpu.memory_space<smem>>
    memref.store %squeeze3A_54, %arg8[%swap3A_56] : memref<128xi32, #tpu.memory_space<smem>>
    %slice3A_58 = vector.extract_strided_slice %get3A_5 {offsets = [5], sizes = [1], strides = [1]} : vector<16xi32> to vector<1xi32>
    %squeeze3A_59 = vector.extract %slice3A_58[0] : i32 from vector<1xi32>
    %swap3A_60 = arith.constant 5 : i32
    %swap3A_61 = arith.index_cast %swap3A_60 : i32 to index
    %swap3A_62 = memref.load %arg9[%swap3A_61] : memref<128xi32, #tpu.memory_space<smem>>
    memref.store %squeeze3A_59, %arg9[%swap3A_61] : memref<128xi32, #tpu.memory_space<smem>>
    %slice3A_63 = vector.extract_strided_slice %get3A_3 {offsets = [6], sizes = [1], strides = [1]} : vector<16xi32> to vector<1xi32>
    %squeeze3A_64 = vector.extract %slice3A_63[0] : i32 from vector<1xi32>
    %swap3A_65 = arith.constant 6 : i32
    %swap3A_66 = arith.index_cast %swap3A_65 : i32 to index
    %swap3A_67 = memref.load %arg8[%swap3A_66] : memref<128xi32, #tpu.memory_space<smem>>
    memref.store %squeeze3A_64, %arg8[%swap3A_66] : memref<128xi32, #tpu.memory_space<smem>>
    %slice3A_68 = vector.extract_strided_slice %get3A_5 {offsets = [6], sizes = [1], strides = [1]} : vector<16xi32> to vector<1xi32>
    %squeeze3A_69 = vector.extract %slice3A_68[0] : i32 from vector<1xi32>
    %swap3A_70 = arith.constant 6 : i32
    %swap3A_71 = arith.index_cast %swap3A_70 : i32 to index
    %swap3A_72 = memref.load %arg9[%swap3A_71] : memref<128xi32, #tpu.memory_space<smem>>
    memref.store %squeeze3A_69, %arg9[%swap3A_71] : memref<128xi32, #tpu.memory_space<smem>>
    %slice3A_73 = vector.extract_strided_slice %get3A_3 {offsets = [7], sizes = [1], strides = [1]} : vector<16xi32> to vector<1xi32>
    %squeeze3A_74 = vector.extract %slice3A_73[0] : i32 from vector<1xi32>
    %swap3A_75 = arith.constant 7 : i32
    %swap3A_76 = arith.index_cast %swap3A_75 : i32 to index
    %swap3A_77 = memref.load %arg8[%swap3A_76] : memref<128xi32, #tpu.memory_space<smem>>
    memref.store %squeeze3A_74, %arg8[%swap3A_76] : memref<128xi32, #tpu.memory_space<smem>>
    %slice3A_78 = vector.extract_strided_slice %get3A_5 {offsets = [7], sizes = [1], strides = [1]} : vector<16xi32> to vector<1xi32>
    %squeeze3A_79 = vector.extract %slice3A_78[0] : i32 from vector<1xi32>
    %swap3A_80 = arith.constant 7 : i32
    %swap3A_81 = arith.index_cast %swap3A_80 : i32 to index
    %swap3A_82 = memref.load %arg9[%swap3A_81] : memref<128xi32, #tpu.memory_space<smem>>
    memref.store %squeeze3A_79, %arg9[%swap3A_81] : memref<128xi32, #tpu.memory_space<smem>>
    %slice3A_83 = vector.extract_strided_slice %get3A_3 {offsets = [8], sizes = [1], strides = [1]} : vector<16xi32> to vector<1xi32>
    %squeeze3A_84 = vector.extract %slice3A_83[0] : i32 from vector<1xi32>
    %swap3A_85 = arith.constant 8 : i32
    %swap3A_86 = arith.index_cast %swap3A_85 : i32 to index
    %swap3A_87 = memref.load %arg8[%swap3A_86] : memref<128xi32, #tpu.memory_space<smem>>
    memref.store %squeeze3A_84, %arg8[%swap3A_86] : memref<128xi32, #tpu.memory_space<smem>>
    %slice3A_88 = vector.extract_strided_slice %get3A_5 {offsets = [8], sizes = [1], strides = [1]} : vector<16xi32> to vector<1xi32>
    %squeeze3A_89 = vector.extract %slice3A_88[0] : i32 from vector<1xi32>
    %swap3A_90 = arith.constant 8 : i32
    %swap3A_91 = arith.index_cast %swap3A_90 : i32 to index
    %swap3A_92 = memref.load %arg9[%swap3A_91] : memref<128xi32, #tpu.memory_space<smem>>
    memref.store %squeeze3A_89, %arg9[%swap3A_91] : memref<128xi32, #tpu.memory_space<smem>>
    %slice3A_93 = vector.extract_strided_slice %get3A_3 {offsets = [9], sizes = [1], strides = [1]} : vector<16xi32> to vector<1xi32>
    %squeeze3A_94 = vector.extract %slice3A_93[0] : i32 from vector<1xi32>
    %swap3A_95 = arith.constant 9 : i32
    %swap3A_96 = arith.index_cast %swap3A_95 : i32 to index
    %swap3A_97 = memref.load %arg8[%swap3A_96] : memref<128xi32, #tpu.memory_space<smem>>
    memref.store %squeeze3A_94, %arg8[%swap3A_96] : memref<128xi32, #tpu.memory_space<smem>>
    %slice3A_98 = vector.extract_strided_slice %get3A_5 {offsets = [9], sizes = [1], strides = [1]} : vector<16xi32> to vector<1xi32>
    %squeeze3A_99 = vector.extract %slice3A_98[0] : i32 from vector<1xi32>
    %swap3A_100 = arith.constant 9 : i32
    %swap3A_101 = arith.index_cast %swap3A_100 : i32 to index
    %swap3A_102 = memref.load %arg9[%swap3A_101] : memref<128xi32, #tpu.memory_space<smem>>
    memref.store %squeeze3A_99, %arg9[%swap3A_101] : memref<128xi32, #tpu.memory_space<smem>>
    %slice3A_103 = vector.extract_strided_slice %get3A_3 {offsets = [10], sizes = [1], strides = [1]} : vector<16xi32> to vector<1xi32>
    %squeeze3A_104 = vector.extract %slice3A_103[0] : i32 from vector<1xi32>
    %swap3A_105 = arith.constant 10 : i32
    %swap3A_106 = arith.index_cast %swap3A_105 : i32 to index
    %swap3A_107 = memref.load %arg8[%swap3A_106] : memref<128xi32, #tpu.memory_space<smem>>
    memref.store %squeeze3A_104, %arg8[%swap3A_106] : memref<128xi32, #tpu.memory_space<smem>>
    %slice3A_108 = vector.extract_strided_slice %get3A_5 {offsets = [10], sizes = [1], strides = [1]} : vector<16xi32> to vector<1xi32>
    %squeeze3A_109 = vector.extract %slice3A_108[0] : i32 from vector<1xi32>
    %swap3A_110 = arith.constant 10 : i32
    %swap3A_111 = arith.index_cast %swap3A_110 : i32 to index
    %swap3A_112 = memref.load %arg9[%swap3A_111] : memref<128xi32, #tpu.memory_space<smem>>
    memref.store %squeeze3A_109, %arg9[%swap3A_111] : memref<128xi32, #tpu.memory_space<smem>>
    %slice3A_113 = vector.extract_strided_slice %get3A_3 {offsets = [11], sizes = [1], strides = [1]} : vector<16xi32> to vector<1xi32>
    %squeeze3A_114 = vector.extract %slice3A_113[0] : i32 from vector<1xi32>
    %swap3A_115 = arith.constant 11 : i32
    %swap3A_116 = arith.index_cast %swap3A_115 : i32 to index
    %swap3A_117 = memref.load %arg8[%swap3A_116] : memref<128xi32, #tpu.memory_space<smem>>
    memref.store %squeeze3A_114, %arg8[%swap3A_116] : memref<128xi32, #tpu.memory_space<smem>>
    %slice3A_118 = vector.extract_strided_slice %get3A_5 {offsets = [11], sizes = [1], strides = [1]} : vector<16xi32> to vector<1xi32>
    %squeeze3A_119 = vector.extract %slice3A_118[0] : i32 from vector<1xi32>
    %swap3A_120 = arith.constant 11 : i32
    %swap3A_121 = arith.index_cast %swap3A_120 : i32 to index
    %swap3A_122 = memref.load %arg9[%swap3A_121] : memref<128xi32, #tpu.memory_space<smem>>
    memref.store %squeeze3A_119, %arg9[%swap3A_121] : memref<128xi32, #tpu.memory_space<smem>>
    %slice3A_123 = vector.extract_strided_slice %get3A_3 {offsets = [12], sizes = [1], strides = [1]} : vector<16xi32> to vector<1xi32>
    %squeeze3A_124 = vector.extract %slice3A_123[0] : i32 from vector<1xi32>
    %swap3A_125 = arith.constant 12 : i32
    %swap3A_126 = arith.index_cast %swap3A_125 : i32 to index
    %swap3A_127 = memref.load %arg8[%swap3A_126] : memref<128xi32, #tpu.memory_space<smem>>
    memref.store %squeeze3A_124, %arg8[%swap3A_126] : memref<128xi32, #tpu.memory_space<smem>>
    %slice3A_128 = vector.extract_strided_slice %get3A_5 {offsets = [12], sizes = [1], strides = [1]} : vector<16xi32> to vector<1xi32>
    %squeeze3A_129 = vector.extract %slice3A_128[0] : i32 from vector<1xi32>
    %swap3A_130 = arith.constant 12 : i32
    %swap3A_131 = arith.index_cast %swap3A_130 : i32 to index
    %swap3A_132 = memref.load %arg9[%swap3A_131] : memref<128xi32, #tpu.memory_space<smem>>
    memref.store %squeeze3A_129, %arg9[%swap3A_131] : memref<128xi32, #tpu.memory_space<smem>>
    %slice3A_133 = vector.extract_strided_slice %get3A_3 {offsets = [13], sizes = [1], strides = [1]} : vector<16xi32> to vector<1xi32>
    %squeeze3A_134 = vector.extract %slice3A_133[0] : i32 from vector<1xi32>
    %swap3A_135 = arith.constant 13 : i32
    %swap3A_136 = arith.index_cast %swap3A_135 : i32 to index
    %swap3A_137 = memref.load %arg8[%swap3A_136] : memref<128xi32, #tpu.memory_space<smem>>
    memref.store %squeeze3A_134, %arg8[%swap3A_136] : memref<128xi32, #tpu.memory_space<smem>>
    %slice3A_138 = vector.extract_strided_slice %get3A_5 {offsets = [13], sizes = [1], strides = [1]} : vector<16xi32> to vector<1xi32>
    %squeeze3A_139 = vector.extract %slice3A_138[0] : i32 from vector<1xi32>
    %swap3A_140 = arith.constant 13 : i32
    %swap3A_141 = arith.index_cast %swap3A_140 : i32 to index
    %swap3A_142 = memref.load %arg9[%swap3A_141] : memref<128xi32, #tpu.memory_space<smem>>
    memref.store %squeeze3A_139, %arg9[%swap3A_141] : memref<128xi32, #tpu.memory_space<smem>>
    %slice3A_143 = vector.extract_strided_slice %get3A_3 {offsets = [14], sizes = [1], strides = [1]} : vector<16xi32> to vector<1xi32>
    %squeeze3A_144 = vector.extract %slice3A_143[0] : i32 from vector<1xi32>
    %swap3A_145 = arith.constant 14 : i32
    %swap3A_146 = arith.index_cast %swap3A_145 : i32 to index
    %swap3A_147 = memref.load %arg8[%swap3A_146] : memref<128xi32, #tpu.memory_space<smem>>
    memref.store %squeeze3A_144, %arg8[%swap3A_146] : memref<128xi32, #tpu.memory_space<smem>>
    %slice3A_148 = vector.extract_strided_slice %get3A_5 {offsets = [14], sizes = [1], strides = [1]} : vector<16xi32> to vector<1xi32>
    %squeeze3A_149 = vector.extract %slice3A_148[0] : i32 from vector<1xi32>
    %swap3A_150 = arith.constant 14 : i32
    %swap3A_151 = arith.index_cast %swap3A_150 : i32 to index
    %swap3A_152 = memref.load %arg9[%swap3A_151] : memref<128xi32, #tpu.memory_space<smem>>
    memref.store %squeeze3A_149, %arg9[%swap3A_151] : memref<128xi32, #tpu.memory_space<smem>>
    %slice3A_153 = vector.extract_strided_slice %get3A_3 {offsets = [15], sizes = [1], strides = [1]} : vector<16xi32> to vector<1xi32>
    %squeeze3A_154 = vector.extract %slice3A_153[0] : i32 from vector<1xi32>
    %swap3A_155 = arith.constant 15 : i32
    %swap3A_156 = arith.index_cast %swap3A_155 : i32 to index
    %swap3A_157 = memref.load %arg8[%swap3A_156] : memref<128xi32, #tpu.memory_space<smem>>
    memref.store %squeeze3A_154, %arg8[%swap3A_156] : memref<128xi32, #tpu.memory_space<smem>>
    %slice3A_158 = vector.extract_strided_slice %get3A_5 {offsets = [15], sizes = [1], strides = [1]} : vector<16xi32> to vector<1xi32>
    %squeeze3A_159 = vector.extract %slice3A_158[0] : i32 from vector<1xi32>
    %swap3A_160 = arith.constant 15 : i32
    %swap3A_161 = arith.index_cast %swap3A_160 : i32 to index
    %swap3A_162 = memref.load %arg9[%swap3A_161] : memref<128xi32, #tpu.memory_space<smem>>
    memref.store %squeeze3A_159, %arg9[%swap3A_161] : memref<128xi32, #tpu.memory_space<smem>>
    %get3A_163 = arith.constant 16 : index
    %get3A_164 = tpu.vector_load %arg10[%get3A_163] {strides = array<i32>} : memref<128xi32, #tpu.memory_space<vmem>>, vector<16xi32>,
    %get3A_165 = arith.constant 16 : index
    %get3A_166 = tpu.vector_load %arg11[%get3A_165] {strides = array<i32>} : memref<128xi32, #tpu.memory_space<vmem>>, vector<16xi32>,
    %slice3A_167 = vector.extract_strided_slice %get3A_164 {offsets = [0], sizes = [1], strides = [1]} : vector<16xi32> to vector<1xi32>
    %squeeze3A_168 = vector.extract %slice3A_167[0] : i32 from vector<1xi32>
    %swap3A_169 = arith.constant 16 : i32
    %swap3A_170 = arith.index_cast %swap3A_169 : i32 to index
    %swap3A_171 = memref.load %arg8[%swap3A_170] : memref<128xi32, #tpu.memory_space<smem>>
    memref.store %squeeze3A_168, %arg8[%swap3A_170] : memref<128xi32, #tpu.memory_space<smem>>
    %slice3A_172 = vector.extract_strided_slice %get3A_166 {offsets = [0], sizes = [1], strides = [1]} : vector<16xi32> to vector<1xi32>
    %squeeze3A_173 = vector.extract %slice3A_172[0] : i32 from vector<1xi32>
    %swap3A_174 = arith.constant 16 : i32
    %swap3A_175 = arith.index_cast %swap3A_174 : i32 to index
    %swap3A_176 = memref.load %arg9[%swap3A_175] : memref<128xi32, #tpu.memory_space<smem>>
    memref.store %squeeze3A_173, %arg9[%swap3A_175] : memref<128xi32, #tpu.memory_space<smem>>
    %slice3A_177 = vector.extract_strided_slice %get3A_164 {offsets = [1], sizes = [1], strides = [1]} : vector<16xi32> to vector<1xi32>
    %squeeze3A_178 = vector.extract %slice3A_177[0] : i32 from vector<1xi32>
    %swap3A_179 = arith.constant 17 : i32
    %swap3A_180 = arith.index_cast %swap3A_179 : i32 to index
    %swap3A_181 = memref.load %arg8[%swap3A_180] : memref<128xi32, #tpu.memory_space<smem>>
    memref.store %squeeze3A_178, %arg8[%swap3A_180] : memref<128xi32, #tpu.memory_space<smem>>
    %slice3A_182 = vector.extract_strided_slice %get3A_166 {offsets = [1], sizes = [1], strides = [1]} : vector<16xi32> to vector<1xi32>
    %squeeze3A_183 = vector.extract %slice3A_182[0] : i32 from vector<1xi32>
    %swap3A_184 = arith.constant 17 : i32
    %swap3A_185 = arith.index_cast %swap3A_184 : i32 to index
    %swap3A_186 = memref.load %arg9[%swap3A_185] : memref<128xi32, #tpu.memory_space<smem>>
    memref.store %squeeze3A_183, %arg9[%swap3A_185] : memref<128xi32, #tpu.memory_space<smem>>
    %slice3A_187 = vector.extract_strided_slice %get3A_164 {offsets = [2], sizes = [1], strides = [1]} : vector<16xi32> to vector<1xi32>
    %squeeze3A_188 = vector.extract %slice3A_187[0] : i32 from vector<1xi32>
    %swap3A_189 = arith.constant 18 : i32
    %swap3A_190 = arith.index_cast %swap3A_189 : i32 to index
    %swap3A_191 = memref.load %arg8[%swap3A_190] : memref<128xi32, #tpu.memory_space<smem>>
    memref.store %squeeze3A_188, %arg8[%swap3A_190] : memref<128xi32, #tpu.memory_space<smem>>
    %slice3A_192 = vector.extract_strided_slice %get3A_166 {offsets = [2], sizes = [1], strides = [1]} : vector<16xi32> to vector<1xi32>
    %squeeze3A_193 = vector.extract %slice3A_192[0] : i32 from vector<1xi32>
    %swap3A_194 = arith.constant 18 : i32
    %swap3A_195 = arith.index_cast %swap3A_194 : i32 to index
    %swap3A_196 = memref.load %arg9[%swap3A_195] : memref<128xi32, #tpu.memory_space<smem>>
    memref.store %squeeze3A_193, %arg9[%swap3A_195] : memref<128xi32, #tpu.memory_space<smem>>
    %slice3A_197 = vector.extract_strided_slice %get3A_164 {offsets = [3], sizes = [1], strides = [1]} : vector<16xi32> to vector<1xi32>
    %squeeze3A_198 = vector.extract %slice3A_197[0] : i32 from vector<1xi32>
    %swap3A_199 = arith.constant 19 : i32
    %swap3A_200 = arith.index_cast %swap3A_199 : i32 to index
    %swap3A_201 = memref.load %arg8[%swap3A_200] : memref<128xi32, #tpu.memory_space<smem>>
    memref.store %squeeze3A_198, %arg8[%swap3A_200] : memref<128xi32, #tpu.memory_space<smem>>
    %slice3A_202 = vector.extract_strided_slice %get3A_166 {offsets = [3], sizes = [1], strides = [1]} : vector<16xi32> to vector<1xi32>
    %squeeze3A_203 = vector.extract %slice3A_202[0] : i32 from vector<1xi32>
    %swap3A_204 = arith.constant 19 : i32
    %swap3A_205 = arith.index_cast %swap3A_204 : i32 to index
    %swap3A_206 = memref.load %arg9[%swap3A_205] : memref<128xi32, #tpu.memory_space<smem>>
    memref.store %squeeze3A_203, %arg9[%swap3A_205] : memref<128xi32, #tpu.memory_space<smem>>
    %slice3A_207 = vector.extract_strided_slice %get3A_164 {offsets = [4], sizes = [1], strides = [1]} : vector<16xi32> to vector<1xi32>
    %squeeze3A_208 = vector.extract %slice3A_207[0] : i32 from vector<1xi32>
    %swap3A_209 = arith.constant 20 : i32
    %swap3A_210 = arith.index_cast %swap3A_209 : i32 to index
    %swap3A_211 = memref.load %arg8[%swap3A_210] : memref<128xi32, #tpu.memory_space<smem>>
    memref.store %squeeze3A_208, %arg8[%swap3A_210] : memref<128xi32, #tpu.memory_space<smem>>
    %slice3A_212 = vector.extract_strided_slice %get3A_166 {offsets = [4], sizes = [1], strides = [1]} : vector<16xi32> to vector<1xi32>
    %squeeze3A_213 = vector.extract %slice3A_212[0] : i32 from vector<1xi32>
    %swap3A_214 = arith.constant 20 : i32
    %swap3A_215 = arith.index_cast %swap3A_214 : i32 to index
    %swap3A_216 = memref.load %arg9[%swap3A_215] : memref<128xi32, #tpu.memory_space<smem>>
    memref.store %squeeze3A_213, %arg9[%swap3A_215] : memref<128xi32, #tpu.memory_space<smem>>
    %slice3A_217 = vector.extract_strided_slice %get3A_164 {offsets = [5], sizes = [1], strides = [1]} : vector<16xi32> to vector<1xi32>
    %squeeze3A_218 = vector.extract %slice3A_217[0] : i32 from vector<1xi32>
    %swap3A_219 = arith.constant 21 : i32
    %swap3A_220 = arith.index_cast %swap3A_219 : i32 to index
    %swap3A_221 = memref.load %arg8[%swap3A_220] : memref<128xi32, #tpu.memory_space<smem>>
    memref.store %squeeze3A_218, %arg8[%swap3A_220] : memref<128xi32, #tpu.memory_space<smem>>
    %slice3A_222 = vector.extract_strided_slice %get3A_166 {offsets = [5], sizes = [1], strides = [1]} : vector<16xi32> to vector<1xi32>
    %squeeze3A_223 = vector.extract %slice3A_222[0] : i32 from vector<1xi32>
    %swap3A_224 = arith.constant 21 : i32
    %swap3A_225 = arith.index_cast %swap3A_224 : i32 to index
    %swap3A_226 = memref.load %arg9[%swap3A_225] : memref<128xi32, #tpu.memory_space<smem>>
    memref.store %squeeze3A_223, %arg9[%swap3A_225] : memref<128xi32, #tpu.memory_space<smem>>
    %slice3A_227 = vector.extract_strided_slice %get3A_164 {offsets = [6], sizes = [1], strides = [1]} : vector<16xi32> to vector<1xi32>
    %squeeze3A_228 = vector.extract %slice3A_227[0] : i32 from vector<1xi32>
    %swap3A_229 = arith.constant 22 : i32
    %swap3A_230 = arith.index_cast %swap3A_229 : i32 to index
    %swap3A_231 = memref.load %arg8[%swap3A_230] : memref<128xi32, #tpu.memory_space<smem>>
    memref.store %squeeze3A_228, %arg8[%swap3A_230] : memref<128xi32, #tpu.memory_space<smem>>
    %slice3A_232 = vector.extract_strided_slice %get3A_166 {offsets = [6], sizes = [1], strides = [1]} : vector<16xi32> to vector<1xi32>
    %squeeze3A_233 = vector.extract %slice3A_232[0] : i32 from vector<1xi32>
    %swap3A_234 = arith.constant 22 : i32
    %swap3A_235 = arith.index_cast %swap3A_234 : i32 to index
    %swap3A_236 = memref.load %arg9[%swap3A_235] : memref<128xi32, #tpu.memory_space<smem>>
    memref.store %squeeze3A_233, %arg9[%swap3A_235] : memref<128xi32, #tpu.memory_space<smem>>
    %slice3A_237 = vector.extract_strided_slice %get3A_164 {offsets = [7], sizes = [1], strides = [1]} : vector<16xi32> to vector<1xi32>
    %squeeze3A_238 = vector.extract %slice3A_237[0] : i32 from vector<1xi32>
    %swap3A_239 = arith.constant 23 : i32
    %swap3A_240 = arith.index_cast %swap3A_239 : i32 to index
    %swap3A_241 = memref.load %arg8[%swap3A_240] : memref<128xi32, #tpu.memory_space<smem>>
    memref.store %squeeze3A_238, %arg8[%swap3A_240] : memref<128xi32, #tpu.memory_space<smem>>
    %slice3A_242 = vector.extract_strided_slice %get3A_166 {offsets = [7], sizes = [1], strides = [1]} : vector<16xi32> to vector<1xi32>
    %squeeze3A_243 = vector.extract %slice3A_242[0] : i32 from vector<1xi32>
    %swap3A_244 = arith.constant 23 : i32
    %swap3A_245 = arith.index_cast %swap3A_244 : i32 to index
    %swap3A_246 = memref.load %arg9[%swap3A_245] : memref<128xi32, #tpu.memory_space<smem>>
    memref.store %squeeze3A_243, %arg9[%swap3A_245] : memref<128xi32, #tpu.memory_space<smem>>
    %slice3A_247 = vector.extract_strided_slice %get3A_164 {offsets = [8], sizes = [1], strides = [1]} : vector<16xi32> to vector<1xi32>
    %squeeze3A_248 = vector.extract %slice3A_247[0] : i32 from vector<1xi32>
    %swap3A_249 = arith.constant 24 : i32
    %swap3A_250 = arith.index_cast %swap3A_249 : i32 to index
    %swap3A_251 = memref.load %arg8[%swap3A_250] : memref<128xi32, #tpu.memory_space<smem>>
    memref.store %squeeze3A_248, %arg8[%swap3A_250] : memref<128xi32, #tpu.memory_space<smem>>
    %slice3A_252 = vector.extract_strided_slice %get3A_166 {offsets = [8], sizes = [1], strides = [1]} : vector<16xi32> to vector<1xi32>
    %squeeze3A_253 = vector.extract %slice3A_252[0] : i32 from vector<1xi32>
    %swap3A_254 = arith.constant 24 : i32
    %swap3A_255 = arith.index_cast %swap3A_254 : i32 to index
    %swap3A_256 = memref.load %arg9[%swap3A_255] : memref<128xi32, #tpu.memory_space<smem>>
    memref.store %squeeze3A_253, %arg9[%swap3A_255] : memref<128xi32, #tpu.memory_space<smem>>
    %slice3A_257 = vector.extract_strided_slice %get3A_164 {offsets = [9], sizes = [1], strides = [1]} : vector<16xi32> to vector<1xi32>
    %squeeze3A_258 = vector.extract %slice3A_257[0] : i32 from vector<1xi32>
    %swap3A_259 = arith.constant 25 : i32
    %swap3A_260 = arith.index_cast %swap3A_259 : i32 to index
    %swap3A_261 = memref.load %arg8[%swap3A_260] : memref<128xi32, #tpu.memory_space<smem>>
    memref.store %squeeze3A_258, %arg8[%swap3A_260] : memref<128xi32, #tpu.memory_space<smem>>
    %slice3A_262 = vector.extract_strided_slice %get3A_166 {offsets = [9], sizes = [1], strides = [1]} : vector<16xi32> to vector<1xi32>
    %squeeze3A_263 = vector.extract %slice3A_262[0] : i32 from vector<1xi32>
    %swap3A_264 = arith.constant 25 : i32
    %swap3A_265 = arith.index_cast %swap3A_264 : i32 to index
    %swap3A_266 = memref.load %arg9[%swap3A_265] : memref<128xi32, #tpu.memory_space<smem>>
    memref.store %squeeze3A_263, %arg9[%swap3A_265] : memref<128xi32, #tpu.memory_space<smem>>
    %slice3A_267 = vector.extract_strided_slice %get3A_164 {offsets = [10], sizes = [1], strides = [1]} : vector<16xi32> to vector<1xi32>
    %squeeze3A_268 = vector.extract %slice3A_267[0] : i32 from vector<1xi32>
    %swap3A_269 = arith.constant 26 : i32
    %swap3A_270 = arith.index_cast %swap3A_269 : i32 to index
    %swap3A_271 = memref.load %arg8[%swap3A_270] : memref<128xi32, #tpu.memory_space<smem>>
    memref.store %squeeze3A_268, %arg8[%swap3A_270] : memref<128xi32, #tpu.memory_space<smem>>
    %slice3A_272 = vector.extract_strided_slice %get3A_166 {offsets = [10], sizes = [1], strides = [1]} : vector<16xi32> to vector<1xi32>
    %squeeze3A_273 = vector.extract %slice3A_272[0] : i32 from vector<1xi32>
    %swap3A_274 = arith.constant 26 : i32
    %swap3A_275 = arith.index_cast %swap3A_274 : i32 to index
    %swap3A_276 = memref.load %arg9[%swap3A_275] : memref<128xi32, #tpu.memory_space<smem>>
    memref.store %squeeze3A_273, %arg9[%swap3A_275] : memref<128xi32, #tpu.memory_space<smem>>
    %slice3A_277 = vector.extract_strided_slice %get3A_164 {offsets = [11], sizes = [1], strides = [1]} : vector<16xi32> to vector<1xi32>
    %squeeze3A_278 = vector.extract %slice3A_277[0] : i32 from vector<1xi32>
    %swap3A_279 = arith.constant 27 : i32
    %swap3A_280 = arith.index_cast %swap3A_279 : i32 to index
    %swap3A_281 = memref.load %arg8[%swap3A_280] : memref<128xi32, #tpu.memory_space<smem>>
    memref.store %squeeze3A_278, %arg8[%swap3A_280] : memref<128xi32, #tpu.memory_space<smem>>
    %slice3A_282 = vector.extract_strided_slice %get3A_166 {offsets = [11], sizes = [1], strides = [1]} : vector<16xi32> to vector<1xi32>
    %squeeze3A_283 = vector.extract %slice3A_282[0] : i32 from vector<1xi32>
    %swap3A_284 = arith.constant 27 : i32
    %swap3A_285 = arith.index_cast %swap3A_284 : i32 to index
    %swap3A_286 = memref.load %arg9[%swap3A_285] : memref<128xi32, #tpu.memory_space<smem>>
    memref.store %squeeze3A_283, %arg9[%swap3A_285] : memref<128xi32, #tpu.memory_space<smem>>
    %slice3A_287 = vector.extract_strided_slice %get3A_164 {offsets = [12], sizes = [1], strides = [1]} : vector<16xi32> to vector<1xi32>
    %squeeze3A_288 = vector.extract %slice3A_287[0] : i32 from vector<1xi32>
    %swap3A_289 = arith.constant 28 : i32
    %swap3A_290 = arith.index_cast %swap3A_289 : i32 to index
    %swap3A_291 = memref.load %arg8[%swap3A_290] : memref<128xi32, #tpu.memory_space<smem>>
    memref.store %squeeze3A_288, %arg8[%swap3A_290] : memref<128xi32, #tpu.memory_space<smem>>
    %slice3A_292 = vector.extract_strided_slice %get3A_166 {offsets = [12], sizes = [1], strides = [1]} : vector<16xi32> to vector<1xi32>
    %squeeze3A_293 = vector.extract %slice3A_292[0] : i32 from vector<1xi32>
    %swap3A_294 = arith.constant 28 : i32
    %swap3A_295 = arith.index_cast %swap3A_294 : i32 to index
    %swap3A_296 = memref.load %arg9[%swap3A_295] : memref<128xi32, #tpu.memory_space<smem>>
    memref.store %squeeze3A_293, %arg9[%swap3A_295] : memref<128xi32, #tpu.memory_space<smem>>
    %slice3A_297 = vector.extract_strided_slice %get3A_164 {offsets = [13], sizes = [1], strides = [1]} : vector<16xi32> to vector<1xi32>
    %squeeze3A_298 = vector.extract %slice3A_297[0] : i32 from vector<1xi32>
    %swap3A_299 = arith.constant 29 : i32
    %swap3A_300 = arith.index_cast %swap3A_299 : i32 to index
    %swap3A_301 = memref.load %arg8[%swap3A_300] : memref<128xi32, #tpu.memory_space<smem>>
    memref.store %squeeze3A_298, %arg8[%swap3A_300] : memref<128xi32, #tpu.memory_space<smem>>
    %slice3A_302 = vector.extract_strided_slice %get3A_166 {offsets = [13], sizes = [1], strides = [1]} : vector<16xi32> to vector<1xi32>
    %squeeze3A_303 = vector.extract %slice3A_302[0] : i32 from vector<1xi32>
    %swap3A_304 = arith.constant 29 : i32
    %swap3A_305 = arith.index_cast %swap3A_304 : i32 to index
    %swap3A_306 = memref.load %arg9[%swap3A_305] : memref<128xi32, #tpu.memory_space<smem>>
    memref.store %squeeze3A_303, %arg9[%swap3A_305] : memref<128xi32, #tpu.memory_space<smem>>
    %slice3A_307 = vector.extract_strided_slice %get3A_164 {offsets = [14], sizes = [1], strides = [1]} : vector<16xi32> to vector<1xi32>
    %squeeze3A_308 = vector.extract %slice3A_307[0] : i32 from vector<1xi32>
    %swap3A_309 = arith.constant 30 : i32
    %swap3A_310 = arith.index_cast %swap3A_309 : i32 to index
    %swap3A_311 = memref.load %arg8[%swap3A_310] : memref<128xi32, #tpu.memory_space<smem>>
    memref.store %squeeze3A_308, %arg8[%swap3A_310] : memref<128xi32, #tpu.memory_space<smem>>
    %slice3A_312 = vector.extract_strided_slice %get3A_166 {offsets = [14], sizes = [1], strides = [1]} : vector<16xi32> to vector<1xi32>
    %squeeze3A_313 = vector.extract %slice3A_312[0] : i32 from vector<1xi32>
    %swap3A_314 = arith.constant 30 : i32
    %swap3A_315 = arith.index_cast %swap3A_314 : i32 to index
    %swap3A_316 = memref.load %arg9[%swap3A_315] : memref<128xi32, #tpu.memory_space<smem>>
    memref.store %squeeze3A_313, %arg9[%swap3A_315] : memref<128xi32, #tpu.memory_space<smem>>
    %slice3A_317 = vector.extract_strided_slice %get3A_164 {offsets = [15], sizes = [1], strides = [1]} : vector<16xi32> to vector<1xi32>
    %squeeze3A_318 = vector.extract %slice3A_317[0] : i32 from vector<1xi32>
    %swap3A_319 = arith.constant 31 : i32
    %swap3A_320 = arith.index_cast %swap3A_319 : i32 to index
    %swap3A_321 = memref.load %arg8[%swap3A_320] : memref<128xi32, #tpu.memory_space<smem>>
    memref.store %squeeze3A_318, %arg8[%swap3A_320] : memref<128xi32, #tpu.memory_space<smem>>
    %slice3A_322 = vector.extract_strided_slice %get3A_166 {offsets = [15], sizes = [1], strides = [1]} : vector<16xi32> to vector<1xi32>
    %squeeze3A_323 = vector.extract %slice3A_322[0] : i32 from vector<1xi32>
    %swap3A_324 = arith.constant 31 : i32
    %swap3A_325 = arith.index_cast %swap3A_324 : i32 to index
    %swap3A_326 = memref.load %arg9[%swap3A_325] : memref<128xi32, #tpu.memory_space<smem>>
    memref.store %squeeze3A_323, %arg9[%swap3A_325] : memref<128xi32, #tpu.memory_space<smem>>
    %get3A_327 = arith.constant 32 : index
    %get3A_328 = tpu.vector_load %arg10[%get3A_327] {strides = array<i32>} : memref<128xi32, #tpu.memory_space<vmem>>, vector<16xi32>,
    %get3A_329 = arith.constant 32 : index
    %get3A_330 = tpu.vector_load %arg11[%get3A_329] {strides = array<i32>} : memref<128xi32, #tpu.memory_space<vmem>>, vector<16xi32>,
    %slice3A_331 = vector.extract_strided_slice %get3A_328 {offsets = [0], sizes = [1], strides = [1]} : vector<16xi32> to vector<1xi32>
    %squeeze3A_332 = vector.extract %slice3A_331[0] : i32 from vector<1xi32>
    %swap3A_333 = arith.constant 32 : i32
    %swap3A_334 = arith.index_cast %swap3A_333 : i32 to index
    %swap3A_335 = memref.load %arg8[%swap3A_334] : memref<128xi32, #tpu.memory_space<smem>>
    memref.store %squeeze3A_332, %arg8[%swap3A_334] : memref<128xi32, #tpu.memory_space<smem>>
    %slice3A_336 = vector.extract_strided_slice %get3A_330 {offsets = [0], sizes = [1], strides = [1]} : vector<16xi32> to vector<1xi32>
    %squeeze3A_337 = vector.extract %slice3A_336[0] : i32 from vector<1xi32>
    %swap3A_338 = arith.constant 32 : i32
    %swap3A_339 = arith.index_cast %swap3A_338 : i32 to index
    %swap3A_340 = memref.load %arg9[%swap3A_339] : memref<128xi32, #tpu.memory_space<smem>>
    memref.store %squeeze3A_337, %arg9[%swap3A_339] : memref<128xi32, #tpu.memory_space<smem>>
    %slice3A_341 = vector.extract_strided_slice %get3A_328 {offsets = [1], sizes = [1], strides = [1]} : vector<16xi32> to vector<1xi32>
    %squeeze3A_342 = vector.extract %slice3A_341[0] : i32 from vector<1xi32>
    %swap3A_343 = arith.constant 33 : i32
    %swap3A_344 = arith.index_cast %swap3A_343 : i32 to index
    %swap3A_345 = memref.load %arg8[%swap3A_344] : memref<128xi32, #tpu.memory_space<smem>>
    memref.store %squeeze3A_342, %arg8[%swap3A_344] : memref<128xi32, #tpu.memory_space<smem>>
    %slice3A_346 = vector.extract_strided_slice %get3A_330 {offsets = [1], sizes = [1], strides = [1]} : vector<16xi32> to vector<1xi32>
    %squeeze3A_347 = vector.extract %slice3A_346[0] : i32 from vector<1xi32>
    %swap3A_348 = arith.constant 33 : i32
    %swap3A_349 = arith.index_cast %swap3A_348 : i32 to index
    %swap3A_350 = memref.load %arg9[%swap3A_349] : memref<128xi32, #tpu.memory_space<smem>>
    memref.store %squeeze3A_347, %arg9[%swap3A_349] : memref<128xi32, #tpu.memory_space<smem>>
    %slice3A_351 = vector.extract_strided_slice %get3A_328 {offsets = [2], sizes = [1], strides = [1]} : vector<16xi32> to vector<1xi32>
    %squeeze3A_352 = vector.extract %slice3A_351[0] : i32 from vector<1xi32>
    %swap3A_353 = arith.constant 34 : i32
    %swap3A_354 = arith.index_cast %swap3A_353 : i32 to index
    %swap3A_355 = memref.load %arg8[%swap3A_354] : memref<128xi32, #tpu.memory_space<smem>>
    memref.store %squeeze3A_352, %arg8[%swap3A_354] : memref<128xi32, #tpu.memory_space<smem>>
    %slice3A_356 = vector.extract_strided_slice %get3A_330 {offsets = [2], sizes = [1], strides = [1]} : vector<16xi32> to vector<1xi32>
    %squeeze3A_357 = vector.extract %slice3A_356[0] : i32 from vector<1xi32>
    %swap3A_358 = arith.constant 34 : i32
    %swap3A_359 = arith.index_cast %swap3A_358 : i32 to index
    %swap3A_360 = memref.load %arg9[%swap3A_359] : memref<128xi32, #tpu.memory_space<smem>>
    memref.store %squeeze3A_357, %arg9[%swap3A_359] : memref<128xi32, #tpu.memory_space<smem>>
    %slice3A_361 = vector.extract_strided_slice %get3A_328 {offsets = [3], sizes = [1], strides = [1]} : vector<16xi32> to vector<1xi32>
    %squeeze3A_362 = vector.extract %slice3A_361[0] : i32 from vector<1xi32>
    %swap3A_363 = arith.constant 35 : i32
    %swap3A_364 = arith.index_cast %swap3A_363 : i32 to index
    %swap3A_365 = memref.load %arg8[%swap3A_364] : memref<128xi32, #tpu.memory_space<smem>>
    memref.store %squeeze3A_362, %arg8[%swap3A_364] : memref<128xi32, #tpu.memory_space<smem>>
    %slice3A_366 = vector.extract_strided_slice %get3A_330 {offsets = [3], sizes = [1], strides = [1]} : vector<16xi32> to vector<1xi32>
    %squeeze3A_367 = vector.extract %slice3A_366[0] : i32 from vector<1xi32>
    %swap3A_368 = arith.constant 35 : i32
    %swap3A_369 = arith.index_cast %swap3A_368 : i32 to index
    %swap3A_370 = memref.load %arg9[%swap3A_369] : memref<128xi32, #tpu.memory_space<smem>>
    memref.store %squeeze3A_367, %arg9[%swap3A_369] : memref<128xi32, #tpu.memory_space<smem>>
    %slice3A_371 = vector.extract_strided_slice %get3A_328 {offsets = [4], sizes = [1], strides = [1]} : vector<16xi32> to vector<1xi32>
    %squeeze3A_372 = vector.extract %slice3A_371[0] : i32 from vector<1xi32>
    %swap3A_373 = arith.constant 36 : i32
    %swap3A_374 = arith.index_cast %swap3A_373 : i32 to index
    %swap3A_375 = memref.load %arg8[%swap3A_374] : memref<128xi32, #tpu.memory_space<smem>>
    memref.store %squeeze3A_372, %arg8[%swap3A_374] : memref<128xi32, #tpu.memory_space<smem>>
    %slice3A_376 = vector.extract_strided_slice %get3A_330 {offsets = [4], sizes = [1], strides = [1]} : vector<16xi32> to vector<1xi32>
    %squeeze3A_377 = vector.extract %slice3A_376[0] : i32 from vector<1xi32>
    %swap3A_378 = arith.constant 36 : i32
    %swap3A_379 = arith.index_cast %swap3A_378 : i32 to index
    %swap3A_380 = memref.load %arg9[%swap3A_379] : memref<128xi32, #tpu.memory_space<smem>>
    memref.store %squeeze3A_377, %arg9[%swap3A_379] : memref<128xi32, #tpu.memory_space<smem>>
    %slice3A_381 = vector.extract_strided_slice %get3A_328 {offsets = [5], sizes = [1], strides = [1]} : vector<16xi32> to vector<1xi32>
    %squeeze3A_382 = vector.extract %slice3A_381[0] : i32 from vector<1xi32>
    %swap3A_383 = arith.constant 37 : i32
    %swap3A_384 = arith.index_cast %swap3A_383 : i32 to index
    %swap3A_385 = memref.load %arg8[%swap3A_384] : memref<128xi32, #tpu.memory_space<smem>>
    memref.store %squeeze3A_382, %arg8[%swap3A_384] : memref<128xi32, #tpu.memory_space<smem>>
    %slice3A_386 = vector.extract_strided_slice %get3A_330 {offsets = [5], sizes = [1], strides = [1]} : vector<16xi32> to vector<1xi32>
    %squeeze3A_387 = vector.extract %slice3A_386[0] : i32 from vector<1xi32>
    %swap3A_388 = arith.constant 37 : i32
    %swap3A_389 = arith.index_cast %swap3A_388 : i32 to index
    %swap3A_390 = memref.load %arg9[%swap3A_389] : memref<128xi32, #tpu.memory_space<smem>>
    memref.store %squeeze3A_387, %arg9[%swap3A_389] : memref<128xi32, #tpu.memory_space<smem>>
    %slice3A_391 = vector.extract_strided_slice %get3A_328 {offsets = [6], sizes = [1], strides = [1]} : vector<16xi32> to vector<1xi32>
    %squeeze3A_392 = vector.extract %slice3A_391[0] : i32 from vector<1xi32>
    %swap3A_393 = arith.constant 38 : i32
    %swap3A_394 = arith.index_cast %swap3A_393 : i32 to index
    %swap3A_395 = memref.load %arg8[%swap3A_394] : memref<128xi32, #tpu.memory_space<smem>>
    memref.store %squeeze3A_392, %arg8[%swap3A_394] : memref<128xi32, #tpu.memory_space<smem>>
    %slice3A_396 = vector.extract_strided_slice %get3A_330 {offsets = [6], sizes = [1], strides = [1]} : vector<16xi32> to vector<1xi32>
    %squeeze3A_397 = vector.extract %slice3A_396[0] : i32 from vector<1xi32>
    %swap3A_398 = arith.constant 38 : i32
    %swap3A_399 = arith.index_cast %swap3A_398 : i32 to index
    %swap3A_400 = memref.load %arg9[%swap3A_399] : memref<128xi32, #tpu.memory_space<smem>>
    memref.store %squeeze3A_397, %arg9[%swap3A_399] : memref<128xi32, #tpu.memory_space<smem>>
    %slice3A_401 = vector.extract_strided_slice %get3A_328 {offsets = [7], sizes = [1], strides = [1]} : vector<16xi32> to vector<1xi32>
    %squeeze3A_402 = vector.extract %slice3A_401[0] : i32 from vector<1xi32>
    %swap3A_403 = arith.constant 39 : i32
    %swap3A_404 = arith.index_cast %swap3A_403 : i32 to index
    %swap3A_405 = memref.load %arg8[%swap3A_404] : memref<128xi32, #tpu.memory_space<smem>>
    memref.store %squeeze3A_402, %arg8[%swap3A_404] : memref<128xi32, #tpu.memory_space<smem>>
    %slice3A_406 = vector.extract_strided_slice %get3A_330 {offsets = [7], sizes = [1], strides = [1]} : vector<16xi32> to vector<1xi32>
    %squeeze3A_407 = vector.extract %slice3A_406[0] : i32 from vector<1xi32>
    %swap3A_408 = arith.constant 39 : i32
    %swap3A_409 = arith.index_cast %swap3A_408 : i32 to index
    %swap3A_410 = memref.load %arg9[%swap3A_409] : memref<128xi32, #tpu.memory_space<smem>>
    memref.store %squeeze3A_407, %arg9[%swap3A_409] : memref<128xi32, #tpu.memory_space<smem>>
    %slice3A_411 = vector.extract_strided_slice %get3A_328 {offsets = [8], sizes = [1], strides = [1]} : vector<16xi32> to vector<1xi32>
    %squeeze3A_412 = vector.extract %slice3A_411[0] : i32 from vector<1xi32>
    %swap3A_413 = arith.constant 40 : i32
    %swap3A_414 = arith.index_cast %swap3A_413 : i32 to index
    %swap3A_415 = memref.load %arg8[%swap3A_414] : memref<128xi32, #tpu.memory_space<smem>>
    memref.store %squeeze3A_412, %arg8[%swap3A_414] : memref<128xi32, #tpu.memory_space<smem>>
    %slice3A_416 = vector.extract_strided_slice %get3A_330 {offsets = [8], sizes = [1], strides = [1]} : vector<16xi32> to vector<1xi32>
    %squeeze3A_417 = vector.extract %slice3A_416[0] : i32 from vector<1xi32>
    %swap3A_418 = arith.constant 40 : i32
    %swap3A_419 = arith.index_cast %swap3A_418 : i32 to index
    %swap3A_420 = memref.load %arg9[%swap3A_419] : memref<128xi32, #tpu.memory_space<smem>>
    memref.store %squeeze3A_417, %arg9[%swap3A_419] : memref<128xi32, #tpu.memory_space<smem>>
    %slice3A_421 = vector.extract_strided_slice %get3A_328 {offsets = [9], sizes = [1], strides = [1]} : vector<16xi32> to vector<1xi32>
    %squeeze3A_422 = vector.extract %slice3A_421[0] : i32 from vector<1xi32>
    %swap3A_423 = arith.constant 41 : i32
    %swap3A_424 = arith.index_cast %swap3A_423 : i32 to index
    %swap3A_425 = memref.load %arg8[%swap3A_424] : memref<128xi32, #tpu.memory_space<smem>>
    memref.store %squeeze3A_422, %arg8[%swap3A_424] : memref<128xi32, #tpu.memory_space<smem>>
    %slice3A_426 = vector.extract_strided_slice %get3A_330 {offsets = [9], sizes = [1], strides = [1]} : vector<16xi32> to vector<1xi32>
    %squeeze3A_427 = vector.extract %slice3A_426[0] : i32 from vector<1xi32>
    %swap3A_428 = arith.constant 41 : i32
    %swap3A_429 = arith.index_cast %swap3A_428 : i32 to index
    %swap3A_430 = memref.load %arg9[%swap3A_429] : memref<128xi32, #tpu.memory_space<smem>>
    memref.store %squeeze3A_427, %arg9[%swap3A_429] : memref<128xi32, #tpu.memory_space<smem>>
    %slice3A_431 = vector.extract_strided_slice %get3A_328 {offsets = [10], sizes = [1], strides = [1]} : vector<16xi32> to vector<1xi32>
    %squeeze3A_432 = vector.extract %slice3A_431[0] : i32 from vector<1xi32>
    %swap3A_433 = arith.constant 42 : i32
    %swap3A_434 = arith.index_cast %swap3A_433 : i32 to index
    %swap3A_435 = memref.load %arg8[%swap3A_434] : memref<128xi32, #tpu.memory_space<smem>>
    memref.store %squeeze3A_432, %arg8[%swap3A_434] : memref<128xi32, #tpu.memory_space<smem>>
    %slice3A_436 = vector.extract_strided_slice %get3A_330 {offsets = [10], sizes = [1], strides = [1]} : vector<16xi32> to vector<1xi32>
    %squeeze3A_437 = vector.extract %slice3A_436[0] : i32 from vector<1xi32>
    %swap3A_438 = arith.constant 42 : i32
    %swap3A_439 = arith.index_cast %swap3A_438 : i32 to index
    %swap3A_440 = memref.load %arg9[%swap3A_439] : memref<128xi32, #tpu.memory_space<smem>>
    memref.store %squeeze3A_437, %arg9[%swap3A_439] : memref<128xi32, #tpu.memory_space<smem>>
    %slice3A_441 = vector.extract_strided_slice %get3A_328 {offsets = [11], sizes = [1], strides = [1]} : vector<16xi32> to vector<1xi32>
    %squeeze3A_442 = vector.extract %slice3A_441[0] : i32 from vector<1xi32>
    %swap3A_443 = arith.constant 43 : i32
    %swap3A_444 = arith.index_cast %swap3A_443 : i32 to index
    %swap3A_445 = memref.load %arg8[%swap3A_444] : memref<128xi32, #tpu.memory_space<smem>>
    memref.store %squeeze3A_442, %arg8[%swap3A_444] : memref<128xi32, #tpu.memory_space<smem>>
    %slice3A_446 = vector.extract_strided_slice %get3A_330 {offsets = [11], sizes = [1], strides = [1]} : vector<16xi32> to vector<1xi32>
    %squeeze3A_447 = vector.extract %slice3A_446[0] : i32 from vector<1xi32>
    %swap3A_448 = arith.constant 43 : i32
    %swap3A_449 = arith.index_cast %swap3A_448 : i32 to index
    %swap3A_450 = memref.load %arg9[%swap3A_449] : memref<128xi32, #tpu.memory_space<smem>>
    memref.store %squeeze3A_447, %arg9[%swap3A_449] : memref<128xi32, #tpu.memory_space<smem>>
    %slice3A_451 = vector.extract_strided_slice %get3A_328 {offsets = [12], sizes = [1], strides = [1]} : vector<16xi32> to vector<1xi32>
    %squeeze3A_452 = vector.extract %slice3A_451[0] : i32 from vector<1xi32>
    %swap3A_453 = arith.constant 44 : i32
    %swap3A_454 = arith.index_cast %swap3A_453 : i32 to index
    %swap3A_455 = memref.load %arg8[%swap3A_454] : memref<128xi32, #tpu.memory_space<smem>>
    memref.store %squeeze3A_452, %arg8[%swap3A_454] : memref<128xi32, #tpu.memory_space<smem>>
    %slice3A_456 = vector.extract_strided_slice %get3A_330 {offsets = [12], sizes = [1], strides = [1]} : vector<16xi32> to vector<1xi32>
    %squeeze3A_457 = vector.extract %slice3A_456[0] : i32 from vector<1xi32>
    %swap3A_458 = arith.constant 44 : i32
    %swap3A_459 = arith.index_cast %swap3A_458 : i32 to index
    %swap3A_460 = memref.load %arg9[%swap3A_459] : memref<128xi32, #tpu.memory_space<smem>>
    memref.store %squeeze3A_457, %arg9[%swap3A_459] : memref<128xi32, #tpu.memory_space<smem>>
    %slice3A_461 = vector.extract_strided_slice %get3A_328 {offsets = [13], sizes = [1], strides = [1]} : vector<16xi32> to vector<1xi32>
    %squeeze3A_462 = vector.extract %slice3A_461[0] : i32 from vector<1xi32>
    %swap3A_463 = arith.constant 45 : i32
    %swap3A_464 = arith.index_cast %swap3A_463 : i32 to index
    %swap3A_465 = memref.load %arg8[%swap3A_464] : memref<128xi32, #tpu.memory_space<smem>>
    memref.store %squeeze3A_462, %arg8[%swap3A_464] : memref<128xi32, #tpu.memory_space<smem>>
    %slice3A_466 = vector.extract_strided_slice %get3A_330 {offsets = [13], sizes = [1], strides = [1]} : vector<16xi32> to vector<1xi32>
    %squeeze3A_467 = vector.extract %slice3A_466[0] : i32 from vector<1xi32>
    %swap3A_468 = arith.constant 45 : i32
    %swap3A_469 = arith.index_cast %swap3A_468 : i32 to index
    %swap3A_470 = memref.load %arg9[%swap3A_469] : memref<128xi32, #tpu.memory_space<smem>>
    memref.store %squeeze3A_467, %arg9[%swap3A_469] : memref<128xi32, #tpu.memory_space<smem>>
    %slice3A_471 = vector.extract_strided_slice %get3A_328 {offsets = [14], sizes = [1], strides = [1]} : vector<16xi32> to vector<1xi32>
    %squeeze3A_472 = vector.extract %slice3A_471[0] : i32 from vector<1xi32>
    %swap3A_473 = arith.constant 46 : i32
    %swap3A_474 = arith.index_cast %swap3A_473 : i32 to index
    %swap3A_475 = memref.load %arg8[%swap3A_474] : memref<128xi32, #tpu.memory_space<smem>>
    memref.store %squeeze3A_472, %arg8[%swap3A_474] : memref<128xi32, #tpu.memory_space<smem>>
    %slice3A_476 = vector.extract_strided_slice %get3A_330 {offsets = [14], sizes = [1], strides = [1]} : vector<16xi32> to vector<1xi32>
    %squeeze3A_477 = vector.extract %slice3A_476[0] : i32 from vector<1xi32>
    %swap3A_478 = arith.constant 46 : i32
    %swap3A_479 = arith.index_cast %swap3A_478 : i32 to index
    %swap3A_480 = memref.load %arg9[%swap3A_479] : memref<128xi32, #tpu.memory_space<smem>>
    memref.store %squeeze3A_477, %arg9[%swap3A_479] : memref<128xi32, #tpu.memory_space<smem>>
    %slice3A_481 = vector.extract_strided_slice %get3A_328 {offsets = [15], sizes = [1], strides = [1]} : vector<16xi32> to vector<1xi32>
    %squeeze3A_482 = vector.extract %slice3A_481[0] : i32 from vector<1xi32>
    %swap3A_483 = arith.constant 47 : i32
    %swap3A_484 = arith.index_cast %swap3A_483 : i32 to index
    %swap3A_485 = memref.load %arg8[%swap3A_484] : memref<128xi32, #tpu.memory_space<smem>>
    memref.store %squeeze3A_482, %arg8[%swap3A_484] : memref<128xi32, #tpu.memory_space<smem>>
    %slice3A_486 = vector.extract_strided_slice %get3A_330 {offsets = [15], sizes = [1], strides = [1]} : vector<16xi32> to vector<1xi32>
    %squeeze3A_487 = vector.extract %slice3A_486[0] : i32 from vector<1xi32>
    %swap3A_488 = arith.constant 47 : i32
    %swap3A_489 = arith.index_cast %swap3A_488 : i32 to index
    %swap3A_490 = memref.load %arg9[%swap3A_489] : memref<128xi32, #tpu.memory_space<smem>>
    memref.store %squeeze3A_487, %arg9[%swap3A_489] : memref<128xi32, #tpu.memory_space<smem>>
    %get3A_491 = arith.constant 48 : index
    %get3A_492 = tpu.vector_load %arg10[%get3A_491] {strides = array<i32>} : memref<128xi32, #tpu.memory_space<vmem>>, vector<16xi32>,
    %get3A_493 = arith.constant 48 : index
    %get3A_494 = tpu.vector_load %arg11[%get3A_493] {strides = array<i32>} : memref<128xi32, #tpu.memory_space<vmem>>, vector<16xi32>,
    %slice3A_495 = vector.extract_strided_slice %get3A_492 {offsets = [0], sizes = [1], strides = [1]} : vector<16xi32> to vector<1xi32>
    %squeeze3A_496 = vector.extract %slice3A_495[0] : i32 from vector<1xi32>
    %swap3A_497 = arith.constant 48 : i32
    %swap3A_498 = arith.index_cast %swap3A_497 : i32 to index
    %swap3A_499 = memref.load %arg8[%swap3A_498] : memref<128xi32, #tpu.memory_space<smem>>
    memref.store %squeeze3A_496, %arg8[%swap3A_498] : memref<128xi32, #tpu.memory_space<smem>>
    %slice3A_500 = vector.extract_strided_slice %get3A_494 {offsets = [0], sizes = [1], strides = [1]} : vector<16xi32> to vector<1xi32>
    %squeeze3A_501 = vector.extract %slice3A_500[0] : i32 from vector<1xi32>
    %swap3A_502 = arith.constant 48 : i32
    %swap3A_503 = arith.index_cast %swap3A_502 : i32 to index
    %swap3A_504 = memref.load %arg9[%swap3A_503] : memref<128xi32, #tpu.memory_space<smem>>
    memref.store %squeeze3A_501, %arg9[%swap3A_503] : memref<128xi32, #tpu.memory_space<smem>>
    %slice3A_505 = vector.extract_strided_slice %get3A_492 {offsets = [1], sizes = [1], strides = [1]} : vector<16xi32> to vector<1xi32>
    %squeeze3A_506 = vector.extract %slice3A_505[0] : i32 from vector<1xi32>
    %swap3A_507 = arith.constant 49 : i32
    %swap3A_508 = arith.index_cast %swap3A_507 : i32 to index
    %swap3A_509 = memref.load %arg8[%swap3A_508] : memref<128xi32, #tpu.memory_space<smem>>
    memref.store %squeeze3A_506, %arg8[%swap3A_508] : memref<128xi32, #tpu.memory_space<smem>>
    %slice3A_510 = vector.extract_strided_slice %get3A_494 {offsets = [1], sizes = [1], strides = [1]} : vector<16xi32> to vector<1xi32>
    %squeeze3A_511 = vector.extract %slice3A_510[0] : i32 from vector<1xi32>
    %swap3A_512 = arith.constant 49 : i32
    %swap3A_513 = arith.index_cast %swap3A_512 : i32 to index
    %swap3A_514 = memref.load %arg9[%swap3A_513] : memref<128xi32, #tpu.memory_space<smem>>
    memref.store %squeeze3A_511, %arg9[%swap3A_513] : memref<128xi32, #tpu.memory_space<smem>>
    %slice3A_515 = vector.extract_strided_slice %get3A_492 {offsets = [2], sizes = [1], strides = [1]} : vector<16xi32> to vector<1xi32>
    %squeeze3A_516 = vector.extract %slice3A_515[0] : i32 from vector<1xi32>
    %swap3A_517 = arith.constant 50 : i32
    %swap3A_518 = arith.index_cast %swap3A_517 : i32 to index
    %swap3A_519 = memref.load %arg8[%swap3A_518] : memref<128xi32, #tpu.memory_space<smem>>
    memref.store %squeeze3A_516, %arg8[%swap3A_518] : memref<128xi32, #tpu.memory_space<smem>>
    %slice3A_520 = vector.extract_strided_slice %get3A_494 {offsets = [2], sizes = [1], strides = [1]} : vector<16xi32> to vector<1xi32>
    %squeeze3A_521 = vector.extract %slice3A_520[0] : i32 from vector<1xi32>
    %swap3A_522 = arith.constant 50 : i32
    %swap3A_523 = arith.index_cast %swap3A_522 : i32 to index
    %swap3A_524 = memref.load %arg9[%swap3A_523] : memref<128xi32, #tpu.memory_space<smem>>
    memref.store %squeeze3A_521, %arg9[%swap3A_523] : memref<128xi32, #tpu.memory_space<smem>>
    %slice3A_525 = vector.extract_strided_slice %get3A_492 {offsets = [3], sizes = [1], strides = [1]} : vector<16xi32> to vector<1xi32>
    %squeeze3A_526 = vector.extract %slice3A_525[0] : i32 from vector<1xi32>
    %swap3A_527 = arith.constant 51 : i32
    %swap3A_528 = arith.index_cast %swap3A_527 : i32 to index
    %swap3A_529 = memref.load %arg8[%swap3A_528] : memref<128xi32, #tpu.memory_space<smem>>
    memref.store %squeeze3A_526, %arg8[%swap3A_528] : memref<128xi32, #tpu.memory_space<smem>>
    %slice3A_530 = vector.extract_strided_slice %get3A_494 {offsets = [3], sizes = [1], strides = [1]} : vector<16xi32> to vector<1xi32>
    %squeeze3A_531 = vector.extract %slice3A_530[0] : i32 from vector<1xi32>
    %swap3A_532 = arith.constant 51 : i32
    %swap3A_533 = arith.index_cast %swap3A_532 : i32 to index
    %swap3A_534 = memref.load %arg9[%swap3A_533] : memref<128xi32, #tpu.memory_space<smem>>
    memref.store %squeeze3A_531, %arg9[%swap3A_533] : memref<128xi32, #tpu.memory_space<smem>>
    %slice3A_535 = vector.extract_strided_slice %get3A_492 {offsets = [4], sizes = [1], strides = [1]} : vector<16xi32> to vector<1xi32>
    %squeeze3A_536 = vector.extract %slice3A_535[0] : i32 from vector<1xi32>
    %swap3A_537 = arith.constant 52 : i32
    %swap3A_538 = arith.index_cast %swap3A_537 : i32 to index
    %swap3A_539 = memref.load %arg8[%swap3A_538] : memref<128xi32, #tpu.memory_space<smem>>
    memref.store %squeeze3A_536, %arg8[%swap3A_538] : memref<128xi32, #tpu.memory_space<smem>>
    %slice3A_540 = vector.extract_strided_slice %get3A_494 {offsets = [4], sizes = [1], strides = [1]} : vector<16xi32> to vector<1xi32>
    %squeeze3A_541 = vector.extract %slice3A_540[0] : i32 from vector<1xi32>
    %swap3A_542 = arith.constant 52 : i32
    %swap3A_543 = arith.index_cast %swap3A_542 : i32 to index
    %swap3A_544 = memref.load %arg9[%swap3A_543] : memref<128xi32, #tpu.memory_space<smem>>
    memref.store %squeeze3A_541, %arg9[%swap3A_543] : memref<128xi32, #tpu.memory_space<smem>>
    %slice3A_545 = vector.extract_strided_slice %get3A_492 {offsets = [5], sizes = [1], strides = [1]} : vector<16xi32> to vector<1xi32>
    %squeeze3A_546 = vector.extract %slice3A_545[0] : i32 from vector<1xi32>
    %swap3A_547 = arith.constant 53 : i32
    %swap3A_548 = arith.index_cast %swap3A_547 : i32 to index
    %swap3A_549 = memref.load %arg8[%swap3A_548] : memref<128xi32, #tpu.memory_space<smem>>
    memref.store %squeeze3A_546, %arg8[%swap3A_548] : memref<128xi32, #tpu.memory_space<smem>>
    %slice3A_550 = vector.extract_strided_slice %get3A_494 {offsets = [5], sizes = [1], strides = [1]} : vector<16xi32> to vector<1xi32>
    %squeeze3A_551 = vector.extract %slice3A_550[0] : i32 from vector<1xi32>
    %swap3A_552 = arith.constant 53 : i32
    %swap3A_553 = arith.index_cast %swap3A_552 : i32 to index
    %swap3A_554 = memref.load %arg9[%swap3A_553] : memref<128xi32, #tpu.memory_space<smem>>
    memref.store %squeeze3A_551, %arg9[%swap3A_553] : memref<128xi32, #tpu.memory_space<smem>>
    %slice3A_555 = vector.extract_strided_slice %get3A_492 {offsets = [6], sizes = [1], strides = [1]} : vector<16xi32> to vector<1xi32>
    %squeeze3A_556 = vector.extract %slice3A_555[0] : i32 from vector<1xi32>
    %swap3A_557 = arith.constant 54 : i32
    %swap3A_558 = arith.index_cast %swap3A_557 : i32 to index
    %swap3A_559 = memref.load %arg8[%swap3A_558] : memref<128xi32, #tpu.memory_space<smem>>
    memref.store %squeeze3A_556, %arg8[%swap3A_558] : memref<128xi32, #tpu.memory_space<smem>>
    %slice3A_560 = vector.extract_strided_slice %get3A_494 {offsets = [6], sizes = [1], strides = [1]} : vector<16xi32> to vector<1xi32>
    %squeeze3A_561 = vector.extract %slice3A_560[0] : i32 from vector<1xi32>
    %swap3A_562 = arith.constant 54 : i32
    %swap3A_563 = arith.index_cast %swap3A_562 : i32 to index
    %swap3A_564 = memref.load %arg9[%swap3A_563] : memref<128xi32, #tpu.memory_space<smem>>
    memref.store %squeeze3A_561, %arg9[%swap3A_563] : memref<128xi32, #tpu.memory_space<smem>>
    %slice3A_565 = vector.extract_strided_slice %get3A_492 {offsets = [7], sizes = [1], strides = [1]} : vector<16xi32> to vector<1xi32>
    %squeeze3A_566 = vector.extract %slice3A_565[0] : i32 from vector<1xi32>
    %swap3A_567 = arith.constant 55 : i32
    %swap3A_568 = arith.index_cast %swap3A_567 : i32 to index
    %swap3A_569 = memref.load %arg8[%swap3A_568] : memref<128xi32, #tpu.memory_space<smem>>
    memref.store %squeeze3A_566, %arg8[%swap3A_568] : memref<128xi32, #tpu.memory_space<smem>>
    %slice3A_570 = vector.extract_strided_slice %get3A_494 {offsets = [7], sizes = [1], strides = [1]} : vector<16xi32> to vector<1xi32>
    %squeeze3A_571 = vector.extract %slice3A_570[0] : i32 from vector<1xi32>
    %swap3A_572 = arith.constant 55 : i32
    %swap3A_573 = arith.index_cast %swap3A_572 : i32 to index
    %swap3A_574 = memref.load %arg9[%swap3A_573] : memref<128xi32, #tpu.memory_space<smem>>
    memref.store %squeeze3A_571, %arg9[%swap3A_573] : memref<128xi32, #tpu.memory_space<smem>>
    %slice3A_575 = vector.extract_strided_slice %get3A_492 {offsets = [8], sizes = [1], strides = [1]} : vector<16xi32> to vector<1xi32>
    %squeeze3A_576 = vector.extract %slice3A_575[0] : i32 from vector<1xi32>
    %swap3A_577 = arith.constant 56 : i32
    %swap3A_578 = arith.index_cast %swap3A_577 : i32 to index
    %swap3A_579 = memref.load %arg8[%swap3A_578] : memref<128xi32, #tpu.memory_space<smem>>
    memref.store %squeeze3A_576, %arg8[%swap3A_578] : memref<128xi32, #tpu.memory_space<smem>>
    %slice3A_580 = vector.extract_strided_slice %get3A_494 {offsets = [8], sizes = [1], strides = [1]} : vector<16xi32> to vector<1xi32>
    %squeeze3A_581 = vector.extract %slice3A_580[0] : i32 from vector<1xi32>
    %swap3A_582 = arith.constant 56 : i32
    %swap3A_583 = arith.index_cast %swap3A_582 : i32 to index
    %swap3A_584 = memref.load %arg9[%swap3A_583] : memref<128xi32, #tpu.memory_space<smem>>
    memref.store %squeeze3A_581, %arg9[%swap3A_583] : memref<128xi32, #tpu.memory_space<smem>>
    %slice3A_585 = vector.extract_strided_slice %get3A_492 {offsets = [9], sizes = [1], strides = [1]} : vector<16xi32> to vector<1xi32>
    %squeeze3A_586 = vector.extract %slice3A_585[0] : i32 from vector<1xi32>
    %swap3A_587 = arith.constant 57 : i32
    %swap3A_588 = arith.index_cast %swap3A_587 : i32 to index
    %swap3A_589 = memref.load %arg8[%swap3A_588] : memref<128xi32, #tpu.memory_space<smem>>
    memref.store %squeeze3A_586, %arg8[%swap3A_588] : memref<128xi32, #tpu.memory_space<smem>>
    %slice3A_590 = vector.extract_strided_slice %get3A_494 {offsets = [9], sizes = [1], strides = [1]} : vector<16xi32> to vector<1xi32>
    %squeeze3A_591 = vector.extract %slice3A_590[0] : i32 from vector<1xi32>
    %swap3A_592 = arith.constant 57 : i32
    %swap3A_593 = arith.index_cast %swap3A_592 : i32 to index
    %swap3A_594 = memref.load %arg9[%swap3A_593] : memref<128xi32, #tpu.memory_space<smem>>
    memref.store %squeeze3A_591, %arg9[%swap3A_593] : memref<128xi32, #tpu.memory_space<smem>>
    %slice3A_595 = vector.extract_strided_slice %get3A_492 {offsets = [10], sizes = [1], strides = [1]} : vector<16xi32> to vector<1xi32>
    %squeeze3A_596 = vector.extract %slice3A_595[0] : i32 from vector<1xi32>
    %swap3A_597 = arith.constant 58 : i32
    %swap3A_598 = arith.index_cast %swap3A_597 : i32 to index
    %swap3A_599 = memref.load %arg8[%swap3A_598] : memref<128xi32, #tpu.memory_space<smem>>
    memref.store %squeeze3A_596, %arg8[%swap3A_598] : memref<128xi32, #tpu.memory_space<smem>>
    %slice3A_600 = vector.extract_strided_slice %get3A_494 {offsets = [10], sizes = [1], strides = [1]} : vector<16xi32> to vector<1xi32>
    %squeeze3A_601 = vector.extract %slice3A_600[0] : i32 from vector<1xi32>
    %swap3A_602 = arith.constant 58 : i32
    %swap3A_603 = arith.index_cast %swap3A_602 : i32 to index
    %swap3A_604 = memref.load %arg9[%swap3A_603] : memref<128xi32, #tpu.memory_space<smem>>
    memref.store %squeeze3A_601, %arg9[%swap3A_603] : memref<128xi32, #tpu.memory_space<smem>>
    %slice3A_605 = vector.extract_strided_slice %get3A_492 {offsets = [11], sizes = [1], strides = [1]} : vector<16xi32> to vector<1xi32>
    %squeeze3A_606 = vector.extract %slice3A_605[0] : i32 from vector<1xi32>
    %swap3A_607 = arith.constant 59 : i32
    %swap3A_608 = arith.index_cast %swap3A_607 : i32 to index
    %swap3A_609 = memref.load %arg8[%swap3A_608] : memref<128xi32, #tpu.memory_space<smem>>
    memref.store %squeeze3A_606, %arg8[%swap3A_608] : memref<128xi32, #tpu.memory_space<smem>>
    %slice3A_610 = vector.extract_strided_slice %get3A_494 {offsets = [11], sizes = [1], strides = [1]} : vector<16xi32> to vector<1xi32>
    %squeeze3A_611 = vector.extract %slice3A_610[0] : i32 from vector<1xi32>
    %swap3A_612 = arith.constant 59 : i32
    %swap3A_613 = arith.index_cast %swap3A_612 : i32 to index
    %swap3A_614 = memref.load %arg9[%swap3A_613] : memref<128xi32, #tpu.memory_space<smem>>
    memref.store %squeeze3A_611, %arg9[%swap3A_613] : memref<128xi32, #tpu.memory_space<smem>>
    %slice3A_615 = vector.extract_strided_slice %get3A_492 {offsets = [12], sizes = [1], strides = [1]} : vector<16xi32> to vector<1xi32>
    %squeeze3A_616 = vector.extract %slice3A_615[0] : i32 from vector<1xi32>
    %swap3A_617 = arith.constant 60 : i32
    %swap3A_618 = arith.index_cast %swap3A_617 : i32 to index
    %swap3A_619 = memref.load %arg8[%swap3A_618] : memref<128xi32, #tpu.memory_space<smem>>
    memref.store %squeeze3A_616, %arg8[%swap3A_618] : memref<128xi32, #tpu.memory_space<smem>>
    %slice3A_620 = vector.extract_strided_slice %get3A_494 {offsets = [12], sizes = [1], strides = [1]} : vector<16xi32> to vector<1xi32>
    %squeeze3A_621 = vector.extract %slice3A_620[0] : i32 from vector<1xi32>
    %swap3A_622 = arith.constant 60 : i32
    %swap3A_623 = arith.index_cast %swap3A_622 : i32 to index
    %swap3A_624 = memref.load %arg9[%swap3A_623] : memref<128xi32, #tpu.memory_space<smem>>
    memref.store %squeeze3A_621, %arg9[%swap3A_623] : memref<128xi32, #tpu.memory_space<smem>>
    %slice3A_625 = vector.extract_strided_slice %get3A_492 {offsets = [13], sizes = [1], strides = [1]} : vector<16xi32> to vector<1xi32>
    %squeeze3A_626 = vector.extract %slice3A_625[0] : i32 from vector<1xi32>
    %swap3A_627 = arith.constant 61 : i32
    %swap3A_628 = arith.index_cast %swap3A_627 : i32 to index
    %swap3A_629 = memref.load %arg8[%swap3A_628] : memref<128xi32, #tpu.memory_space<smem>>
    memref.store %squeeze3A_626, %arg8[%swap3A_628] : memref<128xi32, #tpu.memory_space<smem>>
    %slice3A_630 = vector.extract_strided_slice %get3A_494 {offsets = [13], sizes = [1], strides = [1]} : vector<16xi32> to vector<1xi32>
    %squeeze3A_631 = vector.extract %slice3A_630[0] : i32 from vector<1xi32>
    %swap3A_632 = arith.constant 61 : i32
    %swap3A_633 = arith.index_cast %swap3A_632 : i32 to index
    %swap3A_634 = memref.load %arg9[%swap3A_633] : memref<128xi32, #tpu.memory_space<smem>>
    memref.store %squeeze3A_631, %arg9[%swap3A_633] : memref<128xi32, #tpu.memory_space<smem>>
    %slice3A_635 = vector.extract_strided_slice %get3A_492 {offsets = [14], sizes = [1], strides = [1]} : vector<16xi32> to vector<1xi32>
    %squeeze3A_636 = vector.extract %slice3A_635[0] : i32 from vector<1xi32>
    %swap3A_637 = arith.constant 62 : i32
    %swap3A_638 = arith.index_cast %swap3A_637 : i32 to index
    %swap3A_639 = memref.load %arg8[%swap3A_638] : memref<128xi32, #tpu.memory_space<smem>>
    memref.store %squeeze3A_636, %arg8[%swap3A_638] : memref<128xi32, #tpu.memory_space<smem>>
    %slice3A_640 = vector.extract_strided_slice %get3A_494 {offsets = [14], sizes = [1], strides = [1]} : vector<16xi32> to vector<1xi32>
    %squeeze3A_641 = vector.extract %slice3A_640[0] : i32 from vector<1xi32>
    %swap3A_642 = arith.constant 62 : i32
    %swap3A_643 = arith.index_cast %swap3A_642 : i32 to index
    %swap3A_644 = memref.load %arg9[%swap3A_643] : memref<128xi32, #tpu.memory_space<smem>>
    memref.store %squeeze3A_641, %arg9[%swap3A_643] : memref<128xi32, #tpu.memory_space<smem>>
    %slice3A_645 = vector.extract_strided_slice %get3A_492 {offsets = [15], sizes = [1], strides = [1]} : vector<16xi32> to vector<1xi32>
    %squeeze3A_646 = vector.extract %slice3A_645[0] : i32 from vector<1xi32>
    %swap3A_647 = arith.constant 63 : i32
    %swap3A_648 = arith.index_cast %swap3A_647 : i32 to index
    %swap3A_649 = memref.load %arg8[%swap3A_648] : memref<128xi32, #tpu.memory_space<smem>>
    memref.store %squeeze3A_646, %arg8[%swap3A_648] : memref<128xi32, #tpu.memory_space<smem>>
    %slice3A_650 = vector.extract_strided_slice %get3A_494 {offsets = [15], sizes = [1], strides = [1]} : vector<16xi32> to vector<1xi32>
    %squeeze3A_651 = vector.extract %slice3A_650[0] : i32 from vector<1xi32>
    %swap3A_652 = arith.constant 63 : i32
    %swap3A_653 = arith.index_cast %swap3A_652 : i32 to index
    %swap3A_654 = memref.load %arg9[%swap3A_653] : memref<128xi32, #tpu.memory_space<smem>>
    memref.store %squeeze3A_651, %arg9[%swap3A_653] : memref<128xi32, #tpu.memory_space<smem>>
    %get3A_655 = arith.constant 64 : index
    %get3A_656 = tpu.vector_load %arg10[%get3A_655] {strides = array<i32>} : memref<128xi32, #tpu.memory_space<vmem>>, vector<16xi32>,
    %get3A_657 = arith.constant 64 : index
    %get3A_658 = tpu.vector_load %arg11[%get3A_657] {strides = array<i32>} : memref<128xi32, #tpu.memory_space<vmem>>, vector<16xi32>,
    %slice3A_659 = vector.extract_strided_slice %get3A_656 {offsets = [0], sizes = [1], strides = [1]} : vector<16xi32> to vector<1xi32>
    %squeeze3A_660 = vector.extract %slice3A_659[0] : i32 from vector<1xi32>
    %swap3A_661 = arith.constant 64 : i32
    %swap3A_662 = arith.index_cast %swap3A_661 : i32 to index
    %swap3A_663 = memref.load %arg8[%swap3A_662] : memref<128xi32, #tpu.memory_space<smem>>
    memref.store %squeeze3A_660, %arg8[%swap3A_662] : memref<128xi32, #tpu.memory_space<smem>>
    %slice3A_664 = vector.extract_strided_slice %get3A_658 {offsets = [0], sizes = [1], strides = [1]} : vector<16xi32> to vector<1xi32>
    %squeeze3A_665 = vector.extract %slice3A_664[0] : i32 from vector<1xi32>
    %swap3A_666 = arith.constant 64 : i32
    %swap3A_667 = arith.index_cast %swap3A_666 : i32 to index
    %swap3A_668 = memref.load %arg9[%swap3A_667] : memref<128xi32, #tpu.memory_space<smem>>
    memref.store %squeeze3A_665, %arg9[%swap3A_667] : memref<128xi32, #tpu.memory_space<smem>>
    %slice3A_669 = vector.extract_strided_slice %get3A_656 {offsets = [1], sizes = [1], strides = [1]} : vector<16xi32> to vector<1xi32>
    %squeeze3A_670 = vector.extract %slice3A_669[0] : i32 from vector<1xi32>
    %swap3A_671 = arith.constant 65 : i32
    %swap3A_672 = arith.index_cast %swap3A_671 : i32 to index
    %swap3A_673 = memref.load %arg8[%swap3A_672] : memref<128xi32, #tpu.memory_space<smem>>
    memref.store %squeeze3A_670, %arg8[%swap3A_672] : memref<128xi32, #tpu.memory_space<smem>>
    %slice3A_674 = vector.extract_strided_slice %get3A_658 {offsets = [1], sizes = [1], strides = [1]} : vector<16xi32> to vector<1xi32>
    %squeeze3A_675 = vector.extract %slice3A_674[0] : i32 from vector<1xi32>
    %swap3A_676 = arith.constant 65 : i32
    %swap3A_677 = arith.index_cast %swap3A_676 : i32 to index
    %swap3A_678 = memref.load %arg9[%swap3A_677] : memref<128xi32, #tpu.memory_space<smem>>
    memref.store %squeeze3A_675, %arg9[%swap3A_677] : memref<128xi32, #tpu.memory_space<smem>>
    %slice3A_679 = vector.extract_strided_slice %get3A_656 {offsets = [2], sizes = [1], strides = [1]} : vector<16xi32> to vector<1xi32>
    %squeeze3A_680 = vector.extract %slice3A_679[0] : i32 from vector<1xi32>
    %swap3A_681 = arith.constant 66 : i32
    %swap3A_682 = arith.index_cast %swap3A_681 : i32 to index
    %swap3A_683 = memref.load %arg8[%swap3A_682] : memref<128xi32, #tpu.memory_space<smem>>
    memref.store %squeeze3A_680, %arg8[%swap3A_682] : memref<128xi32, #tpu.memory_space<smem>>
    %slice3A_684 = vector.extract_strided_slice %get3A_658 {offsets = [2], sizes = [1], strides = [1]} : vector<16xi32> to vector<1xi32>
    %squeeze3A_685 = vector.extract %slice3A_684[0] : i32 from vector<1xi32>
    %swap3A_686 = arith.constant 66 : i32
    %swap3A_687 = arith.index_cast %swap3A_686 : i32 to index
    %swap3A_688 = memref.load %arg9[%swap3A_687] : memref<128xi32, #tpu.memory_space<smem>>
    memref.store %squeeze3A_685, %arg9[%swap3A_687] : memref<128xi32, #tpu.memory_space<smem>>
    %slice3A_689 = vector.extract_strided_slice %get3A_656 {offsets = [3], sizes = [1], strides = [1]} : vector<16xi32> to vector<1xi32>
    %squeeze3A_690 = vector.extract %slice3A_689[0] : i32 from vector<1xi32>
    %swap3A_691 = arith.constant 67 : i32
    %swap3A_692 = arith.index_cast %swap3A_691 : i32 to index
    %swap3A_693 = memref.load %arg8[%swap3A_692] : memref<128xi32, #tpu.memory_space<smem>>
    memref.store %squeeze3A_690, %arg8[%swap3A_692] : memref<128xi32, #tpu.memory_space<smem>>
    %slice3A_694 = vector.extract_strided_slice %get3A_658 {offsets = [3], sizes = [1], strides = [1]} : vector<16xi32> to vector<1xi32>
    %squeeze3A_695 = vector.extract %slice3A_694[0] : i32 from vector<1xi32>
    %swap3A_696 = arith.constant 67 : i32
    %swap3A_697 = arith.index_cast %swap3A_696 : i32 to index
    %swap3A_698 = memref.load %arg9[%swap3A_697] : memref<128xi32, #tpu.memory_space<smem>>
    memref.store %squeeze3A_695, %arg9[%swap3A_697] : memref<128xi32, #tpu.memory_space<smem>>
    %slice3A_699 = vector.extract_strided_slice %get3A_656 {offsets = [4], sizes = [1], strides = [1]} : vector<16xi32> to vector<1xi32>
    %squeeze3A_700 = vector.extract %slice3A_699[0] : i32 from vector<1xi32>
    %swap3A_701 = arith.constant 68 : i32
    %swap3A_702 = arith.index_cast %swap3A_701 : i32 to index
    %swap3A_703 = memref.load %arg8[%swap3A_702] : memref<128xi32, #tpu.memory_space<smem>>
    memref.store %squeeze3A_700, %arg8[%swap3A_702] : memref<128xi32, #tpu.memory_space<smem>>
    %slice3A_704 = vector.extract_strided_slice %get3A_658 {offsets = [4], sizes = [1], strides = [1]} : vector<16xi32> to vector<1xi32>
    %squeeze3A_705 = vector.extract %slice3A_704[0] : i32 from vector<1xi32>
    %swap3A_706 = arith.constant 68 : i32
    %swap3A_707 = arith.index_cast %swap3A_706 : i32 to index
    %swap3A_708 = memref.load %arg9[%swap3A_707] : memref<128xi32, #tpu.memory_space<smem>>
    memref.store %squeeze3A_705, %arg9[%swap3A_707] : memref<128xi32, #tpu.memory_space<smem>>
    %slice3A_709 = vector.extract_strided_slice %get3A_656 {offsets = [5], sizes = [1], strides = [1]} : vector<16xi32> to vector<1xi32>
    %squeeze3A_710 = vector.extract %slice3A_709[0] : i32 from vector<1xi32>
    %swap3A_711 = arith.constant 69 : i32
    %swap3A_712 = arith.index_cast %swap3A_711 : i32 to index
    %swap3A_713 = memref.load %arg8[%swap3A_712] : memref<128xi32, #tpu.memory_space<smem>>
    memref.store %squeeze3A_710, %arg8[%swap3A_712] : memref<128xi32, #tpu.memory_space<smem>>
    %slice3A_714 = vector.extract_strided_slice %get3A_658 {offsets = [5], sizes = [1], strides = [1]} : vector<16xi32> to vector<1xi32>
    %squeeze3A_715 = vector.extract %slice3A_714[0] : i32 from vector<1xi32>
    %swap3A_716 = arith.constant 69 : i32
    %swap3A_717 = arith.index_cast %swap3A_716 : i32 to index
    %swap3A_718 = memref.load %arg9[%swap3A_717] : memref<128xi32, #tpu.memory_space<smem>>
    memref.store %squeeze3A_715, %arg9[%swap3A_717] : memref<128xi32, #tpu.memory_space<smem>>
    %slice3A_719 = vector.extract_strided_slice %get3A_656 {offsets = [6], sizes = [1], strides = [1]} : vector<16xi32> to vector<1xi32>
    %squeeze3A_720 = vector.extract %slice3A_719[0] : i32 from vector<1xi32>
    %swap3A_721 = arith.constant 70 : i32
    %swap3A_722 = arith.index_cast %swap3A_721 : i32 to index
    %swap3A_723 = memref.load %arg8[%swap3A_722] : memref<128xi32, #tpu.memory_space<smem>>
    memref.store %squeeze3A_720, %arg8[%swap3A_722] : memref<128xi32, #tpu.memory_space<smem>>
    %slice3A_724 = vector.extract_strided_slice %get3A_658 {offsets = [6], sizes = [1], strides = [1]} : vector<16xi32> to vector<1xi32>
    %squeeze3A_725 = vector.extract %slice3A_724[0] : i32 from vector<1xi32>
    %swap3A_726 = arith.constant 70 : i32
    %swap3A_727 = arith.index_cast %swap3A_726 : i32 to index
    %swap3A_728 = memref.load %arg9[%swap3A_727] : memref<128xi32, #tpu.memory_space<smem>>
    memref.store %squeeze3A_725, %arg9[%swap3A_727] : memref<128xi32, #tpu.memory_space<smem>>
    %slice3A_729 = vector.extract_strided_slice %get3A_656 {offsets = [7], sizes = [1], strides = [1]} : vector<16xi32> to vector<1xi32>
    %squeeze3A_730 = vector.extract %slice3A_729[0] : i32 from vector<1xi32>
    %swap3A_731 = arith.constant 71 : i32
    %swap3A_732 = arith.index_cast %swap3A_731 : i32 to index
    %swap3A_733 = memref.load %arg8[%swap3A_732] : memref<128xi32, #tpu.memory_space<smem>>
    memref.store %squeeze3A_730, %arg8[%swap3A_732] : memref<128xi32, #tpu.memory_space<smem>>
    %slice3A_734 = vector.extract_strided_slice %get3A_658 {offsets = [7], sizes = [1], strides = [1]} : vector<16xi32> to vector<1xi32>
    %squeeze3A_735 = vector.extract %slice3A_734[0] : i32 from vector<1xi32>
    %swap3A_736 = arith.constant 71 : i32
    %swap3A_737 = arith.index_cast %swap3A_736 : i32 to index
    %swap3A_738 = memref.load %arg9[%swap3A_737] : memref<128xi32, #tpu.memory_space<smem>>
    memref.store %squeeze3A_735, %arg9[%swap3A_737] : memref<128xi32, #tpu.memory_space<smem>>
    %slice3A_739 = vector.extract_strided_slice %get3A_656 {offsets = [8], sizes = [1], strides = [1]} : vector<16xi32> to vector<1xi32>
    %squeeze3A_740 = vector.extract %slice3A_739[0] : i32 from vector<1xi32>
    %swap3A_741 = arith.constant 72 : i32
    %swap3A_742 = arith.index_cast %swap3A_741 : i32 to index
    %swap3A_743 = memref.load %arg8[%swap3A_742] : memref<128xi32, #tpu.memory_space<smem>>
    memref.store %squeeze3A_740, %arg8[%swap3A_742] : memref<128xi32, #tpu.memory_space<smem>>
    %slice3A_744 = vector.extract_strided_slice %get3A_658 {offsets = [8], sizes = [1], strides = [1]} : vector<16xi32> to vector<1xi32>
    %squeeze3A_745 = vector.extract %slice3A_744[0] : i32 from vector<1xi32>
    %swap3A_746 = arith.constant 72 : i32
    %swap3A_747 = arith.index_cast %swap3A_746 : i32 to index
    %swap3A_748 = memref.load %arg9[%swap3A_747] : memref<128xi32, #tpu.memory_space<smem>>
    memref.store %squeeze3A_745, %arg9[%swap3A_747] : memref<128xi32, #tpu.memory_space<smem>>
    %slice3A_749 = vector.extract_strided_slice %get3A_656 {offsets = [9], sizes = [1], strides = [1]} : vector<16xi32> to vector<1xi32>
    %squeeze3A_750 = vector.extract %slice3A_749[0] : i32 from vector<1xi32>
    %swap3A_751 = arith.constant 73 : i32
    %swap3A_752 = arith.index_cast %swap3A_751 : i32 to index
    %swap3A_753 = memref.load %arg8[%swap3A_752] : memref<128xi32, #tpu.memory_space<smem>>
    memref.store %squeeze3A_750, %arg8[%swap3A_752] : memref<128xi32, #tpu.memory_space<smem>>
    %slice3A_754 = vector.extract_strided_slice %get3A_658 {offsets = [9], sizes = [1], strides = [1]} : vector<16xi32> to vector<1xi32>
    %squeeze3A_755 = vector.extract %slice3A_754[0] : i32 from vector<1xi32>
    %swap3A_756 = arith.constant 73 : i32
    %swap3A_757 = arith.index_cast %swap3A_756 : i32 to index
    %swap3A_758 = memref.load %arg9[%swap3A_757] : memref<128xi32, #tpu.memory_space<smem>>
    memref.store %squeeze3A_755, %arg9[%swap3A_757] : memref<128xi32, #tpu.memory_space<smem>>
    %slice3A_759 = vector.extract_strided_slice %get3A_656 {offsets = [10], sizes = [1], strides = [1]} : vector<16xi32> to vector<1xi32>
    %squeeze3A_760 = vector.extract %slice3A_759[0] : i32 from vector<1xi32>
    %swap3A_761 = arith.constant 74 : i32
    %swap3A_762 = arith.index_cast %swap3A_761 : i32 to index
    %swap3A_763 = memref.load %arg8[%swap3A_762] : memref<128xi32, #tpu.memory_space<smem>>
    memref.store %squeeze3A_760, %arg8[%swap3A_762] : memref<128xi32, #tpu.memory_space<smem>>
    %slice3A_764 = vector.extract_strided_slice %get3A_658 {offsets = [10], sizes = [1], strides = [1]} : vector<16xi32> to vector<1xi32>
    %squeeze3A_765 = vector.extract %slice3A_764[0] : i32 from vector<1xi32>
    %swap3A_766 = arith.constant 74 : i32
    %swap3A_767 = arith.index_cast %swap3A_766 : i32 to index
    %swap3A_768 = memref.load %arg9[%swap3A_767] : memref<128xi32, #tpu.memory_space<smem>>
    memref.store %squeeze3A_765, %arg9[%swap3A_767] : memref<128xi32, #tpu.memory_space<smem>>
    %slice3A_769 = vector.extract_strided_slice %get3A_656 {offsets = [11], sizes = [1], strides = [1]} : vector<16xi32> to vector<1xi32>
    %squeeze3A_770 = vector.extract %slice3A_769[0] : i32 from vector<1xi32>
    %swap3A_771 = arith.constant 75 : i32
    %swap3A_772 = arith.index_cast %swap3A_771 : i32 to index
    %swap3A_773 = memref.load %arg8[%swap3A_772] : memref<128xi32, #tpu.memory_space<smem>>
    memref.store %squeeze3A_770, %arg8[%swap3A_772] : memref<128xi32, #tpu.memory_space<smem>>
    %slice3A_774 = vector.extract_strided_slice %get3A_658 {offsets = [11], sizes = [1], strides = [1]} : vector<16xi32> to vector<1xi32>
    %squeeze3A_775 = vector.extract %slice3A_774[0] : i32 from vector<1xi32>
    %swap3A_776 = arith.constant 75 : i32
    %swap3A_777 = arith.index_cast %swap3A_776 : i32 to index
    %swap3A_778 = memref.load %arg9[%swap3A_777] : memref<128xi32, #tpu.memory_space<smem>>
    memref.store %squeeze3A_775, %arg9[%swap3A_777] : memref<128xi32, #tpu.memory_space<smem>>
    %slice3A_779 = vector.extract_strided_slice %get3A_656 {offsets = [12], sizes = [1], strides = [1]} : vector<16xi32> to vector<1xi32>
    %squeeze3A_780 = vector.extract %slice3A_779[0] : i32 from vector<1xi32>
    %swap3A_781 = arith.constant 76 : i32
    %swap3A_782 = arith.index_cast %swap3A_781 : i32 to index
    %swap3A_783 = memref.load %arg8[%swap3A_782] : memref<128xi32, #tpu.memory_space<smem>>
    memref.store %squeeze3A_780, %arg8[%swap3A_782] : memref<128xi32, #tpu.memory_space<smem>>
    %slice3A_784 = vector.extract_strided_slice %get3A_658 {offsets = [12], sizes = [1], strides = [1]} : vector<16xi32> to vector<1xi32>
    %squeeze3A_785 = vector.extract %slice3A_784[0] : i32 from vector<1xi32>
    %swap3A_786 = arith.constant 76 : i32
    %swap3A_787 = arith.index_cast %swap3A_786 : i32 to index
    %swap3A_788 = memref.load %arg9[%swap3A_787] : memref<128xi32, #tpu.memory_space<smem>>
    memref.store %squeeze3A_785, %arg9[%swap3A_787] : memref<128xi32, #tpu.memory_space<smem>>
    %slice3A_789 = vector.extract_strided_slice %get3A_656 {offsets = [13], sizes = [1], strides = [1]} : vector<16xi32> to vector<1xi32>
    %squeeze3A_790 = vector.extract %slice3A_789[0] : i32 from vector<1xi32>
    %swap3A_791 = arith.constant 77 : i32
    %swap3A_792 = arith.index_cast %swap3A_791 : i32 to index
    %swap3A_793 = memref.load %arg8[%swap3A_792] : memref<128xi32, #tpu.memory_space<smem>>
    memref.store %squeeze3A_790, %arg8[%swap3A_792] : memref<128xi32, #tpu.memory_space<smem>>
    %slice3A_794 = vector.extract_strided_slice %get3A_658 {offsets = [13], sizes = [1], strides = [1]} : vector<16xi32> to vector<1xi32>
    %squeeze3A_795 = vector.extract %slice3A_794[0] : i32 from vector<1xi32>
    %swap3A_796 = arith.constant 77 : i32
    %swap3A_797 = arith.index_cast %swap3A_796 : i32 to index
    %swap3A_798 = memref.load %arg9[%swap3A_797] : memref<128xi32, #tpu.memory_space<smem>>
    memref.store %squeeze3A_795, %arg9[%swap3A_797] : memref<128xi32, #tpu.memory_space<smem>>
    %slice3A_799 = vector.extract_strided_slice %get3A_656 {offsets = [14], sizes = [1], strides = [1]} : vector<16xi32> to vector<1xi32>
    %squeeze3A_800 = vector.extract %slice3A_799[0] : i32 from vector<1xi32>
    %swap3A_801 = arith.constant 78 : i32
    %swap3A_802 = arith.index_cast %swap3A_801 : i32 to index
    %swap3A_803 = memref.load %arg8[%swap3A_802] : memref<128xi32, #tpu.memory_space<smem>>
    memref.store %squeeze3A_800, %arg8[%swap3A_802] : memref<128xi32, #tpu.memory_space<smem>>
    %slice3A_804 = vector.extract_strided_slice %get3A_658 {offsets = [14], sizes = [1], strides = [1]} : vector<16xi32> to vector<1xi32>
    %squeeze3A_805 = vector.extract %slice3A_804[0] : i32 from vector<1xi32>
    %swap3A_806 = arith.constant 78 : i32
    %swap3A_807 = arith.index_cast %swap3A_806 : i32 to index
    %swap3A_808 = memref.load %arg9[%swap3A_807] : memref<128xi32, #tpu.memory_space<smem>>
    memref.store %squeeze3A_805, %arg9[%swap3A_807] : memref<128xi32, #tpu.memory_space<smem>>
    %slice3A_809 = vector.extract_strided_slice %get3A_656 {offsets = [15], sizes = [1], strides = [1]} : vector<16xi32> to vector<1xi32>
    %squeeze3A_810 = vector.extract %slice3A_809[0] : i32 from vector<1xi32>
    %swap3A_811 = arith.constant 79 : i32
    %swap3A_812 = arith.index_cast %swap3A_811 : i32 to index
    %swap3A_813 = memref.load %arg8[%swap3A_812] : memref<128xi32, #tpu.memory_space<smem>>
    memref.store %squeeze3A_810, %arg8[%swap3A_812] : memref<128xi32, #tpu.memory_space<smem>>
    %slice3A_814 = vector.extract_strided_slice %get3A_658 {offsets = [15], sizes = [1], strides = [1]} : vector<16xi32> to vector<1xi32>
    %squeeze3A_815 = vector.extract %slice3A_814[0] : i32 from vector<1xi32>
    %swap3A_816 = arith.constant 79 : i32
    %swap3A_817 = arith.index_cast %swap3A_816 : i32 to index
    %swap3A_818 = memref.load %arg9[%swap3A_817] : memref<128xi32, #tpu.memory_space<smem>>
    memref.store %squeeze3A_815, %arg9[%swap3A_817] : memref<128xi32, #tpu.memory_space<smem>>
    %get3A_819 = arith.constant 80 : index
    %get3A_820 = tpu.vector_load %arg10[%get3A_819] {strides = array<i32>} : memref<128xi32, #tpu.memory_space<vmem>>, vector<16xi32>,
    %get3A_821 = arith.constant 80 : index
    %get3A_822 = tpu.vector_load %arg11[%get3A_821] {strides = array<i32>} : memref<128xi32, #tpu.memory_space<vmem>>, vector<16xi32>,
    %slice3A_823 = vector.extract_strided_slice %get3A_820 {offsets = [0], sizes = [1], strides = [1]} : vector<16xi32> to vector<1xi32>
    %squeeze3A_824 = vector.extract %slice3A_823[0] : i32 from vector<1xi32>
    %swap3A_825 = arith.constant 80 : i32
    %swap3A_826 = arith.index_cast %swap3A_825 : i32 to index
    %swap3A_827 = memref.load %arg8[%swap3A_826] : memref<128xi32, #tpu.memory_space<smem>>
    memref.store %squeeze3A_824, %arg8[%swap3A_826] : memref<128xi32, #tpu.memory_space<smem>>
    %slice3A_828 = vector.extract_strided_slice %get3A_822 {offsets = [0], sizes = [1], strides = [1]} : vector<16xi32> to vector<1xi32>
    %squeeze3A_829 = vector.extract %slice3A_828[0] : i32 from vector<1xi32>
    %swap3A_830 = arith.constant 80 : i32
    %swap3A_831 = arith.index_cast %swap3A_830 : i32 to index
    %swap3A_832 = memref.load %arg9[%swap3A_831] : memref<128xi32, #tpu.memory_space<smem>>
    memref.store %squeeze3A_829, %arg9[%swap3A_831] : memref<128xi32, #tpu.memory_space<smem>>
    %slice3A_833 = vector.extract_strided_slice %get3A_820 {offsets = [1], sizes = [1], strides = [1]} : vector<16xi32> to vector<1xi32>
    %squeeze3A_834 = vector.extract %slice3A_833[0] : i32 from vector<1xi32>
    %swap3A_835 = arith.constant 81 : i32
    %swap3A_836 = arith.index_cast %swap3A_835 : i32 to index
    %swap3A_837 = memref.load %arg8[%swap3A_836] : memref<128xi32, #tpu.memory_space<smem>>
    memref.store %squeeze3A_834, %arg8[%swap3A_836] : memref<128xi32, #tpu.memory_space<smem>>
    %slice3A_838 = vector.extract_strided_slice %get3A_822 {offsets = [1], sizes = [1], strides = [1]} : vector<16xi32> to vector<1xi32>
    %squeeze3A_839 = vector.extract %slice3A_838[0] : i32 from vector<1xi32>
    %swap3A_840 = arith.constant 81 : i32
    %swap3A_841 = arith.index_cast %swap3A_840 : i32 to index
    %swap3A_842 = memref.load %arg9[%swap3A_841] : memref<128xi32, #tpu.memory_space<smem>>
    memref.store %squeeze3A_839, %arg9[%swap3A_841] : memref<128xi32, #tpu.memory_space<smem>>
    %slice3A_843 = vector.extract_strided_slice %get3A_820 {offsets = [2], sizes = [1], strides = [1]} : vector<16xi32> to vector<1xi32>
    %squeeze3A_844 = vector.extract %slice3A_843[0] : i32 from vector<1xi32>
    %swap3A_845 = arith.constant 82 : i32
    %swap3A_846 = arith.index_cast %swap3A_845 : i32 to index
    %swap3A_847 = memref.load %arg8[%swap3A_846] : memref<128xi32, #tpu.memory_space<smem>>
    memref.store %squeeze3A_844, %arg8[%swap3A_846] : memref<128xi32, #tpu.memory_space<smem>>
    %slice3A_848 = vector.extract_strided_slice %get3A_822 {offsets = [2], sizes = [1], strides = [1]} : vector<16xi32> to vector<1xi32>
    %squeeze3A_849 = vector.extract %slice3A_848[0] : i32 from vector<1xi32>
    %swap3A_850 = arith.constant 82 : i32
    %swap3A_851 = arith.index_cast %swap3A_850 : i32 to index
    %swap3A_852 = memref.load %arg9[%swap3A_851] : memref<128xi32, #tpu.memory_space<smem>>
    memref.store %squeeze3A_849, %arg9[%swap3A_851] : memref<128xi32, #tpu.memory_space<smem>>
    %slice3A_853 = vector.extract_strided_slice %get3A_820 {offsets = [3], sizes = [1], strides = [1]} : vector<16xi32> to vector<1xi32>
    %squeeze3A_854 = vector.extract %slice3A_853[0] : i32 from vector<1xi32>
    %swap3A_855 = arith.constant 83 : i32
    %swap3A_856 = arith.index_cast %swap3A_855 : i32 to index
    %swap3A_857 = memref.load %arg8[%swap3A_856] : memref<128xi32, #tpu.memory_space<smem>>
    memref.store %squeeze3A_854, %arg8[%swap3A_856] : memref<128xi32, #tpu.memory_space<smem>>
    %slice3A_858 = vector.extract_strided_slice %get3A_822 {offsets = [3], sizes = [1], strides = [1]} : vector<16xi32> to vector<1xi32>
    %squeeze3A_859 = vector.extract %slice3A_858[0] : i32 from vector<1xi32>
    %swap3A_860 = arith.constant 83 : i32
    %swap3A_861 = arith.index_cast %swap3A_860 : i32 to index
    %swap3A_862 = memref.load %arg9[%swap3A_861] : memref<128xi32, #tpu.memory_space<smem>>
    memref.store %squeeze3A_859, %arg9[%swap3A_861] : memref<128xi32, #tpu.memory_space<smem>>
    %slice3A_863 = vector.extract_strided_slice %get3A_820 {offsets = [4], sizes = [1], strides = [1]} : vector<16xi32> to vector<1xi32>
    %squeeze3A_864 = vector.extract %slice3A_863[0] : i32 from vector<1xi32>
    %swap3A_865 = arith.constant 84 : i32
    %swap3A_866 = arith.index_cast %swap3A_865 : i32 to index
    %swap3A_867 = memref.load %arg8[%swap3A_866] : memref<128xi32, #tpu.memory_space<smem>>
    memref.store %squeeze3A_864, %arg8[%swap3A_866] : memref<128xi32, #tpu.memory_space<smem>>
    %slice3A_868 = vector.extract_strided_slice %get3A_822 {offsets = [4], sizes = [1], strides = [1]} : vector<16xi32> to vector<1xi32>
    %squeeze3A_869 = vector.extract %slice3A_868[0] : i32 from vector<1xi32>
    %swap3A_870 = arith.constant 84 : i32
    %swap3A_871 = arith.index_cast %swap3A_870 : i32 to index
    %swap3A_872 = memref.load %arg9[%swap3A_871] : memref<128xi32, #tpu.memory_space<smem>>
    memref.store %squeeze3A_869, %arg9[%swap3A_871] : memref<128xi32, #tpu.memory_space<smem>>
    %slice3A_873 = vector.extract_strided_slice %get3A_820 {offsets = [5], sizes = [1], strides = [1]} : vector<16xi32> to vector<1xi32>
    %squeeze3A_874 = vector.extract %slice3A_873[0] : i32 from vector<1xi32>
    %swap3A_875 = arith.constant 85 : i32
    %swap3A_876 = arith.index_cast %swap3A_875 : i32 to index
    %swap3A_877 = memref.load %arg8[%swap3A_876] : memref<128xi32, #tpu.memory_space<smem>>
    memref.store %squeeze3A_874, %arg8[%swap3A_876] : memref<128xi32, #tpu.memory_space<smem>>
    %slice3A_878 = vector.extract_strided_slice %get3A_822 {offsets = [5], sizes = [1], strides = [1]} : vector<16xi32> to vector<1xi32>
    %squeeze3A_879 = vector.extract %slice3A_878[0] : i32 from vector<1xi32>
    %swap3A_880 = arith.constant 85 : i32
    %swap3A_881 = arith.index_cast %swap3A_880 : i32 to index
    %swap3A_882 = memref.load %arg9[%swap3A_881] : memref<128xi32, #tpu.memory_space<smem>>
    memref.store %squeeze3A_879, %arg9[%swap3A_881] : memref<128xi32, #tpu.memory_space<smem>>
    %slice3A_883 = vector.extract_strided_slice %get3A_820 {offsets = [6], sizes = [1], strides = [1]} : vector<16xi32> to vector<1xi32>
    %squeeze3A_884 = vector.extract %slice3A_883[0] : i32 from vector<1xi32>
    %swap3A_885 = arith.constant 86 : i32
    %swap3A_886 = arith.index_cast %swap3A_885 : i32 to index
    %swap3A_887 = memref.load %arg8[%swap3A_886] : memref<128xi32, #tpu.memory_space<smem>>
    memref.store %squeeze3A_884, %arg8[%swap3A_886] : memref<128xi32, #tpu.memory_space<smem>>
    %slice3A_888 = vector.extract_strided_slice %get3A_822 {offsets = [6], sizes = [1], strides = [1]} : vector<16xi32> to vector<1xi32>
    %squeeze3A_889 = vector.extract %slice3A_888[0] : i32 from vector<1xi32>
    %swap3A_890 = arith.constant 86 : i32
    %swap3A_891 = arith.index_cast %swap3A_890 : i32 to index
    %swap3A_892 = memref.load %arg9[%swap3A_891] : memref<128xi32, #tpu.memory_space<smem>>
    memref.store %squeeze3A_889, %arg9[%swap3A_891] : memref<128xi32, #tpu.memory_space<smem>>
    %slice3A_893 = vector.extract_strided_slice %get3A_820 {offsets = [7], sizes = [1], strides = [1]} : vector<16xi32> to vector<1xi32>
    %squeeze3A_894 = vector.extract %slice3A_893[0] : i32 from vector<1xi32>
    %swap3A_895 = arith.constant 87 : i32
    %swap3A_896 = arith.index_cast %swap3A_895 : i32 to index
    %swap3A_897 = memref.load %arg8[%swap3A_896] : memref<128xi32, #tpu.memory_space<smem>>
    memref.store %squeeze3A_894, %arg8[%swap3A_896] : memref<128xi32, #tpu.memory_space<smem>>
    %slice3A_898 = vector.extract_strided_slice %get3A_822 {offsets = [7], sizes = [1], strides = [1]} : vector<16xi32> to vector<1xi32>
    %squeeze3A_899 = vector.extract %slice3A_898[0] : i32 from vector<1xi32>
    %swap3A_900 = arith.constant 87 : i32
    %swap3A_901 = arith.index_cast %swap3A_900 : i32 to index
    %swap3A_902 = memref.load %arg9[%swap3A_901] : memref<128xi32, #tpu.memory_space<smem>>
    memref.store %squeeze3A_899, %arg9[%swap3A_901] : memref<128xi32, #tpu.memory_space<smem>>
    %slice3A_903 = vector.extract_strided_slice %get3A_820 {offsets = [8], sizes = [1], strides = [1]} : vector<16xi32> to vector<1xi32>
    %squeeze3A_904 = vector.extract %slice3A_903[0] : i32 from vector<1xi32>
    %swap3A_905 = arith.constant 88 : i32
    %swap3A_906 = arith.index_cast %swap3A_905 : i32 to index
    %swap3A_907 = memref.load %arg8[%swap3A_906] : memref<128xi32, #tpu.memory_space<smem>>
    memref.store %squeeze3A_904, %arg8[%swap3A_906] : memref<128xi32, #tpu.memory_space<smem>>
    %slice3A_908 = vector.extract_strided_slice %get3A_822 {offsets = [8], sizes = [1], strides = [1]} : vector<16xi32> to vector<1xi32>
    %squeeze3A_909 = vector.extract %slice3A_908[0] : i32 from vector<1xi32>
    %swap3A_910 = arith.constant 88 : i32
    %swap3A_911 = arith.index_cast %swap3A_910 : i32 to index
    %swap3A_912 = memref.load %arg9[%swap3A_911] : memref<128xi32, #tpu.memory_space<smem>>
    memref.store %squeeze3A_909, %arg9[%swap3A_911] : memref<128xi32, #tpu.memory_space<smem>>
    %slice3A_913 = vector.extract_strided_slice %get3A_820 {offsets = [9], sizes = [1], strides = [1]} : vector<16xi32> to vector<1xi32>
    %squeeze3A_914 = vector.extract %slice3A_913[0] : i32 from vector<1xi32>
    %swap3A_915 = arith.constant 89 : i32
    %swap3A_916 = arith.index_cast %swap3A_915 : i32 to index
    %swap3A_917 = memref.load %arg8[%swap3A_916] : memref<128xi32, #tpu.memory_space<smem>>
    memref.store %squeeze3A_914, %arg8[%swap3A_916] : memref<128xi32, #tpu.memory_space<smem>>
    %slice3A_918 = vector.extract_strided_slice %get3A_822 {offsets = [9], sizes = [1], strides = [1]} : vector<16xi32> to vector<1xi32>
    %squeeze3A_919 = vector.extract %slice3A_918[0] : i32 from vector<1xi32>
    %swap3A_920 = arith.constant 89 : i32
    %swap3A_921 = arith.index_cast %swap3A_920 : i32 to index
    %swap3A_922 = memref.load %arg9[%swap3A_921] : memref<128xi32, #tpu.memory_space<smem>>
    memref.store %squeeze3A_919, %arg9[%swap3A_921] : memref<128xi32, #tpu.memory_space<smem>>
    %slice3A_923 = vector.extract_strided_slice %get3A_820 {offsets = [10], sizes = [1], strides = [1]} : vector<16xi32> to vector<1xi32>
    %squeeze3A_924 = vector.extract %slice3A_923[0] : i32 from vector<1xi32>
    %swap3A_925 = arith.constant 90 : i32
    %swap3A_926 = arith.index_cast %swap3A_925 : i32 to index
    %swap3A_927 = memref.load %arg8[%swap3A_926] : memref<128xi32, #tpu.memory_space<smem>>
    memref.store %squeeze3A_924, %arg8[%swap3A_926] : memref<128xi32, #tpu.memory_space<smem>>
    %slice3A_928 = vector.extract_strided_slice %get3A_822 {offsets = [10], sizes = [1], strides = [1]} : vector<16xi32> to vector<1xi32>
    %squeeze3A_929 = vector.extract %slice3A_928[0] : i32 from vector<1xi32>
    %swap3A_930 = arith.constant 90 : i32
    %swap3A_931 = arith.index_cast %swap3A_930 : i32 to index
    %swap3A_932 = memref.load %arg9[%swap3A_931] : memref<128xi32, #tpu.memory_space<smem>>
    memref.store %squeeze3A_929, %arg9[%swap3A_931] : memref<128xi32, #tpu.memory_space<smem>>
    %slice3A_933 = vector.extract_strided_slice %get3A_820 {offsets = [11], sizes = [1], strides = [1]} : vector<16xi32> to vector<1xi32>
    %squeeze3A_934 = vector.extract %slice3A_933[0] : i32 from vector<1xi32>
    %swap3A_935 = arith.constant 91 : i32
    %swap3A_936 = arith.index_cast %swap3A_935 : i32 to index
    %swap3A_937 = memref.load %arg8[%swap3A_936] : memref<128xi32, #tpu.memory_space<smem>>
    memref.store %squeeze3A_934, %arg8[%swap3A_936] : memref<128xi32, #tpu.memory_space<smem>>
    %slice3A_938 = vector.extract_strided_slice %get3A_822 {offsets = [11], sizes = [1], strides = [1]} : vector<16xi32> to vector<1xi32>
    %squeeze3A_939 = vector.extract %slice3A_938[0] : i32 from vector<1xi32>
    %swap3A_940 = arith.constant 91 : i32
    %swap3A_941 = arith.index_cast %swap3A_940 : i32 to index
    %swap3A_942 = memref.load %arg9[%swap3A_941] : memref<128xi32, #tpu.memory_space<smem>>
    memref.store %squeeze3A_939, %arg9[%swap3A_941] : memref<128xi32, #tpu.memory_space<smem>>
    %slice3A_943 = vector.extract_strided_slice %get3A_820 {offsets = [12], sizes = [1], strides = [1]} : vector<16xi32> to vector<1xi32>
    %squeeze3A_944 = vector.extract %slice3A_943[0] : i32 from vector<1xi32>
    %swap3A_945 = arith.constant 92 : i32
    %swap3A_946 = arith.index_cast %swap3A_945 : i32 to index
    %swap3A_947 = memref.load %arg8[%swap3A_946] : memref<128xi32, #tpu.memory_space<smem>>
    memref.store %squeeze3A_944, %arg8[%swap3A_946] : memref<128xi32, #tpu.memory_space<smem>>
    %slice3A_948 = vector.extract_strided_slice %get3A_822 {offsets = [12], sizes = [1], strides = [1]} : vector<16xi32> to vector<1xi32>
    %squeeze3A_949 = vector.extract %slice3A_948[0] : i32 from vector<1xi32>
    %swap3A_950 = arith.constant 92 : i32
    %swap3A_951 = arith.index_cast %swap3A_950 : i32 to index
    %swap3A_952 = memref.load %arg9[%swap3A_951] : memref<128xi32, #tpu.memory_space<smem>>
    memref.store %squeeze3A_949, %arg9[%swap3A_951] : memref<128xi32, #tpu.memory_space<smem>>
    %slice3A_953 = vector.extract_strided_slice %get3A_820 {offsets = [13], sizes = [1], strides = [1]} : vector<16xi32> to vector<1xi32>
    %squeeze3A_954 = vector.extract %slice3A_953[0] : i32 from vector<1xi32>
    %swap3A_955 = arith.constant 93 : i32
    %swap3A_956 = arith.index_cast %swap3A_955 : i32 to index
    %swap3A_957 = memref.load %arg8[%swap3A_956] : memref<128xi32, #tpu.memory_space<smem>>
    memref.store %squeeze3A_954, %arg8[%swap3A_956] : memref<128xi32, #tpu.memory_space<smem>>
    %slice3A_958 = vector.extract_strided_slice %get3A_822 {offsets = [13], sizes = [1], strides = [1]} : vector<16xi32> to vector<1xi32>
    %squeeze3A_959 = vector.extract %slice3A_958[0] : i32 from vector<1xi32>
    %swap3A_960 = arith.constant 93 : i32
    %swap3A_961 = arith.index_cast %swap3A_960 : i32 to index
    %swap3A_962 = memref.load %arg9[%swap3A_961] : memref<128xi32, #tpu.memory_space<smem>>
    memref.store %squeeze3A_959, %arg9[%swap3A_961] : memref<128xi32, #tpu.memory_space<smem>>
    %slice3A_963 = vector.extract_strided_slice %get3A_820 {offsets = [14], sizes = [1], strides = [1]} : vector<16xi32> to vector<1xi32>
    %squeeze3A_964 = vector.extract %slice3A_963[0] : i32 from vector<1xi32>
    %swap3A_965 = arith.constant 94 : i32
    %swap3A_966 = arith.index_cast %swap3A_965 : i32 to index
    %swap3A_967 = memref.load %arg8[%swap3A_966] : memref<128xi32, #tpu.memory_space<smem>>
    memref.store %squeeze3A_964, %arg8[%swap3A_966] : memref<128xi32, #tpu.memory_space<smem>>
    %slice3A_968 = vector.extract_strided_slice %get3A_822 {offsets = [14], sizes = [1], strides = [1]} : vector<16xi32> to vector<1xi32>
    %squeeze3A_969 = vector.extract %slice3A_968[0] : i32 from vector<1xi32>
    %swap3A_970 = arith.constant 94 : i32
    %swap3A_971 = arith.index_cast %swap3A_970 : i32 to index
    %swap3A_972 = memref.load %arg9[%swap3A_971] : memref<128xi32, #tpu.memory_space<smem>>
    memref.store %squeeze3A_969, %arg9[%swap3A_971] : memref<128xi32, #tpu.memory_space<smem>>
    %slice3A_973 = vector.extract_strided_slice %get3A_820 {offsets = [15], sizes = [1], strides = [1]} : vector<16xi32> to vector<1xi32>
    %squeeze3A_974 = vector.extract %slice3A_973[0] : i32 from vector<1xi32>
    %swap3A_975 = arith.constant 95 : i32
    %swap3A_976 = arith.index_cast %swap3A_975 : i32 to index
    %swap3A_977 = memref.load %arg8[%swap3A_976] : memref<128xi32, #tpu.memory_space<smem>>
    memref.store %squeeze3A_974, %arg8[%swap3A_976] : memref<128xi32, #tpu.memory_space<smem>>
    %slice3A_978 = vector.extract_strided_slice %get3A_822 {offsets = [15], sizes = [1], strides = [1]} : vector<16xi32> to vector<1xi32>
    %squeeze3A_979 = vector.extract %slice3A_978[0] : i32 from vector<1xi32>
    %swap3A_980 = arith.constant 95 : i32
    %swap3A_981 = arith.index_cast %swap3A_980 : i32 to index
    %swap3A_982 = memref.load %arg9[%swap3A_981] : memref<128xi32, #tpu.memory_space<smem>>
    memref.store %squeeze3A_979, %arg9[%swap3A_981] : memref<128xi32, #tpu.memory_space<smem>>
    %get3A_983 = arith.constant 96 : index
    %get3A_984 = tpu.vector_load %arg10[%get3A_983] {strides = array<i32>} : memref<128xi32, #tpu.memory_space<vmem>>, vector<16xi32>,
    %get3A_985 = arith.constant 96 : index
    %get3A_986 = tpu.vector_load %arg11[%get3A_985] {strides = array<i32>} : memref<128xi32, #tpu.memory_space<vmem>>, vector<16xi32>,
    %slice3A_987 = vector.extract_strided_slice %get3A_984 {offsets = [0], sizes = [1], strides = [1]} : vector<16xi32> to vector<1xi32>
    %squeeze3A_988 = vector.extract %slice3A_987[0] : i32 from vector<1xi32>
    %swap3A_989 = arith.constant 96 : i32
    %swap3A_990 = arith.index_cast %swap3A_989 : i32 to index
    %swap3A_991 = memref.load %arg8[%swap3A_990] : memref<128xi32, #tpu.memory_space<smem>>
    memref.store %squeeze3A_988, %arg8[%swap3A_990] : memref<128xi32, #tpu.memory_space<smem>>
    %slice3A_992 = vector.extract_strided_slice %get3A_986 {offsets = [0], sizes = [1], strides = [1]} : vector<16xi32> to vector<1xi32>
    %squeeze3A_993 = vector.extract %slice3A_992[0] : i32 from vector<1xi32>
    %swap3A_994 = arith.constant 96 : i32
    %swap3A_995 = arith.index_cast %swap3A_994 : i32 to index
    %swap3A_996 = memref.load %arg9[%swap3A_995] : memref<128xi32, #tpu.memory_space<smem>>
    memref.store %squeeze3A_993, %arg9[%swap3A_995] : memref<128xi32, #tpu.memory_space<smem>>
    %slice3A_997 = vector.extract_strided_slice %get3A_984 {offsets = [1], sizes = [1], strides = [1]} : vector<16xi32> to vector<1xi32>
    %squeeze3A_998 = vector.extract %slice3A_997[0] : i32 from vector<1xi32>
    %swap3A_999 = arith.constant 97 : i32
    %swap3A_1000 = arith.index_cast %swap3A_999 : i32 to index
    %swap3A_1001 = memref.load %arg8[%swap3A_1000] : memref<128xi32, #tpu.memory_space<smem>>
    memref.store %squeeze3A_998, %arg8[%swap3A_1000] : memref<128xi32, #tpu.memory_space<smem>>
    %slice3A_1002 = vector.extract_strided_slice %get3A_986 {offsets = [1], sizes = [1], strides = [1]} : vector<16xi32> to vector<1xi32>
    %squeeze3A_1003 = vector.extract %slice3A_1002[0] : i32 from vector<1xi32>
    %swap3A_1004 = arith.constant 97 : i32
    %swap3A_1005 = arith.index_cast %swap3A_1004 : i32 to index
    %swap3A_1006 = memref.load %arg9[%swap3A_1005] : memref<128xi32, #tpu.memory_space<smem>>
    memref.store %squeeze3A_1003, %arg9[%swap3A_1005] : memref<128xi32, #tpu.memory_space<smem>>
    %slice3A_1007 = vector.extract_strided_slice %get3A_984 {offsets = [2], sizes = [1], strides = [1]} : vector<16xi32> to vector<1xi32>
    %squeeze3A_1008 = vector.extract %slice3A_1007[0] : i32 from vector<1xi32>
    %swap3A_1009 = arith.constant 98 : i32
    %swap3A_1010 = arith.index_cast %swap3A_1009 : i32 to index
    %swap3A_1011 = memref.load %arg8[%swap3A_1010] : memref<128xi32, #tpu.memory_space<smem>>
    memref.store %squeeze3A_1008, %arg8[%swap3A_1010] : memref<128xi32, #tpu.memory_space<smem>>
    %slice3A_1012 = vector.extract_strided_slice %get3A_986 {offsets = [2], sizes = [1], strides = [1]} : vector<16xi32> to vector<1xi32>
    %squeeze3A_1013 = vector.extract %slice3A_1012[0] : i32 from vector<1xi32>
    %swap3A_1014 = arith.constant 98 : i32
    %swap3A_1015 = arith.index_cast %swap3A_1014 : i32 to index
    %swap3A_1016 = memref.load %arg9[%swap3A_1015] : memref<128xi32, #tpu.memory_space<smem>>
    memref.store %squeeze3A_1013, %arg9[%swap3A_1015] : memref<128xi32, #tpu.memory_space<smem>>
    %slice3A_1017 = vector.extract_strided_slice %get3A_984 {offsets = [3], sizes = [1], strides = [1]} : vector<16xi32> to vector<1xi32>
    %squeeze3A_1018 = vector.extract %slice3A_1017[0] : i32 from vector<1xi32>
    %swap3A_1019 = arith.constant 99 : i32
    %swap3A_1020 = arith.index_cast %swap3A_1019 : i32 to index
    %swap3A_1021 = memref.load %arg8[%swap3A_1020] : memref<128xi32, #tpu.memory_space<smem>>
    memref.store %squeeze3A_1018, %arg8[%swap3A_1020] : memref<128xi32, #tpu.memory_space<smem>>
    %slice3A_1022 = vector.extract_strided_slice %get3A_986 {offsets = [3], sizes = [1], strides = [1]} : vector<16xi32> to vector<1xi32>
    %squeeze3A_1023 = vector.extract %slice3A_1022[0] : i32 from vector<1xi32>
    %swap3A_1024 = arith.constant 99 : i32
    %swap3A_1025 = arith.index_cast %swap3A_1024 : i32 to index
    %swap3A_1026 = memref.load %arg9[%swap3A_1025] : memref<128xi32, #tpu.memory_space<smem>>
    memref.store %squeeze3A_1023, %arg9[%swap3A_1025] : memref<128xi32, #tpu.memory_space<smem>>
    %slice3A_1027 = vector.extract_strided_slice %get3A_984 {offsets = [4], sizes = [1], strides = [1]} : vector<16xi32> to vector<1xi32>
    %squeeze3A_1028 = vector.extract %slice3A_1027[0] : i32 from vector<1xi32>
    %swap3A_1029 = arith.constant 100 : i32
    %swap3A_1030 = arith.index_cast %swap3A_1029 : i32 to index
    %swap3A_1031 = memref.load %arg8[%swap3A_1030] : memref<128xi32, #tpu.memory_space<smem>>
    memref.store %squeeze3A_1028, %arg8[%swap3A_1030] : memref<128xi32, #tpu.memory_space<smem>>
    %slice3A_1032 = vector.extract_strided_slice %get3A_986 {offsets = [4], sizes = [1], strides = [1]} : vector<16xi32> to vector<1xi32>
    %squeeze3A_1033 = vector.extract %slice3A_1032[0] : i32 from vector<1xi32>
    %swap3A_1034 = arith.constant 100 : i32
    %swap3A_1035 = arith.index_cast %swap3A_1034 : i32 to index
    %swap3A_1036 = memref.load %arg9[%swap3A_1035] : memref<128xi32, #tpu.memory_space<smem>>
    memref.store %squeeze3A_1033, %arg9[%swap3A_1035] : memref<128xi32, #tpu.memory_space<smem>>
    %slice3A_1037 = vector.extract_strided_slice %get3A_984 {offsets = [5], sizes = [1], strides = [1]} : vector<16xi32> to vector<1xi32>
    %squeeze3A_1038 = vector.extract %slice3A_1037[0] : i32 from vector<1xi32>
    %swap3A_1039 = arith.constant 101 : i32
    %swap3A_1040 = arith.index_cast %swap3A_1039 : i32 to index
    %swap3A_1041 = memref.load %arg8[%swap3A_1040] : memref<128xi32, #tpu.memory_space<smem>>
    memref.store %squeeze3A_1038, %arg8[%swap3A_1040] : memref<128xi32, #tpu.memory_space<smem>>
    %slice3A_1042 = vector.extract_strided_slice %get3A_986 {offsets = [5], sizes = [1], strides = [1]} : vector<16xi32> to vector<1xi32>
    %squeeze3A_1043 = vector.extract %slice3A_1042[0] : i32 from vector<1xi32>
    %swap3A_1044 = arith.constant 101 : i32
    %swap3A_1045 = arith.index_cast %swap3A_1044 : i32 to index
    %swap3A_1046 = memref.load %arg9[%swap3A_1045] : memref<128xi32, #tpu.memory_space<smem>>
    memref.store %squeeze3A_1043, %arg9[%swap3A_1045] : memref<128xi32, #tpu.memory_space<smem>>
    %slice3A_1047 = vector.extract_strided_slice %get3A_984 {offsets = [6], sizes = [1], strides = [1]} : vector<16xi32> to vector<1xi32>
    %squeeze3A_1048 = vector.extract %slice3A_1047[0] : i32 from vector<1xi32>
    %swap3A_1049 = arith.constant 102 : i32
    %swap3A_1050 = arith.index_cast %swap3A_1049 : i32 to index
    %swap3A_1051 = memref.load %arg8[%swap3A_1050] : memref<128xi32, #tpu.memory_space<smem>>
    memref.store %squeeze3A_1048, %arg8[%swap3A_1050] : memref<128xi32, #tpu.memory_space<smem>>
    %slice3A_1052 = vector.extract_strided_slice %get3A_986 {offsets = [6], sizes = [1], strides = [1]} : vector<16xi32> to vector<1xi32>
    %squeeze3A_1053 = vector.extract %slice3A_1052[0] : i32 from vector<1xi32>
    %swap3A_1054 = arith.constant 102 : i32
    %swap3A_1055 = arith.index_cast %swap3A_1054 : i32 to index
    %swap3A_1056 = memref.load %arg9[%swap3A_1055] : memref<128xi32, #tpu.memory_space<smem>>
    memref.store %squeeze3A_1053, %arg9[%swap3A_1055] : memref<128xi32, #tpu.memory_space<smem>>
    %slice3A_1057 = vector.extract_strided_slice %get3A_984 {offsets = [7], sizes = [1], strides = [1]} : vector<16xi32> to vector<1xi32>
    %squeeze3A_1058 = vector.extract %slice3A_1057[0] : i32 from vector<1xi32>
    %swap3A_1059 = arith.constant 103 : i32
    %swap3A_1060 = arith.index_cast %swap3A_1059 : i32 to index
    %swap3A_1061 = memref.load %arg8[%swap3A_1060] : memref<128xi32, #tpu.memory_space<smem>>
    memref.store %squeeze3A_1058, %arg8[%swap3A_1060] : memref<128xi32, #tpu.memory_space<smem>>
    %slice3A_1062 = vector.extract_strided_slice %get3A_986 {offsets = [7], sizes = [1], strides = [1]} : vector<16xi32> to vector<1xi32>
    %squeeze3A_1063 = vector.extract %slice3A_1062[0] : i32 from vector<1xi32>
    %swap3A_1064 = arith.constant 103 : i32
    %swap3A_1065 = arith.index_cast %swap3A_1064 : i32 to index
    %swap3A_1066 = memref.load %arg9[%swap3A_1065] : memref<128xi32, #tpu.memory_space<smem>>
    memref.store %squeeze3A_1063, %arg9[%swap3A_1065] : memref<128xi32, #tpu.memory_space<smem>>
    %slice3A_1067 = vector.extract_strided_slice %get3A_984 {offsets = [8], sizes = [1], strides = [1]} : vector<16xi32> to vector<1xi32>
    %squeeze3A_1068 = vector.extract %slice3A_1067[0] : i32 from vector<1xi32>
    %swap3A_1069 = arith.constant 104 : i32
    %swap3A_1070 = arith.index_cast %swap3A_1069 : i32 to index
    %swap3A_1071 = memref.load %arg8[%swap3A_1070] : memref<128xi32, #tpu.memory_space<smem>>
    memref.store %squeeze3A_1068, %arg8[%swap3A_1070] : memref<128xi32, #tpu.memory_space<smem>>
    %slice3A_1072 = vector.extract_strided_slice %get3A_986 {offsets = [8], sizes = [1], strides = [1]} : vector<16xi32> to vector<1xi32>
    %squeeze3A_1073 = vector.extract %slice3A_1072[0] : i32 from vector<1xi32>
    %swap3A_1074 = arith.constant 104 : i32
    %swap3A_1075 = arith.index_cast %swap3A_1074 : i32 to index
    %swap3A_1076 = memref.load %arg9[%swap3A_1075] : memref<128xi32, #tpu.memory_space<smem>>
    memref.store %squeeze3A_1073, %arg9[%swap3A_1075] : memref<128xi32, #tpu.memory_space<smem>>
    %slice3A_1077 = vector.extract_strided_slice %get3A_984 {offsets = [9], sizes = [1], strides = [1]} : vector<16xi32> to vector<1xi32>
    %squeeze3A_1078 = vector.extract %slice3A_1077[0] : i32 from vector<1xi32>
    %swap3A_1079 = arith.constant 105 : i32
    %swap3A_1080 = arith.index_cast %swap3A_1079 : i32 to index
    %swap3A_1081 = memref.load %arg8[%swap3A_1080] : memref<128xi32, #tpu.memory_space<smem>>
    memref.store %squeeze3A_1078, %arg8[%swap3A_1080] : memref<128xi32, #tpu.memory_space<smem>>
    %slice3A_1082 = vector.extract_strided_slice %get3A_986 {offsets = [9], sizes = [1], strides = [1]} : vector<16xi32> to vector<1xi32>
    %squeeze3A_1083 = vector.extract %slice3A_1082[0] : i32 from vector<1xi32>
    %swap3A_1084 = arith.constant 105 : i32
    %swap3A_1085 = arith.index_cast %swap3A_1084 : i32 to index
    %swap3A_1086 = memref.load %arg9[%swap3A_1085] : memref<128xi32, #tpu.memory_space<smem>>
    memref.store %squeeze3A_1083, %arg9[%swap3A_1085] : memref<128xi32, #tpu.memory_space<smem>>
    %slice3A_1087 = vector.extract_strided_slice %get3A_984 {offsets = [10], sizes = [1], strides = [1]} : vector<16xi32> to vector<1xi32>
    %squeeze3A_1088 = vector.extract %slice3A_1087[0] : i32 from vector<1xi32>
    %swap3A_1089 = arith.constant 106 : i32
    %swap3A_1090 = arith.index_cast %swap3A_1089 : i32 to index
    %swap3A_1091 = memref.load %arg8[%swap3A_1090] : memref<128xi32, #tpu.memory_space<smem>>
    memref.store %squeeze3A_1088, %arg8[%swap3A_1090] : memref<128xi32, #tpu.memory_space<smem>>
    %slice3A_1092 = vector.extract_strided_slice %get3A_986 {offsets = [10], sizes = [1], strides = [1]} : vector<16xi32> to vector<1xi32>
    %squeeze3A_1093 = vector.extract %slice3A_1092[0] : i32 from vector<1xi32>
    %swap3A_1094 = arith.constant 106 : i32
    %swap3A_1095 = arith.index_cast %swap3A_1094 : i32 to index
    %swap3A_1096 = memref.load %arg9[%swap3A_1095] : memref<128xi32, #tpu.memory_space<smem>>
    memref.store %squeeze3A_1093, %arg9[%swap3A_1095] : memref<128xi32, #tpu.memory_space<smem>>
    %slice3A_1097 = vector.extract_strided_slice %get3A_984 {offsets = [11], sizes = [1], strides = [1]} : vector<16xi32> to vector<1xi32>
    %squeeze3A_1098 = vector.extract %slice3A_1097[0] : i32 from vector<1xi32>
    %swap3A_1099 = arith.constant 107 : i32
    %swap3A_1100 = arith.index_cast %swap3A_1099 : i32 to index
    %swap3A_1101 = memref.load %arg8[%swap3A_1100] : memref<128xi32, #tpu.memory_space<smem>>
    memref.store %squeeze3A_1098, %arg8[%swap3A_1100] : memref<128xi32, #tpu.memory_space<smem>>
    %slice3A_1102 = vector.extract_strided_slice %get3A_986 {offsets = [11], sizes = [1], strides = [1]} : vector<16xi32> to vector<1xi32>
    %squeeze3A_1103 = vector.extract %slice3A_1102[0] : i32 from vector<1xi32>
    %swap3A_1104 = arith.constant 107 : i32
    %swap3A_1105 = arith.index_cast %swap3A_1104 : i32 to index
    %swap3A_1106 = memref.load %arg9[%swap3A_1105] : memref<128xi32, #tpu.memory_space<smem>>
    memref.store %squeeze3A_1103, %arg9[%swap3A_1105] : memref<128xi32, #tpu.memory_space<smem>>
    %slice3A_1107 = vector.extract_strided_slice %get3A_984 {offsets = [12], sizes = [1], strides = [1]} : vector<16xi32> to vector<1xi32>
    %squeeze3A_1108 = vector.extract %slice3A_1107[0] : i32 from vector<1xi32>
    %swap3A_1109 = arith.constant 108 : i32
    %swap3A_1110 = arith.index_cast %swap3A_1109 : i32 to index
    %swap3A_1111 = memref.load %arg8[%swap3A_1110] : memref<128xi32, #tpu.memory_space<smem>>
    memref.store %squeeze3A_1108, %arg8[%swap3A_1110] : memref<128xi32, #tpu.memory_space<smem>>
    %slice3A_1112 = vector.extract_strided_slice %get3A_986 {offsets = [12], sizes = [1], strides = [1]} : vector<16xi32> to vector<1xi32>
    %squeeze3A_1113 = vector.extract %slice3A_1112[0] : i32 from vector<1xi32>
    %swap3A_1114 = arith.constant 108 : i32
    %swap3A_1115 = arith.index_cast %swap3A_1114 : i32 to index
    %swap3A_1116 = memref.load %arg9[%swap3A_1115] : memref<128xi32, #tpu.memory_space<smem>>
    memref.store %squeeze3A_1113, %arg9[%swap3A_1115] : memref<128xi32, #tpu.memory_space<smem>>
    %slice3A_1117 = vector.extract_strided_slice %get3A_984 {offsets = [13], sizes = [1], strides = [1]} : vector<16xi32> to vector<1xi32>
    %squeeze3A_1118 = vector.extract %slice3A_1117[0] : i32 from vector<1xi32>
    %swap3A_1119 = arith.constant 109 : i32
    %swap3A_1120 = arith.index_cast %swap3A_1119 : i32 to index
    %swap3A_1121 = memref.load %arg8[%swap3A_1120] : memref<128xi32, #tpu.memory_space<smem>>
    memref.store %squeeze3A_1118, %arg8[%swap3A_1120] : memref<128xi32, #tpu.memory_space<smem>>
    %slice3A_1122 = vector.extract_strided_slice %get3A_986 {offsets = [13], sizes = [1], strides = [1]} : vector<16xi32> to vector<1xi32>
    %squeeze3A_1123 = vector.extract %slice3A_1122[0] : i32 from vector<1xi32>
    %swap3A_1124 = arith.constant 109 : i32
    %swap3A_1125 = arith.index_cast %swap3A_1124 : i32 to index
    %swap3A_1126 = memref.load %arg9[%swap3A_1125] : memref<128xi32, #tpu.memory_space<smem>>
    memref.store %squeeze3A_1123, %arg9[%swap3A_1125] : memref<128xi32, #tpu.memory_space<smem>>
    %slice3A_1127 = vector.extract_strided_slice %get3A_984 {offsets = [14], sizes = [1], strides = [1]} : vector<16xi32> to vector<1xi32>
    %squeeze3A_1128 = vector.extract %slice3A_1127[0] : i32 from vector<1xi32>
    %swap3A_1129 = arith.constant 110 : i32
    %swap3A_1130 = arith.index_cast %swap3A_1129 : i32 to index
    %swap3A_1131 = memref.load %arg8[%swap3A_1130] : memref<128xi32, #tpu.memory_space<smem>>
    memref.store %squeeze3A_1128, %arg8[%swap3A_1130] : memref<128xi32, #tpu.memory_space<smem>>
    %slice3A_1132 = vector.extract_strided_slice %get3A_986 {offsets = [14], sizes = [1], strides = [1]} : vector<16xi32> to vector<1xi32>
    %squeeze3A_1133 = vector.extract %slice3A_1132[0] : i32 from vector<1xi32>
    %swap3A_1134 = arith.constant 110 : i32
    %swap3A_1135 = arith.index_cast %swap3A_1134 : i32 to index
    %swap3A_1136 = memref.load %arg9[%swap3A_1135] : memref<128xi32, #tpu.memory_space<smem>>
    memref.store %squeeze3A_1133, %arg9[%swap3A_1135] : memref<128xi32, #tpu.memory_space<smem>>
    %slice3A_1137 = vector.extract_strided_slice %get3A_984 {offsets = [15], sizes = [1], strides = [1]} : vector<16xi32> to vector<1xi32>
    %squeeze3A_1138 = vector.extract %slice3A_1137[0] : i32 from vector<1xi32>
    %swap3A_1139 = arith.constant 111 : i32
    %swap3A_1140 = arith.index_cast %swap3A_1139 : i32 to index
    %swap3A_1141 = memref.load %arg8[%swap3A_1140] : memref<128xi32, #tpu.memory_space<smem>>
    memref.store %squeeze3A_1138, %arg8[%swap3A_1140] : memref<128xi32, #tpu.memory_space<smem>>
    %slice3A_1142 = vector.extract_strided_slice %get3A_986 {offsets = [15], sizes = [1], strides = [1]} : vector<16xi32> to vector<1xi32>
    %squeeze3A_1143 = vector.extract %slice3A_1142[0] : i32 from vector<1xi32>
    %swap3A_1144 = arith.constant 111 : i32
    %swap3A_1145 = arith.index_cast %swap3A_1144 : i32 to index
    %swap3A_1146 = memref.load %arg9[%swap3A_1145] : memref<128xi32, #tpu.memory_space<smem>>
    memref.store %squeeze3A_1143, %arg9[%swap3A_1145] : memref<128xi32, #tpu.memory_space<smem>>
    %get3A_1147 = arith.constant 112 : index
    %get3A_1148 = tpu.vector_load %arg10[%get3A_1147] {strides = array<i32>} : memref<128xi32, #tpu.memory_space<vmem>>, vector<16xi32>,
    %get3A_1149 = arith.constant 112 : index
    %get3A_1150 = tpu.vector_load %arg11[%get3A_1149] {strides = array<i32>} : memref<128xi32, #tpu.memory_space<vmem>>, vector<16xi32>,
    %slice3A_1151 = vector.extract_strided_slice %get3A_1148 {offsets = [0], sizes = [1], strides = [1]} : vector<16xi32> to vector<1xi32>
    %squeeze3A_1152 = vector.extract %slice3A_1151[0] : i32 from vector<1xi32>
    %swap3A_1153 = arith.constant 112 : i32
    %swap3A_1154 = arith.index_cast %swap3A_1153 : i32 to index
    %swap3A_1155 = memref.load %arg8[%swap3A_1154] : memref<128xi32, #tpu.memory_space<smem>>
    memref.store %squeeze3A_1152, %arg8[%swap3A_1154] : memref<128xi32, #tpu.memory_space<smem>>
    %slice3A_1156 = vector.extract_strided_slice %get3A_1150 {offsets = [0], sizes = [1], strides = [1]} : vector<16xi32> to vector<1xi32>
    %squeeze3A_1157 = vector.extract %slice3A_1156[0] : i32 from vector<1xi32>
    %swap3A_1158 = arith.constant 112 : i32
    %swap3A_1159 = arith.index_cast %swap3A_1158 : i32 to index
    %swap3A_1160 = memref.load %arg9[%swap3A_1159] : memref<128xi32, #tpu.memory_space<smem>>
    memref.store %squeeze3A_1157, %arg9[%swap3A_1159] : memref<128xi32, #tpu.memory_space<smem>>
    %slice3A_1161 = vector.extract_strided_slice %get3A_1148 {offsets = [1], sizes = [1], strides = [1]} : vector<16xi32> to vector<1xi32>
    %squeeze3A_1162 = vector.extract %slice3A_1161[0] : i32 from vector<1xi32>
    %swap3A_1163 = arith.constant 113 : i32
    %swap3A_1164 = arith.index_cast %swap3A_1163 : i32 to index
    %swap3A_1165 = memref.load %arg8[%swap3A_1164] : memref<128xi32, #tpu.memory_space<smem>>
    memref.store %squeeze3A_1162, %arg8[%swap3A_1164] : memref<128xi32, #tpu.memory_space<smem>>
    %slice3A_1166 = vector.extract_strided_slice %get3A_1150 {offsets = [1], sizes = [1], strides = [1]} : vector<16xi32> to vector<1xi32>
    %squeeze3A_1167 = vector.extract %slice3A_1166[0] : i32 from vector<1xi32>
    %swap3A_1168 = arith.constant 113 : i32
    %swap3A_1169 = arith.index_cast %swap3A_1168 : i32 to index
    %swap3A_1170 = memref.load %arg9[%swap3A_1169] : memref<128xi32, #tpu.memory_space<smem>>
    memref.store %squeeze3A_1167, %arg9[%swap3A_1169] : memref<128xi32, #tpu.memory_space<smem>>
    %slice3A_1171 = vector.extract_strided_slice %get3A_1148 {offsets = [2], sizes = [1], strides = [1]} : vector<16xi32> to vector<1xi32>
    %squeeze3A_1172 = vector.extract %slice3A_1171[0] : i32 from vector<1xi32>
    %swap3A_1173 = arith.constant 114 : i32
    %swap3A_1174 = arith.index_cast %swap3A_1173 : i32 to index
    %swap3A_1175 = memref.load %arg8[%swap3A_1174] : memref<128xi32, #tpu.memory_space<smem>>
    memref.store %squeeze3A_1172, %arg8[%swap3A_1174] : memref<128xi32, #tpu.memory_space<smem>>
    %slice3A_1176 = vector.extract_strided_slice %get3A_1150 {offsets = [2], sizes = [1], strides = [1]} : vector<16xi32> to vector<1xi32>
    %squeeze3A_1177 = vector.extract %slice3A_1176[0] : i32 from vector<1xi32>
    %swap3A_1178 = arith.constant 114 : i32
    %swap3A_1179 = arith.index_cast %swap3A_1178 : i32 to index
    %swap3A_1180 = memref.load %arg9[%swap3A_1179] : memref<128xi32, #tpu.memory_space<smem>>
    memref.store %squeeze3A_1177, %arg9[%swap3A_1179] : memref<128xi32, #tpu.memory_space<smem>>
    %slice3A_1181 = vector.extract_strided_slice %get3A_1148 {offsets = [3], sizes = [1], strides = [1]} : vector<16xi32> to vector<1xi32>
    %squeeze3A_1182 = vector.extract %slice3A_1181[0] : i32 from vector<1xi32>
    %swap3A_1183 = arith.constant 115 : i32
    %swap3A_1184 = arith.index_cast %swap3A_1183 : i32 to index
    %swap3A_1185 = memref.load %arg8[%swap3A_1184] : memref<128xi32, #tpu.memory_space<smem>>
    memref.store %squeeze3A_1182, %arg8[%swap3A_1184] : memref<128xi32, #tpu.memory_space<smem>>
    %slice3A_1186 = vector.extract_strided_slice %get3A_1150 {offsets = [3], sizes = [1], strides = [1]} : vector<16xi32> to vector<1xi32>
    %squeeze3A_1187 = vector.extract %slice3A_1186[0] : i32 from vector<1xi32>
    %swap3A_1188 = arith.constant 115 : i32
    %swap3A_1189 = arith.index_cast %swap3A_1188 : i32 to index
    %swap3A_1190 = memref.load %arg9[%swap3A_1189] : memref<128xi32, #tpu.memory_space<smem>>
    memref.store %squeeze3A_1187, %arg9[%swap3A_1189] : memref<128xi32, #tpu.memory_space<smem>>
    %slice3A_1191 = vector.extract_strided_slice %get3A_1148 {offsets = [4], sizes = [1], strides = [1]} : vector<16xi32> to vector<1xi32>
    %squeeze3A_1192 = vector.extract %slice3A_1191[0] : i32 from vector<1xi32>
    %swap3A_1193 = arith.constant 116 : i32
    %swap3A_1194 = arith.index_cast %swap3A_1193 : i32 to index
    %swap3A_1195 = memref.load %arg8[%swap3A_1194] : memref<128xi32, #tpu.memory_space<smem>>
    memref.store %squeeze3A_1192, %arg8[%swap3A_1194] : memref<128xi32, #tpu.memory_space<smem>>
    %slice3A_1196 = vector.extract_strided_slice %get3A_1150 {offsets = [4], sizes = [1], strides = [1]} : vector<16xi32> to vector<1xi32>
    %squeeze3A_1197 = vector.extract %slice3A_1196[0] : i32 from vector<1xi32>
    %swap3A_1198 = arith.constant 116 : i32
    %swap3A_1199 = arith.index_cast %swap3A_1198 : i32 to index
    %swap3A_1200 = memref.load %arg9[%swap3A_1199] : memref<128xi32, #tpu.memory_space<smem>>
    memref.store %squeeze3A_1197, %arg9[%swap3A_1199] : memref<128xi32, #tpu.memory_space<smem>>
    %slice3A_1201 = vector.extract_strided_slice %get3A_1148 {offsets = [5], sizes = [1], strides = [1]} : vector<16xi32> to vector<1xi32>
    %squeeze3A_1202 = vector.extract %slice3A_1201[0] : i32 from vector<1xi32>
    %swap3A_1203 = arith.constant 117 : i32
    %swap3A_1204 = arith.index_cast %swap3A_1203 : i32 to index
    %swap3A_1205 = memref.load %arg8[%swap3A_1204] : memref<128xi32, #tpu.memory_space<smem>>
    memref.store %squeeze3A_1202, %arg8[%swap3A_1204] : memref<128xi32, #tpu.memory_space<smem>>
    %slice3A_1206 = vector.extract_strided_slice %get3A_1150 {offsets = [5], sizes = [1], strides = [1]} : vector<16xi32> to vector<1xi32>
    %squeeze3A_1207 = vector.extract %slice3A_1206[0] : i32 from vector<1xi32>
    %swap3A_1208 = arith.constant 117 : i32
    %swap3A_1209 = arith.index_cast %swap3A_1208 : i32 to index
    %swap3A_1210 = memref.load %arg9[%swap3A_1209] : memref<128xi32, #tpu.memory_space<smem>>
    memref.store %squeeze3A_1207, %arg9[%swap3A_1209] : memref<128xi32, #tpu.memory_space<smem>>
    %slice3A_1211 = vector.extract_strided_slice %get3A_1148 {offsets = [6], sizes = [1], strides = [1]} : vector<16xi32> to vector<1xi32>
    %squeeze3A_1212 = vector.extract %slice3A_1211[0] : i32 from vector<1xi32>
    %swap3A_1213 = arith.constant 118 : i32
    %swap3A_1214 = arith.index_cast %swap3A_1213 : i32 to index
    %swap3A_1215 = memref.load %arg8[%swap3A_1214] : memref<128xi32, #tpu.memory_space<smem>>
    memref.store %squeeze3A_1212, %arg8[%swap3A_1214] : memref<128xi32, #tpu.memory_space<smem>>
    %slice3A_1216 = vector.extract_strided_slice %get3A_1150 {offsets = [6], sizes = [1], strides = [1]} : vector<16xi32> to vector<1xi32>
    %squeeze3A_1217 = vector.extract %slice3A_1216[0] : i32 from vector<1xi32>
    %swap3A_1218 = arith.constant 118 : i32
    %swap3A_1219 = arith.index_cast %swap3A_1218 : i32 to index
    %swap3A_1220 = memref.load %arg9[%swap3A_1219] : memref<128xi32, #tpu.memory_space<smem>>
    memref.store %squeeze3A_1217, %arg9[%swap3A_1219] : memref<128xi32, #tpu.memory_space<smem>>
    %slice3A_1221 = vector.extract_strided_slice %get3A_1148 {offsets = [7], sizes = [1], strides = [1]} : vector<16xi32> to vector<1xi32>
    %squeeze3A_1222 = vector.extract %slice3A_1221[0] : i32 from vector<1xi32>
    %swap3A_1223 = arith.constant 119 : i32
    %swap3A_1224 = arith.index_cast %swap3A_1223 : i32 to index
    %swap3A_1225 = memref.load %arg8[%swap3A_1224] : memref<128xi32, #tpu.memory_space<smem>>
    memref.store %squeeze3A_1222, %arg8[%swap3A_1224] : memref<128xi32, #tpu.memory_space<smem>>
    %slice3A_1226 = vector.extract_strided_slice %get3A_1150 {offsets = [7], sizes = [1], strides = [1]} : vector<16xi32> to vector<1xi32>
    %squeeze3A_1227 = vector.extract %slice3A_1226[0] : i32 from vector<1xi32>
    %swap3A_1228 = arith.constant 119 : i32
    %swap3A_1229 = arith.index_cast %swap3A_1228 : i32 to index
    %swap3A_1230 = memref.load %arg9[%swap3A_1229] : memref<128xi32, #tpu.memory_space<smem>>
    memref.store %squeeze3A_1227, %arg9[%swap3A_1229] : memref<128xi32, #tpu.memory_space<smem>>
    %slice3A_1231 = vector.extract_strided_slice %get3A_1148 {offsets = [8], sizes = [1], strides = [1]} : vector<16xi32> to vector<1xi32>
    %squeeze3A_1232 = vector.extract %slice3A_1231[0] : i32 from vector<1xi32>
    %swap3A_1233 = arith.constant 120 : i32
    %swap3A_1234 = arith.index_cast %swap3A_1233 : i32 to index
    %swap3A_1235 = memref.load %arg8[%swap3A_1234] : memref<128xi32, #tpu.memory_space<smem>>
    memref.store %squeeze3A_1232, %arg8[%swap3A_1234] : memref<128xi32, #tpu.memory_space<smem>>
    %slice3A_1236 = vector.extract_strided_slice %get3A_1150 {offsets = [8], sizes = [1], strides = [1]} : vector<16xi32> to vector<1xi32>
    %squeeze3A_1237 = vector.extract %slice3A_1236[0] : i32 from vector<1xi32>
    %swap3A_1238 = arith.constant 120 : i32
    %swap3A_1239 = arith.index_cast %swap3A_1238 : i32 to index
    %swap3A_1240 = memref.load %arg9[%swap3A_1239] : memref<128xi32, #tpu.memory_space<smem>>
    memref.store %squeeze3A_1237, %arg9[%swap3A_1239] : memref<128xi32, #tpu.memory_space<smem>>
    %slice3A_1241 = vector.extract_strided_slice %get3A_1148 {offsets = [9], sizes = [1], strides = [1]} : vector<16xi32> to vector<1xi32>
    %squeeze3A_1242 = vector.extract %slice3A_1241[0] : i32 from vector<1xi32>
    %swap3A_1243 = arith.constant 121 : i32
    %swap3A_1244 = arith.index_cast %swap3A_1243 : i32 to index
    %swap3A_1245 = memref.load %arg8[%swap3A_1244] : memref<128xi32, #tpu.memory_space<smem>>
    memref.store %squeeze3A_1242, %arg8[%swap3A_1244] : memref<128xi32, #tpu.memory_space<smem>>
    %slice3A_1246 = vector.extract_strided_slice %get3A_1150 {offsets = [9], sizes = [1], strides = [1]} : vector<16xi32> to vector<1xi32>
    %squeeze3A_1247 = vector.extract %slice3A_1246[0] : i32 from vector<1xi32>
    %swap3A_1248 = arith.constant 121 : i32
    %swap3A_1249 = arith.index_cast %swap3A_1248 : i32 to index
    %swap3A_1250 = memref.load %arg9[%swap3A_1249] : memref<128xi32, #tpu.memory_space<smem>>
    memref.store %squeeze3A_1247, %arg9[%swap3A_1249] : memref<128xi32, #tpu.memory_space<smem>>
    %slice3A_1251 = vector.extract_strided_slice %get3A_1148 {offsets = [10], sizes = [1], strides = [1]} : vector<16xi32> to vector<1xi32>
    %squeeze3A_1252 = vector.extract %slice3A_1251[0] : i32 from vector<1xi32>
    %swap3A_1253 = arith.constant 122 : i32
    %swap3A_1254 = arith.index_cast %swap3A_1253 : i32 to index
    %swap3A_1255 = memref.load %arg8[%swap3A_1254] : memref<128xi32, #tpu.memory_space<smem>>
    memref.store %squeeze3A_1252, %arg8[%swap3A_1254] : memref<128xi32, #tpu.memory_space<smem>>
    %slice3A_1256 = vector.extract_strided_slice %get3A_1150 {offsets = [10], sizes = [1], strides = [1]} : vector<16xi32> to vector<1xi32>
    %squeeze3A_1257 = vector.extract %slice3A_1256[0] : i32 from vector<1xi32>
    %swap3A_1258 = arith.constant 122 : i32
    %swap3A_1259 = arith.index_cast %swap3A_1258 : i32 to index
    %swap3A_1260 = memref.load %arg9[%swap3A_1259] : memref<128xi32, #tpu.memory_space<smem>>
    memref.store %squeeze3A_1257, %arg9[%swap3A_1259] : memref<128xi32, #tpu.memory_space<smem>>
    %slice3A_1261 = vector.extract_strided_slice %get3A_1148 {offsets = [11], sizes = [1], strides = [1]} : vector<16xi32> to vector<1xi32>
    %squeeze3A_1262 = vector.extract %slice3A_1261[0] : i32 from vector<1xi32>
    %swap3A_1263 = arith.constant 123 : i32
    %swap3A_1264 = arith.index_cast %swap3A_1263 : i32 to index
    %swap3A_1265 = memref.load %arg8[%swap3A_1264] : memref<128xi32, #tpu.memory_space<smem>>
    memref.store %squeeze3A_1262, %arg8[%swap3A_1264] : memref<128xi32, #tpu.memory_space<smem>>
    %slice3A_1266 = vector.extract_strided_slice %get3A_1150 {offsets = [11], sizes = [1], strides = [1]} : vector<16xi32> to vector<1xi32>
    %squeeze3A_1267 = vector.extract %slice3A_1266[0] : i32 from vector<1xi32>
    %swap3A_1268 = arith.constant 123 : i32
    %swap3A_1269 = arith.index_cast %swap3A_1268 : i32 to index
    %swap3A_1270 = memref.load %arg9[%swap3A_1269] : memref<128xi32, #tpu.memory_space<smem>>
    memref.store %squeeze3A_1267, %arg9[%swap3A_1269] : memref<128xi32, #tpu.memory_space<smem>>
    %slice3A_1271 = vector.extract_strided_slice %get3A_1148 {offsets = [12], sizes = [1], strides = [1]} : vector<16xi32> to vector<1xi32>
    %squeeze3A_1272 = vector.extract %slice3A_1271[0] : i32 from vector<1xi32>
    %swap3A_1273 = arith.constant 124 : i32
    %swap3A_1274 = arith.index_cast %swap3A_1273 : i32 to index
    %swap3A_1275 = memref.load %arg8[%swap3A_1274] : memref<128xi32, #tpu.memory_space<smem>>
    memref.store %squeeze3A_1272, %arg8[%swap3A_1274] : memref<128xi32, #tpu.memory_space<smem>>
    %slice3A_1276 = vector.extract_strided_slice %get3A_1150 {offsets = [12], sizes = [1], strides = [1]} : vector<16xi32> to vector<1xi32>
    %squeeze3A_1277 = vector.extract %slice3A_1276[0] : i32 from vector<1xi32>
    %swap3A_1278 = arith.constant 124 : i32
    %swap3A_1279 = arith.index_cast %swap3A_1278 : i32 to index
    %swap3A_1280 = memref.load %arg9[%swap3A_1279] : memref<128xi32, #tpu.memory_space<smem>>
    memref.store %squeeze3A_1277, %arg9[%swap3A_1279] : memref<128xi32, #tpu.memory_space<smem>>
    %slice3A_1281 = vector.extract_strided_slice %get3A_1148 {offsets = [13], sizes = [1], strides = [1]} : vector<16xi32> to vector<1xi32>
    %squeeze3A_1282 = vector.extract %slice3A_1281[0] : i32 from vector<1xi32>
    %swap3A_1283 = arith.constant 125 : i32
    %swap3A_1284 = arith.index_cast %swap3A_1283 : i32 to index
    %swap3A_1285 = memref.load %arg8[%swap3A_1284] : memref<128xi32, #tpu.memory_space<smem>>
    memref.store %squeeze3A_1282, %arg8[%swap3A_1284] : memref<128xi32, #tpu.memory_space<smem>>
    %slice3A_1286 = vector.extract_strided_slice %get3A_1150 {offsets = [13], sizes = [1], strides = [1]} : vector<16xi32> to vector<1xi32>
    %squeeze3A_1287 = vector.extract %slice3A_1286[0] : i32 from vector<1xi32>
    %swap3A_1288 = arith.constant 125 : i32
    %swap3A_1289 = arith.index_cast %swap3A_1288 : i32 to index
    %swap3A_1290 = memref.load %arg9[%swap3A_1289] : memref<128xi32, #tpu.memory_space<smem>>
    memref.store %squeeze3A_1287, %arg9[%swap3A_1289] : memref<128xi32, #tpu.memory_space<smem>>
    %slice3A_1291 = vector.extract_strided_slice %get3A_1148 {offsets = [14], sizes = [1], strides = [1]} : vector<16xi32> to vector<1xi32>
    %squeeze3A_1292 = vector.extract %slice3A_1291[0] : i32 from vector<1xi32>
    %swap3A_1293 = arith.constant 126 : i32
    %swap3A_1294 = arith.index_cast %swap3A_1293 : i32 to index
    %swap3A_1295 = memref.load %arg8[%swap3A_1294] : memref<128xi32, #tpu.memory_space<smem>>
    memref.store %squeeze3A_1292, %arg8[%swap3A_1294] : memref<128xi32, #tpu.memory_space<smem>>
    %slice3A_1296 = vector.extract_strided_slice %get3A_1150 {offsets = [14], sizes = [1], strides = [1]} : vector<16xi32> to vector<1xi32>
    %squeeze3A_1297 = vector.extract %slice3A_1296[0] : i32 from vector<1xi32>
    %swap3A_1298 = arith.constant 126 : i32
    %swap3A_1299 = arith.index_cast %swap3A_1298 : i32 to index
    %swap3A_1300 = memref.load %arg9[%swap3A_1299] : memref<128xi32, #tpu.memory_space<smem>>
    memref.store %squeeze3A_1297, %arg9[%swap3A_1299] : memref<128xi32, #tpu.memory_space<smem>>
    %slice3A_1301 = vector.extract_strided_slice %get3A_1148 {offsets = [15], sizes = [1], strides = [1]} : vector<16xi32> to vector<1xi32>
    %squeeze3A_1302 = vector.extract %slice3A_1301[0] : i32 from vector<1xi32>
    %swap3A_1303 = arith.constant 127 : i32
    %swap3A_1304 = arith.index_cast %swap3A_1303 : i32 to index
    %swap3A_1305 = memref.load %arg8[%swap3A_1304] : memref<128xi32, #tpu.memory_space<smem>>
    memref.store %squeeze3A_1302, %arg8[%swap3A_1304] : memref<128xi32, #tpu.memory_space<smem>>
    %slice3A_1306 = vector.extract_strided_slice %get3A_1150 {offsets = [15], sizes = [1], strides = [1]} : vector<16xi32> to vector<1xi32>
    %squeeze3A_1307 = vector.extract %slice3A_1306[0] : i32 from vector<1xi32>
    %swap3A_1308 = arith.constant 127 : i32
    %swap3A_1309 = arith.index_cast %swap3A_1308 : i32 to index
    %swap3A_1310 = memref.load %arg9[%swap3A_1309] : memref<128xi32, #tpu.memory_space<smem>>
    memref.store %squeeze3A_1307, %arg9[%swap3A_1309] : memref<128xi32, #tpu.memory_space<smem>>
    %get3A_1311 = arith.constant 0 : i32
    %get3A_1312 = arith.index_cast %get3A_1311 : i32 to index
    %get3A_1313 = memref.load %arg8[%get3A_1312] : memref<128xi32, #tpu.memory_space<smem>>
    %and3A = arith.constant -128 : i32
    %and3A_1314 = arith.andi %get3A_1313, %and3A : i32
    %multiple_of3A = tpu.assume_multiple %and3A_1314, 128 : i32
    %get3A_1315 = arith.constant 0 : i32
    %get3A_1316 = arith.index_cast %get3A_1315 : i32 to index
    %get3A_1317 = memref.load %arg9[%get3A_1316] : memref<128xi32, #tpu.memory_space<smem>>
    %and3A_1318 = arith.constant -128 : i32
    %and3A_1319 = arith.andi %get3A_1317, %and3A_1318 : i32
    %multiple_of3A_1320 = tpu.assume_multiple %and3A_1319, 128 : i32
    %dma_start3A = arith.constant 0 : i32
    %dma_start3A_1321 = arith.constant 0 : i32
    %dma_start3A_1322 = arith.constant 0 : i32
    %dma_start3A_1323 = tpu.memref_slice %arg12[%dma_start3A, %dma_start3A_1321, %dma_start3A_1322] : memref<8x32x128xf32, #tpu.memory_space<vmem>> -> memref<1x32x128xf32, #tpu.memory_space<vmem>>
    %dma_start3A_1324 = tpu.memref_squeeze %dma_start3A_1323 : memref<1x32x128xf32, #tpu.memory_space<vmem>> -> memref<32x128xf32, #tpu.memory_space<vmem>>
    %dma_start3A_1325 = arith.constant 0 : i32
    %dma_start3A_1326 = tpu.memref_slice %arg4[%dma_start3A_1325, %multiple_of3A] : memref<32x1000000xf32, #tpu.memory_space<hbm>> -> memref<32x128xf32, #tpu.memory_space<hbm>>
    %dma_start3A_1327 = arith.constant 0 : i32
    %dma_start3A_1328 = arith.constant 0 : i32
    %dma_start3A_1329 = tpu.memref_slice %arg12[%dma_start3A, %dma_start3A_1327, %dma_start3A_1328] : memref<8x32x128xf32, #tpu.memory_space<vmem>> -> memref<1x32x128xf32, #tpu.memory_space<vmem>>
    %dma_start3A_1330 = tpu.memref_squeeze %dma_start3A_1329 : memref<1x32x128xf32, #tpu.memory_space<vmem>> -> memref<32x128xf32, #tpu.memory_space<vmem>>
    %dma_start3A_1331 = arith.constant 0 : i32
    %dma_start3A_1332 = tpu.memref_slice %arg4[%dma_start3A_1331, %multiple_of3A] : memref<32x1000000xf32, #tpu.memory_space<hbm>> -> memref<32x128xf32, #tpu.memory_space<hbm>>
    tpu.enqueue_dma source(%dma_start3A_1332 : memref<32x128xf32, #tpu.memory_space<hbm>>) target(%dma_start3A_1330 : memref<32x128xf32, #tpu.memory_space<vmem>>) target_semaphore(%arg16 : memref<!tpu.dma_semaphore, #tpu.memory_space<semaphore_mem>>)
    %dma_start3A_1333 = arith.constant 0 : i32
    %dma_start3A_1334 = arith.constant 0 : i32
    %dma_start3A_1335 = arith.constant 0 : i32
    %dma_start3A_1336 = tpu.memref_slice %arg13[%dma_start3A_1333, %dma_start3A_1334, %dma_start3A_1335] : memref<8x32x128xf32, #tpu.memory_space<vmem>> -> memref<1x32x128xf32, #tpu.memory_space<vmem>>
    %dma_start3A_1337 = tpu.memref_squeeze %dma_start3A_1336 : memref<1x32x128xf32, #tpu.memory_space<vmem>> -> memref<32x128xf32, #tpu.memory_space<vmem>>
    %dma_start3A_1338 = arith.constant 0 : i32
    %dma_start3A_1339 = tpu.memref_slice %arg5[%dma_start3A_1338, %multiple_of3A_1320] : memref<32x1000000xf32, #tpu.memory_space<hbm>> -> memref<32x128xf32, #tpu.memory_space<hbm>>
    %dma_start3A_1340 = arith.constant 0 : i32
    %dma_start3A_1341 = arith.constant 0 : i32
    %dma_start3A_1342 = tpu.memref_slice %arg13[%dma_start3A_1333, %dma_start3A_1340, %dma_start3A_1341] : memref<8x32x128xf32, #tpu.memory_space<vmem>> -> memref<1x32x128xf32, #tpu.memory_space<vmem>>
    %dma_start3A_1343 = tpu.memref_squeeze %dma_start3A_1342 : memref<1x32x128xf32, #tpu.memory_space<vmem>> -> memref<32x128xf32, #tpu.memory_space<vmem>>
    %dma_start3A_1344 = arith.constant 0 : i32
    %dma_start3A_1345 = tpu.memref_slice %arg5[%dma_start3A_1344, %multiple_of3A_1320] : memref<32x1000000xf32, #tpu.memory_space<hbm>> -> memref<32x128xf32, #tpu.memory_space<hbm>>
    tpu.enqueue_dma source(%dma_start3A_1345 : memref<32x128xf32, #tpu.memory_space<hbm>>) target(%dma_start3A_1343 : memref<32x128xf32, #tpu.memory_space<vmem>>) target_semaphore(%arg24 : memref<!tpu.dma_semaphore, #tpu.memory_space<semaphore_mem>>)
    %get3A_1346 = arith.constant 1 : i32
    %get3A_1347 = arith.index_cast %get3A_1346 : i32 to index
    %get3A_1348 = memref.load %arg8[%get3A_1347] : memref<128xi32, #tpu.memory_space<smem>>
    %and3A_1349 = arith.constant -128 : i32
    %and3A_1350 = arith.andi %get3A_1348, %and3A_1349 : i32
    %multiple_of3A_1351 = tpu.assume_multiple %and3A_1350, 128 : i32
    %get3A_1352 = arith.constant 1 : i32
    %get3A_1353 = arith.index_cast %get3A_1352 : i32 to index
    %get3A_1354 = memref.load %arg9[%get3A_1353] : memref<128xi32, #tpu.memory_space<smem>>
    %and3A_1355 = arith.constant -128 : i32
    %and3A_1356 = arith.andi %get3A_1354, %and3A_1355 : i32
    %multiple_of3A_1357 = tpu.assume_multiple %and3A_1356, 128 : i32
    %dma_start3A_1358 = arith.constant 1 : i32
    %dma_start3A_1359 = arith.constant 0 : i32
    %dma_start3A_1360 = arith.constant 0 : i32
    %dma_start3A_1361 = tpu.memref_slice %arg12[%dma_start3A_1358, %dma_start3A_1359, %dma_start3A_1360] : memref<8x32x128xf32, #tpu.memory_space<vmem>> -> memref<1x32x128xf32, #tpu.memory_space<vmem>>
    %dma_start3A_1362 = tpu.memref_squeeze %dma_start3A_1361 : memref<1x32x128xf32, #tpu.memory_space<vmem>> -> memref<32x128xf32, #tpu.memory_space<vmem>>
    %dma_start3A_1363 = arith.constant 0 : i32
    %dma_start3A_1364 = tpu.memref_slice %arg4[%dma_start3A_1363, %multiple_of3A_1351] : memref<32x1000000xf32, #tpu.memory_space<hbm>> -> memref<32x128xf32, #tpu.memory_space<hbm>>
    %dma_start3A_1365 = arith.constant 0 : i32
    %dma_start3A_1366 = arith.constant 0 : i32
    %dma_start3A_1367 = tpu.memref_slice %arg12[%dma_start3A_1358, %dma_start3A_1365, %dma_start3A_1366] : memref<8x32x128xf32, #tpu.memory_space<vmem>> -> memref<1x32x128xf32, #tpu.memory_space<vmem>>
    %dma_start3A_1368 = tpu.memref_squeeze %dma_start3A_1367 : memref<1x32x128xf32, #tpu.memory_space<vmem>> -> memref<32x128xf32, #tpu.memory_space<vmem>>
    %dma_start3A_1369 = arith.constant 0 : i32
    %dma_start3A_1370 = tpu.memref_slice %arg4[%dma_start3A_1369, %multiple_of3A_1351] : memref<32x1000000xf32, #tpu.memory_space<hbm>> -> memref<32x128xf32, #tpu.memory_space<hbm>>
    tpu.enqueue_dma source(%dma_start3A_1370 : memref<32x128xf32, #tpu.memory_space<hbm>>) target(%dma_start3A_1368 : memref<32x128xf32, #tpu.memory_space<vmem>>) target_semaphore(%arg17 : memref<!tpu.dma_semaphore, #tpu.memory_space<semaphore_mem>>)
    %dma_start3A_1371 = arith.constant 1 : i32
    %dma_start3A_1372 = arith.constant 0 : i32
    %dma_start3A_1373 = arith.constant 0 : i32
    %dma_start3A_1374 = tpu.memref_slice %arg13[%dma_start3A_1371, %dma_start3A_1372, %dma_start3A_1373] : memref<8x32x128xf32, #tpu.memory_space<vmem>> -> memref<1x32x128xf32, #tpu.memory_space<vmem>>
    %dma_start3A_1375 = tpu.memref_squeeze %dma_start3A_1374 : memref<1x32x128xf32, #tpu.memory_space<vmem>> -> memref<32x128xf32, #tpu.memory_space<vmem>>
    %dma_start3A_1376 = arith.constant 0 : i32
    %dma_start3A_1377 = tpu.memref_slice %arg5[%dma_start3A_1376, %multiple_of3A_1357] : memref<32x1000000xf32, #tpu.memory_space<hbm>> -> memref<32x128xf32, #tpu.memory_space<hbm>>
    %dma_start3A_1378 = arith.constant 0 : i32
    %dma_start3A_1379 = arith.constant 0 : i32
    %dma_start3A_1380 = tpu.memref_slice %arg13[%dma_start3A_1371, %dma_start3A_1378, %dma_start3A_1379] : memref<8x32x128xf32, #tpu.memory_space<vmem>> -> memref<1x32x128xf32, #tpu.memory_space<vmem>>
    %dma_start3A_1381 = tpu.memref_squeeze %dma_start3A_1380 : memref<1x32x128xf32, #tpu.memory_space<vmem>> -> memref<32x128xf32, #tpu.memory_space<vmem>>
    %dma_start3A_1382 = arith.constant 0 : i32
    %dma_start3A_1383 = tpu.memref_slice %arg5[%dma_start3A_1382, %multiple_of3A_1357] : memref<32x1000000xf32, #tpu.memory_space<hbm>> -> memref<32x128xf32, #tpu.memory_space<hbm>>
    tpu.enqueue_dma source(%dma_start3A_1383 : memref<32x128xf32, #tpu.memory_space<hbm>>) target(%dma_start3A_1381 : memref<32x128xf32, #tpu.memory_space<vmem>>) target_semaphore(%arg25 : memref<!tpu.dma_semaphore, #tpu.memory_space<semaphore_mem>>)
    %get3A_1384 = arith.constant 2 : i32
    %get3A_1385 = arith.index_cast %get3A_1384 : i32 to index
    %get3A_1386 = memref.load %arg8[%get3A_1385] : memref<128xi32, #tpu.memory_space<smem>>
    %and3A_1387 = arith.constant -128 : i32
    %and3A_1388 = arith.andi %get3A_1386, %and3A_1387 : i32
    %multiple_of3A_1389 = tpu.assume_multiple %and3A_1388, 128 : i32
    %get3A_1390 = arith.constant 2 : i32
    %get3A_1391 = arith.index_cast %get3A_1390 : i32 to index
    %get3A_1392 = memref.load %arg9[%get3A_1391] : memref<128xi32, #tpu.memory_space<smem>>
    %and3A_1393 = arith.constant -128 : i32
    %and3A_1394 = arith.andi %get3A_1392, %and3A_1393 : i32
    %multiple_of3A_1395 = tpu.assume_multiple %and3A_1394, 128 : i32
    %dma_start3A_1396 = arith.constant 2 : i32
    %dma_start3A_1397 = arith.constant 0 : i32
    %dma_start3A_1398 = arith.constant 0 : i32
    %dma_start3A_1399 = tpu.memref_slice %arg12[%dma_start3A_1396, %dma_start3A_1397, %dma_start3A_1398] : memref<8x32x128xf32, #tpu.memory_space<vmem>> -> memref<1x32x128xf32, #tpu.memory_space<vmem>>
    %dma_start3A_1400 = tpu.memref_squeeze %dma_start3A_1399 : memref<1x32x128xf32, #tpu.memory_space<vmem>> -> memref<32x128xf32, #tpu.memory_space<vmem>>
    %dma_start3A_1401 = arith.constant 0 : i32
    %dma_start3A_1402 = tpu.memref_slice %arg4[%dma_start3A_1401, %multiple_of3A_1389] : memref<32x1000000xf32, #tpu.memory_space<hbm>> -> memref<32x128xf32, #tpu.memory_space<hbm>>
    %dma_start3A_1403 = arith.constant 0 : i32
    %dma_start3A_1404 = arith.constant 0 : i32
    %dma_start3A_1405 = tpu.memref_slice %arg12[%dma_start3A_1396, %dma_start3A_1403, %dma_start3A_1404] : memref<8x32x128xf32, #tpu.memory_space<vmem>> -> memref<1x32x128xf32, #tpu.memory_space<vmem>>
    %dma_start3A_1406 = tpu.memref_squeeze %dma_start3A_1405 : memref<1x32x128xf32, #tpu.memory_space<vmem>> -> memref<32x128xf32, #tpu.memory_space<vmem>>
    %dma_start3A_1407 = arith.constant 0 : i32
    %dma_start3A_1408 = tpu.memref_slice %arg4[%dma_start3A_1407, %multiple_of3A_1389] : memref<32x1000000xf32, #tpu.memory_space<hbm>> -> memref<32x128xf32, #tpu.memory_space<hbm>>
    tpu.enqueue_dma source(%dma_start3A_1408 : memref<32x128xf32, #tpu.memory_space<hbm>>) target(%dma_start3A_1406 : memref<32x128xf32, #tpu.memory_space<vmem>>) target_semaphore(%arg18 : memref<!tpu.dma_semaphore, #tpu.memory_space<semaphore_mem>>)
    %dma_start3A_1409 = arith.constant 2 : i32
    %dma_start3A_1410 = arith.constant 0 : i32
    %dma_start3A_1411 = arith.constant 0 : i32
    %dma_start3A_1412 = tpu.memref_slice %arg13[%dma_start3A_1409, %dma_start3A_1410, %dma_start3A_1411] : memref<8x32x128xf32, #tpu.memory_space<vmem>> -> memref<1x32x128xf32, #tpu.memory_space<vmem>>
    %dma_start3A_1413 = tpu.memref_squeeze %dma_start3A_1412 : memref<1x32x128xf32, #tpu.memory_space<vmem>> -> memref<32x128xf32, #tpu.memory_space<vmem>>
    %dma_start3A_1414 = arith.constant 0 : i32
    %dma_start3A_1415 = tpu.memref_slice %arg5[%dma_start3A_1414, %multiple_of3A_1395] : memref<32x1000000xf32, #tpu.memory_space<hbm>> -> memref<32x128xf32, #tpu.memory_space<hbm>>
    %dma_start3A_1416 = arith.constant 0 : i32
    %dma_start3A_1417 = arith.constant 0 : i32
    %dma_start3A_1418 = tpu.memref_slice %arg13[%dma_start3A_1409, %dma_start3A_1416, %dma_start3A_1417] : memref<8x32x128xf32, #tpu.memory_space<vmem>> -> memref<1x32x128xf32, #tpu.memory_space<vmem>>
    %dma_start3A_1419 = tpu.memref_squeeze %dma_start3A_1418 : memref<1x32x128xf32, #tpu.memory_space<vmem>> -> memref<32x128xf32, #tpu.memory_space<vmem>>
    %dma_start3A_1420 = arith.constant 0 : i32
    %dma_start3A_1421 = tpu.memref_slice %arg5[%dma_start3A_1420, %multiple_of3A_1395] : memref<32x1000000xf32, #tpu.memory_space<hbm>> -> memref<32x128xf32, #tpu.memory_space<hbm>>
    tpu.enqueue_dma source(%dma_start3A_1421 : memref<32x128xf32, #tpu.memory_space<hbm>>) target(%dma_start3A_1419 : memref<32x128xf32, #tpu.memory_space<vmem>>) target_semaphore(%arg26 : memref<!tpu.dma_semaphore, #tpu.memory_space<semaphore_mem>>)
    %get3A_1422 = arith.constant 3 : i32
    %get3A_1423 = arith.index_cast %get3A_1422 : i32 to index
    %get3A_1424 = memref.load %arg8[%get3A_1423] : memref<128xi32, #tpu.memory_space<smem>>
    %and3A_1425 = arith.constant -128 : i32
    %and3A_1426 = arith.andi %get3A_1424, %and3A_1425 : i32
    %multiple_of3A_1427 = tpu.assume_multiple %and3A_1426, 128 : i32
    %get3A_1428 = arith.constant 3 : i32
    %get3A_1429 = arith.index_cast %get3A_1428 : i32 to index
    %get3A_1430 = memref.load %arg9[%get3A_1429] : memref<128xi32, #tpu.memory_space<smem>>
    %and3A_1431 = arith.constant -128 : i32
    %and3A_1432 = arith.andi %get3A_1430, %and3A_1431 : i32
    %multiple_of3A_1433 = tpu.assume_multiple %and3A_1432, 128 : i32
    %dma_start3A_1434 = arith.constant 3 : i32
    %dma_start3A_1435 = arith.constant 0 : i32
    %dma_start3A_1436 = arith.constant 0 : i32
    %dma_start3A_1437 = tpu.memref_slice %arg12[%dma_start3A_1434, %dma_start3A_1435, %dma_start3A_1436] : memref<8x32x128xf32, #tpu.memory_space<vmem>> -> memref<1x32x128xf32, #tpu.memory_space<vmem>>
    %dma_start3A_1438 = tpu.memref_squeeze %dma_start3A_1437 : memref<1x32x128xf32, #tpu.memory_space<vmem>> -> memref<32x128xf32, #tpu.memory_space<vmem>>
    %dma_start3A_1439 = arith.constant 0 : i32
    %dma_start3A_1440 = tpu.memref_slice %arg4[%dma_start3A_1439, %multiple_of3A_1427] : memref<32x1000000xf32, #tpu.memory_space<hbm>> -> memref<32x128xf32, #tpu.memory_space<hbm>>
    %dma_start3A_1441 = arith.constant 0 : i32
    %dma_start3A_1442 = arith.constant 0 : i32
    %dma_start3A_1443 = tpu.memref_slice %arg12[%dma_start3A_1434, %dma_start3A_1441, %dma_start3A_1442] : memref<8x32x128xf32, #tpu.memory_space<vmem>> -> memref<1x32x128xf32, #tpu.memory_space<vmem>>
    %dma_start3A_1444 = tpu.memref_squeeze %dma_start3A_1443 : memref<1x32x128xf32, #tpu.memory_space<vmem>> -> memref<32x128xf32, #tpu.memory_space<vmem>>
    %dma_start3A_1445 = arith.constant 0 : i32
    %dma_start3A_1446 = tpu.memref_slice %arg4[%dma_start3A_1445, %multiple_of3A_1427] : memref<32x1000000xf32, #tpu.memory_space<hbm>> -> memref<32x128xf32, #tpu.memory_space<hbm>>
    tpu.enqueue_dma source(%dma_start3A_1446 : memref<32x128xf32, #tpu.memory_space<hbm>>) target(%dma_start3A_1444 : memref<32x128xf32, #tpu.memory_space<vmem>>) target_semaphore(%arg19 : memref<!tpu.dma_semaphore, #tpu.memory_space<semaphore_mem>>)
    %dma_start3A_1447 = arith.constant 3 : i32
    %dma_start3A_1448 = arith.constant 0 : i32
    %dma_start3A_1449 = arith.constant 0 : i32
    %dma_start3A_1450 = tpu.memref_slice %arg13[%dma_start3A_1447, %dma_start3A_1448, %dma_start3A_1449] : memref<8x32x128xf32, #tpu.memory_space<vmem>> -> memref<1x32x128xf32, #tpu.memory_space<vmem>>
    %dma_start3A_1451 = tpu.memref_squeeze %dma_start3A_1450 : memref<1x32x128xf32, #tpu.memory_space<vmem>> -> memref<32x128xf32, #tpu.memory_space<vmem>>
    %dma_start3A_1452 = arith.constant 0 : i32
    %dma_start3A_1453 = tpu.memref_slice %arg5[%dma_start3A_1452, %multiple_of3A_1433] : memref<32x1000000xf32, #tpu.memory_space<hbm>> -> memref<32x128xf32, #tpu.memory_space<hbm>>
    %dma_start3A_1454 = arith.constant 0 : i32
    %dma_start3A_1455 = arith.constant 0 : i32
    %dma_start3A_1456 = tpu.memref_slice %arg13[%dma_start3A_1447, %dma_start3A_1454, %dma_start3A_1455] : memref<8x32x128xf32, #tpu.memory_space<vmem>> -> memref<1x32x128xf32, #tpu.memory_space<vmem>>
    %dma_start3A_1457 = tpu.memref_squeeze %dma_start3A_1456 : memref<1x32x128xf32, #tpu.memory_space<vmem>> -> memref<32x128xf32, #tpu.memory_space<vmem>>
    %dma_start3A_1458 = arith.constant 0 : i32
    %dma_start3A_1459 = tpu.memref_slice %arg5[%dma_start3A_1458, %multiple_of3A_1433] : memref<32x1000000xf32, #tpu.memory_space<hbm>> -> memref<32x128xf32, #tpu.memory_space<hbm>>
    tpu.enqueue_dma source(%dma_start3A_1459 : memref<32x128xf32, #tpu.memory_space<hbm>>) target(%dma_start3A_1457 : memref<32x128xf32, #tpu.memory_space<vmem>>) target_semaphore(%arg27 : memref<!tpu.dma_semaphore, #tpu.memory_space<semaphore_mem>>)
    %get3A_1460 = arith.constant 4 : i32
    %get3A_1461 = arith.index_cast %get3A_1460 : i32 to index
    %get3A_1462 = memref.load %arg8[%get3A_1461] : memref<128xi32, #tpu.memory_space<smem>>
    %and3A_1463 = arith.constant -128 : i32
    %and3A_1464 = arith.andi %get3A_1462, %and3A_1463 : i32
    %multiple_of3A_1465 = tpu.assume_multiple %and3A_1464, 128 : i32
    %get3A_1466 = arith.constant 4 : i32
    %get3A_1467 = arith.index_cast %get3A_1466 : i32 to index
    %get3A_1468 = memref.load %arg9[%get3A_1467] : memref<128xi32, #tpu.memory_space<smem>>
    %and3A_1469 = arith.constant -128 : i32
    %and3A_1470 = arith.andi %get3A_1468, %and3A_1469 : i32
    %multiple_of3A_1471 = tpu.assume_multiple %and3A_1470, 128 : i32
    %dma_start3A_1472 = arith.constant 4 : i32
    %dma_start3A_1473 = arith.constant 0 : i32
    %dma_start3A_1474 = arith.constant 0 : i32
    %dma_start3A_1475 = tpu.memref_slice %arg12[%dma_start3A_1472, %dma_start3A_1473, %dma_start3A_1474] : memref<8x32x128xf32, #tpu.memory_space<vmem>> -> memref<1x32x128xf32, #tpu.memory_space<vmem>>
    %dma_start3A_1476 = tpu.memref_squeeze %dma_start3A_1475 : memref<1x32x128xf32, #tpu.memory_space<vmem>> -> memref<32x128xf32, #tpu.memory_space<vmem>>
    %dma_start3A_1477 = arith.constant 0 : i32
    %dma_start3A_1478 = tpu.memref_slice %arg4[%dma_start3A_1477, %multiple_of3A_1465] : memref<32x1000000xf32, #tpu.memory_space<hbm>> -> memref<32x128xf32, #tpu.memory_space<hbm>>
    %dma_start3A_1479 = arith.constant 0 : i32
    %dma_start3A_1480 = arith.constant 0 : i32
    %dma_start3A_1481 = tpu.memref_slice %arg12[%dma_start3A_1472, %dma_start3A_1479, %dma_start3A_1480] : memref<8x32x128xf32, #tpu.memory_space<vmem>> -> memref<1x32x128xf32, #tpu.memory_space<vmem>>
    %dma_start3A_1482 = tpu.memref_squeeze %dma_start3A_1481 : memref<1x32x128xf32, #tpu.memory_space<vmem>> -> memref<32x128xf32, #tpu.memory_space<vmem>>
    %dma_start3A_1483 = arith.constant 0 : i32
    %dma_start3A_1484 = tpu.memref_slice %arg4[%dma_start3A_1483, %multiple_of3A_1465] : memref<32x1000000xf32, #tpu.memory_space<hbm>> -> memref<32x128xf32, #tpu.memory_space<hbm>>
    tpu.enqueue_dma source(%dma_start3A_1484 : memref<32x128xf32, #tpu.memory_space<hbm>>) target(%dma_start3A_1482 : memref<32x128xf32, #tpu.memory_space<vmem>>) target_semaphore(%arg20 : memref<!tpu.dma_semaphore, #tpu.memory_space<semaphore_mem>>)
    %dma_start3A_1485 = arith.constant 4 : i32
    %dma_start3A_1486 = arith.constant 0 : i32
    %dma_start3A_1487 = arith.constant 0 : i32
    %dma_start3A_1488 = tpu.memref_slice %arg13[%dma_start3A_1485, %dma_start3A_1486, %dma_start3A_1487] : memref<8x32x128xf32, #tpu.memory_space<vmem>> -> memref<1x32x128xf32, #tpu.memory_space<vmem>>
    %dma_start3A_1489 = tpu.memref_squeeze %dma_start3A_1488 : memref<1x32x128xf32, #tpu.memory_space<vmem>> -> memref<32x128xf32, #tpu.memory_space<vmem>>
    %dma_start3A_1490 = arith.constant 0 : i32
    %dma_start3A_1491 = tpu.memref_slice %arg5[%dma_start3A_1490, %multiple_of3A_1471] : memref<32x1000000xf32, #tpu.memory_space<hbm>> -> memref<32x128xf32, #tpu.memory_space<hbm>>
    %dma_start3A_1492 = arith.constant 0 : i32
    %dma_start3A_1493 = arith.constant 0 : i32
    %dma_start3A_1494 = tpu.memref_slice %arg13[%dma_start3A_1485, %dma_start3A_1492, %dma_start3A_1493] : memref<8x32x128xf32, #tpu.memory_space<vmem>> -> memref<1x32x128xf32, #tpu.memory_space<vmem>>
    %dma_start3A_1495 = tpu.memref_squeeze %dma_start3A_1494 : memref<1x32x128xf32, #tpu.memory_space<vmem>> -> memref<32x128xf32, #tpu.memory_space<vmem>>
    %dma_start3A_1496 = arith.constant 0 : i32
    %dma_start3A_1497 = tpu.memref_slice %arg5[%dma_start3A_1496, %multiple_of3A_1471] : memref<32x1000000xf32, #tpu.memory_space<hbm>> -> memref<32x128xf32, #tpu.memory_space<hbm>>
    tpu.enqueue_dma source(%dma_start3A_1497 : memref<32x128xf32, #tpu.memory_space<hbm>>) target(%dma_start3A_1495 : memref<32x128xf32, #tpu.memory_space<vmem>>) target_semaphore(%arg28 : memref<!tpu.dma_semaphore, #tpu.memory_space<semaphore_mem>>)
    %get3A_1498 = arith.constant 5 : i32
    %get3A_1499 = arith.index_cast %get3A_1498 : i32 to index
    %get3A_1500 = memref.load %arg8[%get3A_1499] : memref<128xi32, #tpu.memory_space<smem>>
    %and3A_1501 = arith.constant -128 : i32
    %and3A_1502 = arith.andi %get3A_1500, %and3A_1501 : i32
    %multiple_of3A_1503 = tpu.assume_multiple %and3A_1502, 128 : i32
    %get3A_1504 = arith.constant 5 : i32
    %get3A_1505 = arith.index_cast %get3A_1504 : i32 to index
    %get3A_1506 = memref.load %arg9[%get3A_1505] : memref<128xi32, #tpu.memory_space<smem>>
    %and3A_1507 = arith.constant -128 : i32
    %and3A_1508 = arith.andi %get3A_1506, %and3A_1507 : i32
    %multiple_of3A_1509 = tpu.assume_multiple %and3A_1508, 128 : i32
    %dma_start3A_1510 = arith.constant 5 : i32
    %dma_start3A_1511 = arith.constant 0 : i32
    %dma_start3A_1512 = arith.constant 0 : i32
    %dma_start3A_1513 = tpu.memref_slice %arg12[%dma_start3A_1510, %dma_start3A_1511, %dma_start3A_1512] : memref<8x32x128xf32, #tpu.memory_space<vmem>> -> memref<1x32x128xf32, #tpu.memory_space<vmem>>
    %dma_start3A_1514 = tpu.memref_squeeze %dma_start3A_1513 : memref<1x32x128xf32, #tpu.memory_space<vmem>> -> memref<32x128xf32, #tpu.memory_space<vmem>>
    %dma_start3A_1515 = arith.constant 0 : i32
    %dma_start3A_1516 = tpu.memref_slice %arg4[%dma_start3A_1515, %multiple_of3A_1503] : memref<32x1000000xf32, #tpu.memory_space<hbm>> -> memref<32x128xf32, #tpu.memory_space<hbm>>
    %dma_start3A_1517 = arith.constant 0 : i32
    %dma_start3A_1518 = arith.constant 0 : i32
    %dma_start3A_1519 = tpu.memref_slice %arg12[%dma_start3A_1510, %dma_start3A_1517, %dma_start3A_1518] : memref<8x32x128xf32, #tpu.memory_space<vmem>> -> memref<1x32x128xf32, #tpu.memory_space<vmem>>
    %dma_start3A_1520 = tpu.memref_squeeze %dma_start3A_1519 : memref<1x32x128xf32, #tpu.memory_space<vmem>> -> memref<32x128xf32, #tpu.memory_space<vmem>>
    %dma_start3A_1521 = arith.constant 0 : i32
    %dma_start3A_1522 = tpu.memref_slice %arg4[%dma_start3A_1521, %multiple_of3A_1503] : memref<32x1000000xf32, #tpu.memory_space<hbm>> -> memref<32x128xf32, #tpu.memory_space<hbm>>
    tpu.enqueue_dma source(%dma_start3A_1522 : memref<32x128xf32, #tpu.memory_space<hbm>>) target(%dma_start3A_1520 : memref<32x128xf32, #tpu.memory_space<vmem>>) target_semaphore(%arg21 : memref<!tpu.dma_semaphore, #tpu.memory_space<semaphore_mem>>)
    %dma_start3A_1523 = arith.constant 5 : i32
    %dma_start3A_1524 = arith.constant 0 : i32
    %dma_start3A_1525 = arith.constant 0 : i32
    %dma_start3A_1526 = tpu.memref_slice %arg13[%dma_start3A_1523, %dma_start3A_1524, %dma_start3A_1525] : memref<8x32x128xf32, #tpu.memory_space<vmem>> -> memref<1x32x128xf32, #tpu.memory_space<vmem>>
    %dma_start3A_1527 = tpu.memref_squeeze %dma_start3A_1526 : memref<1x32x128xf32, #tpu.memory_space<vmem>> -> memref<32x128xf32, #tpu.memory_space<vmem>>
    %dma_start3A_1528 = arith.constant 0 : i32
    %dma_start3A_1529 = tpu.memref_slice %arg5[%dma_start3A_1528, %multiple_of3A_1509] : memref<32x1000000xf32, #tpu.memory_space<hbm>> -> memref<32x128xf32, #tpu.memory_space<hbm>>
    %dma_start3A_1530 = arith.constant 0 : i32
    %dma_start3A_1531 = arith.constant 0 : i32
    %dma_start3A_1532 = tpu.memref_slice %arg13[%dma_start3A_1523, %dma_start3A_1530, %dma_start3A_1531] : memref<8x32x128xf32, #tpu.memory_space<vmem>> -> memref<1x32x128xf32, #tpu.memory_space<vmem>>
    %dma_start3A_1533 = tpu.memref_squeeze %dma_start3A_1532 : memref<1x32x128xf32, #tpu.memory_space<vmem>> -> memref<32x128xf32, #tpu.memory_space<vmem>>
    %dma_start3A_1534 = arith.constant 0 : i32
    %dma_start3A_1535 = tpu.memref_slice %arg5[%dma_start3A_1534, %multiple_of3A_1509] : memref<32x1000000xf32, #tpu.memory_space<hbm>> -> memref<32x128xf32, #tpu.memory_space<hbm>>
    tpu.enqueue_dma source(%dma_start3A_1535 : memref<32x128xf32, #tpu.memory_space<hbm>>) target(%dma_start3A_1533 : memref<32x128xf32, #tpu.memory_space<vmem>>) target_semaphore(%arg29 : memref<!tpu.dma_semaphore, #tpu.memory_space<semaphore_mem>>)
    %get3A_1536 = arith.constant 6 : i32
    %get3A_1537 = arith.index_cast %get3A_1536 : i32 to index
    %get3A_1538 = memref.load %arg8[%get3A_1537] : memref<128xi32, #tpu.memory_space<smem>>
    %and3A_1539 = arith.constant -128 : i32
    %and3A_1540 = arith.andi %get3A_1538, %and3A_1539 : i32
    %multiple_of3A_1541 = tpu.assume_multiple %and3A_1540, 128 : i32
    %get3A_1542 = arith.constant 6 : i32
    %get3A_1543 = arith.index_cast %get3A_1542 : i32 to index
    %get3A_1544 = memref.load %arg9[%get3A_1543] : memref<128xi32, #tpu.memory_space<smem>>
    %and3A_1545 = arith.constant -128 : i32
    %and3A_1546 = arith.andi %get3A_1544, %and3A_1545 : i32
    %multiple_of3A_1547 = tpu.assume_multiple %and3A_1546, 128 : i32
    %dma_start3A_1548 = arith.constant 6 : i32
    %dma_start3A_1549 = arith.constant 0 : i32
    %dma_start3A_1550 = arith.constant 0 : i32
    %dma_start3A_1551 = tpu.memref_slice %arg12[%dma_start3A_1548, %dma_start3A_1549, %dma_start3A_1550] : memref<8x32x128xf32, #tpu.memory_space<vmem>> -> memref<1x32x128xf32, #tpu.memory_space<vmem>>
    %dma_start3A_1552 = tpu.memref_squeeze %dma_start3A_1551 : memref<1x32x128xf32, #tpu.memory_space<vmem>> -> memref<32x128xf32, #tpu.memory_space<vmem>>
    %dma_start3A_1553 = arith.constant 0 : i32
    %dma_start3A_1554 = tpu.memref_slice %arg4[%dma_start3A_1553, %multiple_of3A_1541] : memref<32x1000000xf32, #tpu.memory_space<hbm>> -> memref<32x128xf32, #tpu.memory_space<hbm>>
    %dma_start3A_1555 = arith.constant 0 : i32
    %dma_start3A_1556 = arith.constant 0 : i32
    %dma_start3A_1557 = tpu.memref_slice %arg12[%dma_start3A_1548, %dma_start3A_1555, %dma_start3A_1556] : memref<8x32x128xf32, #tpu.memory_space<vmem>> -> memref<1x32x128xf32, #tpu.memory_space<vmem>>
    %dma_start3A_1558 = tpu.memref_squeeze %dma_start3A_1557 : memref<1x32x128xf32, #tpu.memory_space<vmem>> -> memref<32x128xf32, #tpu.memory_space<vmem>>
    %dma_start3A_1559 = arith.constant 0 : i32
    %dma_start3A_1560 = tpu.memref_slice %arg4[%dma_start3A_1559, %multiple_of3A_1541] : memref<32x1000000xf32, #tpu.memory_space<hbm>> -> memref<32x128xf32, #tpu.memory_space<hbm>>
    tpu.enqueue_dma source(%dma_start3A_1560 : memref<32x128xf32, #tpu.memory_space<hbm>>) target(%dma_start3A_1558 : memref<32x128xf32, #tpu.memory_space<vmem>>) target_semaphore(%arg22 : memref<!tpu.dma_semaphore, #tpu.memory_space<semaphore_mem>>)
    %dma_start3A_1561 = arith.constant 6 : i32
    %dma_start3A_1562 = arith.constant 0 : i32
    %dma_start3A_1563 = arith.constant 0 : i32
    %dma_start3A_1564 = tpu.memref_slice %arg13[%dma_start3A_1561, %dma_start3A_1562, %dma_start3A_1563] : memref<8x32x128xf32, #tpu.memory_space<vmem>> -> memref<1x32x128xf32, #tpu.memory_space<vmem>>
    %dma_start3A_1565 = tpu.memref_squeeze %dma_start3A_1564 : memref<1x32x128xf32, #tpu.memory_space<vmem>> -> memref<32x128xf32, #tpu.memory_space<vmem>>
    %dma_start3A_1566 = arith.constant 0 : i32
    %dma_start3A_1567 = tpu.memref_slice %arg5[%dma_start3A_1566, %multiple_of3A_1547] : memref<32x1000000xf32, #tpu.memory_space<hbm>> -> memref<32x128xf32, #tpu.memory_space<hbm>>
    %dma_start3A_1568 = arith.constant 0 : i32
    %dma_start3A_1569 = arith.constant 0 : i32
    %dma_start3A_1570 = tpu.memref_slice %arg13[%dma_start3A_1561, %dma_start3A_1568, %dma_start3A_1569] : memref<8x32x128xf32, #tpu.memory_space<vmem>> -> memref<1x32x128xf32, #tpu.memory_space<vmem>>
    %dma_start3A_1571 = tpu.memref_squeeze %dma_start3A_1570 : memref<1x32x128xf32, #tpu.memory_space<vmem>> -> memref<32x128xf32, #tpu.memory_space<vmem>>
    %dma_start3A_1572 = arith.constant 0 : i32
    %dma_start3A_1573 = tpu.memref_slice %arg5[%dma_start3A_1572, %multiple_of3A_1547] : memref<32x1000000xf32, #tpu.memory_space<hbm>> -> memref<32x128xf32, #tpu.memory_space<hbm>>
    tpu.enqueue_dma source(%dma_start3A_1573 : memref<32x128xf32, #tpu.memory_space<hbm>>) target(%dma_start3A_1571 : memref<32x128xf32, #tpu.memory_space<vmem>>) target_semaphore(%arg30 : memref<!tpu.dma_semaphore, #tpu.memory_space<semaphore_mem>>)
    %get3A_1574 = arith.constant 7 : i32
    %get3A_1575 = arith.index_cast %get3A_1574 : i32 to index
    %get3A_1576 = memref.load %arg8[%get3A_1575] : memref<128xi32, #tpu.memory_space<smem>>
    %and3A_1577 = arith.constant -128 : i32
    %and3A_1578 = arith.andi %get3A_1576, %and3A_1577 : i32
    %multiple_of3A_1579 = tpu.assume_multiple %and3A_1578, 128 : i32
    %get3A_1580 = arith.constant 7 : i32
    %get3A_1581 = arith.index_cast %get3A_1580 : i32 to index
    %get3A_1582 = memref.load %arg9[%get3A_1581] : memref<128xi32, #tpu.memory_space<smem>>
    %and3A_1583 = arith.constant -128 : i32
    %and3A_1584 = arith.andi %get3A_1582, %and3A_1583 : i32
    %multiple_of3A_1585 = tpu.assume_multiple %and3A_1584, 128 : i32
    %dma_start3A_1586 = arith.constant 7 : i32
    %dma_start3A_1587 = arith.constant 0 : i32
    %dma_start3A_1588 = arith.constant 0 : i32
    %dma_start3A_1589 = tpu.memref_slice %arg12[%dma_start3A_1586, %dma_start3A_1587, %dma_start3A_1588] : memref<8x32x128xf32, #tpu.memory_space<vmem>> -> memref<1x32x128xf32, #tpu.memory_space<vmem>>
    %dma_start3A_1590 = tpu.memref_squeeze %dma_start3A_1589 : memref<1x32x128xf32, #tpu.memory_space<vmem>> -> memref<32x128xf32, #tpu.memory_space<vmem>>
    %dma_start3A_1591 = arith.constant 0 : i32
    %dma_start3A_1592 = tpu.memref_slice %arg4[%dma_start3A_1591, %multiple_of3A_1579] : memref<32x1000000xf32, #tpu.memory_space<hbm>> -> memref<32x128xf32, #tpu.memory_space<hbm>>
    %dma_start3A_1593 = arith.constant 0 : i32
    %dma_start3A_1594 = arith.constant 0 : i32
    %dma_start3A_1595 = tpu.memref_slice %arg12[%dma_start3A_1586, %dma_start3A_1593, %dma_start3A_1594] : memref<8x32x128xf32, #tpu.memory_space<vmem>> -> memref<1x32x128xf32, #tpu.memory_space<vmem>>
    %dma_start3A_1596 = tpu.memref_squeeze %dma_start3A_1595 : memref<1x32x128xf32, #tpu.memory_space<vmem>> -> memref<32x128xf32, #tpu.memory_space<vmem>>
    %dma_start3A_1597 = arith.constant 0 : i32
    %dma_start3A_1598 = tpu.memref_slice %arg4[%dma_start3A_1597, %multiple_of3A_1579] : memref<32x1000000xf32, #tpu.memory_space<hbm>> -> memref<32x128xf32, #tpu.memory_space<hbm>>
    tpu.enqueue_dma source(%dma_start3A_1598 : memref<32x128xf32, #tpu.memory_space<hbm>>) target(%dma_start3A_1596 : memref<32x128xf32, #tpu.memory_space<vmem>>) target_semaphore(%arg23 : memref<!tpu.dma_semaphore, #tpu.memory_space<semaphore_mem>>)
    %dma_start3A_1599 = arith.constant 7 : i32
    %dma_start3A_1600 = arith.constant 0 : i32
    %dma_start3A_1601 = arith.constant 0 : i32
    %dma_start3A_1602 = tpu.memref_slice %arg13[%dma_start3A_1599, %dma_start3A_1600, %dma_start3A_1601] : memref<8x32x128xf32, #tpu.memory_space<vmem>> -> memref<1x32x128xf32, #tpu.memory_space<vmem>>
    %dma_start3A_1603 = tpu.memref_squeeze %dma_start3A_1602 : memref<1x32x128xf32, #tpu.memory_space<vmem>> -> memref<32x128xf32, #tpu.memory_space<vmem>>
    %dma_start3A_1604 = arith.constant 0 : i32
    %dma_start3A_1605 = tpu.memref_slice %arg5[%dma_start3A_1604, %multiple_of3A_1585] : memref<32x1000000xf32, #tpu.memory_space<hbm>> -> memref<32x128xf32, #tpu.memory_space<hbm>>
    %dma_start3A_1606 = arith.constant 0 : i32
    %dma_start3A_1607 = arith.constant 0 : i32
    %dma_start3A_1608 = tpu.memref_slice %arg13[%dma_start3A_1599, %dma_start3A_1606, %dma_start3A_1607] : memref<8x32x128xf32, #tpu.memory_space<vmem>> -> memref<1x32x128xf32, #tpu.memory_space<vmem>>
    %dma_start3A_1609 = tpu.memref_squeeze %dma_start3A_1608 : memref<1x32x128xf32, #tpu.memory_space<vmem>> -> memref<32x128xf32, #tpu.memory_space<vmem>>
    %dma_start3A_1610 = arith.constant 0 : i32
    %dma_start3A_1611 = tpu.memref_slice %arg5[%dma_start3A_1610, %multiple_of3A_1585] : memref<32x1000000xf32, #tpu.memory_space<hbm>> -> memref<32x128xf32, #tpu.memory_space<hbm>>
    tpu.enqueue_dma source(%dma_start3A_1611 : memref<32x128xf32, #tpu.memory_space<hbm>>) target(%dma_start3A_1609 : memref<32x128xf32, #tpu.memory_space<vmem>>) target_semaphore(%arg31 : memref<!tpu.dma_semaphore, #tpu.memory_space<semaphore_mem>>)
    %iota3A = tpu.iota {dimensions = array<i32: 0>} : vector<16xi32>
    %scan3A = arith.constant 0 : i32
    %scan3A_1612 = arith.constant 0 : i32
    %scan3A_1613 = arith.constant 16 : i32
    %scan3A_1614 = arith.addi %scan3A_1612, %scan3A_1613 : i32
    %scan3A_1615 = arith.constant 1 : i32
    %scan3A_1616 = scf.for %scan3A_1618 = %scan3A_1612 to %scan3A_1614 step %scan3A_1615 iter_args(%scan3A_1619 = %scan3A) -> (i32)  : i32 {
      %mul3A_1620 = arith.constant 8 : i32
      %mul3A_1621 = arith.muli %scan3A_1618, %mul3A_1620 : i32
      %add3A_1622 = arith.constant 0 : i32
      %add3A_1623 = arith.addi %mul3A_1621, %add3A_1622 : i32
      %dma_wait3A = arith.constant 0 : i32
      %dma_wait3A_1624 = arith.constant 0 : i32
      %dma_wait3A_1625 = arith.constant 0 : i32
      %dma_wait3A_1626 = tpu.memref_slice %arg12[%dma_wait3A, %dma_wait3A_1624, %dma_wait3A_1625] : memref<8x32x128xf32, #tpu.memory_space<vmem>> -> memref<1x32x128xf32, #tpu.memory_space<vmem>>
      %dma_wait3A_1627 = tpu.memref_squeeze %dma_wait3A_1626 : memref<1x32x128xf32, #tpu.memory_space<vmem>> -> memref<32x128xf32, #tpu.memory_space<vmem>>
      %dma_wait3A_1628 = arith.constant 0 : i32
      %dma_wait3A_1629 = arith.constant 0 : i32
      %dma_wait3A_1630 = tpu.memref_slice %arg4[%dma_wait3A_1628, %dma_wait3A_1629] : memref<32x1000000xf32, #tpu.memory_space<hbm>> -> memref<32x128xf32, #tpu.memory_space<hbm>>
      %dma_wait3A_1631 = arith.constant 0 : i32
      %dma_wait3A_1632 = arith.constant 0 : i32
      %dma_wait3A_1633 = tpu.memref_slice %arg12[%dma_wait3A, %dma_wait3A_1631, %dma_wait3A_1632] : memref<8x32x128xf32, #tpu.memory_space<vmem>> -> memref<1x32x128xf32, #tpu.memory_space<vmem>>
      %dma_wait3A_1634 = tpu.memref_squeeze %dma_wait3A_1633 : memref<1x32x128xf32, #tpu.memory_space<vmem>> -> memref<32x128xf32, #tpu.memory_space<vmem>>
      %dma_wait3A_1635 = arith.constant 0 : i32
      %dma_wait3A_1636 = arith.constant 0 : i32
      %dma_wait3A_1637 = tpu.memref_slice %arg4[%dma_wait3A_1635, %dma_wait3A_1636] : memref<32x1000000xf32, #tpu.memory_space<hbm>> -> memref<32x128xf32, #tpu.memory_space<hbm>>
      tpu.wait_dma2 semaphore(%arg16 : memref<!tpu.dma_semaphore, #tpu.memory_space<semaphore_mem>>) src(%dma_wait3A_1637 : memref<32x128xf32, #tpu.memory_space<hbm>>) dst(%dma_wait3A_1634 : memref<32x128xf32, #tpu.memory_space<vmem>>)
      %dma_wait3A_1638 = arith.constant 0 : i32
      %dma_wait3A_1639 = arith.constant 0 : i32
      %dma_wait3A_1640 = arith.constant 0 : i32
      %dma_wait3A_1641 = tpu.memref_slice %arg13[%dma_wait3A_1638, %dma_wait3A_1639, %dma_wait3A_1640] : memref<8x32x128xf32, #tpu.memory_space<vmem>> -> memref<1x32x128xf32, #tpu.memory_space<vmem>>
      %dma_wait3A_1642 = tpu.memref_squeeze %dma_wait3A_1641 : memref<1x32x128xf32, #tpu.memory_space<vmem>> -> memref<32x128xf32, #tpu.memory_space<vmem>>
      %dma_wait3A_1643 = arith.constant 0 : i32
      %dma_wait3A_1644 = arith.constant 0 : i32
      %dma_wait3A_1645 = tpu.memref_slice %arg5[%dma_wait3A_1643, %dma_wait3A_1644] : memref<32x1000000xf32, #tpu.memory_space<hbm>> -> memref<32x128xf32, #tpu.memory_space<hbm>>
      %dma_wait3A_1646 = arith.constant 0 : i32
      %dma_wait3A_1647 = arith.constant 0 : i32
      %dma_wait3A_1648 = tpu.memref_slice %arg13[%dma_wait3A_1638, %dma_wait3A_1646, %dma_wait3A_1647] : memref<8x32x128xf32, #tpu.memory_space<vmem>> -> memref<1x32x128xf32, #tpu.memory_space<vmem>>
      %dma_wait3A_1649 = tpu.memref_squeeze %dma_wait3A_1648 : memref<1x32x128xf32, #tpu.memory_space<vmem>> -> memref<32x128xf32, #tpu.memory_space<vmem>>
      %dma_wait3A_1650 = arith.constant 0 : i32
      %dma_wait3A_1651 = arith.constant 0 : i32
      %dma_wait3A_1652 = tpu.memref_slice %arg5[%dma_wait3A_1650, %dma_wait3A_1651] : memref<32x1000000xf32, #tpu.memory_space<hbm>> -> memref<32x128xf32, #tpu.memory_space<hbm>>
      tpu.wait_dma2 semaphore(%arg24 : memref<!tpu.dma_semaphore, #tpu.memory_space<semaphore_mem>>) src(%dma_wait3A_1652 : memref<32x128xf32, #tpu.memory_space<hbm>>) dst(%dma_wait3A_1649 : memref<32x128xf32, #tpu.memory_space<vmem>>)
      %get3A_1653 = arith.index_cast %add3A_1623 : i32 to index
      %get3A_1654 = memref.load %arg8[%get3A_1653] : memref<128xi32, #tpu.memory_space<smem>>
      %get3A_1655 = arith.index_cast %add3A_1623 : i32 to index
      %get3A_1656 = memref.load %arg9[%get3A_1655] : memref<128xi32, #tpu.memory_space<smem>>
      %and3A_1657 = arith.constant 127 : i32
      %and3A_1658 = arith.andi %get3A_1654, %and3A_1657 : i32
      %broadcast_in_dim3A = vector.broadcast %and3A_1658 : i32 to vector<16xi32>
      %and3A_1659 = arith.constant 127 : i32
      %and3A_1660 = arith.andi %get3A_1656, %and3A_1659 : i32
      %broadcast_in_dim3A_1661 = vector.broadcast %and3A_1660 : i32 to vector<16xi32>
      %add3A_1662 = arith.constant 0 : i32
      %add3A_1663 = vector.broadcast %add3A_1662 : i32 to vector<16xi32>
      %add3A_1664 = arith.addi %iota3A, %add3A_1663 : vector<16xi32>
      %gather3A = arith.constant 0 : i32
      %gather3A_1665 = arith.constant 0 : i32
      %gather3A_1666 = arith.constant 0 : i32
      %gather3A_1667 = tpu.memref_slice %arg12[%gather3A, %gather3A_1665, %gather3A_1666] : memref<8x32x128xf32, #tpu.memory_space<vmem>> -> memref<1x32x128xf32, #tpu.memory_space<vmem>>
      %gather3A_1668 = tpu.memref_squeeze %gather3A_1667 : memref<1x32x128xf32, #tpu.memory_space<vmem>> -> memref<32x128xf32, #tpu.memory_space<vmem>>
      %gather3A_1669 = tpu.vector_load_idx %gather3A_1668[%add3A_1664, %broadcast_in_dim3A] : memref<32x128xf32, #tpu.memory_space<vmem>>[vector<16xi32>, vector<16xi32>], vector<16xf32>,
      %swap3A_1670 = arith.index_cast %add3A_1623 : i32 to index
      %swap3A_1671 = arith.constant 0 : index
      %swap3A_1672 = tpu.vector_load %arg14[%swap3A_1670, %swap3A_1671] {strides = array<i32>} : memref<128x32xf32, #tpu.memory_space<vmem>>, vector<16xf32>,
      tpu.vector_store %arg14[%swap3A_1670, %swap3A_1671], %gather3A_1669 {strides = array<i32>} : memref<128x32xf32, #tpu.memory_space<vmem>>, vector<16xf32>,
      %add3A_1673 = arith.constant 0 : i32
      %add3A_1674 = vector.broadcast %add3A_1673 : i32 to vector<16xi32>
      %add3A_1675 = arith.addi %iota3A, %add3A_1674 : vector<16xi32>
      %gather3A_1676 = arith.constant 0 : i32
      %gather3A_1677 = arith.constant 0 : i32
      %gather3A_1678 = arith.constant 0 : i32
      %gather3A_1679 = tpu.memref_slice %arg13[%gather3A_1676, %gather3A_1677, %gather3A_1678] : memref<8x32x128xf32, #tpu.memory_space<vmem>> -> memref<1x32x128xf32, #tpu.memory_space<vmem>>
      %gather3A_1680 = tpu.memref_squeeze %gather3A_1679 : memref<1x32x128xf32, #tpu.memory_space<vmem>> -> memref<32x128xf32, #tpu.memory_space<vmem>>
      %gather3A_1681 = tpu.vector_load_idx %gather3A_1680[%add3A_1675, %broadcast_in_dim3A_1661] : memref<32x128xf32, #tpu.memory_space<vmem>>[vector<16xi32>, vector<16xi32>], vector<16xf32>,
      %swap3A_1682 = arith.index_cast %add3A_1623 : i32 to index
      %swap3A_1683 = arith.constant 0 : index
      %swap3A_1684 = tpu.vector_load %arg15[%swap3A_1682, %swap3A_1683] {strides = array<i32>} : memref<128x32xf32, #tpu.memory_space<vmem>>, vector<16xf32>,
      tpu.vector_store %arg15[%swap3A_1682, %swap3A_1683], %gather3A_1681 {strides = array<i32>} : memref<128x32xf32, #tpu.memory_space<vmem>>, vector<16xf32>,
      %add3A_1685 = arith.constant 16 : i32
      %add3A_1686 = vector.broadcast %add3A_1685 : i32 to vector<16xi32>
      %add3A_1687 = arith.addi %iota3A, %add3A_1686 : vector<16xi32>
      %gather3A_1688 = arith.constant 0 : i32
      %gather3A_1689 = arith.constant 0 : i32
      %gather3A_1690 = arith.constant 0 : i32
      %gather3A_1691 = tpu.memref_slice %arg12[%gather3A_1688, %gather3A_1689, %gather3A_1690] : memref<8x32x128xf32, #tpu.memory_space<vmem>> -> memref<1x32x128xf32, #tpu.memory_space<vmem>>
      %gather3A_1692 = tpu.memref_squeeze %gather3A_1691 : memref<1x32x128xf32, #tpu.memory_space<vmem>> -> memref<32x128xf32, #tpu.memory_space<vmem>>
      %gather3A_1693 = tpu.vector_load_idx %gather3A_1692[%add3A_1687, %broadcast_in_dim3A] : memref<32x128xf32, #tpu.memory_space<vmem>>[vector<16xi32>, vector<16xi32>], vector<16xf32>,
      %swap3A_1694 = arith.index_cast %add3A_1623 : i32 to index
      %swap3A_1695 = arith.constant 16 : index
      %swap3A_1696 = tpu.vector_load %arg14[%swap3A_1694, %swap3A_1695] {strides = array<i32>} : memref<128x32xf32, #tpu.memory_space<vmem>>, vector<16xf32>,
      tpu.vector_store %arg14[%swap3A_1694, %swap3A_1695], %gather3A_1693 {strides = array<i32>} : memref<128x32xf32, #tpu.memory_space<vmem>>, vector<16xf32>,
      %add3A_1697 = arith.constant 16 : i32
      %add3A_1698 = vector.broadcast %add3A_1697 : i32 to vector<16xi32>
      %add3A_1699 = arith.addi %iota3A, %add3A_1698 : vector<16xi32>
      %gather3A_1700 = arith.constant 0 : i32
      %gather3A_1701 = arith.constant 0 : i32
      %gather3A_1702 = arith.constant 0 : i32
      %gather3A_1703 = tpu.memref_slice %arg13[%gather3A_1700, %gather3A_1701, %gather3A_1702] : memref<8x32x128xf32, #tpu.memory_space<vmem>> -> memref<1x32x128xf32, #tpu.memory_space<vmem>>
      %gather3A_1704 = tpu.memref_squeeze %gather3A_1703 : memref<1x32x128xf32, #tpu.memory_space<vmem>> -> memref<32x128xf32, #tpu.memory_space<vmem>>
      %gather3A_1705 = tpu.vector_load_idx %gather3A_1704[%add3A_1699, %broadcast_in_dim3A_1661] : memref<32x128xf32, #tpu.memory_space<vmem>>[vector<16xi32>, vector<16xi32>], vector<16xf32>,
      %swap3A_1706 = arith.index_cast %add3A_1623 : i32 to index
      %swap3A_1707 = arith.constant 16 : index
      %swap3A_1708 = tpu.vector_load %arg15[%swap3A_1706, %swap3A_1707] {strides = array<i32>} : memref<128x32xf32, #tpu.memory_space<vmem>>, vector<16xf32>,
      tpu.vector_store %arg15[%swap3A_1706, %swap3A_1707], %gather3A_1705 {strides = array<i32>} : memref<128x32xf32, #tpu.memory_space<vmem>>, vector<16xf32>,
      %lt3A = arith.constant 15 : i32
      %lt3A_1709 = arith.cmpi slt, %scan3A_1618, %lt3A : i32
      %convert_element_type3A = arith.extui %lt3A_1709 : i1 to i32
      %cond3A = arith.constant 0 : i32
      %cond3A_1710 = arith.cmpi ne, %convert_element_type3A, %cond3A : i32
      scf.if %cond3A_1710 {
        %add3A_2391 = arith.constant 8 : i32
        %add3A_2392 = arith.addi %add3A_1623, %add3A_2391 : i32
        %get3A_2393 = arith.index_cast %add3A_2392 : i32 to index
        %get3A_2394 = memref.load %arg8[%get3A_2393] : memref<128xi32, #tpu.memory_space<smem>>
        %and3A_2395 = arith.constant -128 : i32
        %and3A_2396 = arith.andi %get3A_2394, %and3A_2395 : i32
        %multiple_of3A_2397 = tpu.assume_multiple %and3A_2396, 128 : i32
        %get3A_2398 = arith.index_cast %add3A_2392 : i32 to index
        %get3A_2399 = memref.load %arg9[%get3A_2398] : memref<128xi32, #tpu.memory_space<smem>>
        %and3A_2400 = arith.constant -128 : i32
        %and3A_2401 = arith.andi %get3A_2399, %and3A_2400 : i32
        %multiple_of3A_2402 = tpu.assume_multiple %and3A_2401, 128 : i32
        %dma_start3A_2403 = arith.constant 0 : i32
        %dma_start3A_2404 = arith.constant 0 : i32
        %dma_start3A_2405 = arith.constant 0 : i32
        %dma_start3A_2406 = tpu.memref_slice %arg12[%dma_start3A_2403, %dma_start3A_2404, %dma_start3A_2405] : memref<8x32x128xf32, #tpu.memory_space<vmem>> -> memref<1x32x128xf32, #tpu.memory_space<vmem>>
        %dma_start3A_2407 = tpu.memref_squeeze %dma_start3A_2406 : memref<1x32x128xf32, #tpu.memory_space<vmem>> -> memref<32x128xf32, #tpu.memory_space<vmem>>
        %dma_start3A_2408 = arith.constant 0 : i32
        %dma_start3A_2409 = tpu.memref_slice %arg4[%dma_start3A_2408, %multiple_of3A_2397] : memref<32x1000000xf32, #tpu.memory_space<hbm>> -> memref<32x128xf32, #tpu.memory_space<hbm>>
        %dma_start3A_2410 = arith.constant 0 : i32
        %dma_start3A_2411 = arith.constant 0 : i32
        %dma_start3A_2412 = tpu.memref_slice %arg12[%dma_start3A_2403, %dma_start3A_2410, %dma_start3A_2411] : memref<8x32x128xf32, #tpu.memory_space<vmem>> -> memref<1x32x128xf32, #tpu.memory_space<vmem>>
        %dma_start3A_2413 = tpu.memref_squeeze %dma_start3A_2412 : memref<1x32x128xf32, #tpu.memory_space<vmem>> -> memref<32x128xf32, #tpu.memory_space<vmem>>
        %dma_start3A_2414 = arith.constant 0 : i32
        %dma_start3A_2415 = tpu.memref_slice %arg4[%dma_start3A_2414, %multiple_of3A_2397] : memref<32x1000000xf32, #tpu.memory_space<hbm>> -> memref<32x128xf32, #tpu.memory_space<hbm>>
        tpu.enqueue_dma source(%dma_start3A_2415 : memref<32x128xf32, #tpu.memory_space<hbm>>) target(%dma_start3A_2413 : memref<32x128xf32, #tpu.memory_space<vmem>>) target_semaphore(%arg16 : memref<!tpu.dma_semaphore, #tpu.memory_space<semaphore_mem>>)
        %dma_start3A_2416 = arith.constant 0 : i32
        %dma_start3A_2417 = arith.constant 0 : i32
        %dma_start3A_2418 = arith.constant 0 : i32
        %dma_start3A_2419 = tpu.memref_slice %arg13[%dma_start3A_2416, %dma_start3A_2417, %dma_start3A_2418] : memref<8x32x128xf32, #tpu.memory_space<vmem>> -> memref<1x32x128xf32, #tpu.memory_space<vmem>>
        %dma_start3A_2420 = tpu.memref_squeeze %dma_start3A_2419 : memref<1x32x128xf32, #tpu.memory_space<vmem>> -> memref<32x128xf32, #tpu.memory_space<vmem>>
        %dma_start3A_2421 = arith.constant 0 : i32
        %dma_start3A_2422 = tpu.memref_slice %arg5[%dma_start3A_2421, %multiple_of3A_2402] : memref<32x1000000xf32, #tpu.memory_space<hbm>> -> memref<32x128xf32, #tpu.memory_space<hbm>>
        %dma_start3A_2423 = arith.constant 0 : i32
        %dma_start3A_2424 = arith.constant 0 : i32
        %dma_start3A_2425 = tpu.memref_slice %arg13[%dma_start3A_2416, %dma_start3A_2423, %dma_start3A_2424] : memref<8x32x128xf32, #tpu.memory_space<vmem>> -> memref<1x32x128xf32, #tpu.memory_space<vmem>>
        %dma_start3A_2426 = tpu.memref_squeeze %dma_start3A_2425 : memref<1x32x128xf32, #tpu.memory_space<vmem>> -> memref<32x128xf32, #tpu.memory_space<vmem>>
        %dma_start3A_2427 = arith.constant 0 : i32
        %dma_start3A_2428 = tpu.memref_slice %arg5[%dma_start3A_2427, %multiple_of3A_2402] : memref<32x1000000xf32, #tpu.memory_space<hbm>> -> memref<32x128xf32, #tpu.memory_space<hbm>>
        tpu.enqueue_dma source(%dma_start3A_2428 : memref<32x128xf32, #tpu.memory_space<hbm>>) target(%dma_start3A_2426 : memref<32x128xf32, #tpu.memory_space<vmem>>) target_semaphore(%arg24 : memref<!tpu.dma_semaphore, #tpu.memory_space<semaphore_mem>>)
      } else {
      }
      %mul3A_1711 = arith.constant 8 : i32
      %mul3A_1712 = arith.muli %scan3A_1618, %mul3A_1711 : i32
      %add3A_1713 = arith.constant 1 : i32
      %add3A_1714 = arith.addi %mul3A_1712, %add3A_1713 : i32
      %dma_wait3A_1715 = arith.constant 1 : i32
      %dma_wait3A_1716 = arith.constant 0 : i32
      %dma_wait3A_1717 = arith.constant 0 : i32
      %dma_wait3A_1718 = tpu.memref_slice %arg12[%dma_wait3A_1715, %dma_wait3A_1716, %dma_wait3A_1717] : memref<8x32x128xf32, #tpu.memory_space<vmem>> -> memref<1x32x128xf32, #tpu.memory_space<vmem>>
      %dma_wait3A_1719 = tpu.memref_squeeze %dma_wait3A_1718 : memref<1x32x128xf32, #tpu.memory_space<vmem>> -> memref<32x128xf32, #tpu.memory_space<vmem>>
      %dma_wait3A_1720 = arith.constant 0 : i32
      %dma_wait3A_1721 = arith.constant 0 : i32
      %dma_wait3A_1722 = tpu.memref_slice %arg4[%dma_wait3A_1720, %dma_wait3A_1721] : memref<32x1000000xf32, #tpu.memory_space<hbm>> -> memref<32x128xf32, #tpu.memory_space<hbm>>
      %dma_wait3A_1723 = arith.constant 0 : i32
      %dma_wait3A_1724 = arith.constant 0 : i32
      %dma_wait3A_1725 = tpu.memref_slice %arg12[%dma_wait3A_1715, %dma_wait3A_1723, %dma_wait3A_1724] : memref<8x32x128xf32, #tpu.memory_space<vmem>> -> memref<1x32x128xf32, #tpu.memory_space<vmem>>
      %dma_wait3A_1726 = tpu.memref_squeeze %dma_wait3A_1725 : memref<1x32x128xf32, #tpu.memory_space<vmem>> -> memref<32x128xf32, #tpu.memory_space<vmem>>
      %dma_wait3A_1727 = arith.constant 0 : i32
      %dma_wait3A_1728 = arith.constant 0 : i32
      %dma_wait3A_1729 = tpu.memref_slice %arg4[%dma_wait3A_1727, %dma_wait3A_1728] : memref<32x1000000xf32, #tpu.memory_space<hbm>> -> memref<32x128xf32, #tpu.memory_space<hbm>>
      tpu.wait_dma2 semaphore(%arg17 : memref<!tpu.dma_semaphore, #tpu.memory_space<semaphore_mem>>) src(%dma_wait3A_1729 : memref<32x128xf32, #tpu.memory_space<hbm>>) dst(%dma_wait3A_1726 : memref<32x128xf32, #tpu.memory_space<vmem>>)
      %dma_wait3A_1730 = arith.constant 1 : i32
      %dma_wait3A_1731 = arith.constant 0 : i32
      %dma_wait3A_1732 = arith.constant 0 : i32
      %dma_wait3A_1733 = tpu.memref_slice %arg13[%dma_wait3A_1730, %dma_wait3A_1731, %dma_wait3A_1732] : memref<8x32x128xf32, #tpu.memory_space<vmem>> -> memref<1x32x128xf32, #tpu.memory_space<vmem>>
      %dma_wait3A_1734 = tpu.memref_squeeze %dma_wait3A_1733 : memref<1x32x128xf32, #tpu.memory_space<vmem>> -> memref<32x128xf32, #tpu.memory_space<vmem>>
      %dma_wait3A_1735 = arith.constant 0 : i32
      %dma_wait3A_1736 = arith.constant 0 : i32
      %dma_wait3A_1737 = tpu.memref_slice %arg5[%dma_wait3A_1735, %dma_wait3A_1736] : memref<32x1000000xf32, #tpu.memory_space<hbm>> -> memref<32x128xf32, #tpu.memory_space<hbm>>
      %dma_wait3A_1738 = arith.constant 0 : i32
      %dma_wait3A_1739 = arith.constant 0 : i32
      %dma_wait3A_1740 = tpu.memref_slice %arg13[%dma_wait3A_1730, %dma_wait3A_1738, %dma_wait3A_1739] : memref<8x32x128xf32, #tpu.memory_space<vmem>> -> memref<1x32x128xf32, #tpu.memory_space<vmem>>
      %dma_wait3A_1741 = tpu.memref_squeeze %dma_wait3A_1740 : memref<1x32x128xf32, #tpu.memory_space<vmem>> -> memref<32x128xf32, #tpu.memory_space<vmem>>
      %dma_wait3A_1742 = arith.constant 0 : i32
      %dma_wait3A_1743 = arith.constant 0 : i32
      %dma_wait3A_1744 = tpu.memref_slice %arg5[%dma_wait3A_1742, %dma_wait3A_1743] : memref<32x1000000xf32, #tpu.memory_space<hbm>> -> memref<32x128xf32, #tpu.memory_space<hbm>>
      tpu.wait_dma2 semaphore(%arg25 : memref<!tpu.dma_semaphore, #tpu.memory_space<semaphore_mem>>) src(%dma_wait3A_1744 : memref<32x128xf32, #tpu.memory_space<hbm>>) dst(%dma_wait3A_1741 : memref<32x128xf32, #tpu.memory_space<vmem>>)
      %get3A_1745 = arith.index_cast %add3A_1714 : i32 to index
      %get3A_1746 = memref.load %arg8[%get3A_1745] : memref<128xi32, #tpu.memory_space<smem>>
      %get3A_1747 = arith.index_cast %add3A_1714 : i32 to index
      %get3A_1748 = memref.load %arg9[%get3A_1747] : memref<128xi32, #tpu.memory_space<smem>>
      %and3A_1749 = arith.constant 127 : i32
      %and3A_1750 = arith.andi %get3A_1746, %and3A_1749 : i32
      %broadcast_in_dim3A_1751 = vector.broadcast %and3A_1750 : i32 to vector<16xi32>
      %and3A_1752 = arith.constant 127 : i32
      %and3A_1753 = arith.andi %get3A_1748, %and3A_1752 : i32
      %broadcast_in_dim3A_1754 = vector.broadcast %and3A_1753 : i32 to vector<16xi32>
      %add3A_1755 = arith.constant 0 : i32
      %add3A_1756 = vector.broadcast %add3A_1755 : i32 to vector<16xi32>
      %add3A_1757 = arith.addi %iota3A, %add3A_1756 : vector<16xi32>
      %gather3A_1758 = arith.constant 1 : i32
      %gather3A_1759 = arith.constant 0 : i32
      %gather3A_1760 = arith.constant 0 : i32
      %gather3A_1761 = tpu.memref_slice %arg12[%gather3A_1758, %gather3A_1759, %gather3A_1760] : memref<8x32x128xf32, #tpu.memory_space<vmem>> -> memref<1x32x128xf32, #tpu.memory_space<vmem>>
      %gather3A_1762 = tpu.memref_squeeze %gather3A_1761 : memref<1x32x128xf32, #tpu.memory_space<vmem>> -> memref<32x128xf32, #tpu.memory_space<vmem>>
      %gather3A_1763 = tpu.vector_load_idx %gather3A_1762[%add3A_1757, %broadcast_in_dim3A_1751] : memref<32x128xf32, #tpu.memory_space<vmem>>[vector<16xi32>, vector<16xi32>], vector<16xf32>,
      %swap3A_1764 = arith.index_cast %add3A_1714 : i32 to index
      %swap3A_1765 = arith.constant 0 : index
      %swap3A_1766 = tpu.vector_load %arg14[%swap3A_1764, %swap3A_1765] {strides = array<i32>} : memref<128x32xf32, #tpu.memory_space<vmem>>, vector<16xf32>,
      tpu.vector_store %arg14[%swap3A_1764, %swap3A_1765], %gather3A_1763 {strides = array<i32>} : memref<128x32xf32, #tpu.memory_space<vmem>>, vector<16xf32>,
      %add3A_1767 = arith.constant 0 : i32
      %add3A_1768 = vector.broadcast %add3A_1767 : i32 to vector<16xi32>
      %add3A_1769 = arith.addi %iota3A, %add3A_1768 : vector<16xi32>
      %gather3A_1770 = arith.constant 1 : i32
      %gather3A_1771 = arith.constant 0 : i32
      %gather3A_1772 = arith.constant 0 : i32
      %gather3A_1773 = tpu.memref_slice %arg13[%gather3A_1770, %gather3A_1771, %gather3A_1772] : memref<8x32x128xf32, #tpu.memory_space<vmem>> -> memref<1x32x128xf32, #tpu.memory_space<vmem>>
      %gather3A_1774 = tpu.memref_squeeze %gather3A_1773 : memref<1x32x128xf32, #tpu.memory_space<vmem>> -> memref<32x128xf32, #tpu.memory_space<vmem>>
      %gather3A_1775 = tpu.vector_load_idx %gather3A_1774[%add3A_1769, %broadcast_in_dim3A_1754] : memref<32x128xf32, #tpu.memory_space<vmem>>[vector<16xi32>, vector<16xi32>], vector<16xf32>,
      %swap3A_1776 = arith.index_cast %add3A_1714 : i32 to index
      %swap3A_1777 = arith.constant 0 : index
      %swap3A_1778 = tpu.vector_load %arg15[%swap3A_1776, %swap3A_1777] {strides = array<i32>} : memref<128x32xf32, #tpu.memory_space<vmem>>, vector<16xf32>,
      tpu.vector_store %arg15[%swap3A_1776, %swap3A_1777], %gather3A_1775 {strides = array<i32>} : memref<128x32xf32, #tpu.memory_space<vmem>>, vector<16xf32>,
      %add3A_1779 = arith.constant 16 : i32
      %add3A_1780 = vector.broadcast %add3A_1779 : i32 to vector<16xi32>
      %add3A_1781 = arith.addi %iota3A, %add3A_1780 : vector<16xi32>
      %gather3A_1782 = arith.constant 1 : i32
      %gather3A_1783 = arith.constant 0 : i32
      %gather3A_1784 = arith.constant 0 : i32
      %gather3A_1785 = tpu.memref_slice %arg12[%gather3A_1782, %gather3A_1783, %gather3A_1784] : memref<8x32x128xf32, #tpu.memory_space<vmem>> -> memref<1x32x128xf32, #tpu.memory_space<vmem>>
      %gather3A_1786 = tpu.memref_squeeze %gather3A_1785 : memref<1x32x128xf32, #tpu.memory_space<vmem>> -> memref<32x128xf32, #tpu.memory_space<vmem>>
      %gather3A_1787 = tpu.vector_load_idx %gather3A_1786[%add3A_1781, %broadcast_in_dim3A_1751] : memref<32x128xf32, #tpu.memory_space<vmem>>[vector<16xi32>, vector<16xi32>], vector<16xf32>,
      %swap3A_1788 = arith.index_cast %add3A_1714 : i32 to index
      %swap3A_1789 = arith.constant 16 : index
      %swap3A_1790 = tpu.vector_load %arg14[%swap3A_1788, %swap3A_1789] {strides = array<i32>} : memref<128x32xf32, #tpu.memory_space<vmem>>, vector<16xf32>,
      tpu.vector_store %arg14[%swap3A_1788, %swap3A_1789], %gather3A_1787 {strides = array<i32>} : memref<128x32xf32, #tpu.memory_space<vmem>>, vector<16xf32>,
      %add3A_1791 = arith.constant 16 : i32
      %add3A_1792 = vector.broadcast %add3A_1791 : i32 to vector<16xi32>
      %add3A_1793 = arith.addi %iota3A, %add3A_1792 : vector<16xi32>
      %gather3A_1794 = arith.constant 1 : i32
      %gather3A_1795 = arith.constant 0 : i32
      %gather3A_1796 = arith.constant 0 : i32
      %gather3A_1797 = tpu.memref_slice %arg13[%gather3A_1794, %gather3A_1795, %gather3A_1796] : memref<8x32x128xf32, #tpu.memory_space<vmem>> -> memref<1x32x128xf32, #tpu.memory_space<vmem>>
      %gather3A_1798 = tpu.memref_squeeze %gather3A_1797 : memref<1x32x128xf32, #tpu.memory_space<vmem>> -> memref<32x128xf32, #tpu.memory_space<vmem>>
      %gather3A_1799 = tpu.vector_load_idx %gather3A_1798[%add3A_1793, %broadcast_in_dim3A_1754] : memref<32x128xf32, #tpu.memory_space<vmem>>[vector<16xi32>, vector<16xi32>], vector<16xf32>,
      %swap3A_1800 = arith.index_cast %add3A_1714 : i32 to index
      %swap3A_1801 = arith.constant 16 : index
      %swap3A_1802 = tpu.vector_load %arg15[%swap3A_1800, %swap3A_1801] {strides = array<i32>} : memref<128x32xf32, #tpu.memory_space<vmem>>, vector<16xf32>,
      tpu.vector_store %arg15[%swap3A_1800, %swap3A_1801], %gather3A_1799 {strides = array<i32>} : memref<128x32xf32, #tpu.memory_space<vmem>>, vector<16xf32>,
      %lt3A_1803 = arith.constant 15 : i32
      %lt3A_1804 = arith.cmpi slt, %scan3A_1618, %lt3A_1803 : i32
      %convert_element_type3A_1805 = arith.extui %lt3A_1804 : i1 to i32
      %cond3A_1806 = arith.constant 0 : i32
      %cond3A_1807 = arith.cmpi ne, %convert_element_type3A_1805, %cond3A_1806 : i32
      scf.if %cond3A_1807 {
        %add3A_2391 = arith.constant 8 : i32
        %add3A_2392 = arith.addi %add3A_1714, %add3A_2391 : i32
        %get3A_2393 = arith.index_cast %add3A_2392 : i32 to index
        %get3A_2394 = memref.load %arg8[%get3A_2393] : memref<128xi32, #tpu.memory_space<smem>>
        %and3A_2395 = arith.constant -128 : i32
        %and3A_2396 = arith.andi %get3A_2394, %and3A_2395 : i32
        %multiple_of3A_2397 = tpu.assume_multiple %and3A_2396, 128 : i32
        %get3A_2398 = arith.index_cast %add3A_2392 : i32 to index
        %get3A_2399 = memref.load %arg9[%get3A_2398] : memref<128xi32, #tpu.memory_space<smem>>
        %and3A_2400 = arith.constant -128 : i32
        %and3A_2401 = arith.andi %get3A_2399, %and3A_2400 : i32
        %multiple_of3A_2402 = tpu.assume_multiple %and3A_2401, 128 : i32
        %dma_start3A_2403 = arith.constant 1 : i32
        %dma_start3A_2404 = arith.constant 0 : i32
        %dma_start3A_2405 = arith.constant 0 : i32
        %dma_start3A_2406 = tpu.memref_slice %arg12[%dma_start3A_2403, %dma_start3A_2404, %dma_start3A_2405] : memref<8x32x128xf32, #tpu.memory_space<vmem>> -> memref<1x32x128xf32, #tpu.memory_space<vmem>>
        %dma_start3A_2407 = tpu.memref_squeeze %dma_start3A_2406 : memref<1x32x128xf32, #tpu.memory_space<vmem>> -> memref<32x128xf32, #tpu.memory_space<vmem>>
        %dma_start3A_2408 = arith.constant 0 : i32
        %dma_start3A_2409 = tpu.memref_slice %arg4[%dma_start3A_2408, %multiple_of3A_2397] : memref<32x1000000xf32, #tpu.memory_space<hbm>> -> memref<32x128xf32, #tpu.memory_space<hbm>>
        %dma_start3A_2410 = arith.constant 0 : i32
        %dma_start3A_2411 = arith.constant 0 : i32
        %dma_start3A_2412 = tpu.memref_slice %arg12[%dma_start3A_2403, %dma_start3A_2410, %dma_start3A_2411] : memref<8x32x128xf32, #tpu.memory_space<vmem>> -> memref<1x32x128xf32, #tpu.memory_space<vmem>>
        %dma_start3A_2413 = tpu.memref_squeeze %dma_start3A_2412 : memref<1x32x128xf32, #tpu.memory_space<vmem>> -> memref<32x128xf32, #tpu.memory_space<vmem>>
        %dma_start3A_2414 = arith.constant 0 : i32
        %dma_start3A_2415 = tpu.memref_slice %arg4[%dma_start3A_2414, %multiple_of3A_2397] : memref<32x1000000xf32, #tpu.memory_space<hbm>> -> memref<32x128xf32, #tpu.memory_space<hbm>>
        tpu.enqueue_dma source(%dma_start3A_2415 : memref<32x128xf32, #tpu.memory_space<hbm>>) target(%dma_start3A_2413 : memref<32x128xf32, #tpu.memory_space<vmem>>) target_semaphore(%arg17 : memref<!tpu.dma_semaphore, #tpu.memory_space<semaphore_mem>>)
        %dma_start3A_2416 = arith.constant 1 : i32
        %dma_start3A_2417 = arith.constant 0 : i32
        %dma_start3A_2418 = arith.constant 0 : i32
        %dma_start3A_2419 = tpu.memref_slice %arg13[%dma_start3A_2416, %dma_start3A_2417, %dma_start3A_2418] : memref<8x32x128xf32, #tpu.memory_space<vmem>> -> memref<1x32x128xf32, #tpu.memory_space<vmem>>
        %dma_start3A_2420 = tpu.memref_squeeze %dma_start3A_2419 : memref<1x32x128xf32, #tpu.memory_space<vmem>> -> memref<32x128xf32, #tpu.memory_space<vmem>>
        %dma_start3A_2421 = arith.constant 0 : i32
        %dma_start3A_2422 = tpu.memref_slice %arg5[%dma_start3A_2421, %multiple_of3A_2402] : memref<32x1000000xf32, #tpu.memory_space<hbm>> -> memref<32x128xf32, #tpu.memory_space<hbm>>
        %dma_start3A_2423 = arith.constant 0 : i32
        %dma_start3A_2424 = arith.constant 0 : i32
        %dma_start3A_2425 = tpu.memref_slice %arg13[%dma_start3A_2416, %dma_start3A_2423, %dma_start3A_2424] : memref<8x32x128xf32, #tpu.memory_space<vmem>> -> memref<1x32x128xf32, #tpu.memory_space<vmem>>
        %dma_start3A_2426 = tpu.memref_squeeze %dma_start3A_2425 : memref<1x32x128xf32, #tpu.memory_space<vmem>> -> memref<32x128xf32, #tpu.memory_space<vmem>>
        %dma_start3A_2427 = arith.constant 0 : i32
        %dma_start3A_2428 = tpu.memref_slice %arg5[%dma_start3A_2427, %multiple_of3A_2402] : memref<32x1000000xf32, #tpu.memory_space<hbm>> -> memref<32x128xf32, #tpu.memory_space<hbm>>
        tpu.enqueue_dma source(%dma_start3A_2428 : memref<32x128xf32, #tpu.memory_space<hbm>>) target(%dma_start3A_2426 : memref<32x128xf32, #tpu.memory_space<vmem>>) target_semaphore(%arg25 : memref<!tpu.dma_semaphore, #tpu.memory_space<semaphore_mem>>)
      } else {
      }
      %mul3A_1808 = arith.constant 8 : i32
      %mul3A_1809 = arith.muli %scan3A_1618, %mul3A_1808 : i32
      %add3A_1810 = arith.constant 2 : i32
      %add3A_1811 = arith.addi %mul3A_1809, %add3A_1810 : i32
      %dma_wait3A_1812 = arith.constant 2 : i32
      %dma_wait3A_1813 = arith.constant 0 : i32
      %dma_wait3A_1814 = arith.constant 0 : i32
      %dma_wait3A_1815 = tpu.memref_slice %arg12[%dma_wait3A_1812, %dma_wait3A_1813, %dma_wait3A_1814] : memref<8x32x128xf32, #tpu.memory_space<vmem>> -> memref<1x32x128xf32, #tpu.memory_space<vmem>>
      %dma_wait3A_1816 = tpu.memref_squeeze %dma_wait3A_1815 : memref<1x32x128xf32, #tpu.memory_space<vmem>> -> memref<32x128xf32, #tpu.memory_space<vmem>>
      %dma_wait3A_1817 = arith.constant 0 : i32
      %dma_wait3A_1818 = arith.constant 0 : i32
      %dma_wait3A_1819 = tpu.memref_slice %arg4[%dma_wait3A_1817, %dma_wait3A_1818] : memref<32x1000000xf32, #tpu.memory_space<hbm>> -> memref<32x128xf32, #tpu.memory_space<hbm>>
      %dma_wait3A_1820 = arith.constant 0 : i32
      %dma_wait3A_1821 = arith.constant 0 : i32
      %dma_wait3A_1822 = tpu.memref_slice %arg12[%dma_wait3A_1812, %dma_wait3A_1820, %dma_wait3A_1821] : memref<8x32x128xf32, #tpu.memory_space<vmem>> -> memref<1x32x128xf32, #tpu.memory_space<vmem>>
      %dma_wait3A_1823 = tpu.memref_squeeze %dma_wait3A_1822 : memref<1x32x128xf32, #tpu.memory_space<vmem>> -> memref<32x128xf32, #tpu.memory_space<vmem>>
      %dma_wait3A_1824 = arith.constant 0 : i32
      %dma_wait3A_1825 = arith.constant 0 : i32
      %dma_wait3A_1826 = tpu.memref_slice %arg4[%dma_wait3A_1824, %dma_wait3A_1825] : memref<32x1000000xf32, #tpu.memory_space<hbm>> -> memref<32x128xf32, #tpu.memory_space<hbm>>
      tpu.wait_dma2 semaphore(%arg18 : memref<!tpu.dma_semaphore, #tpu.memory_space<semaphore_mem>>) src(%dma_wait3A_1826 : memref<32x128xf32, #tpu.memory_space<hbm>>) dst(%dma_wait3A_1823 : memref<32x128xf32, #tpu.memory_space<vmem>>)
      %dma_wait3A_1827 = arith.constant 2 : i32
      %dma_wait3A_1828 = arith.constant 0 : i32
      %dma_wait3A_1829 = arith.constant 0 : i32
      %dma_wait3A_1830 = tpu.memref_slice %arg13[%dma_wait3A_1827, %dma_wait3A_1828, %dma_wait3A_1829] : memref<8x32x128xf32, #tpu.memory_space<vmem>> -> memref<1x32x128xf32, #tpu.memory_space<vmem>>
      %dma_wait3A_1831 = tpu.memref_squeeze %dma_wait3A_1830 : memref<1x32x128xf32, #tpu.memory_space<vmem>> -> memref<32x128xf32, #tpu.memory_space<vmem>>
      %dma_wait3A_1832 = arith.constant 0 : i32
      %dma_wait3A_1833 = arith.constant 0 : i32
      %dma_wait3A_1834 = tpu.memref_slice %arg5[%dma_wait3A_1832, %dma_wait3A_1833] : memref<32x1000000xf32, #tpu.memory_space<hbm>> -> memref<32x128xf32, #tpu.memory_space<hbm>>
      %dma_wait3A_1835 = arith.constant 0 : i32
      %dma_wait3A_1836 = arith.constant 0 : i32
      %dma_wait3A_1837 = tpu.memref_slice %arg13[%dma_wait3A_1827, %dma_wait3A_1835, %dma_wait3A_1836] : memref<8x32x128xf32, #tpu.memory_space<vmem>> -> memref<1x32x128xf32, #tpu.memory_space<vmem>>
      %dma_wait3A_1838 = tpu.memref_squeeze %dma_wait3A_1837 : memref<1x32x128xf32, #tpu.memory_space<vmem>> -> memref<32x128xf32, #tpu.memory_space<vmem>>
      %dma_wait3A_1839 = arith.constant 0 : i32
      %dma_wait3A_1840 = arith.constant 0 : i32
      %dma_wait3A_1841 = tpu.memref_slice %arg5[%dma_wait3A_1839, %dma_wait3A_1840] : memref<32x1000000xf32, #tpu.memory_space<hbm>> -> memref<32x128xf32, #tpu.memory_space<hbm>>
      tpu.wait_dma2 semaphore(%arg26 : memref<!tpu.dma_semaphore, #tpu.memory_space<semaphore_mem>>) src(%dma_wait3A_1841 : memref<32x128xf32, #tpu.memory_space<hbm>>) dst(%dma_wait3A_1838 : memref<32x128xf32, #tpu.memory_space<vmem>>)
      %get3A_1842 = arith.index_cast %add3A_1811 : i32 to index
      %get3A_1843 = memref.load %arg8[%get3A_1842] : memref<128xi32, #tpu.memory_space<smem>>
      %get3A_1844 = arith.index_cast %add3A_1811 : i32 to index
      %get3A_1845 = memref.load %arg9[%get3A_1844] : memref<128xi32, #tpu.memory_space<smem>>
      %and3A_1846 = arith.constant 127 : i32
      %and3A_1847 = arith.andi %get3A_1843, %and3A_1846 : i32
      %broadcast_in_dim3A_1848 = vector.broadcast %and3A_1847 : i32 to vector<16xi32>
      %and3A_1849 = arith.constant 127 : i32
      %and3A_1850 = arith.andi %get3A_1845, %and3A_1849 : i32
      %broadcast_in_dim3A_1851 = vector.broadcast %and3A_1850 : i32 to vector<16xi32>
      %add3A_1852 = arith.constant 0 : i32
      %add3A_1853 = vector.broadcast %add3A_1852 : i32 to vector<16xi32>
      %add3A_1854 = arith.addi %iota3A, %add3A_1853 : vector<16xi32>
      %gather3A_1855 = arith.constant 2 : i32
      %gather3A_1856 = arith.constant 0 : i32
      %gather3A_1857 = arith.constant 0 : i32
      %gather3A_1858 = tpu.memref_slice %arg12[%gather3A_1855, %gather3A_1856, %gather3A_1857] : memref<8x32x128xf32, #tpu.memory_space<vmem>> -> memref<1x32x128xf32, #tpu.memory_space<vmem>>
      %gather3A_1859 = tpu.memref_squeeze %gather3A_1858 : memref<1x32x128xf32, #tpu.memory_space<vmem>> -> memref<32x128xf32, #tpu.memory_space<vmem>>
      %gather3A_1860 = tpu.vector_load_idx %gather3A_1859[%add3A_1854, %broadcast_in_dim3A_1848] : memref<32x128xf32, #tpu.memory_space<vmem>>[vector<16xi32>, vector<16xi32>], vector<16xf32>,
      %swap3A_1861 = arith.index_cast %add3A_1811 : i32 to index
      %swap3A_1862 = arith.constant 0 : index
      %swap3A_1863 = tpu.vector_load %arg14[%swap3A_1861, %swap3A_1862] {strides = array<i32>} : memref<128x32xf32, #tpu.memory_space<vmem>>, vector<16xf32>,
      tpu.vector_store %arg14[%swap3A_1861, %swap3A_1862], %gather3A_1860 {strides = array<i32>} : memref<128x32xf32, #tpu.memory_space<vmem>>, vector<16xf32>,
      %add3A_1864 = arith.constant 0 : i32
      %add3A_1865 = vector.broadcast %add3A_1864 : i32 to vector<16xi32>
      %add3A_1866 = arith.addi %iota3A, %add3A_1865 : vector<16xi32>
      %gather3A_1867 = arith.constant 2 : i32
      %gather3A_1868 = arith.constant 0 : i32
      %gather3A_1869 = arith.constant 0 : i32
      %gather3A_1870 = tpu.memref_slice %arg13[%gather3A_1867, %gather3A_1868, %gather3A_1869] : memref<8x32x128xf32, #tpu.memory_space<vmem>> -> memref<1x32x128xf32, #tpu.memory_space<vmem>>
      %gather3A_1871 = tpu.memref_squeeze %gather3A_1870 : memref<1x32x128xf32, #tpu.memory_space<vmem>> -> memref<32x128xf32, #tpu.memory_space<vmem>>
      %gather3A_1872 = tpu.vector_load_idx %gather3A_1871[%add3A_1866, %broadcast_in_dim3A_1851] : memref<32x128xf32, #tpu.memory_space<vmem>>[vector<16xi32>, vector<16xi32>], vector<16xf32>,
      %swap3A_1873 = arith.index_cast %add3A_1811 : i32 to index
      %swap3A_1874 = arith.constant 0 : index
      %swap3A_1875 = tpu.vector_load %arg15[%swap3A_1873, %swap3A_1874] {strides = array<i32>} : memref<128x32xf32, #tpu.memory_space<vmem>>, vector<16xf32>,
      tpu.vector_store %arg15[%swap3A_1873, %swap3A_1874], %gather3A_1872 {strides = array<i32>} : memref<128x32xf32, #tpu.memory_space<vmem>>, vector<16xf32>,
      %add3A_1876 = arith.constant 16 : i32
      %add3A_1877 = vector.broadcast %add3A_1876 : i32 to vector<16xi32>
      %add3A_1878 = arith.addi %iota3A, %add3A_1877 : vector<16xi32>
      %gather3A_1879 = arith.constant 2 : i32
      %gather3A_1880 = arith.constant 0 : i32
      %gather3A_1881 = arith.constant 0 : i32
      %gather3A_1882 = tpu.memref_slice %arg12[%gather3A_1879, %gather3A_1880, %gather3A_1881] : memref<8x32x128xf32, #tpu.memory_space<vmem>> -> memref<1x32x128xf32, #tpu.memory_space<vmem>>
      %gather3A_1883 = tpu.memref_squeeze %gather3A_1882 : memref<1x32x128xf32, #tpu.memory_space<vmem>> -> memref<32x128xf32, #tpu.memory_space<vmem>>
      %gather3A_1884 = tpu.vector_load_idx %gather3A_1883[%add3A_1878, %broadcast_in_dim3A_1848] : memref<32x128xf32, #tpu.memory_space<vmem>>[vector<16xi32>, vector<16xi32>], vector<16xf32>,
      %swap3A_1885 = arith.index_cast %add3A_1811 : i32 to index
      %swap3A_1886 = arith.constant 16 : index
      %swap3A_1887 = tpu.vector_load %arg14[%swap3A_1885, %swap3A_1886] {strides = array<i32>} : memref<128x32xf32, #tpu.memory_space<vmem>>, vector<16xf32>,
      tpu.vector_store %arg14[%swap3A_1885, %swap3A_1886], %gather3A_1884 {strides = array<i32>} : memref<128x32xf32, #tpu.memory_space<vmem>>, vector<16xf32>,
      %add3A_1888 = arith.constant 16 : i32
      %add3A_1889 = vector.broadcast %add3A_1888 : i32 to vector<16xi32>
      %add3A_1890 = arith.addi %iota3A, %add3A_1889 : vector<16xi32>
      %gather3A_1891 = arith.constant 2 : i32
      %gather3A_1892 = arith.constant 0 : i32
      %gather3A_1893 = arith.constant 0 : i32
      %gather3A_1894 = tpu.memref_slice %arg13[%gather3A_1891, %gather3A_1892, %gather3A_1893] : memref<8x32x128xf32, #tpu.memory_space<vmem>> -> memref<1x32x128xf32, #tpu.memory_space<vmem>>
      %gather3A_1895 = tpu.memref_squeeze %gather3A_1894 : memref<1x32x128xf32, #tpu.memory_space<vmem>> -> memref<32x128xf32, #tpu.memory_space<vmem>>
      %gather3A_1896 = tpu.vector_load_idx %gather3A_1895[%add3A_1890, %broadcast_in_dim3A_1851] : memref<32x128xf32, #tpu.memory_space<vmem>>[vector<16xi32>, vector<16xi32>], vector<16xf32>,
      %swap3A_1897 = arith.index_cast %add3A_1811 : i32 to index
      %swap3A_1898 = arith.constant 16 : index
      %swap3A_1899 = tpu.vector_load %arg15[%swap3A_1897, %swap3A_1898] {strides = array<i32>} : memref<128x32xf32, #tpu.memory_space<vmem>>, vector<16xf32>,
      tpu.vector_store %arg15[%swap3A_1897, %swap3A_1898], %gather3A_1896 {strides = array<i32>} : memref<128x32xf32, #tpu.memory_space<vmem>>, vector<16xf32>,
      %lt3A_1900 = arith.constant 15 : i32
      %lt3A_1901 = arith.cmpi slt, %scan3A_1618, %lt3A_1900 : i32
      %convert_element_type3A_1902 = arith.extui %lt3A_1901 : i1 to i32
      %cond3A_1903 = arith.constant 0 : i32
      %cond3A_1904 = arith.cmpi ne, %convert_element_type3A_1902, %cond3A_1903 : i32
      scf.if %cond3A_1904 {
        %add3A_2391 = arith.constant 8 : i32
        %add3A_2392 = arith.addi %add3A_1811, %add3A_2391 : i32
        %get3A_2393 = arith.index_cast %add3A_2392 : i32 to index
        %get3A_2394 = memref.load %arg8[%get3A_2393] : memref<128xi32, #tpu.memory_space<smem>>
        %and3A_2395 = arith.constant -128 : i32
        %and3A_2396 = arith.andi %get3A_2394, %and3A_2395 : i32
        %multiple_of3A_2397 = tpu.assume_multiple %and3A_2396, 128 : i32
        %get3A_2398 = arith.index_cast %add3A_2392 : i32 to index
        %get3A_2399 = memref.load %arg9[%get3A_2398] : memref<128xi32, #tpu.memory_space<smem>>
        %and3A_2400 = arith.constant -128 : i32
        %and3A_2401 = arith.andi %get3A_2399, %and3A_2400 : i32
        %multiple_of3A_2402 = tpu.assume_multiple %and3A_2401, 128 : i32
        %dma_start3A_2403 = arith.constant 2 : i32
        %dma_start3A_2404 = arith.constant 0 : i32
        %dma_start3A_2405 = arith.constant 0 : i32
        %dma_start3A_2406 = tpu.memref_slice %arg12[%dma_start3A_2403, %dma_start3A_2404, %dma_start3A_2405] : memref<8x32x128xf32, #tpu.memory_space<vmem>> -> memref<1x32x128xf32, #tpu.memory_space<vmem>>
        %dma_start3A_2407 = tpu.memref_squeeze %dma_start3A_2406 : memref<1x32x128xf32, #tpu.memory_space<vmem>> -> memref<32x128xf32, #tpu.memory_space<vmem>>
        %dma_start3A_2408 = arith.constant 0 : i32
        %dma_start3A_2409 = tpu.memref_slice %arg4[%dma_start3A_2408, %multiple_of3A_2397] : memref<32x1000000xf32, #tpu.memory_space<hbm>> -> memref<32x128xf32, #tpu.memory_space<hbm>>
        %dma_start3A_2410 = arith.constant 0 : i32
        %dma_start3A_2411 = arith.constant 0 : i32
        %dma_start3A_2412 = tpu.memref_slice %arg12[%dma_start3A_2403, %dma_start3A_2410, %dma_start3A_2411] : memref<8x32x128xf32, #tpu.memory_space<vmem>> -> memref<1x32x128xf32, #tpu.memory_space<vmem>>
        %dma_start3A_2413 = tpu.memref_squeeze %dma_start3A_2412 : memref<1x32x128xf32, #tpu.memory_space<vmem>> -> memref<32x128xf32, #tpu.memory_space<vmem>>
        %dma_start3A_2414 = arith.constant 0 : i32
        %dma_start3A_2415 = tpu.memref_slice %arg4[%dma_start3A_2414, %multiple_of3A_2397] : memref<32x1000000xf32, #tpu.memory_space<hbm>> -> memref<32x128xf32, #tpu.memory_space<hbm>>
        tpu.enqueue_dma source(%dma_start3A_2415 : memref<32x128xf32, #tpu.memory_space<hbm>>) target(%dma_start3A_2413 : memref<32x128xf32, #tpu.memory_space<vmem>>) target_semaphore(%arg18 : memref<!tpu.dma_semaphore, #tpu.memory_space<semaphore_mem>>)
        %dma_start3A_2416 = arith.constant 2 : i32
        %dma_start3A_2417 = arith.constant 0 : i32
        %dma_start3A_2418 = arith.constant 0 : i32
        %dma_start3A_2419 = tpu.memref_slice %arg13[%dma_start3A_2416, %dma_start3A_2417, %dma_start3A_2418] : memref<8x32x128xf32, #tpu.memory_space<vmem>> -> memref<1x32x128xf32, #tpu.memory_space<vmem>>
        %dma_start3A_2420 = tpu.memref_squeeze %dma_start3A_2419 : memref<1x32x128xf32, #tpu.memory_space<vmem>> -> memref<32x128xf32, #tpu.memory_space<vmem>>
        %dma_start3A_2421 = arith.constant 0 : i32
        %dma_start3A_2422 = tpu.memref_slice %arg5[%dma_start3A_2421, %multiple_of3A_2402] : memref<32x1000000xf32, #tpu.memory_space<hbm>> -> memref<32x128xf32, #tpu.memory_space<hbm>>
        %dma_start3A_2423 = arith.constant 0 : i32
        %dma_start3A_2424 = arith.constant 0 : i32
        %dma_start3A_2425 = tpu.memref_slice %arg13[%dma_start3A_2416, %dma_start3A_2423, %dma_start3A_2424] : memref<8x32x128xf32, #tpu.memory_space<vmem>> -> memref<1x32x128xf32, #tpu.memory_space<vmem>>
        %dma_start3A_2426 = tpu.memref_squeeze %dma_start3A_2425 : memref<1x32x128xf32, #tpu.memory_space<vmem>> -> memref<32x128xf32, #tpu.memory_space<vmem>>
        %dma_start3A_2427 = arith.constant 0 : i32
        %dma_start3A_2428 = tpu.memref_slice %arg5[%dma_start3A_2427, %multiple_of3A_2402] : memref<32x1000000xf32, #tpu.memory_space<hbm>> -> memref<32x128xf32, #tpu.memory_space<hbm>>
        tpu.enqueue_dma source(%dma_start3A_2428 : memref<32x128xf32, #tpu.memory_space<hbm>>) target(%dma_start3A_2426 : memref<32x128xf32, #tpu.memory_space<vmem>>) target_semaphore(%arg26 : memref<!tpu.dma_semaphore, #tpu.memory_space<semaphore_mem>>)
      } else {
      }
      %mul3A_1905 = arith.constant 8 : i32
      %mul3A_1906 = arith.muli %scan3A_1618, %mul3A_1905 : i32
      %add3A_1907 = arith.constant 3 : i32
      %add3A_1908 = arith.addi %mul3A_1906, %add3A_1907 : i32
      %dma_wait3A_1909 = arith.constant 3 : i32
      %dma_wait3A_1910 = arith.constant 0 : i32
      %dma_wait3A_1911 = arith.constant 0 : i32
      %dma_wait3A_1912 = tpu.memref_slice %arg12[%dma_wait3A_1909, %dma_wait3A_1910, %dma_wait3A_1911] : memref<8x32x128xf32, #tpu.memory_space<vmem>> -> memref<1x32x128xf32, #tpu.memory_space<vmem>>
      %dma_wait3A_1913 = tpu.memref_squeeze %dma_wait3A_1912 : memref<1x32x128xf32, #tpu.memory_space<vmem>> -> memref<32x128xf32, #tpu.memory_space<vmem>>
      %dma_wait3A_1914 = arith.constant 0 : i32
      %dma_wait3A_1915 = arith.constant 0 : i32
      %dma_wait3A_1916 = tpu.memref_slice %arg4[%dma_wait3A_1914, %dma_wait3A_1915] : memref<32x1000000xf32, #tpu.memory_space<hbm>> -> memref<32x128xf32, #tpu.memory_space<hbm>>
      %dma_wait3A_1917 = arith.constant 0 : i32
      %dma_wait3A_1918 = arith.constant 0 : i32
      %dma_wait3A_1919 = tpu.memref_slice %arg12[%dma_wait3A_1909, %dma_wait3A_1917, %dma_wait3A_1918] : memref<8x32x128xf32, #tpu.memory_space<vmem>> -> memref<1x32x128xf32, #tpu.memory_space<vmem>>
      %dma_wait3A_1920 = tpu.memref_squeeze %dma_wait3A_1919 : memref<1x32x128xf32, #tpu.memory_space<vmem>> -> memref<32x128xf32, #tpu.memory_space<vmem>>
      %dma_wait3A_1921 = arith.constant 0 : i32
      %dma_wait3A_1922 = arith.constant 0 : i32
      %dma_wait3A_1923 = tpu.memref_slice %arg4[%dma_wait3A_1921, %dma_wait3A_1922] : memref<32x1000000xf32, #tpu.memory_space<hbm>> -> memref<32x128xf32, #tpu.memory_space<hbm>>
      tpu.wait_dma2 semaphore(%arg19 : memref<!tpu.dma_semaphore, #tpu.memory_space<semaphore_mem>>) src(%dma_wait3A_1923 : memref<32x128xf32, #tpu.memory_space<hbm>>) dst(%dma_wait3A_1920 : memref<32x128xf32, #tpu.memory_space<vmem>>)
      %dma_wait3A_1924 = arith.constant 3 : i32
      %dma_wait3A_1925 = arith.constant 0 : i32
      %dma_wait3A_1926 = arith.constant 0 : i32
      %dma_wait3A_1927 = tpu.memref_slice %arg13[%dma_wait3A_1924, %dma_wait3A_1925, %dma_wait3A_1926] : memref<8x32x128xf32, #tpu.memory_space<vmem>> -> memref<1x32x128xf32, #tpu.memory_space<vmem>>
      %dma_wait3A_1928 = tpu.memref_squeeze %dma_wait3A_1927 : memref<1x32x128xf32, #tpu.memory_space<vmem>> -> memref<32x128xf32, #tpu.memory_space<vmem>>
      %dma_wait3A_1929 = arith.constant 0 : i32
      %dma_wait3A_1930 = arith.constant 0 : i32
      %dma_wait3A_1931 = tpu.memref_slice %arg5[%dma_wait3A_1929, %dma_wait3A_1930] : memref<32x1000000xf32, #tpu.memory_space<hbm>> -> memref<32x128xf32, #tpu.memory_space<hbm>>
      %dma_wait3A_1932 = arith.constant 0 : i32
      %dma_wait3A_1933 = arith.constant 0 : i32
      %dma_wait3A_1934 = tpu.memref_slice %arg13[%dma_wait3A_1924, %dma_wait3A_1932, %dma_wait3A_1933] : memref<8x32x128xf32, #tpu.memory_space<vmem>> -> memref<1x32x128xf32, #tpu.memory_space<vmem>>
      %dma_wait3A_1935 = tpu.memref_squeeze %dma_wait3A_1934 : memref<1x32x128xf32, #tpu.memory_space<vmem>> -> memref<32x128xf32, #tpu.memory_space<vmem>>
      %dma_wait3A_1936 = arith.constant 0 : i32
      %dma_wait3A_1937 = arith.constant 0 : i32
      %dma_wait3A_1938 = tpu.memref_slice %arg5[%dma_wait3A_1936, %dma_wait3A_1937] : memref<32x1000000xf32, #tpu.memory_space<hbm>> -> memref<32x128xf32, #tpu.memory_space<hbm>>
      tpu.wait_dma2 semaphore(%arg27 : memref<!tpu.dma_semaphore, #tpu.memory_space<semaphore_mem>>) src(%dma_wait3A_1938 : memref<32x128xf32, #tpu.memory_space<hbm>>) dst(%dma_wait3A_1935 : memref<32x128xf32, #tpu.memory_space<vmem>>)
      %get3A_1939 = arith.index_cast %add3A_1908 : i32 to index
      %get3A_1940 = memref.load %arg8[%get3A_1939] : memref<128xi32, #tpu.memory_space<smem>>
      %get3A_1941 = arith.index_cast %add3A_1908 : i32 to index
      %get3A_1942 = memref.load %arg9[%get3A_1941] : memref<128xi32, #tpu.memory_space<smem>>
      %and3A_1943 = arith.constant 127 : i32
      %and3A_1944 = arith.andi %get3A_1940, %and3A_1943 : i32
      %broadcast_in_dim3A_1945 = vector.broadcast %and3A_1944 : i32 to vector<16xi32>
      %and3A_1946 = arith.constant 127 : i32
      %and3A_1947 = arith.andi %get3A_1942, %and3A_1946 : i32
      %broadcast_in_dim3A_1948 = vector.broadcast %and3A_1947 : i32 to vector<16xi32>
      %add3A_1949 = arith.constant 0 : i32
      %add3A_1950 = vector.broadcast %add3A_1949 : i32 to vector<16xi32>
      %add3A_1951 = arith.addi %iota3A, %add3A_1950 : vector<16xi32>
      %gather3A_1952 = arith.constant 3 : i32
      %gather3A_1953 = arith.constant 0 : i32
      %gather3A_1954 = arith.constant 0 : i32
      %gather3A_1955 = tpu.memref_slice %arg12[%gather3A_1952, %gather3A_1953, %gather3A_1954] : memref<8x32x128xf32, #tpu.memory_space<vmem>> -> memref<1x32x128xf32, #tpu.memory_space<vmem>>
      %gather3A_1956 = tpu.memref_squeeze %gather3A_1955 : memref<1x32x128xf32, #tpu.memory_space<vmem>> -> memref<32x128xf32, #tpu.memory_space<vmem>>
      %gather3A_1957 = tpu.vector_load_idx %gather3A_1956[%add3A_1951, %broadcast_in_dim3A_1945] : memref<32x128xf32, #tpu.memory_space<vmem>>[vector<16xi32>, vector<16xi32>], vector<16xf32>,
      %swap3A_1958 = arith.index_cast %add3A_1908 : i32 to index
      %swap3A_1959 = arith.constant 0 : index
      %swap3A_1960 = tpu.vector_load %arg14[%swap3A_1958, %swap3A_1959] {strides = array<i32>} : memref<128x32xf32, #tpu.memory_space<vmem>>, vector<16xf32>,
      tpu.vector_store %arg14[%swap3A_1958, %swap3A_1959], %gather3A_1957 {strides = array<i32>} : memref<128x32xf32, #tpu.memory_space<vmem>>, vector<16xf32>,
      %add3A_1961 = arith.constant 0 : i32
      %add3A_1962 = vector.broadcast %add3A_1961 : i32 to vector<16xi32>
      %add3A_1963 = arith.addi %iota3A, %add3A_1962 : vector<16xi32>
      %gather3A_1964 = arith.constant 3 : i32
      %gather3A_1965 = arith.constant 0 : i32
      %gather3A_1966 = arith.constant 0 : i32
      %gather3A_1967 = tpu.memref_slice %arg13[%gather3A_1964, %gather3A_1965, %gather3A_1966] : memref<8x32x128xf32, #tpu.memory_space<vmem>> -> memref<1x32x128xf32, #tpu.memory_space<vmem>>
      %gather3A_1968 = tpu.memref_squeeze %gather3A_1967 : memref<1x32x128xf32, #tpu.memory_space<vmem>> -> memref<32x128xf32, #tpu.memory_space<vmem>>
      %gather3A_1969 = tpu.vector_load_idx %gather3A_1968[%add3A_1963, %broadcast_in_dim3A_1948] : memref<32x128xf32, #tpu.memory_space<vmem>>[vector<16xi32>, vector<16xi32>], vector<16xf32>,
      %swap3A_1970 = arith.index_cast %add3A_1908 : i32 to index
      %swap3A_1971 = arith.constant 0 : index
      %swap3A_1972 = tpu.vector_load %arg15[%swap3A_1970, %swap3A_1971] {strides = array<i32>} : memref<128x32xf32, #tpu.memory_space<vmem>>, vector<16xf32>,
      tpu.vector_store %arg15[%swap3A_1970, %swap3A_1971], %gather3A_1969 {strides = array<i32>} : memref<128x32xf32, #tpu.memory_space<vmem>>, vector<16xf32>,
      %add3A_1973 = arith.constant 16 : i32
      %add3A_1974 = vector.broadcast %add3A_1973 : i32 to vector<16xi32>
      %add3A_1975 = arith.addi %iota3A, %add3A_1974 : vector<16xi32>
      %gather3A_1976 = arith.constant 3 : i32
      %gather3A_1977 = arith.constant 0 : i32
      %gather3A_1978 = arith.constant 0 : i32
      %gather3A_1979 = tpu.memref_slice %arg12[%gather3A_1976, %gather3A_1977, %gather3A_1978] : memref<8x32x128xf32, #tpu.memory_space<vmem>> -> memref<1x32x128xf32, #tpu.memory_space<vmem>>
      %gather3A_1980 = tpu.memref_squeeze %gather3A_1979 : memref<1x32x128xf32, #tpu.memory_space<vmem>> -> memref<32x128xf32, #tpu.memory_space<vmem>>
      %gather3A_1981 = tpu.vector_load_idx %gather3A_1980[%add3A_1975, %broadcast_in_dim3A_1945] : memref<32x128xf32, #tpu.memory_space<vmem>>[vector<16xi32>, vector<16xi32>], vector<16xf32>,
      %swap3A_1982 = arith.index_cast %add3A_1908 : i32 to index
      %swap3A_1983 = arith.constant 16 : index
      %swap3A_1984 = tpu.vector_load %arg14[%swap3A_1982, %swap3A_1983] {strides = array<i32>} : memref<128x32xf32, #tpu.memory_space<vmem>>, vector<16xf32>,
      tpu.vector_store %arg14[%swap3A_1982, %swap3A_1983], %gather3A_1981 {strides = array<i32>} : memref<128x32xf32, #tpu.memory_space<vmem>>, vector<16xf32>,
      %add3A_1985 = arith.constant 16 : i32
      %add3A_1986 = vector.broadcast %add3A_1985 : i32 to vector<16xi32>
      %add3A_1987 = arith.addi %iota3A, %add3A_1986 : vector<16xi32>
      %gather3A_1988 = arith.constant 3 : i32
      %gather3A_1989 = arith.constant 0 : i32
      %gather3A_1990 = arith.constant 0 : i32
      %gather3A_1991 = tpu.memref_slice %arg13[%gather3A_1988, %gather3A_1989, %gather3A_1990] : memref<8x32x128xf32, #tpu.memory_space<vmem>> -> memref<1x32x128xf32, #tpu.memory_space<vmem>>
      %gather3A_1992 = tpu.memref_squeeze %gather3A_1991 : memref<1x32x128xf32, #tpu.memory_space<vmem>> -> memref<32x128xf32, #tpu.memory_space<vmem>>
      %gather3A_1993 = tpu.vector_load_idx %gather3A_1992[%add3A_1987, %broadcast_in_dim3A_1948] : memref<32x128xf32, #tpu.memory_space<vmem>>[vector<16xi32>, vector<16xi32>], vector<16xf32>,
      %swap3A_1994 = arith.index_cast %add3A_1908 : i32 to index
      %swap3A_1995 = arith.constant 16 : index
      %swap3A_1996 = tpu.vector_load %arg15[%swap3A_1994, %swap3A_1995] {strides = array<i32>} : memref<128x32xf32, #tpu.memory_space<vmem>>, vector<16xf32>,
      tpu.vector_store %arg15[%swap3A_1994, %swap3A_1995], %gather3A_1993 {strides = array<i32>} : memref<128x32xf32, #tpu.memory_space<vmem>>, vector<16xf32>,
      %lt3A_1997 = arith.constant 15 : i32
      %lt3A_1998 = arith.cmpi slt, %scan3A_1618, %lt3A_1997 : i32
      %convert_element_type3A_1999 = arith.extui %lt3A_1998 : i1 to i32
      %cond3A_2000 = arith.constant 0 : i32
      %cond3A_2001 = arith.cmpi ne, %convert_element_type3A_1999, %cond3A_2000 : i32
      scf.if %cond3A_2001 {
        %add3A_2391 = arith.constant 8 : i32
        %add3A_2392 = arith.addi %add3A_1908, %add3A_2391 : i32
        %get3A_2393 = arith.index_cast %add3A_2392 : i32 to index
        %get3A_2394 = memref.load %arg8[%get3A_2393] : memref<128xi32, #tpu.memory_space<smem>>
        %and3A_2395 = arith.constant -128 : i32
        %and3A_2396 = arith.andi %get3A_2394, %and3A_2395 : i32
        %multiple_of3A_2397 = tpu.assume_multiple %and3A_2396, 128 : i32
        %get3A_2398 = arith.index_cast %add3A_2392 : i32 to index
        %get3A_2399 = memref.load %arg9[%get3A_2398] : memref<128xi32, #tpu.memory_space<smem>>
        %and3A_2400 = arith.constant -128 : i32
        %and3A_2401 = arith.andi %get3A_2399, %and3A_2400 : i32
        %multiple_of3A_2402 = tpu.assume_multiple %and3A_2401, 128 : i32
        %dma_start3A_2403 = arith.constant 3 : i32
        %dma_start3A_2404 = arith.constant 0 : i32
        %dma_start3A_2405 = arith.constant 0 : i32
        %dma_start3A_2406 = tpu.memref_slice %arg12[%dma_start3A_2403, %dma_start3A_2404, %dma_start3A_2405] : memref<8x32x128xf32, #tpu.memory_space<vmem>> -> memref<1x32x128xf32, #tpu.memory_space<vmem>>
        %dma_start3A_2407 = tpu.memref_squeeze %dma_start3A_2406 : memref<1x32x128xf32, #tpu.memory_space<vmem>> -> memref<32x128xf32, #tpu.memory_space<vmem>>
        %dma_start3A_2408 = arith.constant 0 : i32
        %dma_start3A_2409 = tpu.memref_slice %arg4[%dma_start3A_2408, %multiple_of3A_2397] : memref<32x1000000xf32, #tpu.memory_space<hbm>> -> memref<32x128xf32, #tpu.memory_space<hbm>>
        %dma_start3A_2410 = arith.constant 0 : i32
        %dma_start3A_2411 = arith.constant 0 : i32
        %dma_start3A_2412 = tpu.memref_slice %arg12[%dma_start3A_2403, %dma_start3A_2410, %dma_start3A_2411] : memref<8x32x128xf32, #tpu.memory_space<vmem>> -> memref<1x32x128xf32, #tpu.memory_space<vmem>>
        %dma_start3A_2413 = tpu.memref_squeeze %dma_start3A_2412 : memref<1x32x128xf32, #tpu.memory_space<vmem>> -> memref<32x128xf32, #tpu.memory_space<vmem>>
        %dma_start3A_2414 = arith.constant 0 : i32
        %dma_start3A_2415 = tpu.memref_slice %arg4[%dma_start3A_2414, %multiple_of3A_2397] : memref<32x1000000xf32, #tpu.memory_space<hbm>> -> memref<32x128xf32, #tpu.memory_space<hbm>>
        tpu.enqueue_dma source(%dma_start3A_2415 : memref<32x128xf32, #tpu.memory_space<hbm>>) target(%dma_start3A_2413 : memref<32x128xf32, #tpu.memory_space<vmem>>) target_semaphore(%arg19 : memref<!tpu.dma_semaphore, #tpu.memory_space<semaphore_mem>>)
        %dma_start3A_2416 = arith.constant 3 : i32
        %dma_start3A_2417 = arith.constant 0 : i32
        %dma_start3A_2418 = arith.constant 0 : i32
        %dma_start3A_2419 = tpu.memref_slice %arg13[%dma_start3A_2416, %dma_start3A_2417, %dma_start3A_2418] : memref<8x32x128xf32, #tpu.memory_space<vmem>> -> memref<1x32x128xf32, #tpu.memory_space<vmem>>
        %dma_start3A_2420 = tpu.memref_squeeze %dma_start3A_2419 : memref<1x32x128xf32, #tpu.memory_space<vmem>> -> memref<32x128xf32, #tpu.memory_space<vmem>>
        %dma_start3A_2421 = arith.constant 0 : i32
        %dma_start3A_2422 = tpu.memref_slice %arg5[%dma_start3A_2421, %multiple_of3A_2402] : memref<32x1000000xf32, #tpu.memory_space<hbm>> -> memref<32x128xf32, #tpu.memory_space<hbm>>
        %dma_start3A_2423 = arith.constant 0 : i32
        %dma_start3A_2424 = arith.constant 0 : i32
        %dma_start3A_2425 = tpu.memref_slice %arg13[%dma_start3A_2416, %dma_start3A_2423, %dma_start3A_2424] : memref<8x32x128xf32, #tpu.memory_space<vmem>> -> memref<1x32x128xf32, #tpu.memory_space<vmem>>
        %dma_start3A_2426 = tpu.memref_squeeze %dma_start3A_2425 : memref<1x32x128xf32, #tpu.memory_space<vmem>> -> memref<32x128xf32, #tpu.memory_space<vmem>>
        %dma_start3A_2427 = arith.constant 0 : i32
        %dma_start3A_2428 = tpu.memref_slice %arg5[%dma_start3A_2427, %multiple_of3A_2402] : memref<32x1000000xf32, #tpu.memory_space<hbm>> -> memref<32x128xf32, #tpu.memory_space<hbm>>
        tpu.enqueue_dma source(%dma_start3A_2428 : memref<32x128xf32, #tpu.memory_space<hbm>>) target(%dma_start3A_2426 : memref<32x128xf32, #tpu.memory_space<vmem>>) target_semaphore(%arg27 : memref<!tpu.dma_semaphore, #tpu.memory_space<semaphore_mem>>)
      } else {
      }
      %mul3A_2002 = arith.constant 8 : i32
      %mul3A_2003 = arith.muli %scan3A_1618, %mul3A_2002 : i32
      %add3A_2004 = arith.constant 4 : i32
      %add3A_2005 = arith.addi %mul3A_2003, %add3A_2004 : i32
      %dma_wait3A_2006 = arith.constant 4 : i32
      %dma_wait3A_2007 = arith.constant 0 : i32
      %dma_wait3A_2008 = arith.constant 0 : i32
      %dma_wait3A_2009 = tpu.memref_slice %arg12[%dma_wait3A_2006, %dma_wait3A_2007, %dma_wait3A_2008] : memref<8x32x128xf32, #tpu.memory_space<vmem>> -> memref<1x32x128xf32, #tpu.memory_space<vmem>>
      %dma_wait3A_2010 = tpu.memref_squeeze %dma_wait3A_2009 : memref<1x32x128xf32, #tpu.memory_space<vmem>> -> memref<32x128xf32, #tpu.memory_space<vmem>>
      %dma_wait3A_2011 = arith.constant 0 : i32
      %dma_wait3A_2012 = arith.constant 0 : i32
      %dma_wait3A_2013 = tpu.memref_slice %arg4[%dma_wait3A_2011, %dma_wait3A_2012] : memref<32x1000000xf32, #tpu.memory_space<hbm>> -> memref<32x128xf32, #tpu.memory_space<hbm>>
      %dma_wait3A_2014 = arith.constant 0 : i32
      %dma_wait3A_2015 = arith.constant 0 : i32
      %dma_wait3A_2016 = tpu.memref_slice %arg12[%dma_wait3A_2006, %dma_wait3A_2014, %dma_wait3A_2015] : memref<8x32x128xf32, #tpu.memory_space<vmem>> -> memref<1x32x128xf32, #tpu.memory_space<vmem>>
      %dma_wait3A_2017 = tpu.memref_squeeze %dma_wait3A_2016 : memref<1x32x128xf32, #tpu.memory_space<vmem>> -> memref<32x128xf32, #tpu.memory_space<vmem>>
      %dma_wait3A_2018 = arith.constant 0 : i32
      %dma_wait3A_2019 = arith.constant 0 : i32
      %dma_wait3A_2020 = tpu.memref_slice %arg4[%dma_wait3A_2018, %dma_wait3A_2019] : memref<32x1000000xf32, #tpu.memory_space<hbm>> -> memref<32x128xf32, #tpu.memory_space<hbm>>
      tpu.wait_dma2 semaphore(%arg20 : memref<!tpu.dma_semaphore, #tpu.memory_space<semaphore_mem>>) src(%dma_wait3A_2020 : memref<32x128xf32, #tpu.memory_space<hbm>>) dst(%dma_wait3A_2017 : memref<32x128xf32, #tpu.memory_space<vmem>>)
      %dma_wait3A_2021 = arith.constant 4 : i32
      %dma_wait3A_2022 = arith.constant 0 : i32
      %dma_wait3A_2023 = arith.constant 0 : i32
      %dma_wait3A_2024 = tpu.memref_slice %arg13[%dma_wait3A_2021, %dma_wait3A_2022, %dma_wait3A_2023] : memref<8x32x128xf32, #tpu.memory_space<vmem>> -> memref<1x32x128xf32, #tpu.memory_space<vmem>>
      %dma_wait3A_2025 = tpu.memref_squeeze %dma_wait3A_2024 : memref<1x32x128xf32, #tpu.memory_space<vmem>> -> memref<32x128xf32, #tpu.memory_space<vmem>>
      %dma_wait3A_2026 = arith.constant 0 : i32
      %dma_wait3A_2027 = arith.constant 0 : i32
      %dma_wait3A_2028 = tpu.memref_slice %arg5[%dma_wait3A_2026, %dma_wait3A_2027] : memref<32x1000000xf32, #tpu.memory_space<hbm>> -> memref<32x128xf32, #tpu.memory_space<hbm>>
      %dma_wait3A_2029 = arith.constant 0 : i32
      %dma_wait3A_2030 = arith.constant 0 : i32
      %dma_wait3A_2031 = tpu.memref_slice %arg13[%dma_wait3A_2021, %dma_wait3A_2029, %dma_wait3A_2030] : memref<8x32x128xf32, #tpu.memory_space<vmem>> -> memref<1x32x128xf32, #tpu.memory_space<vmem>>
      %dma_wait3A_2032 = tpu.memref_squeeze %dma_wait3A_2031 : memref<1x32x128xf32, #tpu.memory_space<vmem>> -> memref<32x128xf32, #tpu.memory_space<vmem>>
      %dma_wait3A_2033 = arith.constant 0 : i32
      %dma_wait3A_2034 = arith.constant 0 : i32
      %dma_wait3A_2035 = tpu.memref_slice %arg5[%dma_wait3A_2033, %dma_wait3A_2034] : memref<32x1000000xf32, #tpu.memory_space<hbm>> -> memref<32x128xf32, #tpu.memory_space<hbm>>
      tpu.wait_dma2 semaphore(%arg28 : memref<!tpu.dma_semaphore, #tpu.memory_space<semaphore_mem>>) src(%dma_wait3A_2035 : memref<32x128xf32, #tpu.memory_space<hbm>>) dst(%dma_wait3A_2032 : memref<32x128xf32, #tpu.memory_space<vmem>>)
      %get3A_2036 = arith.index_cast %add3A_2005 : i32 to index
      %get3A_2037 = memref.load %arg8[%get3A_2036] : memref<128xi32, #tpu.memory_space<smem>>
      %get3A_2038 = arith.index_cast %add3A_2005 : i32 to index
      %get3A_2039 = memref.load %arg9[%get3A_2038] : memref<128xi32, #tpu.memory_space<smem>>
      %and3A_2040 = arith.constant 127 : i32
      %and3A_2041 = arith.andi %get3A_2037, %and3A_2040 : i32
      %broadcast_in_dim3A_2042 = vector.broadcast %and3A_2041 : i32 to vector<16xi32>
      %and3A_2043 = arith.constant 127 : i32
      %and3A_2044 = arith.andi %get3A_2039, %and3A_2043 : i32
      %broadcast_in_dim3A_2045 = vector.broadcast %and3A_2044 : i32 to vector<16xi32>
      %add3A_2046 = arith.constant 0 : i32
      %add3A_2047 = vector.broadcast %add3A_2046 : i32 to vector<16xi32>
      %add3A_2048 = arith.addi %iota3A, %add3A_2047 : vector<16xi32>
      %gather3A_2049 = arith.constant 4 : i32
      %gather3A_2050 = arith.constant 0 : i32
      %gather3A_2051 = arith.constant 0 : i32
      %gather3A_2052 = tpu.memref_slice %arg12[%gather3A_2049, %gather3A_2050, %gather3A_2051] : memref<8x32x128xf32, #tpu.memory_space<vmem>> -> memref<1x32x128xf32, #tpu.memory_space<vmem>>
      %gather3A_2053 = tpu.memref_squeeze %gather3A_2052 : memref<1x32x128xf32, #tpu.memory_space<vmem>> -> memref<32x128xf32, #tpu.memory_space<vmem>>
      %gather3A_2054 = tpu.vector_load_idx %gather3A_2053[%add3A_2048, %broadcast_in_dim3A_2042] : memref<32x128xf32, #tpu.memory_space<vmem>>[vector<16xi32>, vector<16xi32>], vector<16xf32>,
      %swap3A_2055 = arith.index_cast %add3A_2005 : i32 to index
      %swap3A_2056 = arith.constant 0 : index
      %swap3A_2057 = tpu.vector_load %arg14[%swap3A_2055, %swap3A_2056] {strides = array<i32>} : memref<128x32xf32, #tpu.memory_space<vmem>>, vector<16xf32>,
      tpu.vector_store %arg14[%swap3A_2055, %swap3A_2056], %gather3A_2054 {strides = array<i32>} : memref<128x32xf32, #tpu.memory_space<vmem>>, vector<16xf32>,
      %add3A_2058 = arith.constant 0 : i32
      %add3A_2059 = vector.broadcast %add3A_2058 : i32 to vector<16xi32>
      %add3A_2060 = arith.addi %iota3A, %add3A_2059 : vector<16xi32>
      %gather3A_2061 = arith.constant 4 : i32
      %gather3A_2062 = arith.constant 0 : i32
      %gather3A_2063 = arith.constant 0 : i32
      %gather3A_2064 = tpu.memref_slice %arg13[%gather3A_2061, %gather3A_2062, %gather3A_2063] : memref<8x32x128xf32, #tpu.memory_space<vmem>> -> memref<1x32x128xf32, #tpu.memory_space<vmem>>
      %gather3A_2065 = tpu.memref_squeeze %gather3A_2064 : memref<1x32x128xf32, #tpu.memory_space<vmem>> -> memref<32x128xf32, #tpu.memory_space<vmem>>
      %gather3A_2066 = tpu.vector_load_idx %gather3A_2065[%add3A_2060, %broadcast_in_dim3A_2045] : memref<32x128xf32, #tpu.memory_space<vmem>>[vector<16xi32>, vector<16xi32>], vector<16xf32>,
      %swap3A_2067 = arith.index_cast %add3A_2005 : i32 to index
      %swap3A_2068 = arith.constant 0 : index
      %swap3A_2069 = tpu.vector_load %arg15[%swap3A_2067, %swap3A_2068] {strides = array<i32>} : memref<128x32xf32, #tpu.memory_space<vmem>>, vector<16xf32>,
      tpu.vector_store %arg15[%swap3A_2067, %swap3A_2068], %gather3A_2066 {strides = array<i32>} : memref<128x32xf32, #tpu.memory_space<vmem>>, vector<16xf32>,
      %add3A_2070 = arith.constant 16 : i32
      %add3A_2071 = vector.broadcast %add3A_2070 : i32 to vector<16xi32>
      %add3A_2072 = arith.addi %iota3A, %add3A_2071 : vector<16xi32>
      %gather3A_2073 = arith.constant 4 : i32
      %gather3A_2074 = arith.constant 0 : i32
      %gather3A_2075 = arith.constant 0 : i32
      %gather3A_2076 = tpu.memref_slice %arg12[%gather3A_2073, %gather3A_2074, %gather3A_2075] : memref<8x32x128xf32, #tpu.memory_space<vmem>> -> memref<1x32x128xf32, #tpu.memory_space<vmem>>
      %gather3A_2077 = tpu.memref_squeeze %gather3A_2076 : memref<1x32x128xf32, #tpu.memory_space<vmem>> -> memref<32x128xf32, #tpu.memory_space<vmem>>
      %gather3A_2078 = tpu.vector_load_idx %gather3A_2077[%add3A_2072, %broadcast_in_dim3A_2042] : memref<32x128xf32, #tpu.memory_space<vmem>>[vector<16xi32>, vector<16xi32>], vector<16xf32>,
      %swap3A_2079 = arith.index_cast %add3A_2005 : i32 to index
      %swap3A_2080 = arith.constant 16 : index
      %swap3A_2081 = tpu.vector_load %arg14[%swap3A_2079, %swap3A_2080] {strides = array<i32>} : memref<128x32xf32, #tpu.memory_space<vmem>>, vector<16xf32>,
      tpu.vector_store %arg14[%swap3A_2079, %swap3A_2080], %gather3A_2078 {strides = array<i32>} : memref<128x32xf32, #tpu.memory_space<vmem>>, vector<16xf32>,
      %add3A_2082 = arith.constant 16 : i32
      %add3A_2083 = vector.broadcast %add3A_2082 : i32 to vector<16xi32>
      %add3A_2084 = arith.addi %iota3A, %add3A_2083 : vector<16xi32>
      %gather3A_2085 = arith.constant 4 : i32
      %gather3A_2086 = arith.constant 0 : i32
      %gather3A_2087 = arith.constant 0 : i32
      %gather3A_2088 = tpu.memref_slice %arg13[%gather3A_2085, %gather3A_2086, %gather3A_2087] : memref<8x32x128xf32, #tpu.memory_space<vmem>> -> memref<1x32x128xf32, #tpu.memory_space<vmem>>
      %gather3A_2089 = tpu.memref_squeeze %gather3A_2088 : memref<1x32x128xf32, #tpu.memory_space<vmem>> -> memref<32x128xf32, #tpu.memory_space<vmem>>
      %gather3A_2090 = tpu.vector_load_idx %gather3A_2089[%add3A_2084, %broadcast_in_dim3A_2045] : memref<32x128xf32, #tpu.memory_space<vmem>>[vector<16xi32>, vector<16xi32>], vector<16xf32>,
      %swap3A_2091 = arith.index_cast %add3A_2005 : i32 to index
      %swap3A_2092 = arith.constant 16 : index
      %swap3A_2093 = tpu.vector_load %arg15[%swap3A_2091, %swap3A_2092] {strides = array<i32>} : memref<128x32xf32, #tpu.memory_space<vmem>>, vector<16xf32>,
      tpu.vector_store %arg15[%swap3A_2091, %swap3A_2092], %gather3A_2090 {strides = array<i32>} : memref<128x32xf32, #tpu.memory_space<vmem>>, vector<16xf32>,
      %lt3A_2094 = arith.constant 15 : i32
      %lt3A_2095 = arith.cmpi slt, %scan3A_1618, %lt3A_2094 : i32
      %convert_element_type3A_2096 = arith.extui %lt3A_2095 : i1 to i32
      %cond3A_2097 = arith.constant 0 : i32
      %cond3A_2098 = arith.cmpi ne, %convert_element_type3A_2096, %cond3A_2097 : i32
      scf.if %cond3A_2098 {
        %add3A_2391 = arith.constant 8 : i32
        %add3A_2392 = arith.addi %add3A_2005, %add3A_2391 : i32
        %get3A_2393 = arith.index_cast %add3A_2392 : i32 to index
        %get3A_2394 = memref.load %arg8[%get3A_2393] : memref<128xi32, #tpu.memory_space<smem>>
        %and3A_2395 = arith.constant -128 : i32
        %and3A_2396 = arith.andi %get3A_2394, %and3A_2395 : i32
        %multiple_of3A_2397 = tpu.assume_multiple %and3A_2396, 128 : i32
        %get3A_2398 = arith.index_cast %add3A_2392 : i32 to index
        %get3A_2399 = memref.load %arg9[%get3A_2398] : memref<128xi32, #tpu.memory_space<smem>>
        %and3A_2400 = arith.constant -128 : i32
        %and3A_2401 = arith.andi %get3A_2399, %and3A_2400 : i32
        %multiple_of3A_2402 = tpu.assume_multiple %and3A_2401, 128 : i32
        %dma_start3A_2403 = arith.constant 4 : i32
        %dma_start3A_2404 = arith.constant 0 : i32
        %dma_start3A_2405 = arith.constant 0 : i32
        %dma_start3A_2406 = tpu.memref_slice %arg12[%dma_start3A_2403, %dma_start3A_2404, %dma_start3A_2405] : memref<8x32x128xf32, #tpu.memory_space<vmem>> -> memref<1x32x128xf32, #tpu.memory_space<vmem>>
        %dma_start3A_2407 = tpu.memref_squeeze %dma_start3A_2406 : memref<1x32x128xf32, #tpu.memory_space<vmem>> -> memref<32x128xf32, #tpu.memory_space<vmem>>
        %dma_start3A_2408 = arith.constant 0 : i32
        %dma_start3A_2409 = tpu.memref_slice %arg4[%dma_start3A_2408, %multiple_of3A_2397] : memref<32x1000000xf32, #tpu.memory_space<hbm>> -> memref<32x128xf32, #tpu.memory_space<hbm>>
        %dma_start3A_2410 = arith.constant 0 : i32
        %dma_start3A_2411 = arith.constant 0 : i32
        %dma_start3A_2412 = tpu.memref_slice %arg12[%dma_start3A_2403, %dma_start3A_2410, %dma_start3A_2411] : memref<8x32x128xf32, #tpu.memory_space<vmem>> -> memref<1x32x128xf32, #tpu.memory_space<vmem>>
        %dma_start3A_2413 = tpu.memref_squeeze %dma_start3A_2412 : memref<1x32x128xf32, #tpu.memory_space<vmem>> -> memref<32x128xf32, #tpu.memory_space<vmem>>
        %dma_start3A_2414 = arith.constant 0 : i32
        %dma_start3A_2415 = tpu.memref_slice %arg4[%dma_start3A_2414, %multiple_of3A_2397] : memref<32x1000000xf32, #tpu.memory_space<hbm>> -> memref<32x128xf32, #tpu.memory_space<hbm>>
        tpu.enqueue_dma source(%dma_start3A_2415 : memref<32x128xf32, #tpu.memory_space<hbm>>) target(%dma_start3A_2413 : memref<32x128xf32, #tpu.memory_space<vmem>>) target_semaphore(%arg20 : memref<!tpu.dma_semaphore, #tpu.memory_space<semaphore_mem>>)
        %dma_start3A_2416 = arith.constant 4 : i32
        %dma_start3A_2417 = arith.constant 0 : i32
        %dma_start3A_2418 = arith.constant 0 : i32
        %dma_start3A_2419 = tpu.memref_slice %arg13[%dma_start3A_2416, %dma_start3A_2417, %dma_start3A_2418] : memref<8x32x128xf32, #tpu.memory_space<vmem>> -> memref<1x32x128xf32, #tpu.memory_space<vmem>>
        %dma_start3A_2420 = tpu.memref_squeeze %dma_start3A_2419 : memref<1x32x128xf32, #tpu.memory_space<vmem>> -> memref<32x128xf32, #tpu.memory_space<vmem>>
        %dma_start3A_2421 = arith.constant 0 : i32
        %dma_start3A_2422 = tpu.memref_slice %arg5[%dma_start3A_2421, %multiple_of3A_2402] : memref<32x1000000xf32, #tpu.memory_space<hbm>> -> memref<32x128xf32, #tpu.memory_space<hbm>>
        %dma_start3A_2423 = arith.constant 0 : i32
        %dma_start3A_2424 = arith.constant 0 : i32
        %dma_start3A_2425 = tpu.memref_slice %arg13[%dma_start3A_2416, %dma_start3A_2423, %dma_start3A_2424] : memref<8x32x128xf32, #tpu.memory_space<vmem>> -> memref<1x32x128xf32, #tpu.memory_space<vmem>>
        %dma_start3A_2426 = tpu.memref_squeeze %dma_start3A_2425 : memref<1x32x128xf32, #tpu.memory_space<vmem>> -> memref<32x128xf32, #tpu.memory_space<vmem>>
        %dma_start3A_2427 = arith.constant 0 : i32
        %dma_start3A_2428 = tpu.memref_slice %arg5[%dma_start3A_2427, %multiple_of3A_2402] : memref<32x1000000xf32, #tpu.memory_space<hbm>> -> memref<32x128xf32, #tpu.memory_space<hbm>>
        tpu.enqueue_dma source(%dma_start3A_2428 : memref<32x128xf32, #tpu.memory_space<hbm>>) target(%dma_start3A_2426 : memref<32x128xf32, #tpu.memory_space<vmem>>) target_semaphore(%arg28 : memref<!tpu.dma_semaphore, #tpu.memory_space<semaphore_mem>>)
      } else {
      }
      %mul3A_2099 = arith.constant 8 : i32
      %mul3A_2100 = arith.muli %scan3A_1618, %mul3A_2099 : i32
      %add3A_2101 = arith.constant 5 : i32
      %add3A_2102 = arith.addi %mul3A_2100, %add3A_2101 : i32
      %dma_wait3A_2103 = arith.constant 5 : i32
      %dma_wait3A_2104 = arith.constant 0 : i32
      %dma_wait3A_2105 = arith.constant 0 : i32
      %dma_wait3A_2106 = tpu.memref_slice %arg12[%dma_wait3A_2103, %dma_wait3A_2104, %dma_wait3A_2105] : memref<8x32x128xf32, #tpu.memory_space<vmem>> -> memref<1x32x128xf32, #tpu.memory_space<vmem>>
      %dma_wait3A_2107 = tpu.memref_squeeze %dma_wait3A_2106 : memref<1x32x128xf32, #tpu.memory_space<vmem>> -> memref<32x128xf32, #tpu.memory_space<vmem>>
      %dma_wait3A_2108 = arith.constant 0 : i32
      %dma_wait3A_2109 = arith.constant 0 : i32
      %dma_wait3A_2110 = tpu.memref_slice %arg4[%dma_wait3A_2108, %dma_wait3A_2109] : memref<32x1000000xf32, #tpu.memory_space<hbm>> -> memref<32x128xf32, #tpu.memory_space<hbm>>
      %dma_wait3A_2111 = arith.constant 0 : i32
      %dma_wait3A_2112 = arith.constant 0 : i32
      %dma_wait3A_2113 = tpu.memref_slice %arg12[%dma_wait3A_2103, %dma_wait3A_2111, %dma_wait3A_2112] : memref<8x32x128xf32, #tpu.memory_space<vmem>> -> memref<1x32x128xf32, #tpu.memory_space<vmem>>
      %dma_wait3A_2114 = tpu.memref_squeeze %dma_wait3A_2113 : memref<1x32x128xf32, #tpu.memory_space<vmem>> -> memref<32x128xf32, #tpu.memory_space<vmem>>
      %dma_wait3A_2115 = arith.constant 0 : i32
      %dma_wait3A_2116 = arith.constant 0 : i32
      %dma_wait3A_2117 = tpu.memref_slice %arg4[%dma_wait3A_2115, %dma_wait3A_2116] : memref<32x1000000xf32, #tpu.memory_space<hbm>> -> memref<32x128xf32, #tpu.memory_space<hbm>>
      tpu.wait_dma2 semaphore(%arg21 : memref<!tpu.dma_semaphore, #tpu.memory_space<semaphore_mem>>) src(%dma_wait3A_2117 : memref<32x128xf32, #tpu.memory_space<hbm>>) dst(%dma_wait3A_2114 : memref<32x128xf32, #tpu.memory_space<vmem>>)
      %dma_wait3A_2118 = arith.constant 5 : i32
      %dma_wait3A_2119 = arith.constant 0 : i32
      %dma_wait3A_2120 = arith.constant 0 : i32
      %dma_wait3A_2121 = tpu.memref_slice %arg13[%dma_wait3A_2118, %dma_wait3A_2119, %dma_wait3A_2120] : memref<8x32x128xf32, #tpu.memory_space<vmem>> -> memref<1x32x128xf32, #tpu.memory_space<vmem>>
      %dma_wait3A_2122 = tpu.memref_squeeze %dma_wait3A_2121 : memref<1x32x128xf32, #tpu.memory_space<vmem>> -> memref<32x128xf32, #tpu.memory_space<vmem>>
      %dma_wait3A_2123 = arith.constant 0 : i32
      %dma_wait3A_2124 = arith.constant 0 : i32
      %dma_wait3A_2125 = tpu.memref_slice %arg5[%dma_wait3A_2123, %dma_wait3A_2124] : memref<32x1000000xf32, #tpu.memory_space<hbm>> -> memref<32x128xf32, #tpu.memory_space<hbm>>
      %dma_wait3A_2126 = arith.constant 0 : i32
      %dma_wait3A_2127 = arith.constant 0 : i32
      %dma_wait3A_2128 = tpu.memref_slice %arg13[%dma_wait3A_2118, %dma_wait3A_2126, %dma_wait3A_2127] : memref<8x32x128xf32, #tpu.memory_space<vmem>> -> memref<1x32x128xf32, #tpu.memory_space<vmem>>
      %dma_wait3A_2129 = tpu.memref_squeeze %dma_wait3A_2128 : memref<1x32x128xf32, #tpu.memory_space<vmem>> -> memref<32x128xf32, #tpu.memory_space<vmem>>
      %dma_wait3A_2130 = arith.constant 0 : i32
      %dma_wait3A_2131 = arith.constant 0 : i32
      %dma_wait3A_2132 = tpu.memref_slice %arg5[%dma_wait3A_2130, %dma_wait3A_2131] : memref<32x1000000xf32, #tpu.memory_space<hbm>> -> memref<32x128xf32, #tpu.memory_space<hbm>>
      tpu.wait_dma2 semaphore(%arg29 : memref<!tpu.dma_semaphore, #tpu.memory_space<semaphore_mem>>) src(%dma_wait3A_2132 : memref<32x128xf32, #tpu.memory_space<hbm>>) dst(%dma_wait3A_2129 : memref<32x128xf32, #tpu.memory_space<vmem>>)
      %get3A_2133 = arith.index_cast %add3A_2102 : i32 to index
      %get3A_2134 = memref.load %arg8[%get3A_2133] : memref<128xi32, #tpu.memory_space<smem>>
      %get3A_2135 = arith.index_cast %add3A_2102 : i32 to index
      %get3A_2136 = memref.load %arg9[%get3A_2135] : memref<128xi32, #tpu.memory_space<smem>>
      %and3A_2137 = arith.constant 127 : i32
      %and3A_2138 = arith.andi %get3A_2134, %and3A_2137 : i32
      %broadcast_in_dim3A_2139 = vector.broadcast %and3A_2138 : i32 to vector<16xi32>
      %and3A_2140 = arith.constant 127 : i32
      %and3A_2141 = arith.andi %get3A_2136, %and3A_2140 : i32
      %broadcast_in_dim3A_2142 = vector.broadcast %and3A_2141 : i32 to vector<16xi32>
      %add3A_2143 = arith.constant 0 : i32
      %add3A_2144 = vector.broadcast %add3A_2143 : i32 to vector<16xi32>
      %add3A_2145 = arith.addi %iota3A, %add3A_2144 : vector<16xi32>
      %gather3A_2146 = arith.constant 5 : i32
      %gather3A_2147 = arith.constant 0 : i32
      %gather3A_2148 = arith.constant 0 : i32
      %gather3A_2149 = tpu.memref_slice %arg12[%gather3A_2146, %gather3A_2147, %gather3A_2148] : memref<8x32x128xf32, #tpu.memory_space<vmem>> -> memref<1x32x128xf32, #tpu.memory_space<vmem>>
      %gather3A_2150 = tpu.memref_squeeze %gather3A_2149 : memref<1x32x128xf32, #tpu.memory_space<vmem>> -> memref<32x128xf32, #tpu.memory_space<vmem>>
      %gather3A_2151 = tpu.vector_load_idx %gather3A_2150[%add3A_2145, %broadcast_in_dim3A_2139] : memref<32x128xf32, #tpu.memory_space<vmem>>[vector<16xi32>, vector<16xi32>], vector<16xf32>,
      %swap3A_2152 = arith.index_cast %add3A_2102 : i32 to index
      %swap3A_2153 = arith.constant 0 : index
      %swap3A_2154 = tpu.vector_load %arg14[%swap3A_2152, %swap3A_2153] {strides = array<i32>} : memref<128x32xf32, #tpu.memory_space<vmem>>, vector<16xf32>,
      tpu.vector_store %arg14[%swap3A_2152, %swap3A_2153], %gather3A_2151 {strides = array<i32>} : memref<128x32xf32, #tpu.memory_space<vmem>>, vector<16xf32>,
      %add3A_2155 = arith.constant 0 : i32
      %add3A_2156 = vector.broadcast %add3A_2155 : i32 to vector<16xi32>
      %add3A_2157 = arith.addi %iota3A, %add3A_2156 : vector<16xi32>
      %gather3A_2158 = arith.constant 5 : i32
      %gather3A_2159 = arith.constant 0 : i32
      %gather3A_2160 = arith.constant 0 : i32
      %gather3A_2161 = tpu.memref_slice %arg13[%gather3A_2158, %gather3A_2159, %gather3A_2160] : memref<8x32x128xf32, #tpu.memory_space<vmem>> -> memref<1x32x128xf32, #tpu.memory_space<vmem>>
      %gather3A_2162 = tpu.memref_squeeze %gather3A_2161 : memref<1x32x128xf32, #tpu.memory_space<vmem>> -> memref<32x128xf32, #tpu.memory_space<vmem>>
      %gather3A_2163 = tpu.vector_load_idx %gather3A_2162[%add3A_2157, %broadcast_in_dim3A_2142] : memref<32x128xf32, #tpu.memory_space<vmem>>[vector<16xi32>, vector<16xi32>], vector<16xf32>,
      %swap3A_2164 = arith.index_cast %add3A_2102 : i32 to index
      %swap3A_2165 = arith.constant 0 : index
      %swap3A_2166 = tpu.vector_load %arg15[%swap3A_2164, %swap3A_2165] {strides = array<i32>} : memref<128x32xf32, #tpu.memory_space<vmem>>, vector<16xf32>,
      tpu.vector_store %arg15[%swap3A_2164, %swap3A_2165], %gather3A_2163 {strides = array<i32>} : memref<128x32xf32, #tpu.memory_space<vmem>>, vector<16xf32>,
      %add3A_2167 = arith.constant 16 : i32
      %add3A_2168 = vector.broadcast %add3A_2167 : i32 to vector<16xi32>
      %add3A_2169 = arith.addi %iota3A, %add3A_2168 : vector<16xi32>
      %gather3A_2170 = arith.constant 5 : i32
      %gather3A_2171 = arith.constant 0 : i32
      %gather3A_2172 = arith.constant 0 : i32
      %gather3A_2173 = tpu.memref_slice %arg12[%gather3A_2170, %gather3A_2171, %gather3A_2172] : memref<8x32x128xf32, #tpu.memory_space<vmem>> -> memref<1x32x128xf32, #tpu.memory_space<vmem>>
      %gather3A_2174 = tpu.memref_squeeze %gather3A_2173 : memref<1x32x128xf32, #tpu.memory_space<vmem>> -> memref<32x128xf32, #tpu.memory_space<vmem>>
      %gather3A_2175 = tpu.vector_load_idx %gather3A_2174[%add3A_2169, %broadcast_in_dim3A_2139] : memref<32x128xf32, #tpu.memory_space<vmem>>[vector<16xi32>, vector<16xi32>], vector<16xf32>,
      %swap3A_2176 = arith.index_cast %add3A_2102 : i32 to index
      %swap3A_2177 = arith.constant 16 : index
      %swap3A_2178 = tpu.vector_load %arg14[%swap3A_2176, %swap3A_2177] {strides = array<i32>} : memref<128x32xf32, #tpu.memory_space<vmem>>, vector<16xf32>,
      tpu.vector_store %arg14[%swap3A_2176, %swap3A_2177], %gather3A_2175 {strides = array<i32>} : memref<128x32xf32, #tpu.memory_space<vmem>>, vector<16xf32>,
      %add3A_2179 = arith.constant 16 : i32
      %add3A_2180 = vector.broadcast %add3A_2179 : i32 to vector<16xi32>
      %add3A_2181 = arith.addi %iota3A, %add3A_2180 : vector<16xi32>
      %gather3A_2182 = arith.constant 5 : i32
      %gather3A_2183 = arith.constant 0 : i32
      %gather3A_2184 = arith.constant 0 : i32
      %gather3A_2185 = tpu.memref_slice %arg13[%gather3A_2182, %gather3A_2183, %gather3A_2184] : memref<8x32x128xf32, #tpu.memory_space<vmem>> -> memref<1x32x128xf32, #tpu.memory_space<vmem>>
      %gather3A_2186 = tpu.memref_squeeze %gather3A_2185 : memref<1x32x128xf32, #tpu.memory_space<vmem>> -> memref<32x128xf32, #tpu.memory_space<vmem>>
      %gather3A_2187 = tpu.vector_load_idx %gather3A_2186[%add3A_2181, %broadcast_in_dim3A_2142] : memref<32x128xf32, #tpu.memory_space<vmem>>[vector<16xi32>, vector<16xi32>], vector<16xf32>,
      %swap3A_2188 = arith.index_cast %add3A_2102 : i32 to index
      %swap3A_2189 = arith.constant 16 : index
      %swap3A_2190 = tpu.vector_load %arg15[%swap3A_2188, %swap3A_2189] {strides = array<i32>} : memref<128x32xf32, #tpu.memory_space<vmem>>, vector<16xf32>,
      tpu.vector_store %arg15[%swap3A_2188, %swap3A_2189], %gather3A_2187 {strides = array<i32>} : memref<128x32xf32, #tpu.memory_space<vmem>>, vector<16xf32>,
      %lt3A_2191 = arith.constant 15 : i32
      %lt3A_2192 = arith.cmpi slt, %scan3A_1618, %lt3A_2191 : i32
      %convert_element_type3A_2193 = arith.extui %lt3A_2192 : i1 to i32
      %cond3A_2194 = arith.constant 0 : i32
      %cond3A_2195 = arith.cmpi ne, %convert_element_type3A_2193, %cond3A_2194 : i32
      scf.if %cond3A_2195 {
        %add3A_2391 = arith.constant 8 : i32
        %add3A_2392 = arith.addi %add3A_2102, %add3A_2391 : i32
        %get3A_2393 = arith.index_cast %add3A_2392 : i32 to index
        %get3A_2394 = memref.load %arg8[%get3A_2393] : memref<128xi32, #tpu.memory_space<smem>>
        %and3A_2395 = arith.constant -128 : i32
        %and3A_2396 = arith.andi %get3A_2394, %and3A_2395 : i32
        %multiple_of3A_2397 = tpu.assume_multiple %and3A_2396, 128 : i32
        %get3A_2398 = arith.index_cast %add3A_2392 : i32 to index
        %get3A_2399 = memref.load %arg9[%get3A_2398] : memref<128xi32, #tpu.memory_space<smem>>
        %and3A_2400 = arith.constant -128 : i32
        %and3A_2401 = arith.andi %get3A_2399, %and3A_2400 : i32
        %multiple_of3A_2402 = tpu.assume_multiple %and3A_2401, 128 : i32
        %dma_start3A_2403 = arith.constant 5 : i32
        %dma_start3A_2404 = arith.constant 0 : i32
        %dma_start3A_2405 = arith.constant 0 : i32
        %dma_start3A_2406 = tpu.memref_slice %arg12[%dma_start3A_2403, %dma_start3A_2404, %dma_start3A_2405] : memref<8x32x128xf32, #tpu.memory_space<vmem>> -> memref<1x32x128xf32, #tpu.memory_space<vmem>>
        %dma_start3A_2407 = tpu.memref_squeeze %dma_start3A_2406 : memref<1x32x128xf32, #tpu.memory_space<vmem>> -> memref<32x128xf32, #tpu.memory_space<vmem>>
        %dma_start3A_2408 = arith.constant 0 : i32
        %dma_start3A_2409 = tpu.memref_slice %arg4[%dma_start3A_2408, %multiple_of3A_2397] : memref<32x1000000xf32, #tpu.memory_space<hbm>> -> memref<32x128xf32, #tpu.memory_space<hbm>>
        %dma_start3A_2410 = arith.constant 0 : i32
        %dma_start3A_2411 = arith.constant 0 : i32
        %dma_start3A_2412 = tpu.memref_slice %arg12[%dma_start3A_2403, %dma_start3A_2410, %dma_start3A_2411] : memref<8x32x128xf32, #tpu.memory_space<vmem>> -> memref<1x32x128xf32, #tpu.memory_space<vmem>>
        %dma_start3A_2413 = tpu.memref_squeeze %dma_start3A_2412 : memref<1x32x128xf32, #tpu.memory_space<vmem>> -> memref<32x128xf32, #tpu.memory_space<vmem>>
        %dma_start3A_2414 = arith.constant 0 : i32
        %dma_start3A_2415 = tpu.memref_slice %arg4[%dma_start3A_2414, %multiple_of3A_2397] : memref<32x1000000xf32, #tpu.memory_space<hbm>> -> memref<32x128xf32, #tpu.memory_space<hbm>>
        tpu.enqueue_dma source(%dma_start3A_2415 : memref<32x128xf32, #tpu.memory_space<hbm>>) target(%dma_start3A_2413 : memref<32x128xf32, #tpu.memory_space<vmem>>) target_semaphore(%arg21 : memref<!tpu.dma_semaphore, #tpu.memory_space<semaphore_mem>>)
        %dma_start3A_2416 = arith.constant 5 : i32
        %dma_start3A_2417 = arith.constant 0 : i32
        %dma_start3A_2418 = arith.constant 0 : i32
        %dma_start3A_2419 = tpu.memref_slice %arg13[%dma_start3A_2416, %dma_start3A_2417, %dma_start3A_2418] : memref<8x32x128xf32, #tpu.memory_space<vmem>> -> memref<1x32x128xf32, #tpu.memory_space<vmem>>
        %dma_start3A_2420 = tpu.memref_squeeze %dma_start3A_2419 : memref<1x32x128xf32, #tpu.memory_space<vmem>> -> memref<32x128xf32, #tpu.memory_space<vmem>>
        %dma_start3A_2421 = arith.constant 0 : i32
        %dma_start3A_2422 = tpu.memref_slice %arg5[%dma_start3A_2421, %multiple_of3A_2402] : memref<32x1000000xf32, #tpu.memory_space<hbm>> -> memref<32x128xf32, #tpu.memory_space<hbm>>
        %dma_start3A_2423 = arith.constant 0 : i32
        %dma_start3A_2424 = arith.constant 0 : i32
        %dma_start3A_2425 = tpu.memref_slice %arg13[%dma_start3A_2416, %dma_start3A_2423, %dma_start3A_2424] : memref<8x32x128xf32, #tpu.memory_space<vmem>> -> memref<1x32x128xf32, #tpu.memory_space<vmem>>
        %dma_start3A_2426 = tpu.memref_squeeze %dma_start3A_2425 : memref<1x32x128xf32, #tpu.memory_space<vmem>> -> memref<32x128xf32, #tpu.memory_space<vmem>>
        %dma_start3A_2427 = arith.constant 0 : i32
        %dma_start3A_2428 = tpu.memref_slice %arg5[%dma_start3A_2427, %multiple_of3A_2402] : memref<32x1000000xf32, #tpu.memory_space<hbm>> -> memref<32x128xf32, #tpu.memory_space<hbm>>
        tpu.enqueue_dma source(%dma_start3A_2428 : memref<32x128xf32, #tpu.memory_space<hbm>>) target(%dma_start3A_2426 : memref<32x128xf32, #tpu.memory_space<vmem>>) target_semaphore(%arg29 : memref<!tpu.dma_semaphore, #tpu.memory_space<semaphore_mem>>)
      } else {
      }
      %mul3A_2196 = arith.constant 8 : i32
      %mul3A_2197 = arith.muli %scan3A_1618, %mul3A_2196 : i32
      %add3A_2198 = arith.constant 6 : i32
      %add3A_2199 = arith.addi %mul3A_2197, %add3A_2198 : i32
      %dma_wait3A_2200 = arith.constant 6 : i32
      %dma_wait3A_2201 = arith.constant 0 : i32
      %dma_wait3A_2202 = arith.constant 0 : i32
      %dma_wait3A_2203 = tpu.memref_slice %arg12[%dma_wait3A_2200, %dma_wait3A_2201, %dma_wait3A_2202] : memref<8x32x128xf32, #tpu.memory_space<vmem>> -> memref<1x32x128xf32, #tpu.memory_space<vmem>>
      %dma_wait3A_2204 = tpu.memref_squeeze %dma_wait3A_2203 : memref<1x32x128xf32, #tpu.memory_space<vmem>> -> memref<32x128xf32, #tpu.memory_space<vmem>>
      %dma_wait3A_2205 = arith.constant 0 : i32
      %dma_wait3A_2206 = arith.constant 0 : i32
      %dma_wait3A_2207 = tpu.memref_slice %arg4[%dma_wait3A_2205, %dma_wait3A_2206] : memref<32x1000000xf32, #tpu.memory_space<hbm>> -> memref<32x128xf32, #tpu.memory_space<hbm>>
      %dma_wait3A_2208 = arith.constant 0 : i32
      %dma_wait3A_2209 = arith.constant 0 : i32
      %dma_wait3A_2210 = tpu.memref_slice %arg12[%dma_wait3A_2200, %dma_wait3A_2208, %dma_wait3A_2209] : memref<8x32x128xf32, #tpu.memory_space<vmem>> -> memref<1x32x128xf32, #tpu.memory_space<vmem>>
      %dma_wait3A_2211 = tpu.memref_squeeze %dma_wait3A_2210 : memref<1x32x128xf32, #tpu.memory_space<vmem>> -> memref<32x128xf32, #tpu.memory_space<vmem>>
      %dma_wait3A_2212 = arith.constant 0 : i32
      %dma_wait3A_2213 = arith.constant 0 : i32
      %dma_wait3A_2214 = tpu.memref_slice %arg4[%dma_wait3A_2212, %dma_wait3A_2213] : memref<32x1000000xf32, #tpu.memory_space<hbm>> -> memref<32x128xf32, #tpu.memory_space<hbm>>
      tpu.wait_dma2 semaphore(%arg22 : memref<!tpu.dma_semaphore, #tpu.memory_space<semaphore_mem>>) src(%dma_wait3A_2214 : memref<32x128xf32, #tpu.memory_space<hbm>>) dst(%dma_wait3A_2211 : memref<32x128xf32, #tpu.memory_space<vmem>>)
      %dma_wait3A_2215 = arith.constant 6 : i32
      %dma_wait3A_2216 = arith.constant 0 : i32
      %dma_wait3A_2217 = arith.constant 0 : i32
      %dma_wait3A_2218 = tpu.memref_slice %arg13[%dma_wait3A_2215, %dma_wait3A_2216, %dma_wait3A_2217] : memref<8x32x128xf32, #tpu.memory_space<vmem>> -> memref<1x32x128xf32, #tpu.memory_space<vmem>>
      %dma_wait3A_2219 = tpu.memref_squeeze %dma_wait3A_2218 : memref<1x32x128xf32, #tpu.memory_space<vmem>> -> memref<32x128xf32, #tpu.memory_space<vmem>>
      %dma_wait3A_2220 = arith.constant 0 : i32
      %dma_wait3A_2221 = arith.constant 0 : i32
      %dma_wait3A_2222 = tpu.memref_slice %arg5[%dma_wait3A_2220, %dma_wait3A_2221] : memref<32x1000000xf32, #tpu.memory_space<hbm>> -> memref<32x128xf32, #tpu.memory_space<hbm>>
      %dma_wait3A_2223 = arith.constant 0 : i32
      %dma_wait3A_2224 = arith.constant 0 : i32
      %dma_wait3A_2225 = tpu.memref_slice %arg13[%dma_wait3A_2215, %dma_wait3A_2223, %dma_wait3A_2224] : memref<8x32x128xf32, #tpu.memory_space<vmem>> -> memref<1x32x128xf32, #tpu.memory_space<vmem>>
      %dma_wait3A_2226 = tpu.memref_squeeze %dma_wait3A_2225 : memref<1x32x128xf32, #tpu.memory_space<vmem>> -> memref<32x128xf32, #tpu.memory_space<vmem>>
      %dma_wait3A_2227 = arith.constant 0 : i32
      %dma_wait3A_2228 = arith.constant 0 : i32
      %dma_wait3A_2229 = tpu.memref_slice %arg5[%dma_wait3A_2227, %dma_wait3A_2228] : memref<32x1000000xf32, #tpu.memory_space<hbm>> -> memref<32x128xf32, #tpu.memory_space<hbm>>
      tpu.wait_dma2 semaphore(%arg30 : memref<!tpu.dma_semaphore, #tpu.memory_space<semaphore_mem>>) src(%dma_wait3A_2229 : memref<32x128xf32, #tpu.memory_space<hbm>>) dst(%dma_wait3A_2226 : memref<32x128xf32, #tpu.memory_space<vmem>>)
      %get3A_2230 = arith.index_cast %add3A_2199 : i32 to index
      %get3A_2231 = memref.load %arg8[%get3A_2230] : memref<128xi32, #tpu.memory_space<smem>>
      %get3A_2232 = arith.index_cast %add3A_2199 : i32 to index
      %get3A_2233 = memref.load %arg9[%get3A_2232] : memref<128xi32, #tpu.memory_space<smem>>
      %and3A_2234 = arith.constant 127 : i32
      %and3A_2235 = arith.andi %get3A_2231, %and3A_2234 : i32
      %broadcast_in_dim3A_2236 = vector.broadcast %and3A_2235 : i32 to vector<16xi32>
      %and3A_2237 = arith.constant 127 : i32
      %and3A_2238 = arith.andi %get3A_2233, %and3A_2237 : i32
      %broadcast_in_dim3A_2239 = vector.broadcast %and3A_2238 : i32 to vector<16xi32>
      %add3A_2240 = arith.constant 0 : i32
      %add3A_2241 = vector.broadcast %add3A_2240 : i32 to vector<16xi32>
      %add3A_2242 = arith.addi %iota3A, %add3A_2241 : vector<16xi32>
      %gather3A_2243 = arith.constant 6 : i32
      %gather3A_2244 = arith.constant 0 : i32
      %gather3A_2245 = arith.constant 0 : i32
      %gather3A_2246 = tpu.memref_slice %arg12[%gather3A_2243, %gather3A_2244, %gather3A_2245] : memref<8x32x128xf32, #tpu.memory_space<vmem>> -> memref<1x32x128xf32, #tpu.memory_space<vmem>>
      %gather3A_2247 = tpu.memref_squeeze %gather3A_2246 : memref<1x32x128xf32, #tpu.memory_space<vmem>> -> memref<32x128xf32, #tpu.memory_space<vmem>>
      %gather3A_2248 = tpu.vector_load_idx %gather3A_2247[%add3A_2242, %broadcast_in_dim3A_2236] : memref<32x128xf32, #tpu.memory_space<vmem>>[vector<16xi32>, vector<16xi32>], vector<16xf32>,
      %swap3A_2249 = arith.index_cast %add3A_2199 : i32 to index
      %swap3A_2250 = arith.constant 0 : index
      %swap3A_2251 = tpu.vector_load %arg14[%swap3A_2249, %swap3A_2250] {strides = array<i32>} : memref<128x32xf32, #tpu.memory_space<vmem>>, vector<16xf32>,
      tpu.vector_store %arg14[%swap3A_2249, %swap3A_2250], %gather3A_2248 {strides = array<i32>} : memref<128x32xf32, #tpu.memory_space<vmem>>, vector<16xf32>,
      %add3A_2252 = arith.constant 0 : i32
      %add3A_2253 = vector.broadcast %add3A_2252 : i32 to vector<16xi32>
      %add3A_2254 = arith.addi %iota3A, %add3A_2253 : vector<16xi32>
      %gather3A_2255 = arith.constant 6 : i32
      %gather3A_2256 = arith.constant 0 : i32
      %gather3A_2257 = arith.constant 0 : i32
      %gather3A_2258 = tpu.memref_slice %arg13[%gather3A_2255, %gather3A_2256, %gather3A_2257] : memref<8x32x128xf32, #tpu.memory_space<vmem>> -> memref<1x32x128xf32, #tpu.memory_space<vmem>>
      %gather3A_2259 = tpu.memref_squeeze %gather3A_2258 : memref<1x32x128xf32, #tpu.memory_space<vmem>> -> memref<32x128xf32, #tpu.memory_space<vmem>>
      %gather3A_2260 = tpu.vector_load_idx %gather3A_2259[%add3A_2254, %broadcast_in_dim3A_2239] : memref<32x128xf32, #tpu.memory_space<vmem>>[vector<16xi32>, vector<16xi32>], vector<16xf32>,
      %swap3A_2261 = arith.index_cast %add3A_2199 : i32 to index
      %swap3A_2262 = arith.constant 0 : index
      %swap3A_2263 = tpu.vector_load %arg15[%swap3A_2261, %swap3A_2262] {strides = array<i32>} : memref<128x32xf32, #tpu.memory_space<vmem>>, vector<16xf32>,
      tpu.vector_store %arg15[%swap3A_2261, %swap3A_2262], %gather3A_2260 {strides = array<i32>} : memref<128x32xf32, #tpu.memory_space<vmem>>, vector<16xf32>,
      %add3A_2264 = arith.constant 16 : i32
      %add3A_2265 = vector.broadcast %add3A_2264 : i32 to vector<16xi32>
      %add3A_2266 = arith.addi %iota3A, %add3A_2265 : vector<16xi32>
      %gather3A_2267 = arith.constant 6 : i32
      %gather3A_2268 = arith.constant 0 : i32
      %gather3A_2269 = arith.constant 0 : i32
      %gather3A_2270 = tpu.memref_slice %arg12[%gather3A_2267, %gather3A_2268, %gather3A_2269] : memref<8x32x128xf32, #tpu.memory_space<vmem>> -> memref<1x32x128xf32, #tpu.memory_space<vmem>>
      %gather3A_2271 = tpu.memref_squeeze %gather3A_2270 : memref<1x32x128xf32, #tpu.memory_space<vmem>> -> memref<32x128xf32, #tpu.memory_space<vmem>>
      %gather3A_2272 = tpu.vector_load_idx %gather3A_2271[%add3A_2266, %broadcast_in_dim3A_2236] : memref<32x128xf32, #tpu.memory_space<vmem>>[vector<16xi32>, vector<16xi32>], vector<16xf32>,
      %swap3A_2273 = arith.index_cast %add3A_2199 : i32 to index
      %swap3A_2274 = arith.constant 16 : index
      %swap3A_2275 = tpu.vector_load %arg14[%swap3A_2273, %swap3A_2274] {strides = array<i32>} : memref<128x32xf32, #tpu.memory_space<vmem>>, vector<16xf32>,
      tpu.vector_store %arg14[%swap3A_2273, %swap3A_2274], %gather3A_2272 {strides = array<i32>} : memref<128x32xf32, #tpu.memory_space<vmem>>, vector<16xf32>,
      %add3A_2276 = arith.constant 16 : i32
      %add3A_2277 = vector.broadcast %add3A_2276 : i32 to vector<16xi32>
      %add3A_2278 = arith.addi %iota3A, %add3A_2277 : vector<16xi32>
      %gather3A_2279 = arith.constant 6 : i32
      %gather3A_2280 = arith.constant 0 : i32
      %gather3A_2281 = arith.constant 0 : i32
      %gather3A_2282 = tpu.memref_slice %arg13[%gather3A_2279, %gather3A_2280, %gather3A_2281] : memref<8x32x128xf32, #tpu.memory_space<vmem>> -> memref<1x32x128xf32, #tpu.memory_space<vmem>>
      %gather3A_2283 = tpu.memref_squeeze %gather3A_2282 : memref<1x32x128xf32, #tpu.memory_space<vmem>> -> memref<32x128xf32, #tpu.memory_space<vmem>>
      %gather3A_2284 = tpu.vector_load_idx %gather3A_2283[%add3A_2278, %broadcast_in_dim3A_2239] : memref<32x128xf32, #tpu.memory_space<vmem>>[vector<16xi32>, vector<16xi32>], vector<16xf32>,
      %swap3A_2285 = arith.index_cast %add3A_2199 : i32 to index
      %swap3A_2286 = arith.constant 16 : index
      %swap3A_2287 = tpu.vector_load %arg15[%swap3A_2285, %swap3A_2286] {strides = array<i32>} : memref<128x32xf32, #tpu.memory_space<vmem>>, vector<16xf32>,
      tpu.vector_store %arg15[%swap3A_2285, %swap3A_2286], %gather3A_2284 {strides = array<i32>} : memref<128x32xf32, #tpu.memory_space<vmem>>, vector<16xf32>,
      %lt3A_2288 = arith.constant 15 : i32
      %lt3A_2289 = arith.cmpi slt, %scan3A_1618, %lt3A_2288 : i32
      %convert_element_type3A_2290 = arith.extui %lt3A_2289 : i1 to i32
      %cond3A_2291 = arith.constant 0 : i32
      %cond3A_2292 = arith.cmpi ne, %convert_element_type3A_2290, %cond3A_2291 : i32
      scf.if %cond3A_2292 {
        %add3A_2391 = arith.constant 8 : i32
        %add3A_2392 = arith.addi %add3A_2199, %add3A_2391 : i32
        %get3A_2393 = arith.index_cast %add3A_2392 : i32 to index
        %get3A_2394 = memref.load %arg8[%get3A_2393] : memref<128xi32, #tpu.memory_space<smem>>
        %and3A_2395 = arith.constant -128 : i32
        %and3A_2396 = arith.andi %get3A_2394, %and3A_2395 : i32
        %multiple_of3A_2397 = tpu.assume_multiple %and3A_2396, 128 : i32
        %get3A_2398 = arith.index_cast %add3A_2392 : i32 to index
        %get3A_2399 = memref.load %arg9[%get3A_2398] : memref<128xi32, #tpu.memory_space<smem>>
        %and3A_2400 = arith.constant -128 : i32
        %and3A_2401 = arith.andi %get3A_2399, %and3A_2400 : i32
        %multiple_of3A_2402 = tpu.assume_multiple %and3A_2401, 128 : i32
        %dma_start3A_2403 = arith.constant 6 : i32
        %dma_start3A_2404 = arith.constant 0 : i32
        %dma_start3A_2405 = arith.constant 0 : i32
        %dma_start3A_2406 = tpu.memref_slice %arg12[%dma_start3A_2403, %dma_start3A_2404, %dma_start3A_2405] : memref<8x32x128xf32, #tpu.memory_space<vmem>> -> memref<1x32x128xf32, #tpu.memory_space<vmem>>
        %dma_start3A_2407 = tpu.memref_squeeze %dma_start3A_2406 : memref<1x32x128xf32, #tpu.memory_space<vmem>> -> memref<32x128xf32, #tpu.memory_space<vmem>>
        %dma_start3A_2408 = arith.constant 0 : i32
        %dma_start3A_2409 = tpu.memref_slice %arg4[%dma_start3A_2408, %multiple_of3A_2397] : memref<32x1000000xf32, #tpu.memory_space<hbm>> -> memref<32x128xf32, #tpu.memory_space<hbm>>
        %dma_start3A_2410 = arith.constant 0 : i32
        %dma_start3A_2411 = arith.constant 0 : i32
        %dma_start3A_2412 = tpu.memref_slice %arg12[%dma_start3A_2403, %dma_start3A_2410, %dma_start3A_2411] : memref<8x32x128xf32, #tpu.memory_space<vmem>> -> memref<1x32x128xf32, #tpu.memory_space<vmem>>
        %dma_start3A_2413 = tpu.memref_squeeze %dma_start3A_2412 : memref<1x32x128xf32, #tpu.memory_space<vmem>> -> memref<32x128xf32, #tpu.memory_space<vmem>>
        %dma_start3A_2414 = arith.constant 0 : i32
        %dma_start3A_2415 = tpu.memref_slice %arg4[%dma_start3A_2414, %multiple_of3A_2397] : memref<32x1000000xf32, #tpu.memory_space<hbm>> -> memref<32x128xf32, #tpu.memory_space<hbm>>
        tpu.enqueue_dma source(%dma_start3A_2415 : memref<32x128xf32, #tpu.memory_space<hbm>>) target(%dma_start3A_2413 : memref<32x128xf32, #tpu.memory_space<vmem>>) target_semaphore(%arg22 : memref<!tpu.dma_semaphore, #tpu.memory_space<semaphore_mem>>)
        %dma_start3A_2416 = arith.constant 6 : i32
        %dma_start3A_2417 = arith.constant 0 : i32
        %dma_start3A_2418 = arith.constant 0 : i32
        %dma_start3A_2419 = tpu.memref_slice %arg13[%dma_start3A_2416, %dma_start3A_2417, %dma_start3A_2418] : memref<8x32x128xf32, #tpu.memory_space<vmem>> -> memref<1x32x128xf32, #tpu.memory_space<vmem>>
        %dma_start3A_2420 = tpu.memref_squeeze %dma_start3A_2419 : memref<1x32x128xf32, #tpu.memory_space<vmem>> -> memref<32x128xf32, #tpu.memory_space<vmem>>
        %dma_start3A_2421 = arith.constant 0 : i32
        %dma_start3A_2422 = tpu.memref_slice %arg5[%dma_start3A_2421, %multiple_of3A_2402] : memref<32x1000000xf32, #tpu.memory_space<hbm>> -> memref<32x128xf32, #tpu.memory_space<hbm>>
        %dma_start3A_2423 = arith.constant 0 : i32
        %dma_start3A_2424 = arith.constant 0 : i32
        %dma_start3A_2425 = tpu.memref_slice %arg13[%dma_start3A_2416, %dma_start3A_2423, %dma_start3A_2424] : memref<8x32x128xf32, #tpu.memory_space<vmem>> -> memref<1x32x128xf32, #tpu.memory_space<vmem>>
        %dma_start3A_2426 = tpu.memref_squeeze %dma_start3A_2425 : memref<1x32x128xf32, #tpu.memory_space<vmem>> -> memref<32x128xf32, #tpu.memory_space<vmem>>
        %dma_start3A_2427 = arith.constant 0 : i32
        %dma_start3A_2428 = tpu.memref_slice %arg5[%dma_start3A_2427, %multiple_of3A_2402] : memref<32x1000000xf32, #tpu.memory_space<hbm>> -> memref<32x128xf32, #tpu.memory_space<hbm>>
        tpu.enqueue_dma source(%dma_start3A_2428 : memref<32x128xf32, #tpu.memory_space<hbm>>) target(%dma_start3A_2426 : memref<32x128xf32, #tpu.memory_space<vmem>>) target_semaphore(%arg30 : memref<!tpu.dma_semaphore, #tpu.memory_space<semaphore_mem>>)
      } else {
      }
      %mul3A_2293 = arith.constant 8 : i32
      %mul3A_2294 = arith.muli %scan3A_1618, %mul3A_2293 : i32
      %add3A_2295 = arith.constant 7 : i32
      %add3A_2296 = arith.addi %mul3A_2294, %add3A_2295 : i32
      %dma_wait3A_2297 = arith.constant 7 : i32
      %dma_wait3A_2298 = arith.constant 0 : i32
      %dma_wait3A_2299 = arith.constant 0 : i32
      %dma_wait3A_2300 = tpu.memref_slice %arg12[%dma_wait3A_2297, %dma_wait3A_2298, %dma_wait3A_2299] : memref<8x32x128xf32, #tpu.memory_space<vmem>> -> memref<1x32x128xf32, #tpu.memory_space<vmem>>
      %dma_wait3A_2301 = tpu.memref_squeeze %dma_wait3A_2300 : memref<1x32x128xf32, #tpu.memory_space<vmem>> -> memref<32x128xf32, #tpu.memory_space<vmem>>
      %dma_wait3A_2302 = arith.constant 0 : i32
      %dma_wait3A_2303 = arith.constant 0 : i32
      %dma_wait3A_2304 = tpu.memref_slice %arg4[%dma_wait3A_2302, %dma_wait3A_2303] : memref<32x1000000xf32, #tpu.memory_space<hbm>> -> memref<32x128xf32, #tpu.memory_space<hbm>>
      %dma_wait3A_2305 = arith.constant 0 : i32
      %dma_wait3A_2306 = arith.constant 0 : i32
      %dma_wait3A_2307 = tpu.memref_slice %arg12[%dma_wait3A_2297, %dma_wait3A_2305, %dma_wait3A_2306] : memref<8x32x128xf32, #tpu.memory_space<vmem>> -> memref<1x32x128xf32, #tpu.memory_space<vmem>>
      %dma_wait3A_2308 = tpu.memref_squeeze %dma_wait3A_2307 : memref<1x32x128xf32, #tpu.memory_space<vmem>> -> memref<32x128xf32, #tpu.memory_space<vmem>>
      %dma_wait3A_2309 = arith.constant 0 : i32
      %dma_wait3A_2310 = arith.constant 0 : i32
      %dma_wait3A_2311 = tpu.memref_slice %arg4[%dma_wait3A_2309, %dma_wait3A_2310] : memref<32x1000000xf32, #tpu.memory_space<hbm>> -> memref<32x128xf32, #tpu.memory_space<hbm>>
      tpu.wait_dma2 semaphore(%arg23 : memref<!tpu.dma_semaphore, #tpu.memory_space<semaphore_mem>>) src(%dma_wait3A_2311 : memref<32x128xf32, #tpu.memory_space<hbm>>) dst(%dma_wait3A_2308 : memref<32x128xf32, #tpu.memory_space<vmem>>)
      %dma_wait3A_2312 = arith.constant 7 : i32
      %dma_wait3A_2313 = arith.constant 0 : i32
      %dma_wait3A_2314 = arith.constant 0 : i32
      %dma_wait3A_2315 = tpu.memref_slice %arg13[%dma_wait3A_2312, %dma_wait3A_2313, %dma_wait3A_2314] : memref<8x32x128xf32, #tpu.memory_space<vmem>> -> memref<1x32x128xf32, #tpu.memory_space<vmem>>
      %dma_wait3A_2316 = tpu.memref_squeeze %dma_wait3A_2315 : memref<1x32x128xf32, #tpu.memory_space<vmem>> -> memref<32x128xf32, #tpu.memory_space<vmem>>
      %dma_wait3A_2317 = arith.constant 0 : i32
      %dma_wait3A_2318 = arith.constant 0 : i32
      %dma_wait3A_2319 = tpu.memref_slice %arg5[%dma_wait3A_2317, %dma_wait3A_2318] : memref<32x1000000xf32, #tpu.memory_space<hbm>> -> memref<32x128xf32, #tpu.memory_space<hbm>>
      %dma_wait3A_2320 = arith.constant 0 : i32
      %dma_wait3A_2321 = arith.constant 0 : i32
      %dma_wait3A_2322 = tpu.memref_slice %arg13[%dma_wait3A_2312, %dma_wait3A_2320, %dma_wait3A_2321] : memref<8x32x128xf32, #tpu.memory_space<vmem>> -> memref<1x32x128xf32, #tpu.memory_space<vmem>>
      %dma_wait3A_2323 = tpu.memref_squeeze %dma_wait3A_2322 : memref<1x32x128xf32, #tpu.memory_space<vmem>> -> memref<32x128xf32, #tpu.memory_space<vmem>>
      %dma_wait3A_2324 = arith.constant 0 : i32
      %dma_wait3A_2325 = arith.constant 0 : i32
      %dma_wait3A_2326 = tpu.memref_slice %arg5[%dma_wait3A_2324, %dma_wait3A_2325] : memref<32x1000000xf32, #tpu.memory_space<hbm>> -> memref<32x128xf32, #tpu.memory_space<hbm>>
      tpu.wait_dma2 semaphore(%arg31 : memref<!tpu.dma_semaphore, #tpu.memory_space<semaphore_mem>>) src(%dma_wait3A_2326 : memref<32x128xf32, #tpu.memory_space<hbm>>) dst(%dma_wait3A_2323 : memref<32x128xf32, #tpu.memory_space<vmem>>)
      %get3A_2327 = arith.index_cast %add3A_2296 : i32 to index
      %get3A_2328 = memref.load %arg8[%get3A_2327] : memref<128xi32, #tpu.memory_space<smem>>
      %get3A_2329 = arith.index_cast %add3A_2296 : i32 to index
      %get3A_2330 = memref.load %arg9[%get3A_2329] : memref<128xi32, #tpu.memory_space<smem>>
      %and3A_2331 = arith.constant 127 : i32
      %and3A_2332 = arith.andi %get3A_2328, %and3A_2331 : i32
      %broadcast_in_dim3A_2333 = vector.broadcast %and3A_2332 : i32 to vector<16xi32>
      %and3A_2334 = arith.constant 127 : i32
      %and3A_2335 = arith.andi %get3A_2330, %and3A_2334 : i32
      %broadcast_in_dim3A_2336 = vector.broadcast %and3A_2335 : i32 to vector<16xi32>
      %add3A_2337 = arith.constant 0 : i32
      %add3A_2338 = vector.broadcast %add3A_2337 : i32 to vector<16xi32>
      %add3A_2339 = arith.addi %iota3A, %add3A_2338 : vector<16xi32>
      %gather3A_2340 = arith.constant 7 : i32
      %gather3A_2341 = arith.constant 0 : i32
      %gather3A_2342 = arith.constant 0 : i32
      %gather3A_2343 = tpu.memref_slice %arg12[%gather3A_2340, %gather3A_2341, %gather3A_2342] : memref<8x32x128xf32, #tpu.memory_space<vmem>> -> memref<1x32x128xf32, #tpu.memory_space<vmem>>
      %gather3A_2344 = tpu.memref_squeeze %gather3A_2343 : memref<1x32x128xf32, #tpu.memory_space<vmem>> -> memref<32x128xf32, #tpu.memory_space<vmem>>
      %gather3A_2345 = tpu.vector_load_idx %gather3A_2344[%add3A_2339, %broadcast_in_dim3A_2333] : memref<32x128xf32, #tpu.memory_space<vmem>>[vector<16xi32>, vector<16xi32>], vector<16xf32>,
      %swap3A_2346 = arith.index_cast %add3A_2296 : i32 to index
      %swap3A_2347 = arith.constant 0 : index
      %swap3A_2348 = tpu.vector_load %arg14[%swap3A_2346, %swap3A_2347] {strides = array<i32>} : memref<128x32xf32, #tpu.memory_space<vmem>>, vector<16xf32>,
      tpu.vector_store %arg14[%swap3A_2346, %swap3A_2347], %gather3A_2345 {strides = array<i32>} : memref<128x32xf32, #tpu.memory_space<vmem>>, vector<16xf32>,
      %add3A_2349 = arith.constant 0 : i32
      %add3A_2350 = vector.broadcast %add3A_2349 : i32 to vector<16xi32>
      %add3A_2351 = arith.addi %iota3A, %add3A_2350 : vector<16xi32>
      %gather3A_2352 = arith.constant 7 : i32
      %gather3A_2353 = arith.constant 0 : i32
      %gather3A_2354 = arith.constant 0 : i32
      %gather3A_2355 = tpu.memref_slice %arg13[%gather3A_2352, %gather3A_2353, %gather3A_2354] : memref<8x32x128xf32, #tpu.memory_space<vmem>> -> memref<1x32x128xf32, #tpu.memory_space<vmem>>
      %gather3A_2356 = tpu.memref_squeeze %gather3A_2355 : memref<1x32x128xf32, #tpu.memory_space<vmem>> -> memref<32x128xf32, #tpu.memory_space<vmem>>
      %gather3A_2357 = tpu.vector_load_idx %gather3A_2356[%add3A_2351, %broadcast_in_dim3A_2336] : memref<32x128xf32, #tpu.memory_space<vmem>>[vector<16xi32>, vector<16xi32>], vector<16xf32>,
      %swap3A_2358 = arith.index_cast %add3A_2296 : i32 to index
      %swap3A_2359 = arith.constant 0 : index
      %swap3A_2360 = tpu.vector_load %arg15[%swap3A_2358, %swap3A_2359] {strides = array<i32>} : memref<128x32xf32, #tpu.memory_space<vmem>>, vector<16xf32>,
      tpu.vector_store %arg15[%swap3A_2358, %swap3A_2359], %gather3A_2357 {strides = array<i32>} : memref<128x32xf32, #tpu.memory_space<vmem>>, vector<16xf32>,
      %add3A_2361 = arith.constant 16 : i32
      %add3A_2362 = vector.broadcast %add3A_2361 : i32 to vector<16xi32>
      %add3A_2363 = arith.addi %iota3A, %add3A_2362 : vector<16xi32>
      %gather3A_2364 = arith.constant 7 : i32
      %gather3A_2365 = arith.constant 0 : i32
      %gather3A_2366 = arith.constant 0 : i32
      %gather3A_2367 = tpu.memref_slice %arg12[%gather3A_2364, %gather3A_2365, %gather3A_2366] : memref<8x32x128xf32, #tpu.memory_space<vmem>> -> memref<1x32x128xf32, #tpu.memory_space<vmem>>
      %gather3A_2368 = tpu.memref_squeeze %gather3A_2367 : memref<1x32x128xf32, #tpu.memory_space<vmem>> -> memref<32x128xf32, #tpu.memory_space<vmem>>
      %gather3A_2369 = tpu.vector_load_idx %gather3A_2368[%add3A_2363, %broadcast_in_dim3A_2333] : memref<32x128xf32, #tpu.memory_space<vmem>>[vector<16xi32>, vector<16xi32>], vector<16xf32>,
      %swap3A_2370 = arith.index_cast %add3A_2296 : i32 to index
      %swap3A_2371 = arith.constant 16 : index
      %swap3A_2372 = tpu.vector_load %arg14[%swap3A_2370, %swap3A_2371] {strides = array<i32>} : memref<128x32xf32, #tpu.memory_space<vmem>>, vector<16xf32>,
      tpu.vector_store %arg14[%swap3A_2370, %swap3A_2371], %gather3A_2369 {strides = array<i32>} : memref<128x32xf32, #tpu.memory_space<vmem>>, vector<16xf32>,
      %add3A_2373 = arith.constant 16 : i32
      %add3A_2374 = vector.broadcast %add3A_2373 : i32 to vector<16xi32>
      %add3A_2375 = arith.addi %iota3A, %add3A_2374 : vector<16xi32>
      %gather3A_2376 = arith.constant 7 : i32
      %gather3A_2377 = arith.constant 0 : i32
      %gather3A_2378 = arith.constant 0 : i32
      %gather3A_2379 = tpu.memref_slice %arg13[%gather3A_2376, %gather3A_2377, %gather3A_2378] : memref<8x32x128xf32, #tpu.memory_space<vmem>> -> memref<1x32x128xf32, #tpu.memory_space<vmem>>
      %gather3A_2380 = tpu.memref_squeeze %gather3A_2379 : memref<1x32x128xf32, #tpu.memory_space<vmem>> -> memref<32x128xf32, #tpu.memory_space<vmem>>
      %gather3A_2381 = tpu.vector_load_idx %gather3A_2380[%add3A_2375, %broadcast_in_dim3A_2336] : memref<32x128xf32, #tpu.memory_space<vmem>>[vector<16xi32>, vector<16xi32>], vector<16xf32>,
      %swap3A_2382 = arith.index_cast %add3A_2296 : i32 to index
      %swap3A_2383 = arith.constant 16 : index
      %swap3A_2384 = tpu.vector_load %arg15[%swap3A_2382, %swap3A_2383] {strides = array<i32>} : memref<128x32xf32, #tpu.memory_space<vmem>>, vector<16xf32>,
      tpu.vector_store %arg15[%swap3A_2382, %swap3A_2383], %gather3A_2381 {strides = array<i32>} : memref<128x32xf32, #tpu.memory_space<vmem>>, vector<16xf32>,
      %lt3A_2385 = arith.constant 15 : i32
      %lt3A_2386 = arith.cmpi slt, %scan3A_1618, %lt3A_2385 : i32
      %convert_element_type3A_2387 = arith.extui %lt3A_2386 : i1 to i32
      %cond3A_2388 = arith.constant 0 : i32
      %cond3A_2389 = arith.cmpi ne, %convert_element_type3A_2387, %cond3A_2388 : i32
      scf.if %cond3A_2389 {
        %add3A_2391 = arith.constant 8 : i32
        %add3A_2392 = arith.addi %add3A_2296, %add3A_2391 : i32
        %get3A_2393 = arith.index_cast %add3A_2392 : i32 to index
        %get3A_2394 = memref.load %arg8[%get3A_2393] : memref<128xi32, #tpu.memory_space<smem>>
        %and3A_2395 = arith.constant -128 : i32
        %and3A_2396 = arith.andi %get3A_2394, %and3A_2395 : i32
        %multiple_of3A_2397 = tpu.assume_multiple %and3A_2396, 128 : i32
        %get3A_2398 = arith.index_cast %add3A_2392 : i32 to index
        %get3A_2399 = memref.load %arg9[%get3A_2398] : memref<128xi32, #tpu.memory_space<smem>>
        %and3A_2400 = arith.constant -128 : i32
        %and3A_2401 = arith.andi %get3A_2399, %and3A_2400 : i32
        %multiple_of3A_2402 = tpu.assume_multiple %and3A_2401, 128 : i32
        %dma_start3A_2403 = arith.constant 7 : i32
        %dma_start3A_2404 = arith.constant 0 : i32
        %dma_start3A_2405 = arith.constant 0 : i32
        %dma_start3A_2406 = tpu.memref_slice %arg12[%dma_start3A_2403, %dma_start3A_2404, %dma_start3A_2405] : memref<8x32x128xf32, #tpu.memory_space<vmem>> -> memref<1x32x128xf32, #tpu.memory_space<vmem>>
        %dma_start3A_2407 = tpu.memref_squeeze %dma_start3A_2406 : memref<1x32x128xf32, #tpu.memory_space<vmem>> -> memref<32x128xf32, #tpu.memory_space<vmem>>
        %dma_start3A_2408 = arith.constant 0 : i32
        %dma_start3A_2409 = tpu.memref_slice %arg4[%dma_start3A_2408, %multiple_of3A_2397] : memref<32x1000000xf32, #tpu.memory_space<hbm>> -> memref<32x128xf32, #tpu.memory_space<hbm>>
        %dma_start3A_2410 = arith.constant 0 : i32
        %dma_start3A_2411 = arith.constant 0 : i32
        %dma_start3A_2412 = tpu.memref_slice %arg12[%dma_start3A_2403, %dma_start3A_2410, %dma_start3A_2411] : memref<8x32x128xf32, #tpu.memory_space<vmem>> -> memref<1x32x128xf32, #tpu.memory_space<vmem>>
        %dma_start3A_2413 = tpu.memref_squeeze %dma_start3A_2412 : memref<1x32x128xf32, #tpu.memory_space<vmem>> -> memref<32x128xf32, #tpu.memory_space<vmem>>
        %dma_start3A_2414 = arith.constant 0 : i32
        %dma_start3A_2415 = tpu.memref_slice %arg4[%dma_start3A_2414, %multiple_of3A_2397] : memref<32x1000000xf32, #tpu.memory_space<hbm>> -> memref<32x128xf32, #tpu.memory_space<hbm>>
        tpu.enqueue_dma source(%dma_start3A_2415 : memref<32x128xf32, #tpu.memory_space<hbm>>) target(%dma_start3A_2413 : memref<32x128xf32, #tpu.memory_space<vmem>>) target_semaphore(%arg23 : memref<!tpu.dma_semaphore, #tpu.memory_space<semaphore_mem>>)
        %dma_start3A_2416 = arith.constant 7 : i32
        %dma_start3A_2417 = arith.constant 0 : i32
        %dma_start3A_2418 = arith.constant 0 : i32
        %dma_start3A_2419 = tpu.memref_slice %arg13[%dma_start3A_2416, %dma_start3A_2417, %dma_start3A_2418] : memref<8x32x128xf32, #tpu.memory_space<vmem>> -> memref<1x32x128xf32, #tpu.memory_space<vmem>>
        %dma_start3A_2420 = tpu.memref_squeeze %dma_start3A_2419 : memref<1x32x128xf32, #tpu.memory_space<vmem>> -> memref<32x128xf32, #tpu.memory_space<vmem>>
        %dma_start3A_2421 = arith.constant 0 : i32
        %dma_start3A_2422 = tpu.memref_slice %arg5[%dma_start3A_2421, %multiple_of3A_2402] : memref<32x1000000xf32, #tpu.memory_space<hbm>> -> memref<32x128xf32, #tpu.memory_space<hbm>>
        %dma_start3A_2423 = arith.constant 0 : i32
        %dma_start3A_2424 = arith.constant 0 : i32
        %dma_start3A_2425 = tpu.memref_slice %arg13[%dma_start3A_2416, %dma_start3A_2423, %dma_start3A_2424] : memref<8x32x128xf32, #tpu.memory_space<vmem>> -> memref<1x32x128xf32, #tpu.memory_space<vmem>>
        %dma_start3A_2426 = tpu.memref_squeeze %dma_start3A_2425 : memref<1x32x128xf32, #tpu.memory_space<vmem>> -> memref<32x128xf32, #tpu.memory_space<vmem>>
        %dma_start3A_2427 = arith.constant 0 : i32
        %dma_start3A_2428 = tpu.memref_slice %arg5[%dma_start3A_2427, %multiple_of3A_2402] : memref<32x1000000xf32, #tpu.memory_space<hbm>> -> memref<32x128xf32, #tpu.memory_space<hbm>>
        tpu.enqueue_dma source(%dma_start3A_2428 : memref<32x128xf32, #tpu.memory_space<hbm>>) target(%dma_start3A_2426 : memref<32x128xf32, #tpu.memory_space<vmem>>) target_semaphore(%arg31 : memref<!tpu.dma_semaphore, #tpu.memory_space<semaphore_mem>>)
      } else {
      }
      %scan3A_2390 = arith.constant 0 : i32
      scf.yield %scan3A_2390 : i32
    }
    %scan3A_1617 = arith.constant 16 : i32
    "tpu.region"() ({
      %run_scoped3A = tpu.sem_alloc : memref<!tpu.dma_semaphore, #tpu.memory_space<semaphore_mem>>
      %dma_start3A_1618 = arith.constant 0 : i32
      %dma_start3A_1619 = tpu.memref_slice %arg6[%mul3A_2, %dma_start3A_1618] : memref<4096x32xf32, #tpu.memory_space<hbm>> -> memref<128x32xf32, #tpu.memory_space<hbm>>
      %dma_start3A_1620 = arith.constant 0 : i32
      %dma_start3A_1621 = tpu.memref_slice %arg6[%mul3A_2, %dma_start3A_1620] : memref<4096x32xf32, #tpu.memory_space<hbm>> -> memref<128x32xf32, #tpu.memory_space<hbm>>
      tpu.enqueue_dma source(%arg14 : memref<128x32xf32, #tpu.memory_space<vmem>>) target(%dma_start3A_1621 : memref<128x32xf32, #tpu.memory_space<hbm>>) target_semaphore(%run_scoped3A : memref<!tpu.dma_semaphore, #tpu.memory_space<semaphore_mem>>)
      %dma_wait3A = arith.constant 0 : i32
      %dma_wait3A_1622 = tpu.memref_slice %arg6[%mul3A_2, %dma_wait3A] : memref<4096x32xf32, #tpu.memory_space<hbm>> -> memref<128x32xf32, #tpu.memory_space<hbm>>
      %dma_wait3A_1623 = arith.constant 0 : i32
      %dma_wait3A_1624 = tpu.memref_slice %arg6[%mul3A_2, %dma_wait3A_1623] : memref<4096x32xf32, #tpu.memory_space<hbm>> -> memref<128x32xf32, #tpu.memory_space<hbm>>
      tpu.wait_dma2 semaphore(%run_scoped3A : memref<!tpu.dma_semaphore, #tpu.memory_space<semaphore_mem>>) src(%arg14 : memref<128x32xf32, #tpu.memory_space<vmem>>) dst(%dma_wait3A_1624 : memref<128x32xf32, #tpu.memory_space<hbm>>)
      tpu.yield
    }) : () -> ()
    "tpu.region"() ({
      %run_scoped3A = tpu.sem_alloc : memref<!tpu.dma_semaphore, #tpu.memory_space<semaphore_mem>>
      %dma_start3A_1618 = arith.constant 0 : i32
      %dma_start3A_1619 = tpu.memref_slice %arg7[%mul3A_2, %dma_start3A_1618] : memref<4096x32xf32, #tpu.memory_space<hbm>> -> memref<128x32xf32, #tpu.memory_space<hbm>>
      %dma_start3A_1620 = arith.constant 0 : i32
      %dma_start3A_1621 = tpu.memref_slice %arg7[%mul3A_2, %dma_start3A_1620] : memref<4096x32xf32, #tpu.memory_space<hbm>> -> memref<128x32xf32, #tpu.memory_space<hbm>>
      tpu.enqueue_dma source(%arg15 : memref<128x32xf32, #tpu.memory_space<vmem>>) target(%dma_start3A_1621 : memref<128x32xf32, #tpu.memory_space<hbm>>) target_semaphore(%run_scoped3A : memref<!tpu.dma_semaphore, #tpu.memory_space<semaphore_mem>>)
      %dma_wait3A = arith.constant 0 : i32
      %dma_wait3A_1622 = tpu.memref_slice %arg7[%mul3A_2, %dma_wait3A] : memref<4096x32xf32, #tpu.memory_space<hbm>> -> memref<128x32xf32, #tpu.memory_space<hbm>>
      %dma_wait3A_1623 = arith.constant 0 : i32
      %dma_wait3A_1624 = tpu.memref_slice %arg7[%mul3A_2, %dma_wait3A_1623] : memref<4096x32xf32, #tpu.memory_space<hbm>> -> memref<128x32xf32, #tpu.memory_space<hbm>>
      tpu.wait_dma2 semaphore(%run_scoped3A : memref<!tpu.dma_semaphore, #tpu.memory_space<semaphore_mem>>) src(%arg15 : memref<128x32xf32, #tpu.memory_space<vmem>>) dst(%dma_wait3A_1624 : memref<128x32xf32, #tpu.memory_space<hbm>>)
      tpu.yield
    }) : () -> ()
    return
  }
}

module attributes {stable_mosaic.version = 14 : i64} {
  func.func @body(%arg0: memref<4096x32xf32, #tpu.memory_space<vmem>>, %arg1: memref<32x4096xf32, #tpu.memory_space<vmem>>) attributes {dimension_semantics = [], scalar_prefetch = 0 : i64, scratch_operands = 0 : i64, tpu.core_type = #tpu.core_type<tc>} {
    %get3A = arith.constant 0 : index
    %get3A_0 = arith.constant 0 : index
    %get3A_1 = vector.load %arg0[%get3A, %get3A_0] : memref<4096x32xf32, #tpu.memory_space<vmem>>, vector<4096x32xf32>
    %transpose3A = tpu.transpose %get3A_1, [1, 0] : vector<4096x32xf32> -> vector<32x4096xf32>
    %swap3A = arith.constant 0 : index
    %swap3A_2 = arith.constant 0 : index
    %swap3A_3 = vector.load %arg1[%swap3A, %swap3A_2] : memref<32x4096xf32, #tpu.memory_space<vmem>>, vector<32x4096xf32>
    tpu.vector_store %arg1[%swap3A, %swap3A_2], %transpose3A {strides = array<i32>} : memref<32x4096xf32, #tpu.memory_space<vmem>>, vector<32x4096xf32>,
    return
  }
}

module attributes {stable_mosaic.version = 14 : i64} {
  func.func @body(%arg0: i32, %arg1: memref<512x40xf32, #tpu.memory_space<vmem>>, %arg2: memref<40x4096xf32, #tpu.memory_space<vmem>>, %arg3: memref<512x4096xf32, #tpu.memory_space<vmem>>) attributes {dimension_semantics = [#tpu.dimension_semantics<arbitrary>], iteration_bounds = array<i64: 8>, scalar_prefetch = 0 : i64, scratch_operands = 0 : i64, tpu.core_type = #tpu.core_type<tc>, window_params = [{transform_indices = @transform_0, window_bounds = array<i64: 512, 40>}, {pipeline_mode = #tpu.pipeline_mode<synchronous>, transform_indices = @transform_1, window_bounds = array<i64: 40, 4096>}, {transform_indices = @transform_2, window_bounds = array<i64: 512, 4096>}]} {
    %get3A = arith.constant 0 : index
    %get3A_0 = arith.constant 0 : index
    %get3A_1 = vector.load %arg1[%get3A, %get3A_0] : memref<512x40xf32, #tpu.memory_space<vmem>>, vector<512x40xf32>
    %get3A_2 = arith.constant 0 : index
    %get3A_3 = arith.constant 0 : index
    %get3A_4 = vector.load %arg2[%get3A_2, %get3A_3] : memref<40x4096xf32, #tpu.memory_space<vmem>>, vector<40x4096xf32>
    %dot_general3A = arith.constant dense<0.000000e+00> : vector<512x4096xf32>
    %dot_general3A_5 = tpu.matmul %get3A_1, %get3A_4, %dot_general3A {dimension_numbers = #tpu.dot_dimension_numbers<[1], [0], [0], [1], [0, 0, 1, 1], [], []>, transpose_lhs_hint = false} : vector<512x40xf32>, vector<40x4096xf32>, vector<512x4096xf32> -> vector<512x4096xf32>
    %swap3A = arith.constant 0 : index
    %swap3A_6 = arith.constant 0 : index
    %swap3A_7 = vector.load %arg3[%swap3A, %swap3A_6] : memref<512x4096xf32, #tpu.memory_space<vmem>>, vector<512x4096xf32>
    tpu.vector_store %arg3[%swap3A, %swap3A_6], %dot_general3A_5 {strides = array<i32>} : memref<512x4096xf32, #tpu.memory_space<vmem>>, vector<512x4096xf32>,
    return
  }
  func.func @transform_0(%arg0: i32) -> (i32, i32) {
    %c0_i32 = arith.constant 0 : i32
    %c0_i32_0 = arith.constant 0 : i32
    return %arg0, %c0_i32 : i32, i32
  }
  func.func @transform_1(%arg0: i32) -> (i32, i32) {
    %c0_i32 = arith.constant 0 : i32
    %c0_i32_0 = arith.constant 0 : i32
    %c0_i32_1 = arith.constant 0 : i32
    return %c0_i32, %c0_i32_0 : i32, i32
  }
  func.func @transform_2(%arg0: i32) -> (i32, i32) {
    %c0_i32 = arith.constant 0 : i32
    %c0_i32_0 = arith.constant 0 : i32
    return %arg0, %c0_i32 : i32, i32
  }
}

</mosaic_0001>

<sc_bundles>
// kernel: kernel.6.cloned.1.call-start
scs
__scs_entry_jumppad:
0x0: {  	(pc) =	sbr.rel $0x88, $3  }
0x1: {  	(tag) =	ssettag $0x0;
	lr =	simm.s32 $0x1  }
0x2: {  	[smem:$0x3F9A] =	sst lr;
	_ =	strace $0xD0000000  }
0x3: {  	_ = 	snop  }
0x4: {  	_ = 	snop  }
0x5: {  	_ = 	snop  }
0x6: {  	_ = 	snop  }
0x7: {  	_ = 	snop  }
__scs_overlays_trampoline_lowered:
0x8: {  	[smem:$0x3FA9] =	sst s0  }
0x9: {  	[smem:$0x3FAA] =	sst s1  }
0xa: {  	[smem:$0x3FAB] =	sst s2  }
0xb: {  	[smem:$0x3FAC] =	sst s3  }
0xc: {  	[smem:$0x3FAD] =	sst s4  }
0xd: {  	[smem:$0x3FAE] =	sst s5  }
0xe: {  	[smem:$0x3FAF] =	sst s6  }
0xf: {  	[smem:$0x3FB0] =	sst s7  }
0x10: {  	[smem:$0x3FB1] =	sst s8  }
0x11: {  	[smem:$0x3FB2] =	sst s9;
	s0 =	simm.s32 @!p0 $0x0  }
0x12: {  	s1 =	sld [smem:$0x3F98];
	s0 =	simm.s32 @p0 $0x1  }
0x13: {  	[smem:$0x3FB3] =	sst s0;
	s0 =	simm.s32 @!p1 $0x0  }
0x14: {  	s2 =	sld [smem:$0x3F97];
	s0 =	simm.s32 @p1 $0x1  }
0x15: {  	[smem:$0x3FB4] =	sst s0;
	s0 =	simm.s32 @!p2 $0x0  }
0x16: {  	s3 =	sld [smem:$0x3FDB];
	s0 =	simm.s32 @p2 $0x1  }
0x17: {  	s4 =	simm.s32 $0x1BF5;
	[smem:$0x3FB6] =	sst s0  }
0x18: {  	s0 =	sld [smem:$0x3F99];
	_ =	swait.ge [sflag:s4], $0x0  }
0x19: {  	s7 =	sld [smem:$0x3F9A]  }
0x1a: {  	s8 =	sadd.s32 $0xFFFFE003, lr  }
0x1b: {  	s9 =	sadd.s32 $0xFFFFFEF7, lr;
	s5 =	simm.s32 $0xFFFFFFFF;
	p2 =	slt.u32 s8, $0xFFFFF086  }
0x1c: {  	p1 =	slt.u32 s9, $0xF7A;
	s5 =	simm.s32 @!p2 $0x0  }
0x1d: {  	s5 =	simm.s32 @p1 $0x1;
	p0 =	seq.s32 s7, s2  }
0x1e: {  	s7 =	smul.u32 @!p0 $0xF7A, s2;
	p2 =	seq.s32 @!p0 s5, $0x0  }
0x1f: {  	s9 =	smul.u32 $0xF7A, s1;
	s8 =	simm.s32 @!p0 $0x1BF5;
	p2 =	por !p2, p0  }
0x20: {  	[sflag:s8] =	ssyncset.s32 @!p0 $0xFFFFF086;
	s6 =	sadd.s32 @!p0 s3, s7;
	s7 =	simm.s32 @!p0 $0x108  }
0x21: {  	s3 =	sadd.s32 s3, s9;
	s6 =	sadd.s32 @!p0 $0x88, s6;
	s7 =	simm.s32 @p2 $0x1082  }
0x22: {  	[simem:s7], [sflag:s8] =	dma.local @!p0 [hbm:s6], $0xF7A  }
0x23: {  	s9 =	sor.u32 $0xD0000000, s2;
	s6 =	simm.s32 $0x108;
	_ =	swait.ge @!p0 [sflag:s8], $0x0  }
0x24: {  	s3 =	sadd.s32 $0x88, s3;
	s6 =	simm.s32 @!p1 $0x1082;
	[sflag:s4] =	ssyncset.s32 $0xFFFFF086  }
0x25: {  	[simem:s6], [sflag:s4] =	dma.local [hbm:s3], $0xF7A  }
0x26: {  	[smem:$0x3F9A] =	sst s1;
	(tag) =	ssettag s2;
	_ =	strace s9  }
0x27: {  	s1 =	sld [smem:$0x3FAA]  }
0x28: {  	s2 =	sld [smem:$0x3FAB]  }
0x29: {  	s4 =	sld [smem:$0x3FAD]  }
0x2a: {  	p0 =	seq.s32 s5, $0x0;
	s5 =	sld [smem:$0x3FAE]  }
0x2b: {  	s6 =	sld [smem:$0x3FAF]  }
0x2c: {  	s7 =	sld [smem:$0x3FB0]  }
0x2d: {  	s3 =	simm.s32 $0x108;
	s8 =	sld [smem:$0x3FB1]  }
0x2e: {  	s3 =	simm.s32 @!p0 $0x1082;
	s9 =	sld [smem:$0x3FB2]  }
0x2f: {  	lr =	sadd.s32 s0, s3;
	s0 =	sld [smem:$0x3FA9]  }
0x30: {  	s3 =	sld [smem:$0x3FAC]  }
0x31: {  	[smem:$0x3FB5] =	sst s10  }
0x32: {  	s10 =	sld [smem:$0x3FB3];
	_ =	sdelay $0x3  }
0x33: {  	p0 =	seq.s32 s10, $0x1;
	s10 =	sld [smem:$0x3FB5];
	_ =	sdelay $0x3  }
0x34: {  	[smem:$0x3FB5] =	sst s10  }
0x35: {  	s10 =	sld [smem:$0x3FB4];
	_ =	sdelay $0x3  }
0x36: {  	p1 =	seq.s32 s10, $0x1;
	s10 =	sld [smem:$0x3FB5];
	_ =	sdelay $0x3  }
0x37: {  	[smem:$0x3FB5] =	sst s10  }
0x38: {  	s10 =	sld [smem:$0x3FB6]  }
0x39: {  	_ = 	snop;
	(pc) =	sbr.ind lr, $3  }
0x3a: {  	_ = 	snop  }
0x3b: {  	_ = 	snop  }
0x3c: {  	p2 =	seq.s32 s10, $0x1;
	s10 =	sld [smem:$0x3FB5]  }
0x3d: {  	_ =	shalt  }
0x3e: {  	_ =	shalt  }
0x3f: {  	_ =	shalt  }
0x40: {  	_ =	shalt  }
0x41: {  	_ =	shalt  }
0x42: {  	_ =	shalt  }
0x43: {  	_ =	shalt  }
0x44: {  	_ =	shalt  }
0x45: {  	_ =	shalt  }
0x46: {  	_ =	shalt  }
0x47: {  	_ =	shalt  }
0x48: {  	_ =	shalt  }
0x49: {  	_ =	shalt  }
0x4a: {  	_ =	shalt  }
0x4b: {  	_ =	shalt  }
0x4c: {  	_ =	shalt  }
0x4d: {  	_ =	shalt  }
0x4e: {  	_ =	shalt  }
0x4f: {  	_ =	shalt  }
0x50: {  	_ =	shalt  }
0x51: {  	_ =	shalt  }
0x52: {  	_ =	shalt  }
0x53: {  	_ =	shalt  }
0x54: {  	_ =	shalt  }
0x55: {  	_ =	shalt  }
0x56: {  	_ =	shalt  }
0x57: {  	_ =	shalt  }
0x58: {  	_ =	shalt  }
0x59: {  	_ =	shalt  }
0x5a: {  	_ =	shalt  }
0x5b: {  	_ =	shalt  }
0x5c: {  	_ =	shalt  }
0x5d: {  	_ =	shalt  }
0x5e: {  	_ =	shalt  }
0x5f: {  	_ =	shalt  }
0x60: {  	_ =	shalt  }
0x61: {  	_ =	shalt  }
0x62: {  	_ =	shalt  }
0x63: {  	_ =	shalt  }
0x64: {  	_ =	shalt  }
0x65: {  	_ =	shalt  }
0x66: {  	_ =	shalt  }
0x67: {  	_ =	shalt  }
0x68: {  	_ =	shalt  }
0x69: {  	_ =	shalt  }
0x6a: {  	_ =	shalt  }
0x6b: {  	_ =	shalt  }
0x6c: {  	_ =	shalt  }
0x6d: {  	_ =	shalt  }
0x6e: {  	_ =	shalt  }
0x6f: {  	_ =	shalt  }
0x70: {  	_ =	shalt  }
0x71: {  	_ =	shalt  }
0x72: {  	_ =	shalt  }
0x73: {  	_ =	shalt  }
0x74: {  	_ =	shalt  }
0x75: {  	_ =	shalt  }
0x76: {  	_ =	shalt  }
0x77: {  	_ =	shalt  }
0x78: {  	_ =	shalt  }
0x79: {  	_ =	shalt  }
0x7a: {  	_ =	shalt  }
0x7b: {  	_ =	shalt  }
0x7c: {  	_ =	shalt  }
0x7d: {  	_ =	shalt  }
0x7e: {  	_ =	shalt  }
0x7f: {  	_ =	shalt  }
0x80: {  	_ =	shalt  }
0x81: {  	_ =	shalt  }
0x82: {  	_ =	shalt  }
0x83: {  	_ =	shalt  }
0x84: {  	_ =	shalt  }
0x85: {  	_ =	shalt  }
0x86: {  	_ =	shalt  }
0x87: {  	_ =	shalt  }
.Lfunc_end0:
.L_simem_size_0:
called_computation_lowered:
.L_overlay_start_0:
0x88: {  	s2 =	sld [smem:$0x3FD9]  }
0x89: {  	s3 =	sld [smem:$0x3FFE];
	_ =	sdelay $0x1  }
0x8a: {  	s1 =	srdreg.scid  }
0x8b: {  	s0 =	sand.u32 $0x1, s1  }
0x8c: {  	s17 =	sshll.u32 s0, $0xA;
	s2 =	sadd.s32 s3, s2  }
0x8d: {  	s2 =	sadd.s32 s2, s17  }
0x8e: {  	[smem:$0x3FC1] =	sst s2  }
0x8f: {  	_ = 	snop  }
0x90: {  	s2 =	sld [smem:$0x3FC9]  }
0x91: {  	s18 =	sld [smem:$0x3FC8]  }
0x92: {  	s4 =	sld [smem:$0x3FC7]  }
0x93: {  	s5 =	sld [smem:$0x3FC6];
	(tm) =	ssettm $0x1  }
0x94: {  	s6 =	sld [smem:$0x3FFB];
	_ =	sdelay $0x3  }
0x95: {  	_ =	strace s6  }
0x96: {  	s6 =	sld [smem:$0x3FFC];
	_ =	sdelay $0x3  }
0x97: {  	_ =	strace s6  }
0x98: {  	s6 =	sld [smem:$0x3FFD];
	_ =	sdelay $0x3  }
0x99: {  	_ =	strace s6  }
0x9a: {  	_ =	strace $0x8FFFFFFF  }
0x9b: {  	s19 =	sld [smem:$0x3FDB];
	_ =	sdelay $0x1  }
0x9c: {  	s7 =	simm.s32 $_scs_section_size  }
0x9d: {  	s8 =	simm.s32 $_size__tile_overlayer_lowered;
	s9 =	simm.s32 $_tile_overlayer_lowered  }
0x9e: {  	s22 =	simm.s32 $0x1BFF;
	s21 =	sshll.u32 s9, $0x1;
	s6 =	sadd.s32 s7, s19  }
0x9f: {  	s10 =	simm.s32 $0x0;
	s20 =	sshll.u32 s8, $0x1;
	s8 =	sadd.s32 s21, s6  }
0xa0: {  	[timem:s10], [sflag:s22] =	dma.local [hbm:s8], s20  }
0xa1: {  	_ =	swait.ge [sflag:s22], s20  }
0xa2: {  	s7 =	ssub.s32 $0x0, s20;
	[sflag:s22] =	ssyncset.done $0x0  }
0xa3: {  	[sflag:s22] =	ssyncadd.s32 s7;
	_ =	sdelay $0x1  }
0xa4: {  	s23 =	simm.s32 $0x1B8B  }
0xa5: {  	_ =	swait.ge [sflag:s23], $0x1  }
0xa6: {  	[sflag:s23] =	ssyncset.done $0x0  }
0xa7: {  	s25 =	simm.s32 $0x1B8E;
	s24 =	sld [smem:$0x3FFE];
	[sflag:s23] =	ssyncadd.s32 $0xFFFFFFFF  }
0xa8: {  	s26 =	simm.s32 $execute0_lowered;
	[smem:$0x3FD2] =	sst s25  }
0xa9: {  	s8 =	sshll.u32 s26, $0x1;
	_ =	strace $0x80000046;
	[dreg:$0x1] =	wrdreg $0xFFFFFFFF  }
0xaa: {  	s28 =	simm.s32 $_size_execute0_lowered;
	s6 =	sadd.s32 s6, s8;
	[dreg:$0x0] =	wrdreg $0x0  }
0xab: {  	s8 =	sshll.u32 s28, $0x1;
	[dreg:$0x2] =	wrdreg s6  }
0xac: {  	[dreg:$0x3] =	wrdreg s8  }
0xad: {  	[dreg:$0x4] =	wrdreg $0xC0  }
0xae: {  	_ =	task [dreg:s10], $0x5FFFF  }
0xaf: {  	[dreg:$0x1] =	wrdreg $0xFFFFFFFF  }
0xb0: {  	[dreg:$0x0] =	wrdreg $0x60  }
0xb1: {  	[dreg:$0x2] =	wrdreg s2  }
0xb2: {  	[dreg:$0x3] =	wrdreg s18  }
0xb3: {  	[dreg:$0x4] =	wrdreg s4  }
0xb4: {  	[dreg:$0x5] =	wrdreg s5  }
0xb5: {  	[dreg:$0x6] =	wrdreg s24  }
0xb6: {  	[dreg:$0x7] =	wrdreg $0x9  }
0xb7: {  	_ =	task.clear_ibuf [dreg:s10], $0x8FFFF;
	_ =	strace $0x90000046  }
0xb8: {  	s29 =	simm.s32 $0x9;
	_ =	strace $0x80000048  }
0xb9: {  	_ =	swait.ge [sflag:s29], $0x1  }
0xba: {  	[sflag:s29] =	ssyncadd.s32 $0xFFFFFFFF  }
0xbb: {  	_ =	strace $0x90000048  }
0xbc: {  	_ =	sfence  }
0xbd: {  	s30 =	sld [smem:$0x0];
	_ =	sdelay $0x2  }
0xbe: {  	s31 =	sshll.u32 s1, $0xD;
	s1 =	sshrl.u32 s1, $0x2  }
0xbf: {  	s3 =	sand.u32 $0x4000, s31;
	s1 =	sadd.s32 s1, s30  }
0xc0: {  	s0 =	sor.u32 s3, s0;
	s1 =	sshll.u32 s1, $0x11  }
0xc1: {  	s0 =	sor.u32 s1, s0  }
0xc2: {  	s0 =	sadd.s32 $0x8F2B, s0  }
0xc3: {  	[sflag:s0] =	ssyncadd.remote.s32 $0x1  }
0xc4: {  	_ =	sfence.sel $0xFFFF  }
0xc5: {  	[dreg:$0x0] =	wrdreg $0xFFFFFFFF;
	(pc) =	sbr.abs _section_cstart, $3  }
0xc6: {  	[dreg:$0x1] =	wrdreg $0xFFFFFFFF  }
0xc7: {  	_ =	task.clear_ibuf [dreg:s10], $0x2FFFF;
	_ =	strace $0x9FFFFFFF  }
0xc8: {  	(tm) =	ssettm $0x7FFFFFFF  }
0xc9: {  	_ =	shalt  }
tec
execute0_lowered:
.L_overlay_start_1:
0x0: {  	(tag) =	ssettag $0x1  }
0x1: {  	s0 =	rddreg [dreg:$0x0]  }
0x2: {  	s2 =	rddreg [dreg:$0x1]  }
0x3: {  	s1 =	rddreg [dreg:$0x2]  }
0x4: {  	s3 =	rddreg [dreg:$0x3]  }
0x5: {  	s4 =	rddreg [dreg:$0x4]  }
0x6: {  	s5 =	srdreg.scid;
	s6 =	stileid.u32  }
0x7: {  	s12 =	simm.s32 $0x0;
	s20 =	simm.s32 $0x11;
	s13 =	simm.s32 $0x100  }
0x8: {  	s29 =	simm.s32 $0x8100;
	s30 =	simm.s32 $0x1100;
	s31 =	simm.s32 $0x9100  }
0x9: {  	s11 =	simm.s32 $0x3100;
	s8 =	simm.s32 $0x5100;
	s9 =	simm.s32 $0xD100  }
0xa: {  	s28 =	simm.s32 $0xE100;
	s10 =	simm.s32 $0x7100;
	s14 =	simm.s32 $0xF100  }
0xb: {  	s16 =	simm.s32 $0xF;
	s17 =	simm.s32 $0x8;
	s18 =	simm.s32 $0x10  }
0xc: {  	s15 =	simm.s32 $0x0;
	s5 =	sand.u32 $0x1, s5;
	s6 =	sshll.u32 s6, $0x8  }
0xd: {  	[smem:$0x7FF] =	sst s12;
	s7 =	sshll.u32 s5, $0x7;
	s5 =	ssub.s32 $0x2, s5  }
0xe: {  	_ =	strace $0x80000047;
	s6 =	sor.u32 s7, s6;
	s22 =	sshrl.u32 s5, $0x1  }
0xf: {  	s7 =	sshll.u32 s6, $0x4;
	s6 =	sshrl.u32 s6, $0x3;
	s5 =	ssub.s32 s5, s22  }
0x10: {  	s4 =	sadd.s32 s7, s4;
	s0 =	sadd.s32 s0, s6;
	s23 =	sadd.s32 s2, s6  }
.Ltmp0:
0x11: {  	s26 =	smax.u32 s5, $0x1;
	[dreg:$0x6] =	wrdreg s0;
	(pc) =	sbr.rel .LBB2_1-.Ltmp0, $4  }
0x12: {  	v0 =	vlaneseq.u32;
	s2 =	simm.s32 $0xA100;
	s5 =	simm.s32 $0xB100;
	[dreg:$0x7] =	wrdreg s23  }
0x13: {  	v0 =	vmul.u32 $0x80, v0;
	s6 =	simm.s32 $0x4100;
	s24 =	sadd.s32 $0xC00, s4;
	[dreg:$0xa] =	wrdreg s26  }
0x14: {  	s7 =	simm.s32 $0xC100;
	s25 =	sadd.s32 $0x10C00, s4;
	[dreg:$0x8] =	wrdreg s24  }
0x15: {  	v1 =	vor.u32 $0x800, v0;
	s0 =	simm.s32 $0x2100;
	s4 =	simm.s32 $0x6100;
	[dreg:$0x9] =	wrdreg s25  }
.LBB2_4:
0x16: {  	s12 =	simm.s32 $0x0  }
0x17: {  	s19 =	rddreg [dreg:$0x8];
	s15 =	simm.s32 $0x10100;
	s20 =	simm.s32 $0x11  }
0x18: {  	[hbm4b:s19+s12] =	stream.linear.scatter [tilespmem:s15], [sflag:$0x11], $0x4000, $0x38;
	[tilespmem:$0x18100] =	vst v63  }
0x19: {  	_ =	swait.ge [sflag:s20], $0x4000  }
0x1a: {  	[sflag:s20] =	ssyncset.done $0x0  }
0x1b: {  	s24 =	simm.s32 $0x14100;
	s23 =	rddreg [dreg:$0x9];
	[sflag:s20] =	ssyncadd.s32 $0xFFFFC000  }
0x1c: {  	[hbm4b:s23+s12] =	stream.linear.scatter [tilespmem:s24], [sflag:$0x11], $0x4000, $0x38;
	[tilespmem:$0x18100] =	vst v63  }
0x1d: {  	_ =	swait.ge [sflag:s20], $0x4000  }
0x1e: {  	s25 =	rddreg [dreg:$0xb]  }
0x1f: {  	s26 =	rddreg [dreg:$0xa];
	s15 =	sadd.s32 $0x1, s25  }
0x20: {  	p0 =	sne.s32 s15, s26  }
.Ltmp1:
0x21: {  	_ = 	snop;
	(pc) =	sbr.rel @!p0 .LBB2_5-.Ltmp1, $3  }
0x22: {  	_ =	sdelay $0x1  }
0x23: {  	[sflag:s20] =	ssyncset.done $0x0  }
0x24: {  	[sflag:s20] =	ssyncadd.s32 $0xFFFFC000  }
.LBB2_1:
0x25: {  	[dreg:$0xb] =	wrdreg s15  }
0x26: {  	s19 =	rddreg [dreg:$0x6]  }
0x27: {  	[tilespmem:s12], [sflag:$0x11] =	stream.linear.gather [hbm4b:s19+s12], $0x80, $0x38;
	[tilespmem:$0x18100] =	vst v63  }
0x28: {  	_ =	swait.ge [sflag:s20], $0x80  }
0x29: {  	[sflag:s20] =	ssyncset.done $0x0  }
0x2a: {  	s21 =	simm.s32 $0x80;
	s26 =	rddreg [dreg:$0x7];
	[sflag:s20] =	ssyncadd.s32 $0xFFFFFF80  }
0x2b: {  	[tilespmem:s21], [sflag:$0x11] =	stream.linear.gather [hbm4b:s26+s12], $0x80, $0x38;
	[tilespmem:$0x18100] =	vst v63  }
0x2c: {  	_ =	swait.ge [sflag:s20], $0x80  }
0x2d: {  	[sflag:s20] =	ssyncset.done $0x0  }
0x2e: {  	[sflag:s20] =	ssyncadd.s32 $0xFFFFFF80  }
0x2f: {  	v2 =	vld [tilespmem:$0x0]  }
0x30: {  	v3 =	vld [tilespmem:$0x80];
	_ =	sdelay $0x3  }
0x31: {  	(v2sf) =	vpush v2, $0x0  }
0x32: {  	(v2sf) =	vpush v3, $0x0  }
0x33: {  	(v2sf) =	vpush v2, $0x1  }
0x34: {  	(v2sf) =	vpush v3, $0x1  }
0x35: {  	(v2sf) =	vpush v2, $0x2  }
0x36: {  	(v2sf) =	vpush v3, $0x2  }
0x37: {  	(v2sf) =	vpush v2, $0x3  }
0x38: {  	(v2sf) =	vpush v3, $0x3  }
0x39: {  	(v2sf) =	vpush v2, $0x4  }
0x3a: {  	(v2sf) =	vpush v3, $0x4  }
0x3b: {  	(v2sf) =	vpush v2, $0x5  }
0x3c: {  	(v2sf) =	vpush v3, $0x5  }
0x3d: {  	(v2sf) =	vpush v2, $0x6  }
0x3e: {  	(v2sf) =	vpush v3, $0x6  }
0x3f: {  	(v2sf) =	vpush v2, $0x7  }
0x40: {  	s15 =	spop (v2sf);
	(v2sf) =	vpush v3, $0x7  }
0x41: {  	[smem:$0x0] =	sst s15;
	s20 =	spop (v2sf);
	(v2sf) =	vpush v2, $0x8  }
0x42: {  	[smem:$0x80] =	sst s20;
	s21 =	spop (v2sf);
	(v2sf) =	vpush v3, $0x8  }
0x43: {  	[smem:$0x1] =	sst s21;
	s22 =	spop (v2sf);
	(v2sf) =	vpush v2, $0x9  }
0x44: {  	[smem:$0x81] =	sst s22;
	s23 =	spop (v2sf);
	(v2sf) =	vpush v3, $0x9  }
0x45: {  	[smem:$0x2] =	sst s23;
	s24 =	spop (v2sf);
	(v2sf) =	vpush v2, $0xA  }
0x46: {  	[smem:$0x82] =	sst s24;
	s25 =	spop (v2sf);
	(v2sf) =	vpush v3, $0xA  }
0x47: {  	[smem:$0x3] =	sst s25;
	s26 =	spop (v2sf);
	(v2sf) =	vpush v2, $0xB  }
0x48: {  	[smem:$0x83] =	sst s26;
	s12 =	spop (v2sf);
	(v2sf) =	vpush v3, $0xB  }
0x49: {  	[smem:$0x4] =	sst s12;
	s15 =	spop (v2sf);
	(v2sf) =	vpush v2, $0xC  }
0x4a: {  	[smem:$0x84] =	sst s15;
	s20 =	spop (v2sf);
	(v2sf) =	vpush v3, $0xC  }
0x4b: {  	[smem:$0x5] =	sst s20;
	s21 =	spop (v2sf);
	(v2sf) =	vpush v2, $0xD  }
0x4c: {  	v4 =	vld [tilespmem:$0x10];
	[smem:$0x85] =	sst s21;
	s22 =	spop (v2sf);
	(v2sf) =	vpush v3, $0xD  }
0x4d: {  	v5 =	vld [tilespmem:$0x90];
	[smem:$0x6] =	sst s22;
	s23 =	spop (v2sf);
	(v2sf) =	vpush v2, $0xE  }
0x4e: {  	[smem:$0x86] =	sst s23;
	s24 =	spop (v2sf);
	(v2sf) =	vpush v3, $0xE  }
0x4f: {  	[smem:$0x7] =	sst s24;
	s25 =	spop (v2sf);
	(v2sf) =	vpush v2, $0xF  }
0x50: {  	[smem:$0x87] =	sst s25;
	s26 =	spop (v2sf);
	(v2sf) =	vpush v3, $0xF  }
0x51: {  	[smem:$0x8] =	sst s26;
	s12 =	spop (v2sf);
	(v2sf) =	vpush v4, $0x0  }
0x52: {  	[smem:$0x88] =	sst s12;
	s15 =	spop (v2sf);
	(v2sf) =	vpush v5, $0x0  }
0x53: {  	[smem:$0x9] =	sst s15;
	s20 =	spop (v2sf);
	(v2sf) =	vpush v4, $0x1  }
0x54: {  	[smem:$0x89] =	sst s20;
	s21 =	spop (v2sf);
	(v2sf) =	vpush v5, $0x1  }
0x55: {  	[smem:$0xA] =	sst s21;
	s22 =	spop (v2sf);
	(v2sf) =	vpush v4, $0x2  }
0x56: {  	[smem:$0x8A] =	sst s22;
	s23 =	spop (v2sf);
	(v2sf) =	vpush v5, $0x2  }
0x57: {  	[smem:$0xB] =	sst s23;
	s24 =	spop (v2sf);
	(v2sf) =	vpush v4, $0x3  }
0x58: {  	[smem:$0x8B] =	sst s24;
	s25 =	spop (v2sf);
	(v2sf) =	vpush v5, $0x3  }
0x59: {  	[smem:$0xC] =	sst s25;
	s26 =	spop (v2sf);
	(v2sf) =	vpush v4, $0x4  }
0x5a: {  	[smem:$0x8C] =	sst s26;
	s12 =	spop (v2sf);
	(v2sf) =	vpush v5, $0x4  }
0x5b: {  	[smem:$0xD] =	sst s12;
	s15 =	spop (v2sf);
	(v2sf) =	vpush v4, $0x5  }
0x5c: {  	[smem:$0x8D] =	sst s15;
	s20 =	spop (v2sf);
	(v2sf) =	vpush v5, $0x5  }
0x5d: {  	[smem:$0xE] =	sst s20;
	s21 =	spop (v2sf);
	(v2sf) =	vpush v4, $0x6  }
0x5e: {  	[smem:$0x8E] =	sst s21;
	s22 =	spop (v2sf);
	(v2sf) =	vpush v5, $0x6  }
0x5f: {  	[smem:$0xF] =	sst s22;
	s23 =	spop (v2sf);
	(v2sf) =	vpush v4, $0x7  }
0x60: {  	[smem:$0x8F] =	sst s23;
	s24 =	spop (v2sf);
	(v2sf) =	vpush v5, $0x7  }
0x61: {  	[smem:$0x10] =	sst s24;
	s25 =	spop (v2sf);
	(v2sf) =	vpush v4, $0x8  }
0x62: {  	[smem:$0x90] =	sst s25;
	s26 =	spop (v2sf);
	(v2sf) =	vpush v5, $0x8  }
0x63: {  	[smem:$0x11] =	sst s26;
	s12 =	spop (v2sf);
	(v2sf) =	vpush v4, $0x9  }
0x64: {  	[smem:$0x91] =	sst s12;
	s15 =	spop (v2sf);
	(v2sf) =	vpush v5, $0x9  }
0x65: {  	[smem:$0x12] =	sst s15;
	s20 =	spop (v2sf);
	(v2sf) =	vpush v4, $0xA  }
0x66: {  	[smem:$0x92] =	sst s20;
	s21 =	spop (v2sf);
	(v2sf) =	vpush v5, $0xA  }
0x67: {  	[smem:$0x13] =	sst s21;
	s22 =	spop (v2sf);
	(v2sf) =	vpush v4, $0xB  }
0x68: {  	[smem:$0x93] =	sst s22;
	s23 =	spop (v2sf);
	(v2sf) =	vpush v5, $0xB  }
0x69: {  	[smem:$0x14] =	sst s23;
	s24 =	spop (v2sf);
	(v2sf) =	vpush v4, $0xC  }
0x6a: {  	[smem:$0x94] =	sst s24;
	s25 =	spop (v2sf);
	(v2sf) =	vpush v5, $0xC  }
0x6b: {  	[smem:$0x15] =	sst s25;
	s26 =	spop (v2sf);
	(v2sf) =	vpush v4, $0xD  }
0x6c: {  	v2 =	vld [tilespmem:$0x20];
	[smem:$0x95] =	sst s26;
	s12 =	spop (v2sf);
	(v2sf) =	vpush v5, $0xD  }
0x6d: {  	v3 =	vld [tilespmem:$0xA0];
	[smem:$0x16] =	sst s12;
	s15 =	spop (v2sf);
	(v2sf) =	vpush v4, $0xE  }
0x6e: {  	[smem:$0x96] =	sst s15;
	s20 =	spop (v2sf);
	(v2sf) =	vpush v5, $0xE  }
0x6f: {  	[smem:$0x17] =	sst s20;
	s21 =	spop (v2sf);
	(v2sf) =	vpush v4, $0xF  }
0x70: {  	[smem:$0x97] =	sst s21;
	s22 =	spop (v2sf);
	(v2sf) =	vpush v5, $0xF  }
0x71: {  	[smem:$0x18] =	sst s22;
	s23 =	spop (v2sf);
	(v2sf) =	vpush v2, $0x0  }
0x72: {  	[smem:$0x98] =	sst s23;
	s24 =	spop (v2sf);
	(v2sf) =	vpush v3, $0x0  }
0x73: {  	[smem:$0x19] =	sst s24;
	s25 =	spop (v2sf);
	(v2sf) =	vpush v2, $0x1  }
0x74: {  	[smem:$0x99] =	sst s25;
	s26 =	spop (v2sf);
	(v2sf) =	vpush v3, $0x1  }
0x75: {  	[smem:$0x1A] =	sst s26;
	s12 =	spop (v2sf);
	(v2sf) =	vpush v2, $0x2  }
0x76: {  	[smem:$0x9A] =	sst s12;
	s15 =	spop (v2sf);
	(v2sf) =	vpush v3, $0x2  }
0x77: {  	[smem:$0x1B] =	sst s15;
	s20 =	spop (v2sf);
	(v2sf) =	vpush v2, $0x3  }
0x78: {  	[smem:$0x9B] =	sst s20;
	s21 =	spop (v2sf);
	(v2sf) =	vpush v3, $0x3  }
0x79: {  	[smem:$0x1C] =	sst s21;
	s22 =	spop (v2sf);
	(v2sf) =	vpush v2, $0x4  }
0x7a: {  	[smem:$0x9C] =	sst s22;
	s23 =	spop (v2sf);
	(v2sf) =	vpush v3, $0x4  }
0x7b: {  	[smem:$0x1D] =	sst s23;
	s24 =	spop (v2sf);
	(v2sf) =	vpush v2, $0x5  }
0x7c: {  	[smem:$0x9D] =	sst s24;
	s25 =	spop (v2sf);
	(v2sf) =	vpush v3, $0x5  }
0x7d: {  	[smem:$0x1E] =	sst s25;
	s26 =	spop (v2sf);
	(v2sf) =	vpush v2, $0x6  }
0x7e: {  	[smem:$0x9E] =	sst s26;
	s12 =	spop (v2sf);
	(v2sf) =	vpush v3, $0x6  }
0x7f: {  	[smem:$0x1F] =	sst s12;
	s15 =	spop (v2sf);
	(v2sf) =	vpush v2, $0x7  }
0x80: {  	[smem:$0x9F] =	sst s15;
	s20 =	spop (v2sf);
	(v2sf) =	vpush v3, $0x7  }
0x81: {  	[smem:$0x20] =	sst s20;
	s21 =	spop (v2sf);
	(v2sf) =	vpush v2, $0x8  }
0x82: {  	[smem:$0xA0] =	sst s21;
	s22 =	spop (v2sf);
	(v2sf) =	vpush v3, $0x8  }
0x83: {  	[smem:$0x21] =	sst s22;
	s23 =	spop (v2sf);
	(v2sf) =	vpush v2, $0x9  }
0x84: {  	[smem:$0xA1] =	sst s23;
	s24 =	spop (v2sf);
	(v2sf) =	vpush v3, $0x9  }
0x85: {  	[smem:$0x22] =	sst s24;
	s25 =	spop (v2sf);
	(v2sf) =	vpush v2, $0xA  }
0x86: {  	[smem:$0xA2] =	sst s25;
	s26 =	spop (v2sf);
	(v2sf) =	vpush v3, $0xA  }
0x87: {  	[smem:$0x23] =	sst s26;
	s12 =	spop (v2sf);
	(v2sf) =	vpush v2, $0xB  }
0x88: {  	[smem:$0xA3] =	sst s12;
	s15 =	spop (v2sf);
	(v2sf) =	vpush v3, $0xB  }
0x89: {  	[smem:$0x24] =	sst s15;
	s20 =	spop (v2sf);
	(v2sf) =	vpush v2, $0xC  }
0x8a: {  	[smem:$0xA4] =	sst s20;
	s21 =	spop (v2sf);
	(v2sf) =	vpush v3, $0xC  }
0x8b: {  	[smem:$0x25] =	sst s21;
	s22 =	spop (v2sf);
	(v2sf) =	vpush v2, $0xD  }
0x8c: {  	v58 =	vld [tilespmem:$0x30];
	[smem:$0xA5] =	sst s22;
	s23 =	spop (v2sf);
	(v2sf) =	vpush v3, $0xD  }
0x8d: {  	v59 =	vld [tilespmem:$0xB0];
	[smem:$0x26] =	sst s23;
	s24 =	spop (v2sf);
	(v2sf) =	vpush v2, $0xE  }
0x8e: {  	[smem:$0xA6] =	sst s24;
	s25 =	spop (v2sf);
	(v2sf) =	vpush v3, $0xE  }
0x8f: {  	[smem:$0x27] =	sst s25;
	s26 =	spop (v2sf);
	(v2sf) =	vpush v2, $0xF  }
0x90: {  	[smem:$0xA7] =	sst s26;
	s12 =	spop (v2sf);
	(v2sf) =	vpush v3, $0xF  }
0x91: {  	[smem:$0x28] =	sst s12;
	s15 =	spop (v2sf);
	(v2sf) =	vpush v58, $0x0  }
0x92: {  	[smem:$0xA8] =	sst s15;
	s20 =	spop (v2sf);
	(v2sf) =	vpush v59, $0x0  }
0x93: {  	[smem:$0x29] =	sst s20;
	s21 =	spop (v2sf);
	(v2sf) =	vpush v58, $0x1  }
0x94: {  	[smem:$0xA9] =	sst s21;
	s22 =	spop (v2sf);
	(v2sf) =	vpush v59, $0x1  }
0x95: {  	[smem:$0x2A] =	sst s22;
	s23 =	spop (v2sf);
	(v2sf) =	vpush v58, $0x2  }
0x96: {  	[smem:$0xAA] =	sst s23;
	s24 =	spop (v2sf);
	(v2sf) =	vpush v59, $0x2  }
0x97: {  	[smem:$0x2B] =	sst s24;
	s25 =	spop (v2sf);
	(v2sf) =	vpush v58, $0x3  }
0x98: {  	[smem:$0xAB] =	sst s25;
	s26 =	spop (v2sf)  }
0x99: {  	[smem:$0x2C] =	sst s26;
	s12 =	spop (v2sf)  }
0x9a: {  	[smem:$0xAC] =	sst s12;
	s15 =	spop (v2sf)  }
0x9b: {  	[smem:$0x2D] =	sst s15;
	s20 =	spop (v2sf)  }
0x9c: {  	[smem:$0xAD] =	sst s20;
	s21 =	spop (v2sf)  }
0x9d: {  	[smem:$0x2E] =	sst s21;
	s22 =	spop (v2sf)  }
0x9e: {  	[smem:$0xAE] =	sst s22;
	s23 =	spop (v2sf)  }
0x9f: {  	[smem:$0x2F] =	sst s23;
	s24 =	spop (v2sf)  }
0xa0: {  	[smem:$0xAF] =	sst s24;
	s25 =	spop (v2sf)  }
0xa1: {  	[smem:$0x30] =	sst s25;
	s26 =	spop (v2sf)  }
0xa2: {  	[smem:$0xB0] =	sst s26;
	s12 =	spop (v2sf)  }
0xa3: {  	[smem:$0x31] =	sst s12;
	s15 =	spop (v2sf)  }
0xa4: {  	[smem:$0xB1] =	sst s15;
	s20 =	spop (v2sf)  }
0xa5: {  	[smem:$0x32] =	sst s20;
	s21 =	spop (v2sf)  }
0xa6: {  	[smem:$0xB2] =	sst s21;
	s22 =	spop (v2sf)  }
0xa7: {  	[smem:$0x33] =	sst s22  }
0xa8: {  	(v2sf) =	vpush v59, $0x3  }
0xa9: {  	(v2sf) =	vpush v58, $0x4  }
0xaa: {  	(v2sf) =	vpush v59, $0x4  }
0xab: {  	(v2sf) =	vpush v58, $0x5  }
0xac: {  	(v2sf) =	vpush v59, $0x5  }
0xad: {  	(v2sf) =	vpush v58, $0x6  }
0xae: {  	(v2sf) =	vpush v59, $0x6  }
0xaf: {  	(v2sf) =	vpush v58, $0x7  }
0xb0: {  	(v2sf) =	vpush v59, $0x7  }
0xb1: {  	(v2sf) =	vpush v58, $0x8  }
0xb2: {  	(v2sf) =	vpush v59, $0x8  }
0xb3: {  	(v2sf) =	vpush v58, $0x9  }
0xb4: {  	(v2sf) =	vpush v59, $0x9  }
0xb5: {  	(v2sf) =	vpush v58, $0xA  }
0xb6: {  	(v2sf) =	vpush v59, $0xA  }
0xb7: {  	s19 =	spop (v2sf);
	(v2sf) =	vpush v58, $0xB  }
0xb8: {  	[smem:$0xB3] =	sst s19;
	s23 =	spop (v2sf);
	(v2sf) =	vpush v59, $0xB  }
0xb9: {  	[smem:$0x34] =	sst s23;
	s24 =	spop (v2sf);
	(v2sf) =	vpush v58, $0xC  }
0xba: {  	[smem:$0xB4] =	sst s24;
	s25 =	spop (v2sf);
	(v2sf) =	vpush v59, $0xC  }
0xbb: {  	[smem:$0x35] =	sst s25;
	s26 =	spop (v2sf);
	(v2sf) =	vpush v58, $0xD  }
0xbc: {  	v2 =	vld [tilespmem:$0x40];
	[smem:$0xB5] =	sst s26;
	s12 =	spop (v2sf);
	(v2sf) =	vpush v59, $0xD  }
0xbd: {  	v3 =	vld [tilespmem:$0xC0];
	[smem:$0x36] =	sst s12;
	s15 =	spop (v2sf);
	(v2sf) =	vpush v58, $0xE  }
0xbe: {  	[smem:$0xB6] =	sst s15;
	s20 =	spop (v2sf);
	(v2sf) =	vpush v59, $0xE  }
0xbf: {  	[smem:$0x37] =	sst s20;
	s21 =	spop (v2sf);
	(v2sf) =	vpush v58, $0xF  }
0xc0: {  	[smem:$0xB7] =	sst s21;
	s22 =	spop (v2sf);
	(v2sf) =	vpush v59, $0xF  }
0xc1: {  	[smem:$0x38] =	sst s22;
	s23 =	spop (v2sf);
	(v2sf) =	vpush v2, $0x0  }
0xc2: {  	[smem:$0xB8] =	sst s23;
	s24 =	spop (v2sf);
	(v2sf) =	vpush v3, $0x0  }
0xc3: {  	[smem:$0x39] =	sst s24;
	s25 =	spop (v2sf);
	(v2sf) =	vpush v2, $0x1  }
0xc4: {  	[smem:$0xB9] =	sst s25;
	s26 =	spop (v2sf);
	(v2sf) =	vpush v3, $0x1  }
0xc5: {  	[smem:$0x3A] =	sst s26;
	s12 =	spop (v2sf);
	(v2sf) =	vpush v2, $0x2  }
0xc6: {  	[smem:$0xBA] =	sst s12;
	s15 =	spop (v2sf);
	(v2sf) =	vpush v3, $0x2  }
0xc7: {  	[smem:$0x3B] =	sst s15;
	s20 =	spop (v2sf);
	(v2sf) =	vpush v2, $0x3  }
0xc8: {  	[smem:$0xBB] =	sst s20;
	s21 =	spop (v2sf);
	(v2sf) =	vpush v3, $0x3  }
0xc9: {  	[smem:$0x3C] =	sst s21;
	s22 =	spop (v2sf);
	(v2sf) =	vpush v2, $0x4  }
0xca: {  	[smem:$0xBC] =	sst s22;
	s23 =	spop (v2sf);
	(v2sf) =	vpush v3, $0x4  }
0xcb: {  	[smem:$0x3D] =	sst s23;
	s24 =	spop (v2sf);
	(v2sf) =	vpush v2, $0x5  }
0xcc: {  	[smem:$0xBD] =	sst s24;
	s25 =	spop (v2sf);
	(v2sf) =	vpush v3, $0x5  }
0xcd: {  	[smem:$0x3E] =	sst s25;
	s26 =	spop (v2sf);
	(v2sf) =	vpush v2, $0x6  }
0xce: {  	[smem:$0xBE] =	sst s26;
	s12 =	spop (v2sf);
	(v2sf) =	vpush v3, $0x6  }
0xcf: {  	[smem:$0x3F] =	sst s12;
	s15 =	spop (v2sf);
	(v2sf) =	vpush v2, $0x7  }
0xd0: {  	[smem:$0xBF] =	sst s15;
	s20 =	spop (v2sf);
	(v2sf) =	vpush v3, $0x7  }
0xd1: {  	[smem:$0x40] =	sst s20;
	s21 =	spop (v2sf);
	(v2sf) =	vpush v2, $0x8  }
0xd2: {  	[smem:$0xC0] =	sst s21;
	s22 =	spop (v2sf);
	(v2sf) =	vpush v3, $0x8  }
0xd3: {  	[smem:$0x41] =	sst s22;
	s23 =	spop (v2sf);
	(v2sf) =	vpush v2, $0x9  }
0xd4: {  	[smem:$0xC1] =	sst s23;
	s24 =	spop (v2sf);
	(v2sf) =	vpush v3, $0x9  }
0xd5: {  	[smem:$0x42] =	sst s24;
	s25 =	spop (v2sf);
	(v2sf) =	vpush v2, $0xA  }
0xd6: {  	[smem:$0xC2] =	sst s25;
	s26 =	spop (v2sf);
	(v2sf) =	vpush v3, $0xA  }
0xd7: {  	[smem:$0x43] =	sst s26;
	s12 =	spop (v2sf);
	(v2sf) =	vpush v2, $0xB  }
0xd8: {  	[smem:$0xC3] =	sst s12;
	s15 =	spop (v2sf);
	(v2sf) =	vpush v3, $0xB  }
0xd9: {  	[smem:$0x44] =	sst s15;
	s20 =	spop (v2sf);
	(v2sf) =	vpush v2, $0xC  }
0xda: {  	[smem:$0xC4] =	sst s20;
	s21 =	spop (v2sf);
	(v2sf) =	vpush v3, $0xC  }
0xdb: {  	[smem:$0x45] =	sst s21;
	s22 =	spop (v2sf);
	(v2sf) =	vpush v2, $0xD  }
0xdc: {  	v60 =	vld [tilespmem:$0x50];
	[smem:$0xC5] =	sst s22;
	s23 =	spop (v2sf);
	(v2sf) =	vpush v3, $0xD  }
0xdd: {  	v61 =	vld [tilespmem:$0xD0];
	[smem:$0x46] =	sst s23;
	s24 =	spop (v2sf);
	(v2sf) =	vpush v2, $0xE  }
0xde: {  	[smem:$0xC6] =	sst s24;
	s25 =	spop (v2sf);
	(v2sf) =	vpush v3, $0xE  }
0xdf: {  	[smem:$0x47] =	sst s25;
	s26 =	spop (v2sf);
	(v2sf) =	vpush v2, $0xF  }
0xe0: {  	[smem:$0xC7] =	sst s26;
	s12 =	spop (v2sf);
	(v2sf) =	vpush v3, $0xF  }
0xe1: {  	[smem:$0x48] =	sst s12;
	s15 =	spop (v2sf);
	(v2sf) =	vpush v60, $0x0  }
0xe2: {  	[smem:$0xC8] =	sst s15;
	s20 =	spop (v2sf);
	(v2sf) =	vpush v61, $0x0  }
0xe3: {  	[smem:$0x49] =	sst s20;
	s21 =	spop (v2sf);
	(v2sf) =	vpush v60, $0x1  }
0xe4: {  	[smem:$0xC9] =	sst s21;
	s22 =	spop (v2sf);
	(v2sf) =	vpush v61, $0x1  }
0xe5: {  	[smem:$0x4A] =	sst s22;
	s23 =	spop (v2sf);
	(v2sf) =	vpush v60, $0x2  }
0xe6: {  	[smem:$0xCA] =	sst s23;
	s24 =	spop (v2sf);
	(v2sf) =	vpush v61, $0x2  }
0xe7: {  	[smem:$0x4B] =	sst s24;
	s25 =	spop (v2sf);
	(v2sf) =	vpush v60, $0x3  }
0xe8: {  	[smem:$0xCB] =	sst s25;
	s26 =	spop (v2sf);
	(v2sf) =	vpush v61, $0x3  }
0xe9: {  	[smem:$0x4C] =	sst s26;
	s12 =	spop (v2sf);
	(v2sf) =	vpush v60, $0x4  }
0xea: {  	[smem:$0xCC] =	sst s12;
	s15 =	spop (v2sf);
	(v2sf) =	vpush v61, $0x4  }
0xeb: {  	[smem:$0x4D] =	sst s15;
	s20 =	spop (v2sf);
	(v2sf) =	vpush v60, $0x5  }
0xec: {  	[smem:$0xCD] =	sst s20;
	s21 =	spop (v2sf);
	(v2sf) =	vpush v61, $0x5  }
0xed: {  	[smem:$0x4E] =	sst s21;
	s22 =	spop (v2sf);
	(v2sf) =	vpush v60, $0x6  }
0xee: {  	[smem:$0xCE] =	sst s22;
	s23 =	spop (v2sf);
	(v2sf) =	vpush v61, $0x6  }
0xef: {  	[smem:$0x4F] =	sst s23;
	s24 =	spop (v2sf);
	(v2sf) =	vpush v60, $0x7  }
0xf0: {  	[smem:$0xCF] =	sst s24;
	s25 =	spop (v2sf);
	(v2sf) =	vpush v61, $0x7  }
0xf1: {  	[smem:$0x50] =	sst s25;
	s26 =	spop (v2sf);
	(v2sf) =	vpush v60, $0x8  }
0xf2: {  	[smem:$0xD0] =	sst s26;
	s12 =	spop (v2sf);
	(v2sf) =	vpush v61, $0x8  }
0xf3: {  	[smem:$0x51] =	sst s12;
	s15 =	spop (v2sf);
	(v2sf) =	vpush v60, $0x9  }
0xf4: {  	[smem:$0xD1] =	sst s15;
	s20 =	spop (v2sf);
	(v2sf) =	vpush v61, $0x9  }
0xf5: {  	[smem:$0x52] =	sst s20;
	s21 =	spop (v2sf);
	(v2sf) =	vpush v60, $0xA  }
0xf6: {  	[smem:$0xD2] =	sst s21;
	s22 =	spop (v2sf);
	(v2sf) =	vpush v61, $0xA  }
0xf7: {  	[smem:$0x53] =	sst s22;
	s23 =	spop (v2sf);
	(v2sf) =	vpush v60, $0xB  }
0xf8: {  	[smem:$0xD3] =	sst s23;
	s24 =	spop (v2sf);
	(v2sf) =	vpush v61, $0xB  }
0xf9: {  	[smem:$0x54] =	sst s24;
	s25 =	spop (v2sf);
	(v2sf) =	vpush v60, $0xC  }
0xfa: {  	[smem:$0xD4] =	sst s25;
	s26 =	spop (v2sf);
	(v2sf) =	vpush v61, $0xC  }
0xfb: {  	[smem:$0x55] =	sst s26;
	s12 =	spop (v2sf);
	(v2sf) =	vpush v60, $0xD  }
0xfc: {  	v2 =	vld [tilespmem:$0x60];
	[smem:$0xD5] =	sst s12;
	s15 =	spop (v2sf);
	(v2sf) =	vpush v61, $0xD  }
0xfd: {  	v3 =	vld [tilespmem:$0xE0];
	[smem:$0x56] =	sst s15;
	s20 =	spop (v2sf);
	(v2sf) =	vpush v60, $0xE  }
0xfe: {  	[smem:$0xD6] =	sst s20;
	s21 =	spop (v2sf);
	(v2sf) =	vpush v61, $0xE  }
0xff: {  	[smem:$0x57] =	sst s21;
	s22 =	spop (v2sf);
	(v2sf) =	vpush v60, $0xF  }
0x100: {  	[smem:$0xD7] =	sst s22;
	s23 =	spop (v2sf);
	(v2sf) =	vpush v61, $0xF  }
0x101: {  	[smem:$0x58] =	sst s23;
	s24 =	spop (v2sf);
	(v2sf) =	vpush v2, $0x0  }
0x102: {  	[smem:$0xD8] =	sst s24;
	s25 =	spop (v2sf);
	(v2sf) =	vpush v3, $0x0  }
0x103: {  	[smem:$0x59] =	sst s25;
	s26 =	spop (v2sf);
	(v2sf) =	vpush v2, $0x1  }
0x104: {  	[smem:$0xD9] =	sst s26;
	s12 =	spop (v2sf);
	(v2sf) =	vpush v3, $0x1  }
0x105: {  	[smem:$0x5A] =	sst s12;
	s15 =	spop (v2sf);
	(v2sf) =	vpush v2, $0x2  }
0x106: {  	[smem:$0xDA] =	sst s15;
	s20 =	spop (v2sf);
	(v2sf) =	vpush v3, $0x2  }
0x107: {  	[smem:$0x5B] =	sst s20;
	s21 =	spop (v2sf);
	(v2sf) =	vpush v2, $0x3  }
0x108: {  	[smem:$0xDB] =	sst s21;
	s22 =	spop (v2sf);
	(v2sf) =	vpush v3, $0x3  }
0x109: {  	[smem:$0x5C] =	sst s22;
	s23 =	spop (v2sf);
	(v2sf) =	vpush v2, $0x4  }
0x10a: {  	[smem:$0xDC] =	sst s23;
	s24 =	spop (v2sf);
	(v2sf) =	vpush v3, $0x4  }
0x10b: {  	[smem:$0x5D] =	sst s24;
	s25 =	spop (v2sf);
	(v2sf) =	vpush v2, $0x5  }
0x10c: {  	[smem:$0xDD] =	sst s25;
	s26 =	spop (v2sf);
	(v2sf) =	vpush v3, $0x5  }
0x10d: {  	[smem:$0x5E] =	sst s26;
	s12 =	spop (v2sf);
	(v2sf) =	vpush v2, $0x6  }
0x10e: {  	[smem:$0xDE] =	sst s12;
	s15 =	spop (v2sf);
	(v2sf) =	vpush v3, $0x6  }
0x10f: {  	[smem:$0x5F] =	sst s15;
	s20 =	spop (v2sf);
	(v2sf) =	vpush v2, $0x7  }
0x110: {  	[smem:$0xDF] =	sst s20;
	s21 =	spop (v2sf);
	(v2sf) =	vpush v3, $0x7  }
0x111: {  	[smem:$0x60] =	sst s21;
	s22 =	spop (v2sf);
	(v2sf) =	vpush v2, $0x8  }
0x112: {  	[smem:$0xE0] =	sst s22;
	s23 =	spop (v2sf);
	(v2sf) =	vpush v3, $0x8  }
0x113: {  	[smem:$0x61] =	sst s23;
	s24 =	spop (v2sf);
	(v2sf) =	vpush v2, $0x9  }
0x114: {  	[smem:$0xE1] =	sst s24;
	s25 =	spop (v2sf);
	(v2sf) =	vpush v3, $0x9  }
0x115: {  	[smem:$0x62] =	sst s25;
	s26 =	spop (v2sf);
	(v2sf) =	vpush v2, $0xA  }
0x116: {  	[smem:$0xE2] =	sst s26;
	s12 =	spop (v2sf);
	(v2sf) =	vpush v3, $0xA  }
0x117: {  	[smem:$0x63] =	sst s12;
	s15 =	spop (v2sf);
	(v2sf) =	vpush v2, $0xB  }
0x118: {  	[smem:$0xE3] =	sst s15;
	s20 =	spop (v2sf);
	(v2sf) =	vpush v3, $0xB  }
0x119: {  	[smem:$0x64] =	sst s20;
	s21 =	spop (v2sf);
	(v2sf) =	vpush v2, $0xC  }
0x11a: {  	[smem:$0xE4] =	sst s21;
	s22 =	spop (v2sf);
	(v2sf) =	vpush v3, $0xC  }
0x11b: {  	[smem:$0x65] =	sst s22;
	s23 =	spop (v2sf);
	(v2sf) =	vpush v2, $0xD  }
0x11c: {  	v62 =	vld [tilespmem:$0x70];
	[smem:$0xE5] =	sst s23;
	s24 =	spop (v2sf);
	(v2sf) =	vpush v3, $0xD  }
0x11d: {  	v63 =	vld [tilespmem:$0xF0];
	[smem:$0x66] =	sst s24;
	s25 =	spop (v2sf);
	(v2sf) =	vpush v2, $0xE  }
0x11e: {  	[smem:$0xE6] =	sst s25;
	s26 =	spop (v2sf);
	(v2sf) =	vpush v3, $0xE  }
0x11f: {  	(v2sf) =	vpush v2, $0xF;
	[smem:$0x67] =	sst s26;
	s12 =	spop (v2sf)  }
0x120: {  	(v2sf) =	vpush v3, $0xF;
	s15 =	spop (v2sf);
	[smem:$0xE7] =	sst s12  }
0x121: {  	[smem:$0x68] =	sst s15;
	s20 =	spop (v2sf);
	(v2sf) =	vpush v62, $0x0  }
0x122: {  	[smem:$0xE8] =	sst s20;
	s21 =	spop (v2sf);
	(v2sf) =	vpush v63, $0x0  }
0x123: {  	[smem:$0x69] =	sst s21;
	s22 =	spop (v2sf);
	(v2sf) =	vpush v62, $0x1  }
0x124: {  	[smem:$0xE9] =	sst s22;
	s23 =	spop (v2sf);
	(v2sf) =	vpush v63, $0x1  }
0x125: {  	[smem:$0x6A] =	sst s23;
	s24 =	spop (v2sf);
	(v2sf) =	vpush v62, $0x2  }
0x126: {  	[smem:$0xEA] =	sst s24;
	s25 =	spop (v2sf);
	(v2sf) =	vpush v63, $0x2  }
0x127: {  	[smem:$0x6B] =	sst s25;
	s26 =	spop (v2sf);
	(v2sf) =	vpush v62, $0x3  }
0x128: {  	[smem:$0xEB] =	sst s26;
	s12 =	spop (v2sf);
	(v2sf) =	vpush v63, $0x3  }
0x129: {  	[smem:$0x6C] =	sst s12;
	s15 =	spop (v2sf);
	(v2sf) =	vpush v62, $0x4  }
0x12a: {  	[smem:$0xEC] =	sst s15;
	s20 =	spop (v2sf);
	(v2sf) =	vpush v63, $0x4  }
0x12b: {  	[smem:$0x6D] =	sst s20;
	s21 =	spop (v2sf);
	(v2sf) =	vpush v62, $0x5  }
0x12c: {  	[smem:$0xED] =	sst s21;
	s22 =	spop (v2sf);
	(v2sf) =	vpush v63, $0x5  }
0x12d: {  	[smem:$0x6E] =	sst s22;
	s23 =	spop (v2sf);
	(v2sf) =	vpush v62, $0x6  }
0x12e: {  	[smem:$0xEE] =	sst s23;
	s24 =	spop (v2sf);
	(v2sf) =	vpush v63, $0x6  }
0x12f: {  	[smem:$0x6F] =	sst s24;
	s25 =	spop (v2sf);
	(v2sf) =	vpush v62, $0x7  }
0x130: {  	[smem:$0xEF] =	sst s25;
	s26 =	spop (v2sf);
	(v2sf) =	vpush v63, $0x7  }
0x131: {  	[smem:$0x70] =	sst s26;
	s12 =	spop (v2sf);
	(v2sf) =	vpush v62, $0x8  }
0x132: {  	[smem:$0xF0] =	sst s12;
	s15 =	spop (v2sf);
	(v2sf) =	vpush v63, $0x8  }
0x133: {  	[smem:$0x71] =	sst s15;
	s20 =	spop (v2sf);
	(v2sf) =	vpush v62, $0x9  }
0x134: {  	[smem:$0xF1] =	sst s20;
	s21 =	spop (v2sf);
	(v2sf) =	vpush v63, $0x9  }
0x135: {  	[smem:$0x72] =	sst s21;
	s22 =	spop (v2sf);
	(v2sf) =	vpush v62, $0xA  }
0x136: {  	[smem:$0xF2] =	sst s22;
	s23 =	spop (v2sf);
	(v2sf) =	vpush v63, $0xA  }
0x137: {  	[smem:$0x73] =	sst s23;
	s24 =	spop (v2sf);
	(v2sf) =	vpush v62, $0xB  }
0x138: {  	[smem:$0xF3] =	sst s24;
	s25 =	spop (v2sf);
	(v2sf) =	vpush v63, $0xB  }
0x139: {  	[smem:$0x74] =	sst s25;
	s26 =	spop (v2sf);
	(v2sf) =	vpush v62, $0xC  }
0x13a: {  	[smem:$0xF4] =	sst s26;
	s12 =	spop (v2sf);
	(v2sf) =	vpush v63, $0xC  }
0x13b: {  	[smem:$0x75] =	sst s12;
	s15 =	spop (v2sf);
	(v2sf) =	vpush v62, $0xD  }
0x13c: {  	[smem:$0xF5] =	sst s15;
	s20 =	spop (v2sf);
	(v2sf) =	vpush v63, $0xD  }
0x13d: {  	[smem:$0x76] =	sst s20;
	s21 =	spop (v2sf);
	(v2sf) =	vpush v62, $0xE  }
0x13e: {  	[smem:$0xF6] =	sst s21;
	s22 =	spop (v2sf);
	(v2sf) =	vpush v63, $0xE  }
0x13f: {  	[smem:$0x77] =	sst s22;
	s23 =	spop (v2sf);
	(v2sf) =	vpush v62, $0xF  }
0x140: {  	[smem:$0xF7] =	sst s23;
	s24 =	spop (v2sf);
	(v2sf) =	vpush v63, $0xF  }
0x141: {  	s25 =	spop (v2sf);
	[smem:$0x78] =	sst s24  }
0x142: {  	s26 =	spop (v2sf);
	[smem:$0xF8] =	sst s25  }
0x143: {  	s12 =	spop (v2sf);
	[smem:$0x79] =	sst s26  }
0x144: {  	s15 =	spop (v2sf);
	[smem:$0xF9] =	sst s12  }
0x145: {  	s21 =	spop (v2sf);
	[smem:$0x7A] =	sst s15  }
0x146: {  	s22 =	spop (v2sf);
	[smem:$0xFA] =	sst s21  }
0x147: {  	s23 =	spop (v2sf);
	[smem:$0x7B] =	sst s22  }
0x148: {  	s24 =	spop (v2sf);
	[smem:$0xFB] =	sst s23  }
0x149: {  	s25 =	spop (v2sf);
	[smem:$0x7C] =	sst s24  }
0x14a: {  	s26 =	spop (v2sf);
	[smem:$0xFC] =	sst s25  }
0x14b: {  	s12 =	spop (v2sf);
	[smem:$0x7D] =	sst s26  }
0x14c: {  	s15 =	spop (v2sf);
	[smem:$0xFD] =	sst s12  }
0x14d: {  	s21 =	spop (v2sf);
	[smem:$0x7E] =	sst s15  }
0x14e: {  	s22 =	spop (v2sf);
	[smem:$0xFE] =	sst s21  }
0x14f: {  	[smem:$0x7F] =	sst s22;
	s23 =	spop (v2sf)  }
0x150: {  	[smem:$0xFF] =	sst s23  }
0x151: {  	s19 =	sld [smem:$0x0]  }
0x152: {  	s24 =	sld [smem:$0x80]  }
0x153: {  	s12 =	simm.s32 $0x400  }
0x154: {  	s21 =	simm.s32 $0x7A1400;
	s26 =	sld [smem:$0x1];
	s19 =	sand.u32 $0xFFFFF80, s19  }
0x155: {  	s15 =	sld [smem:$0x81];
	s25 =	sand.u32 $0xFFFFF80, s24;
	s19 =	sadd.s32 s1, s19  }
0x156: {  	[tilespmem:s13], [sflag:$0x1] =	stream.strided.gather [hbm4b:s19+s12], $0x1000, s21, s12, $0x38;
	[tilespmem:$0x18100] =	vst v63  }
0x157: {  	s22 =	sld [smem:$0x2];
	s19 =	sadd.s32 s3, s25;
	s13 =	sand.u32 $0xFFFFF80, s26  }
0x158: {  	[tilespmem:s29], [sflag:$0x9] =	stream.strided.gather [hbm4b:s19+s12], $0x1000, s21, s12, $0x38;
	[tilespmem:$0x18100] =	vst v63  }
0x159: {  	s20 =	sand.u32 $0xFFFFF80, s15;
	s24 =	sld [smem:$0x82];
	s19 =	sadd.s32 s1, s13  }
0x15a: {  	[tilespmem:s30], [sflag:$0x2] =	stream.strided.gather [hbm4b:s19+s12], $0x1000, s21, s12, $0x38;
	[tilespmem:$0x18100] =	vst v63  }
0x15b: {  	s23 =	sand.u32 $0xFFFFF80, s22;
	s26 =	sld [smem:$0x3];
	s19 =	sadd.s32 s3, s20  }
0x15c: {  	[tilespmem:s31], [sflag:$0xA] =	stream.strided.gather [hbm4b:s19+s12], $0x1000, s21, s12, $0x38;
	[tilespmem:$0x18100] =	vst v63  }
0x15d: {  	s25 =	sand.u32 $0xFFFFF80, s24;
	s30 =	sld [smem:$0x83];
	s19 =	sadd.s32 s1, s23  }
0x15e: {  	[tilespmem:s0], [sflag:$0x3] =	stream.strided.gather [hbm4b:s19+s12], $0x1000, s21, s12, $0x38;
	[tilespmem:$0x18100] =	vst v63  }
0x15f: {  	s29 =	sand.u32 $0xFFFFF80, s26;
	s19 =	sadd.s32 s3, s25  }
0x160: {  	[tilespmem:s2], [sflag:$0xB] =	stream.strided.gather [hbm4b:s19+s12], $0x1000, s21, s12, $0x38;
	[tilespmem:$0x18100] =	vst v63  }
0x161: {  	s31 =	sand.u32 $0xFFFFF80, s30;
	s0 =	sld [smem:$0x4];
	s19 =	sadd.s32 s1, s29  }
0x162: {  	[tilespmem:s11], [sflag:$0x4] =	stream.strided.gather [hbm4b:s19+s12], $0x1000, s21, s12, $0x38;
	[tilespmem:$0x18100] =	vst v63  }
0x163: {  	s19 =	sadd.s32 s3, s31  }
0x164: {  	[tilespmem:s5], [sflag:$0xC] =	stream.strided.gather [hbm4b:s19+s12], $0x1000, s21, s12, $0x38;
	[tilespmem:$0x18100] =	vst v63  }
0x165: {  	s2 =	sand.u32 $0xFFFFF80, s0;
	s5 =	sld [smem:$0x84]  }
0x166: {  	s11 =	sld [smem:$0x5];
	s19 =	sadd.s32 s1, s2  }
0x167: {  	[tilespmem:s6], [sflag:$0x5] =	stream.strided.gather [hbm4b:s19+s12], $0x1000, s21, s12, $0x38;
	[tilespmem:$0x18100] =	vst v63  }
0x168: {  	s15 =	sld [smem:$0x85];
	s6 =	sand.u32 $0xFFFFF80, s5  }
0x169: {  	s22 =	sld [smem:$0x6];
	s13 =	sand.u32 $0xFFFFF80, s11;
	s19 =	sadd.s32 s3, s6  }
0x16a: {  	[tilespmem:s7], [sflag:$0xD] =	stream.strided.gather [hbm4b:s19+s12], $0x1000, s21, s12, $0x38;
	[tilespmem:$0x18100] =	vst v63  }
0x16b: {  	s24 =	sld [smem:$0x86];
	s20 =	sand.u32 $0xFFFFF80, s15;
	s19 =	sadd.s32 s1, s13  }
0x16c: {  	[tilespmem:s8], [sflag:$0x6] =	stream.strided.gather [hbm4b:s19+s12], $0x1000, s21, s12, $0x38;
	[tilespmem:$0x18100] =	vst v63  }
0x16d: {  	s26 =	sld [smem:$0x7];
	s23 =	sand.u32 $0xFFFFF80, s22;
	s19 =	sadd.s32 s3, s20  }
0x16e: {  	[tilespmem:s9], [sflag:$0xE] =	stream.strided.gather [hbm4b:s19+s12], $0x1000, s21, s12, $0x38;
	[tilespmem:$0x18100] =	vst v63  }
0x16f: {  	s30 =	sld [smem:$0x87];
	s25 =	sand.u32 $0xFFFFF80, s24;
	s19 =	sadd.s32 s1, s23  }
0x170: {  	[tilespmem:s4], [sflag:$0x7] =	stream.strided.gather [hbm4b:s19+s12], $0x1000, s21, s12, $0x38;
	[tilespmem:$0x18100] =	vst v63  }
0x171: {  	s29 =	sand.u32 $0xFFFFF80, s26;
	s19 =	sadd.s32 s3, s25  }
0x172: {  	[tilespmem:s28], [sflag:$0xF] =	stream.strided.gather [hbm4b:s19+s12], $0x1000, s21, s12, $0x38;
	[tilespmem:$0x18100] =	vst v63  }
0x173: {  	s31 =	sand.u32 $0xFFFFF80, s30;
	s19 =	sadd.s32 s1, s29  }
0x174: {  	[tilespmem:s10], [sflag:$0x8] =	stream.strided.gather [hbm4b:s19+s12], $0x1000, s21, s12, $0x38;
	[tilespmem:$0x18100] =	vst v63  }
0x175: {  	s15 =	simm.s32 $0xF100;
	s20 =	simm.s32 $0x10300;
	s19 =	sadd.s32 s3, s31  }
0x176: {  	[tilespmem:s14], [sflag:$0x10] =	stream.strided.gather [hbm4b:s19+s12], $0x1000, s21, s12, $0x38;
	[tilespmem:$0x18100] =	vst v63  }
0x177: {  	s19 =	simm.s32 $0x14300;
	s21 =	simm.s32 $0x0;
	s14 =	simm.s32 $0x7100  }
.LBB2_2:
0x178: {  	s0 =	simm.s32 $0x1  }
0x179: {  	_ =	swait.ge [sflag:s0], $0x1000  }
0x17a: {  	[sflag:s0] =	ssyncset.done $0x0  }
0x17b: {  	s26 =	simm.s32 $0x9;
	[sflag:s0] =	ssyncadd.s32 $0xFFFFF000  }
0x17c: {  	_ =	swait.ge [sflag:s26], $0x1000  }
0x17d: {  	[sflag:s26] =	ssyncset.done $0x0  }
0x17e: {  	s22 =	sshra.s32 s21, $0x2;
	[sflag:s26] =	ssyncadd.s32 $0xFFFFF000  }
0x17f: {  	s23 =	sld [smem:s22+$0x0];
	_ =	sdelay $0x2  }
0x180: {  	s23 =	sand.u32 $0x7F, s23  }
0x181: {  	v2 =	vor.u32 s23, v0;
	_ =	sdelay $0x1  }
0x182: {  	s24 =	sld [smem:s22+$0x80];
	_ =	sdelay $0x1  }
0x183: {  	s12 =	simm.s32 $0x100  }
0x184: {  	s24 =	sand.u32 $0x7F, s24;
	v2 =	vld.idx.msk [tilespmem:v2+s12+$0x0], $0xffff  }
0x185: {  	v3 =	vor.u32 s24, v0;
	_ =	sdelay $0x3  }
0x186: {  	s25 =	simm.s32 $0x8100;
	[tilespmem:s20+$0xFFFFFE00] =	vst v2  }
0x187: {  	v2 =	vld.idx.msk [tilespmem:v3+s25+$0x0], $0xffff  }
0x188: {  	v3 =	vor.u32 s23, v1;
	_ =	sdelay $0x3  }
0x189: {  	[tilespmem:s19+$0xFFFFFE00] =	vst v2  }
0x18a: {  	v2 =	vld.idx.msk [tilespmem:v3+s12+$0x0], $0xffff  }
0x18b: {  	v3 =	vor.u32 s24, v1;
	_ =	sdelay $0x3  }
0x18c: {  	p0 =	seq.s32 s21, $0x1E0;
	[tilespmem:s20+$0xFFFFFE10] =	vst v2  }
0x18d: {  	s24 =	sshra.s32 @!p0 s21, $0x2;
	v2 =	vld.idx.msk [tilespmem:v3+s25+$0x0], $0xffff  }
0x18e: {  	s23 =	sld @!p0 [smem:s24+$0x8];
	_ =	sdelay $0x2  }
0x18f: {  	s12 =	simm.s32 @!p0 $0x100;
	s26 =	sld @!p0 [smem:s24+$0x88];
	s23 =	sand.u32 @!p0 $0xFFFFF80, s23  }
0x190: {  	s28 =	sadd.s32 @!p0 s1, s23;
	s23 =	simm.s32 @!p0 $0x400;
	s25 =	simm.s32 @!p0 $0x7A1400;
	[tilespmem:s19+$0xFFFFFE10] =	vst v2  }
0x191: {  	[tilespmem:s12], [sflag:$0x1] =	stream.strided.gather @!p0 [hbm4b:s28+s23], $0x1000, s25, s23, $0x38;
	[tilespmem:$0x18100] =	vst v63  }
0x192: {  	s12 =	sand.u32 @!p0 $0xFFFFF80, s26  }
0x193: {  	s2 =	simm.s32 $0x2;
	s26 =	simm.s32 @!p0 $0x8100;
	s12 =	sadd.s32 @!p0 s3, s12  }
0x194: {  	[tilespmem:s26], [sflag:$0x9] =	stream.strided.gather @!p0 [hbm4b:s12+s23], $0x1000, s25, s23, $0x38;
	[tilespmem:$0x18100] =	vst v63  }
0x195: {  	_ =	swait.ge [sflag:s2], $0x1000  }
0x196: {  	[sflag:s2] =	ssyncset.done $0x0  }
0x197: {  	s4 =	simm.s32 $0xA;
	[sflag:s2] =	ssyncadd.s32 $0xFFFFF000  }
0x198: {  	_ =	swait.ge [sflag:s4], $0x1000  }
0x199: {  	[sflag:s4] =	ssyncset.done $0x0  }
0x19a: {  	[sflag:s4] =	ssyncadd.s32 $0xFFFFF000  }
0x19b: {  	s5 =	sld [smem:s22+$0x1];
	_ =	sdelay $0x2  }
0x19c: {  	s12 =	sand.u32 $0x7F, s5  }
0x19d: {  	v2 =	vor.u32 s12, v0;
	_ =	sdelay $0x1  }
0x19e: {  	s6 =	sld [smem:s22+$0x81];
	_ =	sdelay $0x1  }
0x19f: {  	s28 =	simm.s32 $0x1100  }
0x1a0: {  	s26 =	sand.u32 $0x7F, s6;
	v2 =	vld.idx.msk [tilespmem:v2+s28+$0x0], $0xffff  }
0x1a1: {  	v3 =	vor.u32 s26, v0;
	_ =	sdelay $0x3  }
0x1a2: {  	s7 =	simm.s32 $0x9100;
	[tilespmem:s20+$0xFFFFFE80] =	vst v2  }
0x1a3: {  	v2 =	vld.idx.msk [tilespmem:v3+s7+$0x0], $0xffff  }
0x1a4: {  	v3 =	vor.u32 s12, v1;
	_ =	sdelay $0x3  }
0x1a5: {  	[tilespmem:s19+$0xFFFFFE80] =	vst v2  }
0x1a6: {  	v2 =	vld.idx.msk [tilespmem:v3+s28+$0x0], $0xffff  }
0x1a7: {  	v3 =	vor.u32 s26, v1;
	_ =	sdelay $0x3  }
0x1a8: {  	[tilespmem:s20+$0xFFFFFE90] =	vst v2  }
0x1a9: {  	v2 =	vld.idx.msk [tilespmem:v3+s7+$0x0], $0xffff  }
0x1aa: {  	s12 =	sld @!p0 [smem:s24+$0x9];
	_ =	sdelay $0x2  }
0x1ab: {  	s12 =	sand.u32 @!p0 $0xFFFFF80, s12;
	s26 =	sld @!p0 [smem:s24+$0x89]  }
0x1ac: {  	s12 =	sadd.s32 @!p0 s1, s12;
	s28 =	simm.s32 @!p0 $0x1100;
	[tilespmem:s19+$0xFFFFFE90] =	vst v2  }
0x1ad: {  	[tilespmem:s28], [sflag:$0x2] =	stream.strided.gather @!p0 [hbm4b:s12+s23], $0x1000, s25, s23, $0x38;
	[tilespmem:$0x18100] =	vst v63  }
0x1ae: {  	s12 =	sand.u32 @!p0 $0xFFFFF80, s26  }
0x1af: {  	s8 =	simm.s32 $0x3;
	s26 =	simm.s32 @!p0 $0x9100;
	s12 =	sadd.s32 @!p0 s3, s12  }
0x1b0: {  	[tilespmem:s26], [sflag:$0xA] =	stream.strided.gather @!p0 [hbm4b:s12+s23], $0x1000, s25, s23, $0x38;
	[tilespmem:$0x18100] =	vst v63  }
0x1b1: {  	_ =	swait.ge [sflag:s8], $0x1000  }
0x1b2: {  	[sflag:s8] =	ssyncset.done $0x0  }
0x1b3: {  	s9 =	simm.s32 $0xB;
	[sflag:s8] =	ssyncadd.s32 $0xFFFFF000  }
0x1b4: {  	_ =	swait.ge [sflag:s9], $0x1000  }
0x1b5: {  	[sflag:s9] =	ssyncset.done $0x0  }
0x1b6: {  	[sflag:s9] =	ssyncadd.s32 $0xFFFFF000  }
0x1b7: {  	s10 =	sld [smem:s22+$0x2];
	_ =	sdelay $0x2  }
0x1b8: {  	s12 =	sand.u32 $0x7F, s10  }
0x1b9: {  	v2 =	vor.u32 s12, v0;
	_ =	sdelay $0x1  }
0x1ba: {  	s11 =	sld [smem:s22+$0x82];
	_ =	sdelay $0x1  }
0x1bb: {  	s28 =	simm.s32 $0x2100  }
0x1bc: {  	s26 =	sand.u32 $0x7F, s11;
	v2 =	vld.idx.msk [tilespmem:v2+s28+$0x0], $0xffff  }
0x1bd: {  	v3 =	vor.u32 s26, v0;
	_ =	sdelay $0x3  }
0x1be: {  	s11 =	simm.s32 $0xA100;
	[tilespmem:s20+$0xFFFFFF00] =	vst v2  }
0x1bf: {  	v2 =	vld.idx.msk [tilespmem:v3+s11+$0x0], $0xffff  }
0x1c0: {  	v3 =	vor.u32 s12, v1;
	_ =	sdelay $0x3  }
0x1c1: {  	[tilespmem:s19+$0xFFFFFF00] =	vst v2  }
0x1c2: {  	v2 =	vld.idx.msk [tilespmem:v3+s28+$0x0], $0xffff  }
0x1c3: {  	v3 =	vor.u32 s26, v1;
	_ =	sdelay $0x3  }
0x1c4: {  	[tilespmem:s20+$0xFFFFFF10] =	vst v2  }
0x1c5: {  	v2 =	vld.idx.msk [tilespmem:v3+s11+$0x0], $0xffff  }
0x1c6: {  	s12 =	sld @!p0 [smem:s24+$0xA];
	_ =	sdelay $0x2  }
0x1c7: {  	s12 =	sand.u32 @!p0 $0xFFFFF80, s12;
	s26 =	sld @!p0 [smem:s24+$0x8A]  }
0x1c8: {  	s12 =	sadd.s32 @!p0 s1, s12;
	s28 =	simm.s32 @!p0 $0x2100;
	[tilespmem:s19+$0xFFFFFF10] =	vst v2  }
0x1c9: {  	[tilespmem:s28], [sflag:$0x3] =	stream.strided.gather @!p0 [hbm4b:s12+s23], $0x1000, s25, s23, $0x38;
	[tilespmem:$0x18100] =	vst v63  }
0x1ca: {  	s12 =	sand.u32 @!p0 $0xFFFFF80, s26  }
0x1cb: {  	s4 =	simm.s32 $0x4;
	s26 =	simm.s32 @!p0 $0xA100;
	s12 =	sadd.s32 @!p0 s3, s12  }
0x1cc: {  	[tilespmem:s26], [sflag:$0xB] =	stream.strided.gather @!p0 [hbm4b:s12+s23], $0x1000, s25, s23, $0x38;
	[tilespmem:$0x18100] =	vst v63  }
0x1cd: {  	_ =	swait.ge [sflag:s4], $0x1000  }
0x1ce: {  	[sflag:s4] =	ssyncset.done $0x0  }
0x1cf: {  	s26 =	simm.s32 $0xC;
	[sflag:s4] =	ssyncadd.s32 $0xFFFFF000  }
0x1d0: {  	_ =	swait.ge [sflag:s26], $0x1000  }
0x1d1: {  	[sflag:s26] =	ssyncset.done $0x0  }
0x1d2: {  	[sflag:s26] =	ssyncadd.s32 $0xFFFFF000  }
0x1d3: {  	s5 =	sld [smem:s22+$0x3];
	_ =	sdelay $0x2  }
0x1d4: {  	s12 =	sand.u32 $0x7F, s5  }
0x1d5: {  	v2 =	vor.u32 s12, v0;
	_ =	sdelay $0x1  }
0x1d6: {  	s6 =	sld [smem:s22+$0x83];
	_ =	sdelay $0x1  }
0x1d7: {  	s28 =	simm.s32 $0x3100  }
0x1d8: {  	s26 =	sand.u32 $0x7F, s6;
	v2 =	vld.idx.msk [tilespmem:v2+s28+$0x0], $0xffff  }
0x1d9: {  	v3 =	vor.u32 s26, v0;
	_ =	sdelay $0x3  }
0x1da: {  	s6 =	simm.s32 $0xB100;
	[tilespmem:s20+$0xFFFFFF80] =	vst v2  }
0x1db: {  	v2 =	vld.idx.msk [tilespmem:v3+s6+$0x0], $0xffff  }
0x1dc: {  	v3 =	vor.u32 s12, v1;
	_ =	sdelay $0x3  }
0x1dd: {  	[tilespmem:s19+$0xFFFFFF80] =	vst v2  }
0x1de: {  	v2 =	vld.idx.msk [tilespmem:v3+s28+$0x0], $0xffff  }
0x1df: {  	v3 =	vor.u32 s26, v1;
	_ =	sdelay $0x3  }
0x1e0: {  	[tilespmem:s20+$0xFFFFFF90] =	vst v2  }
0x1e1: {  	v2 =	vld.idx.msk [tilespmem:v3+s6+$0x0], $0xffff  }
0x1e2: {  	s12 =	sld @!p0 [smem:s24+$0xB];
	_ =	sdelay $0x2  }
0x1e3: {  	s12 =	sand.u32 @!p0 $0xFFFFF80, s12;
	s26 =	sld @!p0 [smem:s24+$0x8B]  }
0x1e4: {  	s12 =	sadd.s32 @!p0 s1, s12;
	s28 =	simm.s32 @!p0 $0x3100;
	[tilespmem:s19+$0xFFFFFF90] =	vst v2  }
0x1e5: {  	[tilespmem:s28], [sflag:$0x4] =	stream.strided.gather @!p0 [hbm4b:s12+s23], $0x1000, s25, s23, $0x38;
	[tilespmem:$0x18100] =	vst v63  }
0x1e6: {  	s12 =	sand.u32 @!p0 $0xFFFFF80, s26  }
0x1e7: {  	s7 =	simm.s32 $0x5;
	s26 =	simm.s32 @!p0 $0xB100;
	s12 =	sadd.s32 @!p0 s3, s12  }
0x1e8: {  	[tilespmem:s26], [sflag:$0xC] =	stream.strided.gather @!p0 [hbm4b:s12+s23], $0x1000, s25, s23, $0x38;
	[tilespmem:$0x18100] =	vst v63  }
0x1e9: {  	_ =	swait.ge [sflag:s7], $0x1000  }
0x1ea: {  	[sflag:s7] =	ssyncset.done $0x0  }
0x1eb: {  	s8 =	simm.s32 $0xD;
	[sflag:s7] =	ssyncadd.s32 $0xFFFFF000  }
0x1ec: {  	_ =	swait.ge [sflag:s8], $0x1000  }
0x1ed: {  	[sflag:s8] =	ssyncset.done $0x0  }
0x1ee: {  	[sflag:s8] =	ssyncadd.s32 $0xFFFFF000  }
0x1ef: {  	s9 =	sld [smem:s22+$0x4];
	_ =	sdelay $0x2  }
0x1f0: {  	s12 =	sand.u32 $0x7F, s9  }
0x1f1: {  	v2 =	vor.u32 s12, v0;
	_ =	sdelay $0x1  }
0x1f2: {  	s10 =	sld [smem:s22+$0x84];
	_ =	sdelay $0x1  }
0x1f3: {  	s28 =	simm.s32 $0x4100  }
0x1f4: {  	s26 =	sand.u32 $0x7F, s10;
	v2 =	vld.idx.msk [tilespmem:v2+s28+$0x0], $0xffff  }
0x1f5: {  	v3 =	vor.u32 s26, v0;
	_ =	sdelay $0x3  }
0x1f6: {  	s8 =	simm.s32 $0xC100;
	[tilespmem:s20+$0x0] =	vst v2  }
0x1f7: {  	v2 =	vld.idx.msk [tilespmem:v3+s8+$0x0], $0xffff  }
0x1f8: {  	v3 =	vor.u32 s12, v1;
	_ =	sdelay $0x3  }
0x1f9: {  	[tilespmem:s19+$0x0] =	vst v2  }
0x1fa: {  	v2 =	vld.idx.msk [tilespmem:v3+s28+$0x0], $0xffff  }
0x1fb: {  	v3 =	vor.u32 s26, v1;
	_ =	sdelay $0x3  }
0x1fc: {  	[tilespmem:s20+$0x10] =	vst v2  }
0x1fd: {  	v2 =	vld.idx.msk [tilespmem:v3+s8+$0x0], $0xffff  }
0x1fe: {  	s12 =	sld @!p0 [smem:s24+$0xC];
	_ =	sdelay $0x2  }
0x1ff: {  	s12 =	sand.u32 @!p0 $0xFFFFF80, s12;
	s26 =	sld @!p0 [smem:s24+$0x8C]  }
0x200: {  	s12 =	sadd.s32 @!p0 s1, s12;
	s28 =	simm.s32 @!p0 $0x4100;
	[tilespmem:s19+$0x10] =	vst v2  }
0x201: {  	[tilespmem:s28], [sflag:$0x5] =	stream.strided.gather @!p0 [hbm4b:s12+s23], $0x1000, s25, s23, $0x38;
	[tilespmem:$0x18100] =	vst v63  }
0x202: {  	s12 =	sand.u32 @!p0 $0xFFFFF80, s26  }
0x203: {  	s26 =	simm.s32 @!p0 $0xC100;
	s12 =	sadd.s32 @!p0 s3, s12  }
0x204: {  	[tilespmem:s26], [sflag:$0xD] =	stream.strided.gather @!p0 [hbm4b:s12+s23], $0x1000, s25, s23, $0x38;
	[tilespmem:$0x18100] =	vst v63  }
0x205: {  	s12 =	simm.s32 $0x6  }
0x206: {  	_ =	swait.ge [sflag:s12], $0x1000  }
0x207: {  	[sflag:s12] =	ssyncset.done $0x0  }
0x208: {  	s26 =	simm.s32 $0xE;
	[sflag:s12] =	ssyncadd.s32 $0xFFFFF000  }
0x209: {  	_ =	swait.ge [sflag:s26], $0x1000  }
0x20a: {  	[sflag:s26] =	ssyncset.done $0x0  }
0x20b: {  	[sflag:s26] =	ssyncadd.s32 $0xFFFFF000  }
0x20c: {  	s8 =	sld [smem:s22+$0x5];
	_ =	sdelay $0x2  }
0x20d: {  	s12 =	sand.u32 $0x7F, s8  }
0x20e: {  	v2 =	vor.u32 s12, v0;
	_ =	sdelay $0x1  }
0x20f: {  	s9 =	sld [smem:s22+$0x85];
	_ =	sdelay $0x1  }
0x210: {  	s28 =	simm.s32 $0x5100  }
0x211: {  	s26 =	sand.u32 $0x7F, s9;
	v2 =	vld.idx.msk [tilespmem:v2+s28+$0x0], $0xffff  }
0x212: {  	v3 =	vor.u32 s26, v0;
	_ =	sdelay $0x3  }
0x213: {  	s10 =	simm.s32 $0xD100;
	[tilespmem:s20+$0x80] =	vst v2  }
0x214: {  	v2 =	vld.idx.msk [tilespmem:v3+s10+$0x0], $0xffff  }
0x215: {  	v3 =	vor.u32 s12, v1;
	_ =	sdelay $0x3  }
0x216: {  	[tilespmem:s19+$0x80] =	vst v2  }
0x217: {  	v2 =	vld.idx.msk [tilespmem:v3+s28+$0x0], $0xffff  }
0x218: {  	v3 =	vor.u32 s26, v1;
	_ =	sdelay $0x3  }
0x219: {  	[tilespmem:s20+$0x90] =	vst v2  }
0x21a: {  	v2 =	vld.idx.msk [tilespmem:v3+s10+$0x0], $0xffff  }
0x21b: {  	s12 =	sld @!p0 [smem:s24+$0xD];
	_ =	sdelay $0x2  }
0x21c: {  	s12 =	sand.u32 @!p0 $0xFFFFF80, s12;
	s26 =	sld @!p0 [smem:s24+$0x8D]  }
0x21d: {  	s12 =	sadd.s32 @!p0 s1, s12;
	s28 =	simm.s32 @!p0 $0x5100;
	[tilespmem:s19+$0x90] =	vst v2  }
0x21e: {  	[tilespmem:s28], [sflag:$0x6] =	stream.strided.gather @!p0 [hbm4b:s12+s23], $0x1000, s25, s23, $0x38;
	[tilespmem:$0x18100] =	vst v63  }
0x21f: {  	s12 =	sand.u32 @!p0 $0xFFFFF80, s26  }
0x220: {  	s26 =	simm.s32 @!p0 $0xD100;
	s12 =	sadd.s32 @!p0 s3, s12  }
0x221: {  	[tilespmem:s26], [sflag:$0xE] =	stream.strided.gather @!p0 [hbm4b:s12+s23], $0x1000, s25, s23, $0x38;
	[tilespmem:$0x18100] =	vst v63  }
0x222: {  	s26 =	simm.s32 $0x7  }
0x223: {  	_ =	swait.ge [sflag:s26], $0x1000  }
0x224: {  	[sflag:s26] =	ssyncset.done $0x0  }
0x225: {  	[sflag:s26] =	ssyncadd.s32 $0xFFFFF000  }
0x226: {  	_ =	swait.ge [sflag:s16], $0x1000  }
0x227: {  	[sflag:s16] =	ssyncset.done $0x0  }
0x228: {  	[sflag:s16] =	ssyncadd.s32 $0xFFFFF000  }
0x229: {  	s4 =	sld [smem:s22+$0x6];
	_ =	sdelay $0x2  }
0x22a: {  	s12 =	sand.u32 $0x7F, s4  }
0x22b: {  	v2 =	vor.u32 s12, v0;
	_ =	sdelay $0x1  }
0x22c: {  	s10 =	sld [smem:s22+$0x86];
	_ =	sdelay $0x1  }
0x22d: {  	s28 =	simm.s32 $0x6100  }
0x22e: {  	s26 =	sand.u32 $0x7F, s10;
	v2 =	vld.idx.msk [tilespmem:v2+s28+$0x0], $0xffff  }
0x22f: {  	v3 =	vor.u32 s26, v0;
	_ =	sdelay $0x3  }
0x230: {  	s10 =	simm.s32 $0xE100;
	[tilespmem:s20+$0x100] =	vst v2  }
0x231: {  	v2 =	vld.idx.msk [tilespmem:v3+s10+$0x0], $0xffff  }
0x232: {  	v3 =	vor.u32 s12, v1;
	_ =	sdelay $0x3  }
0x233: {  	[tilespmem:s19+$0x100] =	vst v2  }
0x234: {  	v2 =	vld.idx.msk [tilespmem:v3+s28+$0x0], $0xffff  }
0x235: {  	v3 =	vor.u32 s26, v1;
	_ =	sdelay $0x3  }
0x236: {  	[tilespmem:s20+$0x110] =	vst v2  }
0x237: {  	v2 =	vld.idx.msk [tilespmem:v3+s10+$0x0], $0xffff  }
0x238: {  	s12 =	sld @!p0 [smem:s24+$0xE];
	_ =	sdelay $0x2  }
0x239: {  	s24 =	sld @!p0 [smem:s24+$0x8E];
	s12 =	sand.u32 @!p0 $0xFFFFF80, s12  }
0x23a: {  	s12 =	sadd.s32 @!p0 s1, s12;
	s26 =	simm.s32 @!p0 $0x6100;
	[tilespmem:s19+$0x110] =	vst v2  }
0x23b: {  	[tilespmem:s26], [sflag:$0x7] =	stream.strided.gather @!p0 [hbm4b:s12+s23], $0x1000, s25, s23, $0x38;
	[tilespmem:$0x18100] =	vst v63  }
0x23c: {  	s12 =	sand.u32 @!p0 $0xFFFFF80, s24  }
0x23d: {  	s24 =	simm.s32 @!p0 $0xE100;
	s12 =	sadd.s32 @!p0 s3, s12  }
0x23e: {  	[tilespmem:s24], [sflag:$0xF] =	stream.strided.gather @!p0 [hbm4b:s12+s23], $0x1000, s25, s23, $0x38;
	[tilespmem:$0x18100] =	vst v63  }
0x23f: {  	_ =	swait.ge [sflag:s17], $0x1000  }
0x240: {  	[sflag:s17] =	ssyncset.done $0x0  }
0x241: {  	[sflag:s17] =	ssyncadd.s32 $0xFFFFF000  }
0x242: {  	_ =	swait.ge [sflag:s18], $0x1000  }
0x243: {  	[sflag:s18] =	ssyncset.done $0x0  }
0x244: {  	[sflag:s18] =	ssyncadd.s32 $0xFFFFF000  }
0x245: {  	s25 =	sld [smem:s22+$0x7];
	_ =	sdelay $0x2  }
0x246: {  	s12 =	sand.u32 $0x7F, s25  }
0x247: {  	v2 =	vor.u32 s12, v0;
	_ =	sdelay $0x1  }
0x248: {  	s26 =	sld [smem:s22+$0x87];
	_ =	sdelay $0x2  }
0x249: {  	s23 =	sand.u32 $0x7F, s26;
	v2 =	vld.idx.msk [tilespmem:v2+s14+$0x0], $0xffff  }
0x24a: {  	v3 =	vor.u32 s23, v0;
	_ =	sdelay $0x3  }
0x24b: {  	[tilespmem:s20+$0x180] =	vst v2  }
0x24c: {  	v2 =	vld.idx.msk [tilespmem:v3+s15+$0x0], $0xffff  }
0x24d: {  	v3 =	vor.u32 s12, v1;
	_ =	sdelay $0x3  }
0x24e: {  	[tilespmem:s19+$0x180] =	vst v2  }
0x24f: {  	v2 =	vld.idx.msk [tilespmem:v3+s14+$0x0], $0xffff  }
0x250: {  	v3 =	vor.u32 s23, v1;
	_ =	sdelay $0x3  }
0x251: {  	[tilespmem:s20+$0x190] =	vst v2  }
0x252: {  	s13 =	simm.s32 $0x100;
	s29 =	simm.s32 $0x8100;
	v2 =	vld.idx.msk [tilespmem:v3+s15+$0x0], $0xffff  }
.Ltmp2:
0x253: {  	s30 =	simm.s32 $0x1100;
	s31 =	simm.s32 $0x9100;
	(pc) =	sbr.rel @p0 .LBB2_4-.Ltmp2, $4  }
0x254: {  	s0 =	simm.s32 $0x2100;
	s2 =	simm.s32 $0xA100;
	s11 =	simm.s32 $0x3100  }
0x255: {  	s5 =	simm.s32 $0xB100;
	s6 =	simm.s32 $0x4100;
	s7 =	simm.s32 $0xC100  }
0x256: {  	s8 =	simm.s32 $0x5100;
	s9 =	simm.s32 $0xD100;
	s4 =	simm.s32 $0x6100  }
0x257: {  	s28 =	simm.s32 $0xE100;
	s10 =	simm.s32 $0x7100;
	s14 =	simm.s32 $0xF100;
	[tilespmem:s19+$0x190] =	vst v2  }
0x258: {  	s12 =	sld [smem:s22+$0xF]  }
0x259: {  	s30 =	sld [smem:s22+$0x8F]  }
0x25a: {  	s23 =	simm.s32 $0x400  }
0x25b: {  	s13 =	simm.s32 $0x7A1400;
	s12 =	sand.u32 $0xFFFFF80, s12  }
.Ltmp3:
0x25c: {  	s31 =	sand.u32 $0xFFFFF80, s30;
	s12 =	sadd.s32 s1, s12;
	(pc) =	sbr.rel .LBB2_2-.Ltmp3, $4  }
0x25d: {  	[tilespmem:s10], [sflag:$0x8] =	stream.strided.gather [hbm4b:s12+s23], $0x1000, s13, s23, $0x38;
	[tilespmem:$0x18100] =	vst v63  }
0x25e: {  	s21 =	sadd.s32 $0x20, s21;
	s19 =	sadd.s32 $0x400, s19;
	s12 =	sadd.s32 s3, s31  }
0x25f: {  	[tilespmem:s14], [sflag:$0x10] =	stream.strided.gather [hbm4b:s12+s23], $0x1000, s13, s23, $0x38;
	[tilespmem:$0x18100] =	vst v63  }
0x260: {  	s20 =	sadd.s32 $0x400, s20;
	s15 =	simm.s32 $0xF100;
	s14 =	simm.s32 $0x7100  }
.LBB2_5:
0x261: {  	_ =	sfence.sel $0x180000  }
0x262: {  	[bflag:$0x0] =	sbarrier.arrive $0xFFFF  }
0x263: {  	_ =	strace $0x90000047  }
0x264: {  	s0 =	stileid.u32;
	[bflag:$0x2] =	sbarrier.arrive $0xFFFF  }
0x265: {  	p0 =	sne.s32 s0, $0x0;
	s0 =	rddreg [dreg:$0x5]  }
0x266: {  	s0 =	sadd.s32 @!p0 $0x100000, s0  }
0x267: {  	[sflag:s0] =	ssyncadd.tile.s32 @!p0 $0x1;
	_ =	shalt  }
.Lfunc_end2:
_tile_overlayer_lowered:
.L_overlay_start_2:
0x268: {  	(tag) =	ssettag $0x2  }
0x269: {  	s0 =	rddreg [dreg:$0x0];
	s2 =	stileid.u32  }
0x26a: {  	s1 =	rddreg [dreg:$0x1];
	p0 =	sne.s32 s2, $0x0  }
0x26b: {  	s3 =	rddreg [dreg:$0x2];
	[bflag:$0x3] =	sbarrier.arrive $0xFFFF;
	s2 =	simm.s32 @!p0 $0x1C11  }
0x26c: {  	[timem:s3], [sflag:s2] =	dma.local @!p0 [hbm:s0], s1  }
0x26d: {  	s0 =	simm.s32 @!p0 $0x11  }
0x26e: {  	_ =	swait.ge @!p0 [sflag:s0], s1  }
0x26f: {  	s1 =	ssub.s32 @!p0 $0x0, s1;
	[sflag:s0] =	ssyncset.done @!p0 $0x0  }
0x270: {  	[sflag:s0] =	ssyncadd.s32 @!p0 s1  }
0x271: {  	[bflag:$0x3] =	sbarrier.arrive $0xFFFF  }
0x272: {  	_ =	shalt  }

// kernel: kernel.9.cloned.1.call-start
scs
__scs_entry_jumppad:
0x0: {  	(pc) =	sbr.rel $0x88, $3  }
0x1: {  	(tag) =	ssettag $0x0;
	lr =	simm.s32 $0x1  }
0x2: {  	[smem:$0x3F9A] =	sst lr;
	_ =	strace $0xD0000000  }
0x3: {  	_ = 	snop  }
0x4: {  	_ = 	snop  }
0x5: {  	_ = 	snop  }
0x6: {  	_ = 	snop  }
0x7: {  	_ = 	snop  }
__scs_overlays_trampoline_lowered:
0x8: {  	[smem:$0x3FA9] =	sst s0  }
0x9: {  	[smem:$0x3FAA] =	sst s1  }
0xa: {  	[smem:$0x3FAB] =	sst s2  }
0xb: {  	[smem:$0x3FAC] =	sst s3  }
0xc: {  	[smem:$0x3FAD] =	sst s4  }
0xd: {  	[smem:$0x3FAE] =	sst s5  }
0xe: {  	[smem:$0x3FAF] =	sst s6  }
0xf: {  	[smem:$0x3FB0] =	sst s7  }
0x10: {  	[smem:$0x3FB1] =	sst s8  }
0x11: {  	[smem:$0x3FB2] =	sst s9;
	s0 =	simm.s32 @!p0 $0x0  }
0x12: {  	s1 =	sld [smem:$0x3F98];
	s0 =	simm.s32 @p0 $0x1  }
0x13: {  	[smem:$0x3FB3] =	sst s0;
	s0 =	simm.s32 @!p1 $0x0  }
0x14: {  	s2 =	sld [smem:$0x3F97];
	s0 =	simm.s32 @p1 $0x1  }
0x15: {  	[smem:$0x3FB4] =	sst s0;
	s0 =	simm.s32 @!p2 $0x0  }
0x16: {  	s3 =	sld [smem:$0x3FDB];
	s0 =	simm.s32 @p2 $0x1  }
0x17: {  	s4 =	simm.s32 $0x1BF5;
	[smem:$0x3FB6] =	sst s0  }
0x18: {  	s0 =	sld [smem:$0x3F99];
	_ =	swait.ge [sflag:s4], $0x0  }
0x19: {  	s7 =	sld [smem:$0x3F9A]  }
0x1a: {  	s8 =	sadd.s32 $0xFFFFE003, lr  }
0x1b: {  	s9 =	sadd.s32 $0xFFFFFEF7, lr;
	s5 =	simm.s32 $0xFFFFFFFF;
	p2 =	slt.u32 s8, $0xFFFFF086  }
0x1c: {  	p1 =	slt.u32 s9, $0xF7A;
	s5 =	simm.s32 @!p2 $0x0  }
0x1d: {  	s5 =	simm.s32 @p1 $0x1;
	p0 =	seq.s32 s7, s2  }
0x1e: {  	s7 =	smul.u32 @!p0 $0xF7A, s2;
	p2 =	seq.s32 @!p0 s5, $0x0  }
0x1f: {  	s9 =	smul.u32 $0xF7A, s1;
	s8 =	simm.s32 @!p0 $0x1BF5;
	p2 =	por !p2, p0  }
0x20: {  	[sflag:s8] =	ssyncset.s32 @!p0 $0xFFFFF086;
	s6 =	sadd.s32 @!p0 s3, s7;
	s7 =	simm.s32 @!p0 $0x108  }
0x21: {  	s3 =	sadd.s32 s3, s9;
	s6 =	sadd.s32 @!p0 $0x88, s6;
	s7 =	simm.s32 @p2 $0x1082  }
0x22: {  	[simem:s7], [sflag:s8] =	dma.local @!p0 [hbm:s6], $0xF7A  }
0x23: {  	s9 =	sor.u32 $0xD0000000, s2;
	s6 =	simm.s32 $0x108;
	_ =	swait.ge @!p0 [sflag:s8], $0x0  }
0x24: {  	s3 =	sadd.s32 $0x88, s3;
	s6 =	simm.s32 @!p1 $0x1082;
	[sflag:s4] =	ssyncset.s32 $0xFFFFF086  }
0x25: {  	[simem:s6], [sflag:s4] =	dma.local [hbm:s3], $0xF7A  }
0x26: {  	[smem:$0x3F9A] =	sst s1;
	(tag) =	ssettag s2;
	_ =	strace s9  }
0x27: {  	s1 =	sld [smem:$0x3FAA]  }
0x28: {  	s2 =	sld [smem:$0x3FAB]  }
0x29: {  	s4 =	sld [smem:$0x3FAD]  }
0x2a: {  	p0 =	seq.s32 s5, $0x0;
	s5 =	sld [smem:$0x3FAE]  }
0x2b: {  	s6 =	sld [smem:$0x3FAF]  }
0x2c: {  	s7 =	sld [smem:$0x3FB0]  }
0x2d: {  	s3 =	simm.s32 $0x108;
	s8 =	sld [smem:$0x3FB1]  }
0x2e: {  	s3 =	simm.s32 @!p0 $0x1082;
	s9 =	sld [smem:$0x3FB2]  }
0x2f: {  	lr =	sadd.s32 s0, s3;
	s0 =	sld [smem:$0x3FA9]  }
0x30: {  	s3 =	sld [smem:$0x3FAC]  }
0x31: {  	[smem:$0x3FB5] =	sst s10  }
0x32: {  	s10 =	sld [smem:$0x3FB3];
	_ =	sdelay $0x3  }
0x33: {  	p0 =	seq.s32 s10, $0x1;
	s10 =	sld [smem:$0x3FB5];
	_ =	sdelay $0x3  }
0x34: {  	[smem:$0x3FB5] =	sst s10  }
0x35: {  	s10 =	sld [smem:$0x3FB4];
	_ =	sdelay $0x3  }
0x36: {  	p1 =	seq.s32 s10, $0x1;
	s10 =	sld [smem:$0x3FB5];
	_ =	sdelay $0x3  }
0x37: {  	[smem:$0x3FB5] =	sst s10  }
0x38: {  	s10 =	sld [smem:$0x3FB6]  }
0x39: {  	_ = 	snop;
	(pc) =	sbr.ind lr, $3  }
0x3a: {  	_ = 	snop  }
0x3b: {  	_ = 	snop  }
0x3c: {  	p2 =	seq.s32 s10, $0x1;
	s10 =	sld [smem:$0x3FB5]  }
0x3d: {  	_ =	shalt  }
0x3e: {  	_ =	shalt  }
0x3f: {  	_ =	shalt  }
0x40: {  	_ =	shalt  }
0x41: {  	_ =	shalt  }
0x42: {  	_ =	shalt  }
0x43: {  	_ =	shalt  }
0x44: {  	_ =	shalt  }
0x45: {  	_ =	shalt  }
0x46: {  	_ =	shalt  }
0x47: {  	_ =	shalt  }
0x48: {  	_ =	shalt  }
0x49: {  	_ =	shalt  }
0x4a: {  	_ =	shalt  }
0x4b: {  	_ =	shalt  }
0x4c: {  	_ =	shalt  }
0x4d: {  	_ =	shalt  }
0x4e: {  	_ =	shalt  }
0x4f: {  	_ =	shalt  }
0x50: {  	_ =	shalt  }
0x51: {  	_ =	shalt  }
0x52: {  	_ =	shalt  }
0x53: {  	_ =	shalt  }
0x54: {  	_ =	shalt  }
0x55: {  	_ =	shalt  }
0x56: {  	_ =	shalt  }
0x57: {  	_ =	shalt  }
0x58: {  	_ =	shalt  }
0x59: {  	_ =	shalt  }
0x5a: {  	_ =	shalt  }
0x5b: {  	_ =	shalt  }
0x5c: {  	_ =	shalt  }
0x5d: {  	_ =	shalt  }
0x5e: {  	_ =	shalt  }
0x5f: {  	_ =	shalt  }
0x60: {  	_ =	shalt  }
0x61: {  	_ =	shalt  }
0x62: {  	_ =	shalt  }
0x63: {  	_ =	shalt  }
0x64: {  	_ =	shalt  }
0x65: {  	_ =	shalt  }
0x66: {  	_ =	shalt  }
0x67: {  	_ =	shalt  }
0x68: {  	_ =	shalt  }
0x69: {  	_ =	shalt  }
0x6a: {  	_ =	shalt  }
0x6b: {  	_ =	shalt  }
0x6c: {  	_ =	shalt  }
0x6d: {  	_ =	shalt  }
0x6e: {  	_ =	shalt  }
0x6f: {  	_ =	shalt  }
0x70: {  	_ =	shalt  }
0x71: {  	_ =	shalt  }
0x72: {  	_ =	shalt  }
0x73: {  	_ =	shalt  }
0x74: {  	_ =	shalt  }
0x75: {  	_ =	shalt  }
0x76: {  	_ =	shalt  }
0x77: {  	_ =	shalt  }
0x78: {  	_ =	shalt  }
0x79: {  	_ =	shalt  }
0x7a: {  	_ =	shalt  }
0x7b: {  	_ =	shalt  }
0x7c: {  	_ =	shalt  }
0x7d: {  	_ =	shalt  }
0x7e: {  	_ =	shalt  }
0x7f: {  	_ =	shalt  }
0x80: {  	_ =	shalt  }
0x81: {  	_ =	shalt  }
0x82: {  	_ =	shalt  }
0x83: {  	_ =	shalt  }
0x84: {  	_ =	shalt  }
0x85: {  	_ =	shalt  }
0x86: {  	_ =	shalt  }
0x87: {  	_ =	shalt  }
.Lfunc_end0:
.L_simem_size_0:
called_computation.1_lowered:
.L_overlay_start_0:
0x88: {  	s2 =	sld [smem:$0x3FD9]  }
0x89: {  	s3 =	sld [smem:$0x3FFE];
	_ =	sdelay $0x1  }
0x8a: {  	s1 =	srdreg.scid  }
0x8b: {  	s0 =	sand.u32 $0x1, s1  }
0x8c: {  	s17 =	sshll.u32 s0, $0xA;
	s2 =	sadd.s32 s3, s2  }
0x8d: {  	s2 =	sadd.s32 s2, s17  }
0x8e: {  	[smem:$0x3FC1] =	sst s2  }
0x8f: {  	_ = 	snop  }
0x90: {  	s18 =	sld [smem:$0x3FC9]  }
0x91: {  	s4 =	sld [smem:$0x3FC8]  }
0x92: {  	s5 =	sld [smem:$0x3FD0];
	(tm) =	ssettm $0x1  }
0x93: {  	s19 =	sld [smem:$0x3FFB];
	_ =	sdelay $0x3  }
0x94: {  	_ =	strace s19  }
0x95: {  	s2 =	sld [smem:$0x3FFC];
	_ =	sdelay $0x3  }
0x96: {  	_ =	strace s2  }
0x97: {  	s2 =	sld [smem:$0x3FFD];
	_ =	sdelay $0x3  }
0x98: {  	_ =	strace s2  }
0x99: {  	_ =	strace $0x8FFFFFFF  }
0x9a: {  	s20 =	sld [smem:$0x3FDB];
	_ =	sdelay $0x1  }
0x9b: {  	s6 =	simm.s32 $_scs_section_size  }
0x9c: {  	s7 =	simm.s32 $_size__tile_overlayer_lowered;
	s8 =	simm.s32 $_tile_overlayer_lowered  }
0x9d: {  	s9 =	simm.s32 $0x1BFF;
	s21 =	sshll.u32 s8, $0x1;
	s6 =	sadd.s32 s6, s20  }
0x9e: {  	s22 =	simm.s32 $0x0;
	s7 =	sshll.u32 s7, $0x1;
	s8 =	sadd.s32 s21, s6  }
0x9f: {  	[timem:s22], [sflag:s9] =	dma.local [hbm:s8], s7  }
0xa0: {  	_ =	swait.ge [sflag:s9], s7  }
0xa1: {  	s7 =	ssub.s32 $0x0, s7;
	[sflag:s9] =	ssyncset.done $0x0  }
0xa2: {  	[sflag:s9] =	ssyncadd.s32 s7;
	_ =	sdelay $0x1  }
0xa3: {  	s23 =	simm.s32 $0x1B8B  }
0xa4: {  	_ =	swait.ge [sflag:s23], $0x1  }
0xa5: {  	[sflag:s23] =	ssyncset.done $0x0  }
0xa6: {  	[sflag:s23] =	ssyncadd.s32 $0xFFFFFFFF  }
0xa7: {  	s7 =	sld [smem:$0x0]  }
0xa8: {  	s8 =	sand.u32 $0xFFFFFFFE, s1  }
0xa9: {  	p0 =	sne.s32 s1, s8  }
0xaa: {  	s8 =	sshll.u32 @p0 s8, $0xE  }
0xab: {  	s8 =	sadd.s32 @p0 $0x11B8D, s8;
	s9 =	sshll.u32 @p0 s7, $0x11  }
0xac: {  	s8 =	sor.u32 @p0 s9, s8  }
0xad: {  	[sflag:s8] =	ssyncadd.remote.s32 @p0 $0x1;
	_ =	sdelay $0x1  }
0xae: {  	s8 =	simm.s32 @p0 $0x1B8D  }
0xaf: {  	_ =	swait.eq @p0 [sflag:s8], $0x1  }
0xb0: {  	[sflag:s8] =	ssyncadd.s32 @p0 $0xFFFFFFFF  }
0xb1: {  	s9 =	sshll.u32 @!p0 s1, $0xE  }
0xb2: {  	s9 =	sor.u32 @!p0 $0x4000, s9;
	s8 =	simm.s32 @!p0 $0x1B8D  }
0xb3: {  	s7 =	sshll.u32 @!p0 s7, $0x11;
	s9 =	sadd.s32 @!p0 $0x11B8D, s9;
	_ =	swait.eq @!p0 [sflag:s8], $0x1  }
0xb4: {  	s7 =	sor.u32 @!p0 s7, s9;
	[sflag:s8] =	ssyncadd.s32 @!p0 $0xFFFFFFFF  }
0xb5: {  	s25 =	simm.s32 $0x1B8E;
	s24 =	sld [smem:$0x3FFE];
	[sflag:s7] =	ssyncadd.remote.s32 @!p0 $0x1  }
0xb6: {  	s26 =	simm.s32 $execute0_lowered;
	[smem:$0x3FD2] =	sst s25  }
0xb7: {  	s8 =	sshll.u32 s26, $0x1;
	_ =	strace $0x80000049;
	[dreg:$0x1] =	wrdreg $0xFFFFFFFF  }
0xb8: {  	s28 =	simm.s32 $_size_execute0_lowered;
	s6 =	sadd.s32 s6, s8;
	[dreg:$0x0] =	wrdreg $0x0  }
0xb9: {  	s8 =	sshll.u32 s28, $0x1;
	[dreg:$0x2] =	wrdreg s6  }
0xba: {  	[dreg:$0x3] =	wrdreg s8  }
0xbb: {  	[dreg:$0x4] =	wrdreg $0xC0  }
0xbc: {  	_ =	task [dreg:s22], $0x5FFFF  }
0xbd: {  	[dreg:$0x1] =	wrdreg $0xFFFFFFFF  }
0xbe: {  	[dreg:$0x0] =	wrdreg $0x60  }
0xbf: {  	[dreg:$0x2] =	wrdreg s18  }
0xc0: {  	[dreg:$0x3] =	wrdreg s4  }
0xc1: {  	[dreg:$0x4] =	wrdreg s5  }
0xc2: {  	[dreg:$0x5] =	wrdreg s24  }
0xc3: {  	[dreg:$0x6] =	wrdreg $0xA  }
0xc4: {  	_ =	task.clear_ibuf [dreg:s22], $0x7FFFF;
	_ =	strace $0x90000049  }
0xc5: {  	s29 =	simm.s32 $0xA;
	_ =	strace $0x8000004B  }
0xc6: {  	_ =	swait.ge [sflag:s29], $0x1  }
0xc7: {  	[sflag:s29] =	ssyncadd.s32 $0xFFFFFFFF  }
0xc8: {  	_ =	strace $0x9000004B  }
0xc9: {  	_ =	sfence  }
0xca: {  	s30 =	sld [smem:$0x0];
	_ =	sdelay $0x2  }
0xcb: {  	s31 =	sshll.u32 s1, $0xD;
	s1 =	sshrl.u32 s1, $0x2  }
0xcc: {  	s4 =	sand.u32 $0x4000, s31;
	s1 =	sadd.s32 s1, s30  }
0xcd: {  	s0 =	sor.u32 s4, s0;
	s1 =	sshll.u32 s1, $0x11  }
0xce: {  	s0 =	sor.u32 s1, s0  }
0xcf: {  	s0 =	sadd.s32 $0x8F2B, s0  }
0xd0: {  	[sflag:s0] =	ssyncadd.remote.s32 $0x1  }
0xd1: {  	_ =	sfence.sel $0xFFFF  }
0xd2: {  	[dreg:$0x0] =	wrdreg $0xFFFFFFFF;
	(pc) =	sbr.abs _section_cstart, $3  }
0xd3: {  	[dreg:$0x1] =	wrdreg $0xFFFFFFFF  }
0xd4: {  	_ =	task.clear_ibuf [dreg:s22], $0x2FFFF;
	_ =	strace $0x9FFFFFFF  }
0xd5: {  	(tm) =	ssettm $0x7FFFFFFF  }
tec
execute0_lowered:
.L_overlay_start_1:
0x0: {  	(tag) =	ssettag $0x1  }
0x1: {  	s4 =	rddreg [dreg:$0x0]  }
0x2: {  	s6 =	rddreg [dreg:$0x1]  }
0x3: {  	s3 =	rddreg [dreg:$0x2]  }
0x4: {  	s14 =	rddreg [dreg:$0x3];
	s2 =	srdreg.scid  }
0x5: {  	s0 =	rddreg [dreg:$0x4];
	s1 =	stileid.u32;
	s15 =	sand.u32 $0x1, s2  }
0x6: {  	s2 =	simm.s32 $0x0;
	s5 =	sshll.u32 s1, $0x5;
	s7 =	sshll.u32 s15, $0x4  }
0x7: {  	[smem:$0x7FF] =	sst s2;
	s16 =	sor.u32 s7, s5  }
0x8: {  	_ =	strace $0x8000004A;
	s5 =	sadd.s32 s4, s16;
	s4 =	simm.s32 $0x2  }
0x9: {  	[tilespmem:s2], [sflag:$0x2] =	stream.linear.gather [hbm4b:s5+s2], $0x80, $0x38;
	[tilespmem:$0x1300] =	vst v63  }
0xa: {  	_ =	swait.ge [sflag:s4], $0x80  }
0xb: {  	[sflag:s4] =	ssyncset.done $0x0  }
0xc: {  	s7 =	simm.s32 $0x80;
	s6 =	sadd.s32 s6, s16;
	[sflag:s4] =	ssyncadd.s32 $0xFFFFFF80  }
0xd: {  	[tilespmem:s7], [sflag:$0x2] =	stream.linear.gather [hbm4b:s6+s2], $0x80, $0x38;
	[tilespmem:$0x1300] =	vst v63  }
0xe: {  	_ =	swait.ge [sflag:s4], $0x80  }
0xf: {  	[sflag:s4] =	ssyncset.done $0x0  }
0x10: {  	[sflag:s4] =	ssyncadd.s32 $0xFFFFFF80  }
0x11: {  	v0 =	vld [tilespmem:$0xF0]  }
0x12: {  	v1 =	vld [tilespmem:$0xD0]  }
0x13: {  	v3 =	vld [tilespmem:$0x60]  }
0x14: {  	v2 =	vld [tilespmem:$0xE0]  }
0x15: {  	v4 =	vld [tilespmem:$0x90]  }
0x16: {  	v6 =	vld [tilespmem:$0xC0];
	v0 =	vshrl.u32 v0, $0x4  }
0x17: {  	v5 =	vld [tilespmem:$0x50];
	v1 =	vshrl.u32 v1, $0x4;
	[tilespmem:$0x1F0] =	vst v0  }
0x18: {  	v3 =	vshrl.u32 v3, $0x4;
	v0 =	vld [tilespmem:$0x40];
	[tilespmem:$0x1D0] =	vst v1  }
0x19: {  	v1 =	vshrl.u32 v2, $0x4;
	v2 =	vld [tilespmem:$0xB0];
	[tilespmem:$0x160] =	vst v3  }
0x1a: {  	[tilespmem:$0x1E0] =	vst v1;
	v1 =	vshrl.u32 v4, $0x4;
	v4 =	vld [tilespmem:$0x30]  }
0x1b: {  	v6 =	vshrl.u32 v6, $0x4;
	[tilespmem:$0x190] =	vst v1;
	v1 =	vld [tilespmem:$0xA0]  }
0x1c: {  	v3 =	vshrl.u32 v5, $0x4;
	v5 =	vld [tilespmem:$0x20];
	[tilespmem:$0x1C0] =	vst v6  }
0x1d: {  	[tilespmem:$0x150] =	vst v3;
	v3 =	vld [tilespmem:$0x70];
	v0 =	vshrl.u32 v0, $0x4  }
0x1e: {  	v6 =	vld [tilespmem:$0x10];
	v2 =	vshrl.u32 v2, $0x4;
	[tilespmem:$0x140] =	vst v0  }
0x1f: {  	v0 =	vld [tilespmem:$0x80];
	v4 =	vshrl.u32 v4, $0x4;
	[tilespmem:$0x1B0] =	vst v2  }
0x20: {  	v2 =	vld [tilespmem:$0x0];
	v1 =	vshrl.u32 v1, $0x4;
	[tilespmem:$0x130] =	vst v4  }
0x21: {  	v4 =	vshrl.u32 v5, $0x4;
	[tilespmem:$0x1A0] =	vst v1  }
0x22: {  	[tilespmem:$0x120] =	vst v4;
	v1 =	vshrl.u32 v3, $0x4  }
0x23: {  	v3 =	vshrl.u32 v6, $0x4;
	[tilespmem:$0x170] =	vst v1  }
0x24: {  	[tilespmem:$0x110] =	vst v3;
	v0 =	vshrl.u32 v0, $0x4  }
0x25: {  	v1 =	vshrl.u32 v2, $0x4;
	[tilespmem:$0x180] =	vst v0  }
0x26: {  	s9 =	simm.s32 $0x100;
	s10 =	simm.s32 $0x200;
	s12 =	simm.s32 $0x180;
	[tilespmem:$0x100] =	vst v1  }
0x27: {  	[tilespmem:s10], [sflag:$0x1] =	stream.indirect.gather [hbm4b:s3+s7], $0x10, s9, s7, $0xb8;
	[tilespmem:$0x1300] =	vst v63  }
0x28: {  	s11 =	simm.s32 $0xA00;
	s13 =	simm.s32 $0x1;
	s8 =	sadd.s32 $0x20C00, s14  }
0x29: {  	[tilespmem:s11], [sflag:$0x1] =	stream.indirect.gather [hbm4b:s8+s7], $0x10, s12, s7, $0xb8;
	[tilespmem:$0x1300] =	vst v63  }
0x2a: {  	_ =	swait.ge [sflag:s13], $0x800  }
0x2b: {  	[sflag:s13] =	ssyncset.done $0x0  }
0x2c: {  	[sflag:s13] =	ssyncadd.s32 $0xFFFFF800  }
0x2d: {  	_ =	swait.ge [sflag:s13], $0x800  }
0x2e: {  	[sflag:s13] =	ssyncset.done $0x0  }
0x2f: {  	[sflag:s13] =	ssyncadd.s32 $0xFFFFF800  }
0x30: {  	v1 =	vld [tilespmem:$0x0];
	_ =	sdelay $0x2  }
0x31: {  	v0 =	vlaneseq.u32  }
0x32: {  	v0 =	vmul.u32 $0x10, v0  }
0x33: {  	v1 =	vand.u32 $0xF, v1  }
0x34: {  	v2 =	vld [tilespmem:$0x80];
	v1 =	vor.u32 v0, v1;
	_ =	sdelay $0x4  }
0x35: {  	v2 =	vand.u32 $0xF, v2;
	v1 =	vld.idx.msk [tilespmem:v1+s10+$0x0], $0xffff  }
0x36: {  	v3 =	vld [tilespmem:$0x10];
	v2 =	vor.u32 v0, v2;
	_ =	sdelay $0x3  }
0x37: {  	[tilespmem:$0x1200] =	vst v1  }
0x38: {  	v3 =	vand.u32 $0xF, v3;
	v1 =	vor.u32 $0x100, v0;
	v2 =	vld.idx.msk [tilespmem:v2+s11+$0x0], $0xffff  }
0x39: {  	v4 =	vld [tilespmem:$0x90];
	v3 =	vor.u32 v1, v3;
	_ =	sdelay $0x3  }
0x3a: {  	[tilespmem:$0x1280] =	vst v2  }
0x3b: {  	v2 =	vand.u32 $0xF, v4;
	v3 =	vld.idx.msk [tilespmem:v3+s10+$0x0], $0xffff  }
0x3c: {  	v4 =	vld [tilespmem:$0x20];
	v5 =	vor.u32 v1, v2;
	_ =	sdelay $0x3  }
0x3d: {  	[tilespmem:$0x1210] =	vst v3  }
0x3e: {  	v2 =	vor.u32 $0x200, v0;
	v3 =	vand.u32 $0xF, v4;
	v4 =	vld.idx.msk [tilespmem:v5+s11+$0x0], $0xffff  }
0x3f: {  	v5 =	vld [tilespmem:$0xA0];
	v3 =	vor.u32 v2, v3;
	_ =	sdelay $0x3  }
0x40: {  	[tilespmem:$0x1290] =	vst v4  }
0x41: {  	v4 =	vand.u32 $0xF, v5;
	v3 =	vld.idx.msk [tilespmem:v3+s10+$0x0], $0xffff  }
0x42: {  	v5 =	vld [tilespmem:$0x30];
	v4 =	vor.u32 v2, v4;
	_ =	sdelay $0x3  }
0x43: {  	[tilespmem:$0x1220] =	vst v3  }
0x44: {  	v5 =	vand.u32 $0xF, v5;
	v3 =	vor.u32 $0x300, v0;
	v4 =	vld.idx.msk [tilespmem:v4+s11+$0x0], $0xffff  }
0x45: {  	v6 =	vld [tilespmem:$0xB0];
	v5 =	vor.u32 v3, v5;
	_ =	sdelay $0x3  }
0x46: {  	[tilespmem:$0x12A0] =	vst v4  }
0x47: {  	v4 =	vand.u32 $0xF, v6;
	v5 =	vld.idx.msk [tilespmem:v5+s10+$0x0], $0xffff  }
0x48: {  	v6 =	vld [tilespmem:$0x40];
	v7 =	vor.u32 v3, v4;
	_ =	sdelay $0x3  }
0x49: {  	[tilespmem:$0x1230] =	vst v5  }
0x4a: {  	v4 =	vor.u32 $0x400, v0;
	v5 =	vand.u32 $0xF, v6;
	v6 =	vld.idx.msk [tilespmem:v7+s11+$0x0], $0xffff  }
0x4b: {  	v7 =	vld [tilespmem:$0xC0];
	v5 =	vor.u32 v4, v5;
	_ =	sdelay $0x3  }
0x4c: {  	[tilespmem:$0x12B0] =	vst v6  }
0x4d: {  	v6 =	vand.u32 $0xF, v7;
	v5 =	vld.idx.msk [tilespmem:v5+s10+$0x0], $0xffff  }
0x4e: {  	v7 =	vld [tilespmem:$0x50];
	v6 =	vor.u32 v4, v6;
	_ =	sdelay $0x3  }
0x4f: {  	[tilespmem:$0x1240] =	vst v5  }
0x50: {  	v7 =	vand.u32 $0xF, v7;
	v5 =	vor.u32 $0x500, v0;
	v6 =	vld.idx.msk [tilespmem:v6+s11+$0x0], $0xffff  }
0x51: {  	v8 =	vld [tilespmem:$0xD0];
	v7 =	vor.u32 v5, v7;
	_ =	sdelay $0x3  }
0x52: {  	[tilespmem:$0x12C0] =	vst v6  }
0x53: {  	v6 =	vand.u32 $0xF, v8;
	v7 =	vld.idx.msk [tilespmem:v7+s10+$0x0], $0xffff  }
0x54: {  	v8 =	vld [tilespmem:$0x60];
	v9 =	vor.u32 v5, v6;
	_ =	sdelay $0x3  }
0x55: {  	[tilespmem:$0x1250] =	vst v7  }
0x56: {  	v6 =	vor.u32 $0x600, v0;
	v7 =	vand.u32 $0xF, v8;
	v8 =	vld.idx.msk [tilespmem:v9+s11+$0x0], $0xffff  }
0x57: {  	v9 =	vld [tilespmem:$0xE0];
	v7 =	vor.u32 v6, v7;
	_ =	sdelay $0x3  }
0x58: {  	[tilespmem:$0x12D0] =	vst v8  }
0x59: {  	v8 =	vand.u32 $0xF, v9;
	v7 =	vld.idx.msk [tilespmem:v7+s10+$0x0], $0xffff  }
0x5a: {  	v9 =	vld [tilespmem:$0x70];
	v8 =	vor.u32 v6, v8;
	_ =	sdelay $0x2  }
0x5b: {  	s15 =	ssub.s32 $0x2, s15  }
0x5c: {  	s17 =	sshrl.u32 s15, $0x1;
	[tilespmem:$0x1260] =	vst v7  }
0x5d: {  	s15 =	ssub.s32 s15, s17;
	v9 =	vand.u32 $0xF, v9;
	v7 =	vor.u32 $0x700, v0;
	v8 =	vld.idx.msk [tilespmem:v8+s11+$0x0], $0xffff  }
0x5e: {  	s18 =	smax.u32 s15, $0x1;
	v10 =	vld [tilespmem:$0xF0];
	v9 =	vor.u32 v7, v9  }
0x5f: {  	p0 =	sne.s32 s18, $0x1  }
.Ltmp0:
0x60: {  	_ = 	snop;
	(pc) =	sbr.rel @!p0 .LBB2_2-.Ltmp0, $4  }
0x61: {  	_ = 	snop  }
0x62: {  	[tilespmem:$0x12E0] =	vst v8  }
0x63: {  	s14 =	sadd.s32 s16, s14;
	s17 =	simm.s32 $0x1200;
	s16 =	simm.s32 $0x1280;
	v10 =	vand.u32 $0xF, v10;
	v9 =	vld.idx.msk [tilespmem:v9+s10+$0x0], $0xffff  }
0x64: {  	s15 =	sadd.s32 $0x3F600, s14;
	s14 =	sadd.s32 $0x3F800, s14;
	s18 =	sadd.s32 $0xFFFFFFFF, s18;
	v8 =	vor.u32 v7, v10  }
.LBB2_1:
0x65: {  	_ =	sdelay $0x2  }
0x66: {  	p0 =	sne.s32 s18, $0x1;
	s18 =	sadd.s32 $0xFFFFFFFF, s18;
	[tilespmem:$0x1270] =	vst v9  }
0x67: {  	v8 =	vld.idx.msk [tilespmem:v8+s11+$0x0], $0xffff;
	_ =	sdelay $0x5  }
0x68: {  	[tilespmem:$0x12F0] =	vst v8  }
0x69: {  	[hbm4b:s15+s2] =	stream.linear.scatter [tilespmem:s17], [sflag:$0x2], $0x80, $0x38;
	[tilespmem:$0x1300] =	vst v63  }
0x6a: {  	_ =	swait.ge [sflag:s4], $0x80  }
0x6b: {  	[sflag:s4] =	ssyncset.done $0x0  }
0x6c: {  	[sflag:s4] =	ssyncadd.s32 $0xFFFFFF80  }
0x6d: {  	[hbm4b:s14+s2] =	stream.linear.scatter [tilespmem:s16], [sflag:$0x2], $0x80, $0x38;
	[tilespmem:$0x1300] =	vst v63  }
0x6e: {  	_ =	swait.ge [sflag:s4], $0x80  }
0x6f: {  	[sflag:s4] =	ssyncset.done $0x0  }
0x70: {  	[sflag:s4] =	ssyncadd.s32 $0xFFFFFF80  }
0x71: {  	[tilespmem:s2], [sflag:$0x2] =	stream.linear.gather [hbm4b:s5+s2], $0x80, $0x38;
	[tilespmem:$0x1300] =	vst v63  }
0x72: {  	_ =	swait.ge [sflag:s4], $0x80  }
0x73: {  	[sflag:s4] =	ssyncset.done $0x0  }
0x74: {  	[sflag:s4] =	ssyncadd.s32 $0xFFFFFF80  }
0x75: {  	[tilespmem:s7], [sflag:$0x2] =	stream.linear.gather [hbm4b:s6+s2], $0x80, $0x38;
	[tilespmem:$0x1300] =	vst v63  }
0x76: {  	_ =	swait.ge [sflag:s4], $0x80  }
0x77: {  	[sflag:s4] =	ssyncset.done $0x0  }
0x78: {  	[sflag:s4] =	ssyncadd.s32 $0xFFFFFF80  }
0x79: {  	v8 =	vld [tilespmem:$0xF0]  }
0x7a: {  	v9 =	vld [tilespmem:$0xD0]  }
0x7b: {  	v10 =	vld [tilespmem:$0xE0]  }
0x7c: {  	v11 =	vld [tilespmem:$0x60]  }
0x7d: {  	v12 =	vld [tilespmem:$0x90]  }
0x7e: {  	v13 =	vld [tilespmem:$0x50];
	v8 =	vshrl.u32 v8, $0x4  }
0x7f: {  	v14 =	vld [tilespmem:$0xC0];
	v9 =	vshrl.u32 v9, $0x4;
	[tilespmem:$0x1F0] =	vst v8  }
0x80: {  	v8 =	vld [tilespmem:$0x40];
	[tilespmem:$0x1D0] =	vst v9;
	v9 =	vshrl.u32 v10, $0x4  }
0x81: {  	v10 =	vld [tilespmem:$0xB0];
	v11 =	vshrl.u32 v11, $0x4;
	[tilespmem:$0x1E0] =	vst v9  }
0x82: {  	v9 =	vshrl.u32 v12, $0x4;
	v12 =	vld [tilespmem:$0x30];
	[tilespmem:$0x160] =	vst v11  }
0x83: {  	[tilespmem:$0x190] =	vst v9;
	v9 =	vld [tilespmem:$0xA0];
	v11 =	vshrl.u32 v13, $0x4  }
0x84: {  	v13 =	vld [tilespmem:$0x20];
	v14 =	vshrl.u32 v14, $0x4;
	[tilespmem:$0x150] =	vst v11  }
0x85: {  	v8 =	vshrl.u32 v8, $0x4;
	[tilespmem:$0x1C0] =	vst v14;
	v11 =	vld [tilespmem:$0x70]  }
0x86: {  	v14 =	vld [tilespmem:$0x10];
	v10 =	vshrl.u32 v10, $0x4;
	[tilespmem:$0x140] =	vst v8  }
0x87: {  	v8 =	vld [tilespmem:$0x80];
	v12 =	vshrl.u32 v12, $0x4;
	[tilespmem:$0x1B0] =	vst v10  }
0x88: {  	v10 =	vld [tilespmem:$0x0];
	v9 =	vshrl.u32 v9, $0x4;
	[tilespmem:$0x130] =	vst v12  }
0x89: {  	v12 =	vshrl.u32 v13, $0x4;
	[tilespmem:$0x1A0] =	vst v9  }
0x8a: {  	[tilespmem:$0x120] =	vst v12;
	v9 =	vshrl.u32 v11, $0x4  }
0x8b: {  	v11 =	vshrl.u32 v14, $0x4;
	[tilespmem:$0x170] =	vst v9  }
0x8c: {  	v8 =	vshrl.u32 v8, $0x4;
	[tilespmem:$0x110] =	vst v11  }
0x8d: {  	v9 =	vshrl.u32 v10, $0x4;
	[tilespmem:$0x180] =	vst v8  }
0x8e: {  	[tilespmem:$0x100] =	vst v9  }
0x8f: {  	[tilespmem:s10], [sflag:$0x1] =	stream.indirect.gather [hbm4b:s3+s7], $0x10, s9, s7, $0xb8;
	[tilespmem:$0x1300] =	vst v63  }
0x90: {  	_ = 	snop  }
0x91: {  	[tilespmem:s11], [sflag:$0x1] =	stream.indirect.gather [hbm4b:s8+s7], $0x10, s12, s7, $0xb8;
	[tilespmem:$0x1300] =	vst v63  }
0x92: {  	_ =	swait.ge [sflag:s13], $0x800  }
0x93: {  	[sflag:s13] =	ssyncset.done $0x0  }
0x94: {  	[sflag:s13] =	ssyncadd.s32 $0xFFFFF800  }
0x95: {  	_ =	swait.ge [sflag:s13], $0x800  }
0x96: {  	[sflag:s13] =	ssyncset.done $0x0  }
0x97: {  	[sflag:s13] =	ssyncadd.s32 $0xFFFFF800  }
0x98: {  	v8 =	vld [tilespmem:$0x0]  }
0x99: {  	v9 =	vld [tilespmem:$0x80]  }
0x9a: {  	v10 =	vld [tilespmem:$0x10]  }
0x9b: {  	v11 =	vld [tilespmem:$0x90]  }
0x9c: {  	v12 =	vld [tilespmem:$0x20]  }
0x9d: {  	v8 =	vand.u32 $0xF, v8;
	v13 =	vld [tilespmem:$0xA0]  }
0x9e: {  	v8 =	vor.u32 v0, v8;
	v9 =	vand.u32 $0xF, v9;
	v14 =	vld [tilespmem:$0x30]  }
0x9f: {  	v10 =	vand.u32 $0xF, v10;
	v15 =	vld [tilespmem:$0xB0]  }
0xa0: {  	v11 =	vand.u32 $0xF, v11;
	v16 =	vld [tilespmem:$0x40]  }
0xa1: {  	v12 =	vand.u32 $0xF, v12;
	v17 =	vld [tilespmem:$0xC0]  }
0xa2: {  	v13 =	vand.u32 $0xF, v13;
	v18 =	vld [tilespmem:$0x50]  }
0xa3: {  	v8 =	vld.idx.msk [tilespmem:v8+s10+$0x0], $0xffff;
	v14 =	vand.u32 $0xF, v14  }
0xa4: {  	v15 =	vand.u32 $0xF, v15;
	v19 =	vld [tilespmem:$0xD0]  }
0xa5: {  	v9 =	vor.u32 v0, v9;
	v16 =	vand.u32 $0xF, v16;
	v20 =	vld [tilespmem:$0x60]  }
0xa6: {  	v17 =	vand.u32 $0xF, v17;
	v21 =	vld [tilespmem:$0xE0]  }
0xa7: {  	v18 =	vand.u32 $0xF, v18;
	v22 =	vld [tilespmem:$0x70]  }
0xa8: {  	v23 =	vld [tilespmem:$0xF0]  }
0xa9: {  	[tilespmem:$0x1200] =	vst v8;
	v19 =	vand.u32 $0xF, v19  }
0xaa: {  	v9 =	vld.idx.msk [tilespmem:v9+s11+$0x0], $0xffff;
	v20 =	vand.u32 $0xF, v20  }
0xab: {  	v21 =	vand.u32 $0xF, v21  }
0xac: {  	v10 =	vor.u32 v1, v10;
	v22 =	vand.u32 $0xF, v22  }
0xad: {  	v8 =	vand.u32 $0xF, v23;
	_ =	sdelay $0x2  }
0xae: {  	[tilespmem:$0x1280] =	vst v9  }
0xaf: {  	v9 =	vld.idx.msk [tilespmem:v10+s10+$0x0], $0xffff;
	_ =	sdelay $0x1  }
0xb0: {  	v10 =	vor.u32 v1, v11;
	_ =	sdelay $0x3  }
0xb1: {  	[tilespmem:$0x1210] =	vst v9  }
0xb2: {  	v9 =	vld.idx.msk [tilespmem:v10+s11+$0x0], $0xffff;
	_ =	sdelay $0x1  }
0xb3: {  	v10 =	vor.u32 v2, v12;
	_ =	sdelay $0x3  }
0xb4: {  	[tilespmem:$0x1290] =	vst v9  }
0xb5: {  	v9 =	vld.idx.msk [tilespmem:v10+s10+$0x0], $0xffff;
	_ =	sdelay $0x1  }
0xb6: {  	v10 =	vor.u32 v2, v13;
	_ =	sdelay $0x3  }
0xb7: {  	[tilespmem:$0x1220] =	vst v9  }
0xb8: {  	v9 =	vld.idx.msk [tilespmem:v10+s11+$0x0], $0xffff;
	_ =	sdelay $0x1  }
0xb9: {  	v10 =	vor.u32 v3, v14;
	_ =	sdelay $0x3  }
0xba: {  	[tilespmem:$0x12A0] =	vst v9  }
0xbb: {  	v9 =	vld.idx.msk [tilespmem:v10+s10+$0x0], $0xffff;
	_ =	sdelay $0x1  }
0xbc: {  	v10 =	vor.u32 v3, v15;
	_ =	sdelay $0x3  }
0xbd: {  	[tilespmem:$0x1230] =	vst v9  }
0xbe: {  	v9 =	vld.idx.msk [tilespmem:v10+s11+$0x0], $0xffff;
	_ =	sdelay $0x1  }
0xbf: {  	v10 =	vor.u32 v4, v16;
	_ =	sdelay $0x3  }
0xc0: {  	[tilespmem:$0x12B0] =	vst v9  }
0xc1: {  	v9 =	vld.idx.msk [tilespmem:v10+s10+$0x0], $0xffff;
	_ =	sdelay $0x1  }
0xc2: {  	v10 =	vor.u32 v4, v17;
	_ =	sdelay $0x3  }
0xc3: {  	[tilespmem:$0x1240] =	vst v9  }
0xc4: {  	v9 =	vld.idx.msk [tilespmem:v10+s11+$0x0], $0xffff;
	_ =	sdelay $0x1  }
0xc5: {  	v10 =	vor.u32 v5, v18;
	_ =	sdelay $0x3  }
0xc6: {  	[tilespmem:$0x12C0] =	vst v9  }
0xc7: {  	v9 =	vld.idx.msk [tilespmem:v10+s10+$0x0], $0xffff;
	_ =	sdelay $0x1  }
0xc8: {  	v10 =	vor.u32 v5, v19;
	_ =	sdelay $0x3  }
0xc9: {  	[tilespmem:$0x1250] =	vst v9  }
0xca: {  	v9 =	vld.idx.msk [tilespmem:v10+s11+$0x0], $0xffff;
	_ =	sdelay $0x1  }
0xcb: {  	v10 =	vor.u32 v6, v20;
	_ =	sdelay $0x3  }
0xcc: {  	[tilespmem:$0x12D0] =	vst v9  }
0xcd: {  	v9 =	vld.idx.msk [tilespmem:v10+s10+$0x0], $0xffff;
	_ =	sdelay $0x1  }
0xce: {  	v10 =	vor.u32 v6, v21;
	_ =	sdelay $0x3  }
0xcf: {  	[tilespmem:$0x1260] =	vst v9  }
0xd0: {  	v9 =	vld.idx.msk [tilespmem:v10+s11+$0x0], $0xffff;
	_ =	sdelay $0x1  }
0xd1: {  	v10 =	vor.u32 v7, v22;
	_ =	sdelay $0x2  }
.Ltmp1:
0xd2: {  	(pc) =	sbr.rel @p0 .LBB2_1-.Ltmp1, $3  }
0xd3: {  	[tilespmem:$0x12E0] =	vst v9  }
0xd4: {  	v9 =	vld.idx.msk [tilespmem:v10+s10+$0x0], $0xffff;
	_ =	sdelay $0x1  }
0xd5: {  	v8 =	vor.u32 v7, v8  }
.LBB2_2:
0xd6: {  	_ =	sdelay $0x2  }
0xd7: {  	[tilespmem:$0x1270] =	vst v9  }
0xd8: {  	v0 =	vld.idx.msk [tilespmem:v8+s11+$0x0], $0xffff;
	_ =	sdelay $0x4  }
0xd9: {  	[tilespmem:$0x12F0] =	vst v0  }
0xda: {  	[hbm4b:s15+s2] =	stream.linear.scatter [tilespmem:s17], [sflag:$0x2], $0x80, $0x38;
	[tilespmem:$0x1300] =	vst v63  }
0xdb: {  	_ =	swait.ge [sflag:s4], $0x80  }
0xdc: {  	[sflag:s4] =	ssyncset.done $0x0  }
0xdd: {  	[sflag:s4] =	ssyncadd.s32 $0xFFFFFF80  }
0xde: {  	[hbm4b:s14+s2] =	stream.linear.scatter [tilespmem:s16], [sflag:$0x2], $0x80, $0x38;
	[tilespmem:$0x1300] =	vst v63  }
0xdf: {  	_ =	swait.ge [sflag:s4], $0x80  }
0xe0: {  	[sflag:s4] =	ssyncset.done $0x0  }
0xe1: {  	[sflag:s4] =	ssyncadd.s32 $0xFFFFFF80  }
0xe2: {  	_ =	sfence.sel $0x180000  }
0xe3: {  	[bflag:$0x0] =	sbarrier.arrive $0xFFFF  }
0xe4: {  	p0 =	sne.s32 s1, $0x0;
	_ =	strace $0x9000004A  }
0xe5: {  	s0 =	sadd.s32 @!p0 $0x100000, s0;
	[bflag:$0x2] =	sbarrier.arrive $0xFFFF  }
0xe6: {  	[sflag:s0] =	ssyncadd.tile.s32 @!p0 $0x1;
	_ =	shalt  }
.Lfunc_end2:
_tile_overlayer_lowered:
.L_overlay_start_2:
0xe7: {  	(tag) =	ssettag $0x2  }
0xe8: {  	s0 =	rddreg [dreg:$0x0];
	s2 =	stileid.u32  }
0xe9: {  	s1 =	rddreg [dreg:$0x1];
	p0 =	sne.s32 s2, $0x0  }
0xea: {  	s3 =	rddreg [dreg:$0x2];
	[bflag:$0x3] =	sbarrier.arrive $0xFFFF;
	s2 =	simm.s32 @!p0 $0x1C02  }
0xeb: {  	[timem:s3], [sflag:s2] =	dma.local @!p0 [hbm:s0], s1  }
0xec: {  	s0 =	simm.s32 @!p0 $0x2  }
0xed: {  	_ =	swait.ge @!p0 [sflag:s0], s1  }
0xee: {  	s1 =	ssub.s32 @!p0 $0x0, s1;
	[sflag:s0] =	ssyncset.done @!p0 $0x0  }
0xef: {  	[sflag:s0] =	ssyncadd.s32 @!p0 s1  }
0xf0: {  	[bflag:$0x3] =	sbarrier.arrive $0xFFFF  }
0xf1: {  	_ =	shalt  }

</sc_bundles>
